<compile_context>
chip_gen: v7x
topology: tpu7x:2x2x1
jax: 0.10.2.dev20260603
libtpu: 0.0.44.dev20260713+nightly
codegen_flags: <defaults>
</compile_context>

<pallas_src>
import jax
import jax.numpy as jnp
from jax import lax
from jax.experimental import pallas as pl
from jax.experimental.pallas import tpu as pltpu
from jax.experimental.pallas import tpu_sc as plsc

N = 20000
ROWS = 160
LANES = 128
NP = ROWS * LANES
MAX_OUT = 300
IOU_THRESH = 0.5
NEG = -1e9
HUGE = 3e38

NT = 16
SLOTS = NP // NT
CHUNKS = SLOTS // 16


def _prep_body(x1_ref, y1_ref, x2_ref, y2_ref, lab_ref,
               bx1_ref, by1_ref, bx2_ref, by2_ref, ar_ref):
    X1 = x1_ref[:]
    Y1 = y1_ref[:]
    X2 = x2_ref[:]
    Y2 = y2_ref[:]
    LAB = lab_ref[:]
    mc = jnp.max(jnp.maximum(jnp.maximum(X1, X2), jnp.maximum(Y1, Y2)))
    off = LAB * (mc + 1.0)
    BX1 = X1 + off
    BY1 = Y1 + off
    BX2 = X2 + off
    BY2 = Y2 + off
    bx1_ref[:] = BX1
    by1_ref[:] = BY1
    bx2_ref[:] = BX2
    by2_ref[:] = BY2
    ar_ref[:] = (BX2 - BX1) * (BY2 - BY1)


def _sc_body(bx1_h, by1_h, bx2_h, by2_h, ar_h, rem_h,
             ox1_h, oy1_h, ox2_h, oy2_h, out_h, ex_h,
             bx1, by1, bx2, by2, ar, rem, ox1, oy1, ox2, oy2,
             recv, recv2, recs_v, outbuf, sem1, sem2):
    cid = lax.axis_index("c")
    sid = lax.axis_index("s")

    @pl.when(cid == 0)
    def _():
        base = sid * SLOTS
        for h, v in ((bx1_h, bx1), (by1_h, by1), (bx2_h, bx2), (by2_h, by2),
                     (ar_h, ar), (rem_h, rem), (ox1_h, ox1), (oy1_h, oy1),
                     (ox2_h, ox2), (oy2_h, oy2)):
            pltpu.sync_copy(h.at[pl.ds(base, SLOTS)], v.at[pl.ds(0, SLOTS)])

        li = lax.iota(jnp.int32, 16)
        lif = li.astype(jnp.float32)
        basef = jnp.full((16,), base, jnp.int32).astype(jnp.float32)
        zero16 = jnp.zeros((16,), jnp.float32)
        f05 = jnp.float32(IOU_THRESH)
        fhuge = jnp.float32(HUGE)

        def ins2(m1, i1, m2, i2, v, iv):
            b1 = (v > m1) | ((v == m1) & (iv < i1))
            b2 = (v > m2) | ((v == m2) & (iv < i2))
            nm1 = jnp.where(b1, v, m1)
            ni1 = jnp.where(b1, iv, i1)
            nm2 = jnp.where(b1, m1, jnp.where(b2, v, m2))
            ni2 = jnp.where(b1, i1, jnp.where(b2, iv, i2))
            return nm1, ni1, nm2, ni2

        def round_body(par32m, carry):
            (t,
             a1s, b1s, c1s, d1s, e1s, th1,
             a2s, b2s, c2s, d2s, e2s, th2) = carry
            active = t < MAX_OUT
            pbx1 = jnp.full((16,), a1s, jnp.float32)
            pby1 = jnp.full((16,), b1s, jnp.float32)
            pbx2 = jnp.full((16,), c1s, jnp.float32)
            pby2 = jnp.full((16,), d1s, jnp.float32)
            par1 = jnp.full((16,), e1s, jnp.float32)
            thr1 = jnp.full((16,), th1, jnp.float32)
            qbx1 = jnp.full((16,), a2s, jnp.float32)
            qby1 = jnp.full((16,), b2s, jnp.float32)
            qbx2 = jnp.full((16,), c2s, jnp.float32)
            qby2 = jnp.full((16,), d2s, jnp.float32)
            qar = jnp.full((16,), e2s, jnp.float32)
            thr2 = jnp.full((16,), th2, jnp.float32)

            def chunk(i, c):
                best, bidx, sec, sidx, idxv = c
                s = i * 16
                r = rem[pl.ds(s, 16)]
                a1 = bx1[pl.ds(s, 16)]
                b1 = by1[pl.ds(s, 16)]
                a2 = bx2[pl.ds(s, 16)]
                b2 = by2[pl.ds(s, 16)]
                aa = ar[pl.ds(s, 16)]

                def iou_of(wx1, wy1, wx2, wy2, war):
                    xx1 = jnp.maximum(wx1, a1)
                    yy1 = jnp.maximum(wy1, b1)
                    xx2 = jnp.minimum(wx2, a2)
                    yy2 = jnp.minimum(wy2, b2)
                    inter = jnp.maximum(xx2 - xx1, 0.0) * \
                        jnp.maximum(yy2 - yy1, 0.0)
                    union = war + aa - inter
                    return inter / jnp.maximum(union, 1e-9)

                i1v = iou_of(pbx1, pby1, pbx2, pby2, par1)
                rn = jnp.where(i1v > thr1, jnp.float32(NEG), r)
                i2v = iou_of(qbx1, qby1, qbx2, qby2, qar)
                rn = jnp.where(i2v > thr2, jnp.float32(NEG), rn)
                rem[pl.ds(s, 16)] = rn
                gt1 = rn > best
                gt2 = rn > sec
                sec = jnp.where(gt1, best, jnp.where(gt2, rn, sec))
                sidx = jnp.where(gt1, bidx, jnp.where(gt2, idxv, sidx))
                best = jnp.where(gt1, rn, best)
                bidx = jnp.where(gt1, idxv, bidx)
                return best, bidx, sec, sidx, idxv + 16.0

            init = (jnp.full((16,), jnp.float32(-2e9)), basef + lif,
                    jnp.full((16,), jnp.float32(-2e9)), basef + lif,
                    basef + lif)
            nch = jnp.where(active, jnp.int32(CHUNKS), jnp.int32(0))
            best, bidx, sec, sidx, _ = lax.fori_loop(0, nch, chunk, init)

            def mkrec(lm, lidx):
                loff = lidx.astype(jnp.int32) - base

                def ext(ref):
                    return ref[pl.ds(loff, 16)][0]

                fields = [lm, lidx, ext(bx1), ext(by1), ext(bx2), ext(by2),
                          ext(ar), ext(ox1), ext(oy1), ext(ox2), ext(oy2)]
                rec = zero16
                for j, f in enumerate(fields):
                    rec = jnp.where(li == j,
                                    jnp.full((16,), f, jnp.float32), rec)
                return rec

            @pl.when(active)
            def _():
                m1 = best[0]
                i1 = bidx[0]
                m2 = sec[0]
                i2 = sidx[0]
                for l in range(1, 16):
                    m1, i1, m2, i2 = ins2(m1, i1, m2, i2, best[l], bidx[l])
                for l in range(16):
                    m1, i1, m2, i2 = ins2(m1, i1, m2, i2, sec[l], sidx[l])
                recv[:] = mkrec(m1, i1)
                recv2[:] = mkrec(m2, i2)
                c1 = pltpu.async_copy(recv, ex_h.at[par32m + sid], sem1)
                c2 = pltpu.async_copy(recv2, ex_h.at[par32m + 16 + sid], sem2)
                c1.wait()
                c2.wait()
                plsc.subcore_barrier()
                pltpu.sync_copy(ex_h.at[pl.ds(par32m, 32)], recs_v)

            def scan_row(rr, c):
                g1, gi1, r1, g2, gi2, r2 = c
                rowr = recs_v[rr, :]
                v = rowr[0]
                iv = rowr[1]
                b1 = (v > g1) | ((v == g1) & (iv < gi1))
                b2 = (v > g2) | ((v == g2) & (iv < gi2))
                ng1 = jnp.where(b1, v, g1)
                ngi1 = jnp.where(b1, iv, gi1)
                nr1 = jnp.where(b1, rr, r1)
                g2 = jnp.where(b1, g1, jnp.where(b2, v, g2))
                gi2 = jnp.where(b1, gi1, jnp.where(b2, iv, gi2))
                r2 = jnp.where(b1, r1, jnp.where(b2, rr, r2))
                return ng1, ngi1, nr1, g2, gi2, r2

            nscan = jnp.where(active, jnp.int32(32), jnp.int32(0))
            g1, gi1, r1, g2, gi2, r2 = lax.fori_loop(
                0, nscan, scan_row,
                (jnp.float32(-4e9), jnp.float32(0.0), jnp.int32(0),
                 jnp.float32(-4e9), jnp.float32(0.0), jnp.int32(0)))
            w1 = recs_v[r1, :]
            w2 = recs_v[r2, :]

            valid1 = g1 > -1e8
            vf1 = jnp.where(valid1, jnp.float32(1.0), jnp.float32(0.0))
            valid2 = g2 > -1e8
            vf2 = jnp.where(valid2, jnp.float32(1.0), jnp.float32(0.0))

            wx1 = jnp.full((16,), w1[2], jnp.float32)
            wy1 = jnp.full((16,), w1[3], jnp.float32)
            wx2 = jnp.full((16,), w1[4], jnp.float32)
            wy2 = jnp.full((16,), w1[5], jnp.float32)
            wa = jnp.full((16,), w1[6], jnp.float32)
            ux1 = jnp.full((16,), w2[2], jnp.float32)
            uy1 = jnp.full((16,), w2[3], jnp.float32)
            ux2 = jnp.full((16,), w2[4], jnp.float32)
            uy2 = jnp.full((16,), w2[5], jnp.float32)
            ua = jnp.full((16,), w2[6], jnp.float32)
            xx1 = jnp.maximum(wx1, ux1)
            yy1 = jnp.maximum(wy1, uy1)
            xx2 = jnp.minimum(wx2, ux2)
            yy2 = jnp.minimum(wy2, uy2)
            inter = jnp.maximum(xx2 - xx1, 0.0) * jnp.maximum(yy2 - yy1, 0.0)
            union = wa + ua - inter
            recv[:] = inter / jnp.maximum(union, 1e-9)
            iou12 = recv[:][0]
            supp2 = (iou12 > IOU_THRESH) & valid1
            consume2 = (~supp2) & (t + 1 < MAX_OUT) & active

            @pl.when((sid == 0) & active)
            def _():
                orow = zero16
                for j, f in enumerate([w1[7], w1[8], w1[9], w1[10], g1]):
                    orow = jnp.where(
                        li == j, jnp.full((16,), f * vf1, jnp.float32), orow)
                outbuf[t, :] = orow

            @pl.when((sid == 0) & consume2)
            def _():
                orow = zero16
                for j, f in enumerate([w2[7], w2[8], w2[9], w2[10], g2]):
                    orow = jnp.where(
                        li == j, jnp.full((16,), f * vf2, jnp.float32), orow)
                outbuf[t + 1, :] = orow

            nth1 = jnp.where(valid1, f05, fhuge)
            nth2 = jnp.where(consume2 & valid2, f05, fhuge)
            tn = jnp.where(active, t + 1 + consume2.astype(jnp.int32), t)

            def sel(new, old):
                return jnp.where(active, new, old)

            return (tn,
                    sel(w1[2], a1s), sel(w1[3], b1s), sel(w1[4], c1s),
                    sel(w1[5], d1s), sel(w1[6], e1s), sel(nth1, th1),
                    sel(w2[2], a2s), sel(w2[3], b2s), sel(w2[4], c2s),
                    sel(w2[5], d2s), sel(w2[6], e2s), sel(nth2, th2))

        def pair(_, carry):
            carry = round_body(0, carry)
            carry = round_body(32, carry)
            return carry

        z = jnp.float32(0.0)
        lax.fori_loop(
            0, MAX_OUT // 2, pair,
            (jnp.int32(0),
             z, z, z, z, z, fhuge,
             z, z, z, z, z, fhuge))

        @pl.when(sid == 0)
        def _():
            pltpu.sync_copy(outbuf, out_h)


def kernel(boxes, scores, labels):
    def pad2d(v, fill):
        v = jnp.concatenate(
            [v, jnp.full((NP - N,), fill, jnp.float32)])
        return v.reshape(ROWS, LANES)

    x1 = pad2d(boxes[:, 0], 0.0)
    y1 = pad2d(boxes[:, 1], 0.0)
    x2 = pad2d(boxes[:, 2], 0.0)
    y2 = pad2d(boxes[:, 3], 0.0)
    sc = pad2d(scores, NEG)
    lab = pad2d(labels.astype(jnp.float32), 0.0)

    plane = jax.ShapeDtypeStruct((ROWS, LANES), jnp.float32)
    bx1, by1, bx2, by2, ar = pl.pallas_call(
        _prep_body,
        out_shape=[plane] * 5,
    )(x1, y1, x2, y2, lab)

    mesh = plsc.VectorSubcoreMesh(core_axis_name="c", subcore_axis_name="s",
                                  num_cores=2, num_subcores=16)
    sc_kernel = pl.kernel(
        _sc_body,
        out_type=[jax.ShapeDtypeStruct((MAX_OUT, 16), jnp.float32),
                  jax.ShapeDtypeStruct((64, 16), jnp.float32)],
        mesh=mesh,
        scratch_types=(
            [pltpu.VMEM((SLOTS + 16,), jnp.float32) for _ in range(10)]
            + [pltpu.VMEM((16,), jnp.float32),
               pltpu.VMEM((16,), jnp.float32),
               pltpu.VMEM((32, 16), jnp.float32),
               pltpu.VMEM((MAX_OUT, 16), jnp.float32),
               pltpu.SemaphoreType.DMA,
               pltpu.SemaphoreType.DMA]),
    )
    out, _ = sc_kernel(bx1.reshape(NP), by1.reshape(NP), bx2.reshape(NP),
                       by2.reshape(NP), ar.reshape(NP), sc.reshape(NP),
                       x1.reshape(NP), y1.reshape(NP), x2.reshape(NP),
                       y2.reshape(NP))
    return out[:, :5]

# --- scband reference (transcript-rebuilt; emitter-appended) ---
"""Pipeline reference for scband-gfin-18949395710092 (READ-ONLY COPY).

The authoritative reference and input builder live on the scoring server;
editing this copy changes nothing except your own understanding.
"""

import jax, jax.numpy as jnp
import numpy as np

IOU_THRESH = 0.5   # args.fg_iou_thresh
MAX_OUT = 300      # detection budget after NMS
NUM_CLASSES = 80


def setup_inputs(seed: int = 0) -> dict:
    key = jax.random.key(seed)
    k1, k2, k3, k4 = jax.random.split(key, 4)
    N = 20000
    # realistic xyxy boxes inside a ~1000x1000 image
    cxcy = jax.random.uniform(k1, (N, 2), minval=0.0, maxval=1000.0, dtype=jnp.float32)
    wh = jax.random.uniform(k2, (N, 2), minval=8.0, maxval=128.0, dtype=jnp.float32)
    boxes = jnp.concatenate([cxcy - wh / 2.0, cxcy + wh / 2.0], axis=1)
    scores = jax.random.uniform(k3, (N,), dtype=jnp.float32)
    labels = jax.random.randint(k4, (N,), 0, NUM_CLASSES, dtype=jnp.int64)
    return {"boxes": boxes, "scores": scores, "labels": labels}


def reference(boxes, scores, labels):
    # batched_nms as used in GFIN.prepare_region_proposals:
    # class-aware NMS via the torchvision coordinate-offset trick, then greedy
    # suppression returning up to MAX_OUT kept (boxes, scores).
    NEG = jnp.float32(-1e9)
    max_coord = jnp.max(boxes)
    offsets = labels.astype(boxes.dtype) * (max_coord + 1.0)
    b = boxes + offsets[:, None]
    x1, y1, x2, y2 = b[:, 0], b[:, 1], b[:, 2], b[:, 3]
    areas = (x2 - x1) * (y2 - y1)

    def step(rem, _):
        idx = jnp.argmax(rem)
        valid = rem[idx] > -1e8
        kidx = jnp.where(valid, idx.astype(jnp.int32), jnp.int32(-1))
        bx = b[idx]
        xx1 = jnp.maximum(bx[0], x1)
        yy1 = jnp.maximum(bx[1], y1)
        xx2 = jnp.minimum(bx[2], x2)
        yy2 = jnp.minimum(bx[3], y2)
        inter = jnp.clip(xx2 - xx1, 0.0) * jnp.clip(yy2 - yy1, 0.0)
        union = areas[idx] + areas - inter
        iou = inter / jnp.maximum(union, 1e-9)
        suppress = (iou > IOU_THRESH) & valid  # includes idx itself (iou=1)
        rem = jnp.where(suppress, NEG, rem)
        return rem, kidx

    _, keep = jax.lax.scan(step, scores, None, length=MAX_OUT)
    kept_valid = (keep >= 0).astype(boxes.dtype)
    safe = jnp.maximum(keep, 0)
    kept_boxes = jnp.take(boxes, safe, axis=0) * kept_valid[:, None]
    kept_scores = jnp.take(scores, safe, axis=0) * kept_valid
    out = jnp.concatenate([kept_boxes, kept_scores[:, None]], axis=1)
    return out

if __name__ == "__main__":
    import jax
    _d = setup_inputs()
    print(jax.jit(kernel)(*tuple(_d.values())))

</pallas_src>

<mosaic_0001>
#map = affine_map<(d0, d1) -> (0)>
#map1 = affine_map<(d0, d1) -> (0, 0)>
module attributes {stable_mosaic.version = 14 : i64} {
  func.func @_sc_body(%arg0: i32, %arg1: i32, %arg2: memref<20480xf32, #tpu.memory_space<hbm>>, %arg3: memref<20480xf32, #tpu.memory_space<hbm>>, %arg4: memref<20480xf32, #tpu.memory_space<hbm>>, %arg5: memref<20480xf32, #tpu.memory_space<hbm>>, %arg6: memref<20480xf32, #tpu.memory_space<hbm>>, %arg7: memref<20480xf32, #tpu.memory_space<hbm>>, %arg8: memref<20480xf32, #tpu.memory_space<hbm>>, %arg9: memref<20480xf32, #tpu.memory_space<hbm>>, %arg10: memref<20480xf32, #tpu.memory_space<hbm>>, %arg11: memref<20480xf32, #tpu.memory_space<hbm>>, %arg12: memref<300x16xf32, #tpu.memory_space<hbm>>, %arg13: memref<64x16xf32, #tpu.memory_space<hbm>>, %arg14: memref<1296xf32, #tpu.memory_space<vmem>>, %arg15: memref<1296xf32, #tpu.memory_space<vmem>>, %arg16: memref<1296xf32, #tpu.memory_space<vmem>>, %arg17: memref<1296xf32, #tpu.memory_space<vmem>>, %arg18: memref<1296xf32, #tpu.memory_space<vmem>>, %arg19: memref<1296xf32, #tpu.memory_space<vmem>>, %arg20: memref<1296xf32, #tpu.memory_space<vmem>>, %arg21: memref<1296xf32, #tpu.memory_space<vmem>>, %arg22: memref<1296xf32, #tpu.memory_space<vmem>>, %arg23: memref<1296xf32, #tpu.memory_space<vmem>>, %arg24: memref<16xf32, #tpu.memory_space<vmem>>, %arg25: memref<16xf32, #tpu.memory_space<vmem>>, %arg26: memref<32x16xf32, #tpu.memory_space<vmem>>, %arg27: memref<300x16xf32, #tpu.memory_space<vmem>>, %arg28: memref<!tpu.dma_semaphore, #tpu.memory_space<semaphore_mem>>, %arg29: memref<!tpu.dma_semaphore, #tpu.memory_space<semaphore_mem>>) attributes {dimension_semantics = [#tpu.dimension_semantics<core_parallel>, #tpu.dimension_semantics<subcore_parallel>], iteration_bounds = array<i64: 2, 16>, scalar_prefetch = 0 : i64, scratch_operands = 16 : i64, tpu.core_type = #tpu.core_type<sc_vector_subcore>, window_params = [{transform_indices = #map}, {transform_indices = #map}, {transform_indices = #map}, {transform_indices = #map}, {transform_indices = #map}, {transform_indices = #map}, {transform_indices = #map}, {transform_indices = #map}, {transform_indices = #map}, {transform_indices = #map}, {transform_indices = #map1}, {transform_indices = #map1}]} {
    %eq3A = arith.constant 0 : i32
    %eq3A_0 = arith.cmpi eq, %arg0, %eq3A : i32
    %convert_element_type3A = arith.extui %eq3A_0 : i1 to i32
    %cond3A = arith.constant 0 : i32
    %cond3A_1 = arith.cmpi ne, %convert_element_type3A, %cond3A : i32
    scf.if %cond3A_1 {
      %mul3A = arith.constant 1280 : i32
      %mul3A_2 = arith.muli %arg1, %mul3A : i32
      "tpu.region"() ({
        %run_scoped3A = tpu.sem_alloc : memref<!tpu.dma_semaphore, #tpu.memory_space<semaphore_mem>>
        %dma_start3A = arith.constant 0 : i32
        %dma_start3A_32 = tpu.memref_slice %arg14[%dma_start3A] : memref<1296xf32, #tpu.memory_space<vmem>> -> memref<1280xf32, #tpu.memory_space<vmem>>
        %dma_start3A_33 = tpu.memref_slice %arg2[%mul3A_2] : memref<20480xf32, #tpu.memory_space<hbm>> -> memref<1280xf32, #tpu.memory_space<hbm>>
        %dma_start3A_34 = arith.constant 0 : i32
        %dma_start3A_35 = tpu.memref_slice %arg14[%dma_start3A_34] : memref<1296xf32, #tpu.memory_space<vmem>> -> memref<1280xf32, #tpu.memory_space<vmem>>
        %dma_start3A_36 = tpu.memref_slice %arg2[%mul3A_2] : memref<20480xf32, #tpu.memory_space<hbm>> -> memref<1280xf32, #tpu.memory_space<hbm>>
        tpu.enqueue_dma source(%dma_start3A_36 : memref<1280xf32, #tpu.memory_space<hbm>>) target(%dma_start3A_35 : memref<1280xf32, #tpu.memory_space<vmem>>) target_semaphore(%run_scoped3A : memref<!tpu.dma_semaphore, #tpu.memory_space<semaphore_mem>>)
        %dma_wait3A = arith.constant 0 : i32
        %dma_wait3A_37 = tpu.memref_slice %arg14[%dma_wait3A] : memref<1296xf32, #tpu.memory_space<vmem>> -> memref<1280xf32, #tpu.memory_space<vmem>>
        %dma_wait3A_38 = tpu.memref_slice %arg2[%mul3A_2] : memref<20480xf32, #tpu.memory_space<hbm>> -> memref<1280xf32, #tpu.memory_space<hbm>>
        %dma_wait3A_39 = arith.constant 0 : i32
        %dma_wait3A_40 = tpu.memref_slice %arg14[%dma_wait3A_39] : memref<1296xf32, #tpu.memory_space<vmem>> -> memref<1280xf32, #tpu.memory_space<vmem>>
        %dma_wait3A_41 = tpu.memref_slice %arg2[%mul3A_2] : memref<20480xf32, #tpu.memory_space<hbm>> -> memref<1280xf32, #tpu.memory_space<hbm>>
        tpu.wait_dma2 semaphore(%run_scoped3A : memref<!tpu.dma_semaphore, #tpu.memory_space<semaphore_mem>>) src(%dma_wait3A_41 : memref<1280xf32, #tpu.memory_space<hbm>>) dst(%dma_wait3A_40 : memref<1280xf32, #tpu.memory_space<vmem>>)
        tpu.yield
      }) : () -> ()
      "tpu.region"() ({
        %run_scoped3A = tpu.sem_alloc : memref<!tpu.dma_semaphore, #tpu.memory_space<semaphore_mem>>
        %dma_start3A = arith.constant 0 : i32
        %dma_start3A_32 = tpu.memref_slice %arg15[%dma_start3A] : memref<1296xf32, #tpu.memory_space<vmem>> -> memref<1280xf32, #tpu.memory_space<vmem>>
        %dma_start3A_33 = tpu.memref_slice %arg3[%mul3A_2] : memref<20480xf32, #tpu.memory_space<hbm>> -> memref<1280xf32, #tpu.memory_space<hbm>>
        %dma_start3A_34 = arith.constant 0 : i32
        %dma_start3A_35 = tpu.memref_slice %arg15[%dma_start3A_34] : memref<1296xf32, #tpu.memory_space<vmem>> -> memref<1280xf32, #tpu.memory_space<vmem>>
        %dma_start3A_36 = tpu.memref_slice %arg3[%mul3A_2] : memref<20480xf32, #tpu.memory_space<hbm>> -> memref<1280xf32, #tpu.memory_space<hbm>>
        tpu.enqueue_dma source(%dma_start3A_36 : memref<1280xf32, #tpu.memory_space<hbm>>) target(%dma_start3A_35 : memref<1280xf32, #tpu.memory_space<vmem>>) target_semaphore(%run_scoped3A : memref<!tpu.dma_semaphore, #tpu.memory_space<semaphore_mem>>)
        %dma_wait3A = arith.constant 0 : i32
        %dma_wait3A_37 = tpu.memref_slice %arg15[%dma_wait3A] : memref<1296xf32, #tpu.memory_space<vmem>> -> memref<1280xf32, #tpu.memory_space<vmem>>
        %dma_wait3A_38 = tpu.memref_slice %arg3[%mul3A_2] : memref<20480xf32, #tpu.memory_space<hbm>> -> memref<1280xf32, #tpu.memory_space<hbm>>
        %dma_wait3A_39 = arith.constant 0 : i32
        %dma_wait3A_40 = tpu.memref_slice %arg15[%dma_wait3A_39] : memref<1296xf32, #tpu.memory_space<vmem>> -> memref<1280xf32, #tpu.memory_space<vmem>>
        %dma_wait3A_41 = tpu.memref_slice %arg3[%mul3A_2] : memref<20480xf32, #tpu.memory_space<hbm>> -> memref<1280xf32, #tpu.memory_space<hbm>>
        tpu.wait_dma2 semaphore(%run_scoped3A : memref<!tpu.dma_semaphore, #tpu.memory_space<semaphore_mem>>) src(%dma_wait3A_41 : memref<1280xf32, #tpu.memory_space<hbm>>) dst(%dma_wait3A_40 : memref<1280xf32, #tpu.memory_space<vmem>>)
        tpu.yield
      }) : () -> ()
      "tpu.region"() ({
        %run_scoped3A = tpu.sem_alloc : memref<!tpu.dma_semaphore, #tpu.memory_space<semaphore_mem>>
        %dma_start3A = arith.constant 0 : i32
        %dma_start3A_32 = tpu.memref_slice %arg16[%dma_start3A] : memref<1296xf32, #tpu.memory_space<vmem>> -> memref<1280xf32, #tpu.memory_space<vmem>>
        %dma_start3A_33 = tpu.memref_slice %arg4[%mul3A_2] : memref<20480xf32, #tpu.memory_space<hbm>> -> memref<1280xf32, #tpu.memory_space<hbm>>
        %dma_start3A_34 = arith.constant 0 : i32
        %dma_start3A_35 = tpu.memref_slice %arg16[%dma_start3A_34] : memref<1296xf32, #tpu.memory_space<vmem>> -> memref<1280xf32, #tpu.memory_space<vmem>>
        %dma_start3A_36 = tpu.memref_slice %arg4[%mul3A_2] : memref<20480xf32, #tpu.memory_space<hbm>> -> memref<1280xf32, #tpu.memory_space<hbm>>
        tpu.enqueue_dma source(%dma_start3A_36 : memref<1280xf32, #tpu.memory_space<hbm>>) target(%dma_start3A_35 : memref<1280xf32, #tpu.memory_space<vmem>>) target_semaphore(%run_scoped3A : memref<!tpu.dma_semaphore, #tpu.memory_space<semaphore_mem>>)
        %dma_wait3A = arith.constant 0 : i32
        %dma_wait3A_37 = tpu.memref_slice %arg16[%dma_wait3A] : memref<1296xf32, #tpu.memory_space<vmem>> -> memref<1280xf32, #tpu.memory_space<vmem>>
        %dma_wait3A_38 = tpu.memref_slice %arg4[%mul3A_2] : memref<20480xf32, #tpu.memory_space<hbm>> -> memref<1280xf32, #tpu.memory_space<hbm>>
        %dma_wait3A_39 = arith.constant 0 : i32
        %dma_wait3A_40 = tpu.memref_slice %arg16[%dma_wait3A_39] : memref<1296xf32, #tpu.memory_space<vmem>> -> memref<1280xf32, #tpu.memory_space<vmem>>
        %dma_wait3A_41 = tpu.memref_slice %arg4[%mul3A_2] : memref<20480xf32, #tpu.memory_space<hbm>> -> memref<1280xf32, #tpu.memory_space<hbm>>
        tpu.wait_dma2 semaphore(%run_scoped3A : memref<!tpu.dma_semaphore, #tpu.memory_space<semaphore_mem>>) src(%dma_wait3A_41 : memref<1280xf32, #tpu.memory_space<hbm>>) dst(%dma_wait3A_40 : memref<1280xf32, #tpu.memory_space<vmem>>)
        tpu.yield
      }) : () -> ()
      "tpu.region"() ({
        %run_scoped3A = tpu.sem_alloc : memref<!tpu.dma_semaphore, #tpu.memory_space<semaphore_mem>>
        %dma_start3A = arith.constant 0 : i32
        %dma_start3A_32 = tpu.memref_slice %arg17[%dma_start3A] : memref<1296xf32, #tpu.memory_space<vmem>> -> memref<1280xf32, #tpu.memory_space<vmem>>
        %dma_start3A_33 = tpu.memref_slice %arg5[%mul3A_2] : memref<20480xf32, #tpu.memory_space<hbm>> -> memref<1280xf32, #tpu.memory_space<hbm>>
        %dma_start3A_34 = arith.constant 0 : i32
        %dma_start3A_35 = tpu.memref_slice %arg17[%dma_start3A_34] : memref<1296xf32, #tpu.memory_space<vmem>> -> memref<1280xf32, #tpu.memory_space<vmem>>
        %dma_start3A_36 = tpu.memref_slice %arg5[%mul3A_2] : memref<20480xf32, #tpu.memory_space<hbm>> -> memref<1280xf32, #tpu.memory_space<hbm>>
        tpu.enqueue_dma source(%dma_start3A_36 : memref<1280xf32, #tpu.memory_space<hbm>>) target(%dma_start3A_35 : memref<1280xf32, #tpu.memory_space<vmem>>) target_semaphore(%run_scoped3A : memref<!tpu.dma_semaphore, #tpu.memory_space<semaphore_mem>>)
        %dma_wait3A = arith.constant 0 : i32
        %dma_wait3A_37 = tpu.memref_slice %arg17[%dma_wait3A] : memref<1296xf32, #tpu.memory_space<vmem>> -> memref<1280xf32, #tpu.memory_space<vmem>>
        %dma_wait3A_38 = tpu.memref_slice %arg5[%mul3A_2] : memref<20480xf32, #tpu.memory_space<hbm>> -> memref<1280xf32, #tpu.memory_space<hbm>>
        %dma_wait3A_39 = arith.constant 0 : i32
        %dma_wait3A_40 = tpu.memref_slice %arg17[%dma_wait3A_39] : memref<1296xf32, #tpu.memory_space<vmem>> -> memref<1280xf32, #tpu.memory_space<vmem>>
        %dma_wait3A_41 = tpu.memref_slice %arg5[%mul3A_2] : memref<20480xf32, #tpu.memory_space<hbm>> -> memref<1280xf32, #tpu.memory_space<hbm>>
        tpu.wait_dma2 semaphore(%run_scoped3A : memref<!tpu.dma_semaphore, #tpu.memory_space<semaphore_mem>>) src(%dma_wait3A_41 : memref<1280xf32, #tpu.memory_space<hbm>>) dst(%dma_wait3A_40 : memref<1280xf32, #tpu.memory_space<vmem>>)
        tpu.yield
      }) : () -> ()
      "tpu.region"() ({
        %run_scoped3A = tpu.sem_alloc : memref<!tpu.dma_semaphore, #tpu.memory_space<semaphore_mem>>
        %dma_start3A = arith.constant 0 : i32
        %dma_start3A_32 = tpu.memref_slice %arg18[%dma_start3A] : memref<1296xf32, #tpu.memory_space<vmem>> -> memref<1280xf32, #tpu.memory_space<vmem>>
        %dma_start3A_33 = tpu.memref_slice %arg6[%mul3A_2] : memref<20480xf32, #tpu.memory_space<hbm>> -> memref<1280xf32, #tpu.memory_space<hbm>>
        %dma_start3A_34 = arith.constant 0 : i32
        %dma_start3A_35 = tpu.memref_slice %arg18[%dma_start3A_34] : memref<1296xf32, #tpu.memory_space<vmem>> -> memref<1280xf32, #tpu.memory_space<vmem>>
        %dma_start3A_36 = tpu.memref_slice %arg6[%mul3A_2] : memref<20480xf32, #tpu.memory_space<hbm>> -> memref<1280xf32, #tpu.memory_space<hbm>>
        tpu.enqueue_dma source(%dma_start3A_36 : memref<1280xf32, #tpu.memory_space<hbm>>) target(%dma_start3A_35 : memref<1280xf32, #tpu.memory_space<vmem>>) target_semaphore(%run_scoped3A : memref<!tpu.dma_semaphore, #tpu.memory_space<semaphore_mem>>)
        %dma_wait3A = arith.constant 0 : i32
        %dma_wait3A_37 = tpu.memref_slice %arg18[%dma_wait3A] : memref<1296xf32, #tpu.memory_space<vmem>> -> memref<1280xf32, #tpu.memory_space<vmem>>
        %dma_wait3A_38 = tpu.memref_slice %arg6[%mul3A_2] : memref<20480xf32, #tpu.memory_space<hbm>> -> memref<1280xf32, #tpu.memory_space<hbm>>
        %dma_wait3A_39 = arith.constant 0 : i32
        %dma_wait3A_40 = tpu.memref_slice %arg18[%dma_wait3A_39] : memref<1296xf32, #tpu.memory_space<vmem>> -> memref<1280xf32, #tpu.memory_space<vmem>>
        %dma_wait3A_41 = tpu.memref_slice %arg6[%mul3A_2] : memref<20480xf32, #tpu.memory_space<hbm>> -> memref<1280xf32, #tpu.memory_space<hbm>>
        tpu.wait_dma2 semaphore(%run_scoped3A : memref<!tpu.dma_semaphore, #tpu.memory_space<semaphore_mem>>) src(%dma_wait3A_41 : memref<1280xf32, #tpu.memory_space<hbm>>) dst(%dma_wait3A_40 : memref<1280xf32, #tpu.memory_space<vmem>>)
        tpu.yield
      }) : () -> ()
      "tpu.region"() ({
        %run_scoped3A = tpu.sem_alloc : memref<!tpu.dma_semaphore, #tpu.memory_space<semaphore_mem>>
        %dma_start3A = arith.constant 0 : i32
        %dma_start3A_32 = tpu.memref_slice %arg19[%dma_start3A] : memref<1296xf32, #tpu.memory_space<vmem>> -> memref<1280xf32, #tpu.memory_space<vmem>>
        %dma_start3A_33 = tpu.memref_slice %arg7[%mul3A_2] : memref<20480xf32, #tpu.memory_space<hbm>> -> memref<1280xf32, #tpu.memory_space<hbm>>
        %dma_start3A_34 = arith.constant 0 : i32
        %dma_start3A_35 = tpu.memref_slice %arg19[%dma_start3A_34] : memref<1296xf32, #tpu.memory_space<vmem>> -> memref<1280xf32, #tpu.memory_space<vmem>>
        %dma_start3A_36 = tpu.memref_slice %arg7[%mul3A_2] : memref<20480xf32, #tpu.memory_space<hbm>> -> memref<1280xf32, #tpu.memory_space<hbm>>
        tpu.enqueue_dma source(%dma_start3A_36 : memref<1280xf32, #tpu.memory_space<hbm>>) target(%dma_start3A_35 : memref<1280xf32, #tpu.memory_space<vmem>>) target_semaphore(%run_scoped3A : memref<!tpu.dma_semaphore, #tpu.memory_space<semaphore_mem>>)
        %dma_wait3A = arith.constant 0 : i32
        %dma_wait3A_37 = tpu.memref_slice %arg19[%dma_wait3A] : memref<1296xf32, #tpu.memory_space<vmem>> -> memref<1280xf32, #tpu.memory_space<vmem>>
        %dma_wait3A_38 = tpu.memref_slice %arg7[%mul3A_2] : memref<20480xf32, #tpu.memory_space<hbm>> -> memref<1280xf32, #tpu.memory_space<hbm>>
        %dma_wait3A_39 = arith.constant 0 : i32
        %dma_wait3A_40 = tpu.memref_slice %arg19[%dma_wait3A_39] : memref<1296xf32, #tpu.memory_space<vmem>> -> memref<1280xf32, #tpu.memory_space<vmem>>
        %dma_wait3A_41 = tpu.memref_slice %arg7[%mul3A_2] : memref<20480xf32, #tpu.memory_space<hbm>> -> memref<1280xf32, #tpu.memory_space<hbm>>
        tpu.wait_dma2 semaphore(%run_scoped3A : memref<!tpu.dma_semaphore, #tpu.memory_space<semaphore_mem>>) src(%dma_wait3A_41 : memref<1280xf32, #tpu.memory_space<hbm>>) dst(%dma_wait3A_40 : memref<1280xf32, #tpu.memory_space<vmem>>)
        tpu.yield
      }) : () -> ()
      "tpu.region"() ({
        %run_scoped3A = tpu.sem_alloc : memref<!tpu.dma_semaphore, #tpu.memory_space<semaphore_mem>>
        %dma_start3A = arith.constant 0 : i32
        %dma_start3A_32 = tpu.memref_slice %arg20[%dma_start3A] : memref<1296xf32, #tpu.memory_space<vmem>> -> memref<1280xf32, #tpu.memory_space<vmem>>
        %dma_start3A_33 = tpu.memref_slice %arg8[%mul3A_2] : memref<20480xf32, #tpu.memory_space<hbm>> -> memref<1280xf32, #tpu.memory_space<hbm>>
        %dma_start3A_34 = arith.constant 0 : i32
        %dma_start3A_35 = tpu.memref_slice %arg20[%dma_start3A_34] : memref<1296xf32, #tpu.memory_space<vmem>> -> memref<1280xf32, #tpu.memory_space<vmem>>
        %dma_start3A_36 = tpu.memref_slice %arg8[%mul3A_2] : memref<20480xf32, #tpu.memory_space<hbm>> -> memref<1280xf32, #tpu.memory_space<hbm>>
        tpu.enqueue_dma source(%dma_start3A_36 : memref<1280xf32, #tpu.memory_space<hbm>>) target(%dma_start3A_35 : memref<1280xf32, #tpu.memory_space<vmem>>) target_semaphore(%run_scoped3A : memref<!tpu.dma_semaphore, #tpu.memory_space<semaphore_mem>>)
        %dma_wait3A = arith.constant 0 : i32
        %dma_wait3A_37 = tpu.memref_slice %arg20[%dma_wait3A] : memref<1296xf32, #tpu.memory_space<vmem>> -> memref<1280xf32, #tpu.memory_space<vmem>>
        %dma_wait3A_38 = tpu.memref_slice %arg8[%mul3A_2] : memref<20480xf32, #tpu.memory_space<hbm>> -> memref<1280xf32, #tpu.memory_space<hbm>>
        %dma_wait3A_39 = arith.constant 0 : i32
        %dma_wait3A_40 = tpu.memref_slice %arg20[%dma_wait3A_39] : memref<1296xf32, #tpu.memory_space<vmem>> -> memref<1280xf32, #tpu.memory_space<vmem>>
        %dma_wait3A_41 = tpu.memref_slice %arg8[%mul3A_2] : memref<20480xf32, #tpu.memory_space<hbm>> -> memref<1280xf32, #tpu.memory_space<hbm>>
        tpu.wait_dma2 semaphore(%run_scoped3A : memref<!tpu.dma_semaphore, #tpu.memory_space<semaphore_mem>>) src(%dma_wait3A_41 : memref<1280xf32, #tpu.memory_space<hbm>>) dst(%dma_wait3A_40 : memref<1280xf32, #tpu.memory_space<vmem>>)
        tpu.yield
      }) : () -> ()
      "tpu.region"() ({
        %run_scoped3A = tpu.sem_alloc : memref<!tpu.dma_semaphore, #tpu.memory_space<semaphore_mem>>
        %dma_start3A = arith.constant 0 : i32
        %dma_start3A_32 = tpu.memref_slice %arg21[%dma_start3A] : memref<1296xf32, #tpu.memory_space<vmem>> -> memref<1280xf32, #tpu.memory_space<vmem>>
        %dma_start3A_33 = tpu.memref_slice %arg9[%mul3A_2] : memref<20480xf32, #tpu.memory_space<hbm>> -> memref<1280xf32, #tpu.memory_space<hbm>>
        %dma_start3A_34 = arith.constant 0 : i32
        %dma_start3A_35 = tpu.memref_slice %arg21[%dma_start3A_34] : memref<1296xf32, #tpu.memory_space<vmem>> -> memref<1280xf32, #tpu.memory_space<vmem>>
        %dma_start3A_36 = tpu.memref_slice %arg9[%mul3A_2] : memref<20480xf32, #tpu.memory_space<hbm>> -> memref<1280xf32, #tpu.memory_space<hbm>>
        tpu.enqueue_dma source(%dma_start3A_36 : memref<1280xf32, #tpu.memory_space<hbm>>) target(%dma_start3A_35 : memref<1280xf32, #tpu.memory_space<vmem>>) target_semaphore(%run_scoped3A : memref<!tpu.dma_semaphore, #tpu.memory_space<semaphore_mem>>)
        %dma_wait3A = arith.constant 0 : i32
        %dma_wait3A_37 = tpu.memref_slice %arg21[%dma_wait3A] : memref<1296xf32, #tpu.memory_space<vmem>> -> memref<1280xf32, #tpu.memory_space<vmem>>
        %dma_wait3A_38 = tpu.memref_slice %arg9[%mul3A_2] : memref<20480xf32, #tpu.memory_space<hbm>> -> memref<1280xf32, #tpu.memory_space<hbm>>
        %dma_wait3A_39 = arith.constant 0 : i32
        %dma_wait3A_40 = tpu.memref_slice %arg21[%dma_wait3A_39] : memref<1296xf32, #tpu.memory_space<vmem>> -> memref<1280xf32, #tpu.memory_space<vmem>>
        %dma_wait3A_41 = tpu.memref_slice %arg9[%mul3A_2] : memref<20480xf32, #tpu.memory_space<hbm>> -> memref<1280xf32, #tpu.memory_space<hbm>>
        tpu.wait_dma2 semaphore(%run_scoped3A : memref<!tpu.dma_semaphore, #tpu.memory_space<semaphore_mem>>) src(%dma_wait3A_41 : memref<1280xf32, #tpu.memory_space<hbm>>) dst(%dma_wait3A_40 : memref<1280xf32, #tpu.memory_space<vmem>>)
        tpu.yield
      }) : () -> ()
      "tpu.region"() ({
        %run_scoped3A = tpu.sem_alloc : memref<!tpu.dma_semaphore, #tpu.memory_space<semaphore_mem>>
        %dma_start3A = arith.constant 0 : i32
        %dma_start3A_32 = tpu.memref_slice %arg22[%dma_start3A] : memref<1296xf32, #tpu.memory_space<vmem>> -> memref<1280xf32, #tpu.memory_space<vmem>>
        %dma_start3A_33 = tpu.memref_slice %arg10[%mul3A_2] : memref<20480xf32, #tpu.memory_space<hbm>> -> memref<1280xf32, #tpu.memory_space<hbm>>
        %dma_start3A_34 = arith.constant 0 : i32
        %dma_start3A_35 = tpu.memref_slice %arg22[%dma_start3A_34] : memref<1296xf32, #tpu.memory_space<vmem>> -> memref<1280xf32, #tpu.memory_space<vmem>>
        %dma_start3A_36 = tpu.memref_slice %arg10[%mul3A_2] : memref<20480xf32, #tpu.memory_space<hbm>> -> memref<1280xf32, #tpu.memory_space<hbm>>
        tpu.enqueue_dma source(%dma_start3A_36 : memref<1280xf32, #tpu.memory_space<hbm>>) target(%dma_start3A_35 : memref<1280xf32, #tpu.memory_space<vmem>>) target_semaphore(%run_scoped3A : memref<!tpu.dma_semaphore, #tpu.memory_space<semaphore_mem>>)
        %dma_wait3A = arith.constant 0 : i32
        %dma_wait3A_37 = tpu.memref_slice %arg22[%dma_wait3A] : memref<1296xf32, #tpu.memory_space<vmem>> -> memref<1280xf32, #tpu.memory_space<vmem>>
        %dma_wait3A_38 = tpu.memref_slice %arg10[%mul3A_2] : memref<20480xf32, #tpu.memory_space<hbm>> -> memref<1280xf32, #tpu.memory_space<hbm>>
        %dma_wait3A_39 = arith.constant 0 : i32
        %dma_wait3A_40 = tpu.memref_slice %arg22[%dma_wait3A_39] : memref<1296xf32, #tpu.memory_space<vmem>> -> memref<1280xf32, #tpu.memory_space<vmem>>
        %dma_wait3A_41 = tpu.memref_slice %arg10[%mul3A_2] : memref<20480xf32, #tpu.memory_space<hbm>> -> memref<1280xf32, #tpu.memory_space<hbm>>
        tpu.wait_dma2 semaphore(%run_scoped3A : memref<!tpu.dma_semaphore, #tpu.memory_space<semaphore_mem>>) src(%dma_wait3A_41 : memref<1280xf32, #tpu.memory_space<hbm>>) dst(%dma_wait3A_40 : memref<1280xf32, #tpu.memory_space<vmem>>)
        tpu.yield
      }) : () -> ()
      "tpu.region"() ({
        %run_scoped3A = tpu.sem_alloc : memref<!tpu.dma_semaphore, #tpu.memory_space<semaphore_mem>>
        %dma_start3A = arith.constant 0 : i32
        %dma_start3A_32 = tpu.memref_slice %arg23[%dma_start3A] : memref<1296xf32, #tpu.memory_space<vmem>> -> memref<1280xf32, #tpu.memory_space<vmem>>
        %dma_start3A_33 = tpu.memref_slice %arg11[%mul3A_2] : memref<20480xf32, #tpu.memory_space<hbm>> -> memref<1280xf32, #tpu.memory_space<hbm>>
        %dma_start3A_34 = arith.constant 0 : i32
        %dma_start3A_35 = tpu.memref_slice %arg23[%dma_start3A_34] : memref<1296xf32, #tpu.memory_space<vmem>> -> memref<1280xf32, #tpu.memory_space<vmem>>
        %dma_start3A_36 = tpu.memref_slice %arg11[%mul3A_2] : memref<20480xf32, #tpu.memory_space<hbm>> -> memref<1280xf32, #tpu.memory_space<hbm>>
        tpu.enqueue_dma source(%dma_start3A_36 : memref<1280xf32, #tpu.memory_space<hbm>>) target(%dma_start3A_35 : memref<1280xf32, #tpu.memory_space<vmem>>) target_semaphore(%run_scoped3A : memref<!tpu.dma_semaphore, #tpu.memory_space<semaphore_mem>>)
        %dma_wait3A = arith.constant 0 : i32
        %dma_wait3A_37 = tpu.memref_slice %arg23[%dma_wait3A] : memref<1296xf32, #tpu.memory_space<vmem>> -> memref<1280xf32, #tpu.memory_space<vmem>>
        %dma_wait3A_38 = tpu.memref_slice %arg11[%mul3A_2] : memref<20480xf32, #tpu.memory_space<hbm>> -> memref<1280xf32, #tpu.memory_space<hbm>>
        %dma_wait3A_39 = arith.constant 0 : i32
        %dma_wait3A_40 = tpu.memref_slice %arg23[%dma_wait3A_39] : memref<1296xf32, #tpu.memory_space<vmem>> -> memref<1280xf32, #tpu.memory_space<vmem>>
        %dma_wait3A_41 = tpu.memref_slice %arg11[%mul3A_2] : memref<20480xf32, #tpu.memory_space<hbm>> -> memref<1280xf32, #tpu.memory_space<hbm>>
        tpu.wait_dma2 semaphore(%run_scoped3A : memref<!tpu.dma_semaphore, #tpu.memory_space<semaphore_mem>>) src(%dma_wait3A_41 : memref<1280xf32, #tpu.memory_space<hbm>>) dst(%dma_wait3A_40 : memref<1280xf32, #tpu.memory_space<vmem>>)
        tpu.yield
      }) : () -> ()
      %iota3A = tpu.iota {dimensions = array<i32: 0>} : vector<16xi32>
      %convert_element_type3A_3 = arith.sitofp %iota3A : vector<16xi32> to vector<16xf32>
      %broadcast_in_dim3A = vector.broadcast %mul3A_2 : i32 to vector<16xi32>
      %convert_element_type3A_4 = arith.sitofp %broadcast_in_dim3A : vector<16xi32> to vector<16xf32>
      %broadcast_in_dim3A_5 = arith.constant 0.000000e+00 : f32
      %broadcast_in_dim3A_6 = vector.broadcast %broadcast_in_dim3A_5 : f32 to vector<16xf32>
      %scan3A = arith.constant 5.000000e-01 : f32
      %scan3A_7 = arith.constant 3.000000e+38 : f32
      %scan3A_8 = arith.constant 0 : i32
      %scan3A_9 = arith.constant 0.000000e+00 : f32
      %scan3A_10 = arith.constant 0.000000e+00 : f32
      %scan3A_11 = arith.constant 0.000000e+00 : f32
      %scan3A_12 = arith.constant 0.000000e+00 : f32
      %scan3A_13 = arith.constant 0.000000e+00 : f32
      %scan3A_14 = arith.constant 3.000000e+38 : f32
      %scan3A_15 = arith.constant 0.000000e+00 : f32
      %scan3A_16 = arith.constant 0.000000e+00 : f32
      %scan3A_17 = arith.constant 0.000000e+00 : f32
      %scan3A_18 = arith.constant 0.000000e+00 : f32
      %scan3A_19 = arith.constant 0.000000e+00 : f32
      %scan3A_20 = arith.constant 3.000000e+38 : f32
      %scan3A_21 = arith.constant 0 : i32
      %scan3A_22 = arith.constant 150 : i32
      %scan3A_23 = arith.addi %scan3A_21, %scan3A_22 : i32
      %scan3A_24 = arith.constant 1 : i32
      %scan3A_25:13 = scf.for %scan3A_32 = %scan3A_21 to %scan3A_23 step %scan3A_24 iter_args(%scan3A_33 = %scan3A_8, %scan3A_34 = %scan3A_9, %scan3A_35 = %scan3A_10, %scan3A_36 = %scan3A_11, %scan3A_37 = %scan3A_12, %scan3A_38 = %scan3A_13, %scan3A_39 = %scan3A_14, %scan3A_40 = %scan3A_15, %scan3A_41 = %scan3A_16, %scan3A_42 = %scan3A_17, %scan3A_43 = %scan3A_18, %scan3A_44 = %scan3A_19, %scan3A_45 = %scan3A_20) -> (i32, f32, f32, f32, f32, f32, f32, f32, f32, f32, f32, f32, f32)  : i32 {
        %lt3A = arith.constant 300 : i32
        %lt3A_46 = arith.cmpi slt, %scan3A_33, %lt3A : i32
        %broadcast_in_dim3A_47 = vector.broadcast %scan3A_34 : f32 to vector<16xf32>
        %broadcast_in_dim3A_48 = vector.broadcast %scan3A_35 : f32 to vector<16xf32>
        %broadcast_in_dim3A_49 = vector.broadcast %scan3A_36 : f32 to vector<16xf32>
        %broadcast_in_dim3A_50 = vector.broadcast %scan3A_37 : f32 to vector<16xf32>
        %broadcast_in_dim3A_51 = vector.broadcast %scan3A_38 : f32 to vector<16xf32>
        %broadcast_in_dim3A_52 = vector.broadcast %scan3A_39 : f32 to vector<16xf32>
        %broadcast_in_dim3A_53 = vector.broadcast %scan3A_40 : f32 to vector<16xf32>
        %broadcast_in_dim3A_54 = vector.broadcast %scan3A_41 : f32 to vector<16xf32>
        %broadcast_in_dim3A_55 = vector.broadcast %scan3A_42 : f32 to vector<16xf32>
        %broadcast_in_dim3A_56 = vector.broadcast %scan3A_43 : f32 to vector<16xf32>
        %broadcast_in_dim3A_57 = vector.broadcast %scan3A_44 : f32 to vector<16xf32>
        %broadcast_in_dim3A_58 = vector.broadcast %scan3A_45 : f32 to vector<16xf32>
        %broadcast_in_dim3A_59 = arith.constant -2.000000e+09 : f32
        %broadcast_in_dim3A_60 = vector.broadcast %broadcast_in_dim3A_59 : f32 to vector<16xf32>
        %add3A = arith.addf %convert_element_type3A_4, %convert_element_type3A_3 : vector<16xf32>
        %broadcast_in_dim3A_61 = arith.constant -2.000000e+09 : f32
        %broadcast_in_dim3A_62 = vector.broadcast %broadcast_in_dim3A_61 : f32 to vector<16xf32>
        %add3A_63 = arith.addf %convert_element_type3A_4, %convert_element_type3A_3 : vector<16xf32>
        %add3A_64 = arith.addf %convert_element_type3A_4, %convert_element_type3A_3 : vector<16xf32>
        %jit3A = arith.constant 80 : i32
        %jit3A_65 = arith.constant 0 : i32
        %select_n3A = arith.select %lt3A_46, %jit3A, %jit3A_65 : i32
        %while3A = arith.constant 0 : i32
        %while3A_66 = arith.subi %select_n3A, %while3A : i32
        %while3A_67 = arith.addi %while3A, %while3A_66 : i32
        %while3A_68 = arith.constant 1 : i32
        %while3A_69 = arith.divsi %while3A_66, %while3A_68 : i32
        %while3A_70 = arith.muli %while3A_69, %while3A_68 : i32
        %while3A_71 = arith.addi %while3A, %while3A_70 : i32
        %while3A_72 = arith.constant 1 : i32
        %while3A_73:5 = scf.for %while3A_424 = %while3A to %while3A_71 step %while3A_72 iter_args(%while3A_425 = %broadcast_in_dim3A_60, %while3A_426 = %add3A, %while3A_427 = %broadcast_in_dim3A_62, %while3A_428 = %add3A_63, %while3A_429 = %add3A_64) -> (vector<16xf32>, vector<16xf32>, vector<16xf32>, vector<16xf32>, vector<16xf32>)  : i32 {
          %mul3A_430 = arith.constant 16 : i32
          %mul3A_431 = arith.muli %while3A_424, %mul3A_430 : i32
          %get3A_432 = arith.index_cast %mul3A_431 : i32 to index
          %get3A_433 = tpu.vector_load %arg19[%get3A_432] {strides = array<i32>} : memref<1296xf32, #tpu.memory_space<vmem>>, vector<16xf32>,
          %get3A_434 = vector.shape_cast %get3A_433 : vector<16xf32> to vector<16xf32>
          %get3A_435 = arith.index_cast %mul3A_431 : i32 to index
          %get3A_436 = tpu.vector_load %arg14[%get3A_435] {strides = array<i32>} : memref<1296xf32, #tpu.memory_space<vmem>>, vector<16xf32>,
          %get3A_437 = vector.shape_cast %get3A_436 : vector<16xf32> to vector<16xf32>
          %get3A_438 = arith.index_cast %mul3A_431 : i32 to index
          %get3A_439 = tpu.vector_load %arg15[%get3A_438] {strides = array<i32>} : memref<1296xf32, #tpu.memory_space<vmem>>, vector<16xf32>,
          %get3A_440 = vector.shape_cast %get3A_439 : vector<16xf32> to vector<16xf32>
          %get3A_441 = arith.index_cast %mul3A_431 : i32 to index
          %get3A_442 = tpu.vector_load %arg16[%get3A_441] {strides = array<i32>} : memref<1296xf32, #tpu.memory_space<vmem>>, vector<16xf32>,
          %get3A_443 = vector.shape_cast %get3A_442 : vector<16xf32> to vector<16xf32>
          %get3A_444 = arith.index_cast %mul3A_431 : i32 to index
          %get3A_445 = tpu.vector_load %arg17[%get3A_444] {strides = array<i32>} : memref<1296xf32, #tpu.memory_space<vmem>>, vector<16xf32>,
          %get3A_446 = vector.shape_cast %get3A_445 : vector<16xf32> to vector<16xf32>
          %get3A_447 = arith.index_cast %mul3A_431 : i32 to index
          %get3A_448 = tpu.vector_load %arg18[%get3A_447] {strides = array<i32>} : memref<1296xf32, #tpu.memory_space<vmem>>, vector<16xf32>,
          %get3A_449 = vector.shape_cast %get3A_448 : vector<16xf32> to vector<16xf32>
          %max3A_450 = arith.maximumf %broadcast_in_dim3A_47, %get3A_437 : vector<16xf32>
          %max3A_451 = arith.maximumf %broadcast_in_dim3A_48, %get3A_440 : vector<16xf32>
          %min3A_452 = arith.minimumf %broadcast_in_dim3A_49, %get3A_443 : vector<16xf32>
          %min3A_453 = arith.minimumf %broadcast_in_dim3A_50, %get3A_446 : vector<16xf32>
          %sub3A_454 = arith.subf %min3A_452, %max3A_450 : vector<16xf32>
          %max3A_455 = arith.constant 0.000000e+00 : f32
          %max3A_456 = vector.broadcast %max3A_455 : f32 to vector<16xf32>
          %max3A_457 = arith.maximumf %sub3A_454, %max3A_456 : vector<16xf32>
          %sub3A_458 = arith.subf %min3A_453, %max3A_451 : vector<16xf32>
          %max3A_459 = arith.constant 0.000000e+00 : f32
          %max3A_460 = vector.broadcast %max3A_459 : f32 to vector<16xf32>
          %max3A_461 = arith.maximumf %sub3A_458, %max3A_460 : vector<16xf32>
          %mul3A_462 = arith.mulf %max3A_457, %max3A_461 : vector<16xf32>
          %add3A_463 = arith.addf %broadcast_in_dim3A_51, %get3A_449 : vector<16xf32>
          %sub3A_464 = arith.subf %add3A_463, %mul3A_462 : vector<16xf32>
          %max3A_465 = arith.constant 9.99999971E-10 : f32
          %max3A_466 = vector.broadcast %max3A_465 : f32 to vector<16xf32>
          %max3A_467 = arith.maximumf %sub3A_464, %max3A_466 : vector<16xf32>
          %div3A_468 = arith.divf %mul3A_462, %max3A_467 : vector<16xf32>
          %gt3A_469 = arith.cmpf ogt, %div3A_468, %broadcast_in_dim3A_52 : vector<16xf32>
          %jit3A_470 = arith.constant -1.000000e+09 : f32
          %broadcast_in_dim3A_471 = vector.broadcast %jit3A_470 : f32 to vector<16xf32>
          %select_n3A_472 = arith.select %gt3A_469, %broadcast_in_dim3A_471, %get3A_434 : vector<16xi1>, vector<16xf32>
          %max3A_473 = arith.maximumf %broadcast_in_dim3A_53, %get3A_437 : vector<16xf32>
          %max3A_474 = arith.maximumf %broadcast_in_dim3A_54, %get3A_440 : vector<16xf32>
          %min3A_475 = arith.minimumf %broadcast_in_dim3A_55, %get3A_443 : vector<16xf32>
          %min3A_476 = arith.minimumf %broadcast_in_dim3A_56, %get3A_446 : vector<16xf32>
          %sub3A_477 = arith.subf %min3A_475, %max3A_473 : vector<16xf32>
          %max3A_478 = arith.constant 0.000000e+00 : f32
          %max3A_479 = vector.broadcast %max3A_478 : f32 to vector<16xf32>
          %max3A_480 = arith.maximumf %sub3A_477, %max3A_479 : vector<16xf32>
          %sub3A_481 = arith.subf %min3A_476, %max3A_474 : vector<16xf32>
          %max3A_482 = arith.constant 0.000000e+00 : f32
          %max3A_483 = vector.broadcast %max3A_482 : f32 to vector<16xf32>
          %max3A_484 = arith.maximumf %sub3A_481, %max3A_483 : vector<16xf32>
          %mul3A_485 = arith.mulf %max3A_480, %max3A_484 : vector<16xf32>
          %add3A_486 = arith.addf %broadcast_in_dim3A_57, %get3A_449 : vector<16xf32>
          %sub3A_487 = arith.subf %add3A_486, %mul3A_485 : vector<16xf32>
          %max3A_488 = arith.constant 9.99999971E-10 : f32
          %max3A_489 = vector.broadcast %max3A_488 : f32 to vector<16xf32>
          %max3A_490 = arith.maximumf %sub3A_487, %max3A_489 : vector<16xf32>
          %div3A_491 = arith.divf %mul3A_485, %max3A_490 : vector<16xf32>
          %gt3A_492 = arith.cmpf ogt, %div3A_491, %broadcast_in_dim3A_58 : vector<16xf32>
          %jit3A_493 = arith.constant -1.000000e+09 : f32
          %broadcast_in_dim3A_494 = vector.broadcast %jit3A_493 : f32 to vector<16xf32>
          %select_n3A_495 = arith.select %gt3A_492, %broadcast_in_dim3A_494, %select_n3A_472 : vector<16xi1>, vector<16xf32>
          %swap3A_496 = arith.index_cast %mul3A_431 : i32 to index
          %swap3A_497 = tpu.vector_load %arg19[%swap3A_496] {strides = array<i32>} : memref<1296xf32, #tpu.memory_space<vmem>>, vector<16xf32>,
          %swap3A_498 = vector.shape_cast %swap3A_497 : vector<16xf32> to vector<16xf32>
          %swap3A_499 = vector.shape_cast %select_n3A_495 : vector<16xf32> to vector<16xf32>
          tpu.vector_store %arg19[%swap3A_496], %swap3A_499 {strides = array<i32>} : memref<1296xf32, #tpu.memory_space<vmem>>, vector<16xf32>,
          %gt3A_500 = arith.cmpf ogt, %select_n3A_495, %while3A_425 : vector<16xf32>
          %gt3A_501 = arith.cmpf ogt, %select_n3A_495, %while3A_427 : vector<16xf32>
          %select_n3A_502 = arith.select %gt3A_501, %select_n3A_495, %while3A_427 : vector<16xi1>, vector<16xf32>
          %select_n3A_503 = arith.select %gt3A_500, %while3A_425, %select_n3A_502 : vector<16xi1>, vector<16xf32>
          %select_n3A_504 = arith.select %gt3A_501, %while3A_429, %while3A_428 : vector<16xi1>, vector<16xf32>
          %select_n3A_505 = arith.select %gt3A_500, %while3A_426, %select_n3A_504 : vector<16xi1>, vector<16xf32>
          %select_n3A_506 = arith.select %gt3A_500, %select_n3A_495, %while3A_425 : vector<16xi1>, vector<16xf32>
          %select_n3A_507 = arith.select %gt3A_500, %while3A_429, %while3A_426 : vector<16xi1>, vector<16xf32>
          %add3A_508 = arith.constant 1.600000e+01 : f32
          %add3A_509 = vector.broadcast %add3A_508 : f32 to vector<16xf32>
          %add3A_510 = arith.addf %while3A_429, %add3A_509 : vector<16xf32>
          scf.yield %select_n3A_506, %select_n3A_507, %select_n3A_503, %select_n3A_505, %add3A_510 : vector<16xf32>, vector<16xf32>, vector<16xf32>, vector<16xf32>, vector<16xf32>
        }
        %while3A_74 = arith.constant 1 : i32
        %while3A_75:5 = scf.for %while3A_424 = %while3A_71 to %while3A_67 step %while3A_74 iter_args(%while3A_425 = %while3A_73#0, %while3A_426 = %while3A_73#1, %while3A_427 = %while3A_73#2, %while3A_428 = %while3A_73#3, %while3A_429 = %while3A_73#4) -> (vector<16xf32>, vector<16xf32>, vector<16xf32>, vector<16xf32>, vector<16xf32>)  : i32 {
          %mul3A_430 = arith.constant 16 : i32
          %mul3A_431 = arith.muli %while3A_424, %mul3A_430 : i32
          %get3A_432 = arith.index_cast %mul3A_431 : i32 to index
          %get3A_433 = tpu.vector_load %arg19[%get3A_432] {strides = array<i32>} : memref<1296xf32, #tpu.memory_space<vmem>>, vector<16xf32>,
          %get3A_434 = vector.shape_cast %get3A_433 : vector<16xf32> to vector<16xf32>
          %get3A_435 = arith.index_cast %mul3A_431 : i32 to index
          %get3A_436 = tpu.vector_load %arg14[%get3A_435] {strides = array<i32>} : memref<1296xf32, #tpu.memory_space<vmem>>, vector<16xf32>,
          %get3A_437 = vector.shape_cast %get3A_436 : vector<16xf32> to vector<16xf32>
          %get3A_438 = arith.index_cast %mul3A_431 : i32 to index
          %get3A_439 = tpu.vector_load %arg15[%get3A_438] {strides = array<i32>} : memref<1296xf32, #tpu.memory_space<vmem>>, vector<16xf32>,
          %get3A_440 = vector.shape_cast %get3A_439 : vector<16xf32> to vector<16xf32>
          %get3A_441 = arith.index_cast %mul3A_431 : i32 to index
          %get3A_442 = tpu.vector_load %arg16[%get3A_441] {strides = array<i32>} : memref<1296xf32, #tpu.memory_space<vmem>>, vector<16xf32>,
          %get3A_443 = vector.shape_cast %get3A_442 : vector<16xf32> to vector<16xf32>
          %get3A_444 = arith.index_cast %mul3A_431 : i32 to index
          %get3A_445 = tpu.vector_load %arg17[%get3A_444] {strides = array<i32>} : memref<1296xf32, #tpu.memory_space<vmem>>, vector<16xf32>,
          %get3A_446 = vector.shape_cast %get3A_445 : vector<16xf32> to vector<16xf32>
          %get3A_447 = arith.index_cast %mul3A_431 : i32 to index
          %get3A_448 = tpu.vector_load %arg18[%get3A_447] {strides = array<i32>} : memref<1296xf32, #tpu.memory_space<vmem>>, vector<16xf32>,
          %get3A_449 = vector.shape_cast %get3A_448 : vector<16xf32> to vector<16xf32>
          %max3A_450 = arith.maximumf %broadcast_in_dim3A_47, %get3A_437 : vector<16xf32>
          %max3A_451 = arith.maximumf %broadcast_in_dim3A_48, %get3A_440 : vector<16xf32>
          %min3A_452 = arith.minimumf %broadcast_in_dim3A_49, %get3A_443 : vector<16xf32>
          %min3A_453 = arith.minimumf %broadcast_in_dim3A_50, %get3A_446 : vector<16xf32>
          %sub3A_454 = arith.subf %min3A_452, %max3A_450 : vector<16xf32>
          %max3A_455 = arith.constant 0.000000e+00 : f32
          %max3A_456 = vector.broadcast %max3A_455 : f32 to vector<16xf32>
          %max3A_457 = arith.maximumf %sub3A_454, %max3A_456 : vector<16xf32>
          %sub3A_458 = arith.subf %min3A_453, %max3A_451 : vector<16xf32>
          %max3A_459 = arith.constant 0.000000e+00 : f32
          %max3A_460 = vector.broadcast %max3A_459 : f32 to vector<16xf32>
          %max3A_461 = arith.maximumf %sub3A_458, %max3A_460 : vector<16xf32>
          %mul3A_462 = arith.mulf %max3A_457, %max3A_461 : vector<16xf32>
          %add3A_463 = arith.addf %broadcast_in_dim3A_51, %get3A_449 : vector<16xf32>
          %sub3A_464 = arith.subf %add3A_463, %mul3A_462 : vector<16xf32>
          %max3A_465 = arith.constant 9.99999971E-10 : f32
          %max3A_466 = vector.broadcast %max3A_465 : f32 to vector<16xf32>
          %max3A_467 = arith.maximumf %sub3A_464, %max3A_466 : vector<16xf32>
          %div3A_468 = arith.divf %mul3A_462, %max3A_467 : vector<16xf32>
          %gt3A_469 = arith.cmpf ogt, %div3A_468, %broadcast_in_dim3A_52 : vector<16xf32>
          %jit3A_470 = arith.constant -1.000000e+09 : f32
          %broadcast_in_dim3A_471 = vector.broadcast %jit3A_470 : f32 to vector<16xf32>
          %select_n3A_472 = arith.select %gt3A_469, %broadcast_in_dim3A_471, %get3A_434 : vector<16xi1>, vector<16xf32>
          %max3A_473 = arith.maximumf %broadcast_in_dim3A_53, %get3A_437 : vector<16xf32>
          %max3A_474 = arith.maximumf %broadcast_in_dim3A_54, %get3A_440 : vector<16xf32>
          %min3A_475 = arith.minimumf %broadcast_in_dim3A_55, %get3A_443 : vector<16xf32>
          %min3A_476 = arith.minimumf %broadcast_in_dim3A_56, %get3A_446 : vector<16xf32>
          %sub3A_477 = arith.subf %min3A_475, %max3A_473 : vector<16xf32>
          %max3A_478 = arith.constant 0.000000e+00 : f32
          %max3A_479 = vector.broadcast %max3A_478 : f32 to vector<16xf32>
          %max3A_480 = arith.maximumf %sub3A_477, %max3A_479 : vector<16xf32>
          %sub3A_481 = arith.subf %min3A_476, %max3A_474 : vector<16xf32>
          %max3A_482 = arith.constant 0.000000e+00 : f32
          %max3A_483 = vector.broadcast %max3A_482 : f32 to vector<16xf32>
          %max3A_484 = arith.maximumf %sub3A_481, %max3A_483 : vector<16xf32>
          %mul3A_485 = arith.mulf %max3A_480, %max3A_484 : vector<16xf32>
          %add3A_486 = arith.addf %broadcast_in_dim3A_57, %get3A_449 : vector<16xf32>
          %sub3A_487 = arith.subf %add3A_486, %mul3A_485 : vector<16xf32>
          %max3A_488 = arith.constant 9.99999971E-10 : f32
          %max3A_489 = vector.broadcast %max3A_488 : f32 to vector<16xf32>
          %max3A_490 = arith.maximumf %sub3A_487, %max3A_489 : vector<16xf32>
          %div3A_491 = arith.divf %mul3A_485, %max3A_490 : vector<16xf32>
          %gt3A_492 = arith.cmpf ogt, %div3A_491, %broadcast_in_dim3A_58 : vector<16xf32>
          %jit3A_493 = arith.constant -1.000000e+09 : f32
          %broadcast_in_dim3A_494 = vector.broadcast %jit3A_493 : f32 to vector<16xf32>
          %select_n3A_495 = arith.select %gt3A_492, %broadcast_in_dim3A_494, %select_n3A_472 : vector<16xi1>, vector<16xf32>
          %swap3A_496 = arith.index_cast %mul3A_431 : i32 to index
          %swap3A_497 = tpu.vector_load %arg19[%swap3A_496] {strides = array<i32>} : memref<1296xf32, #tpu.memory_space<vmem>>, vector<16xf32>,
          %swap3A_498 = vector.shape_cast %swap3A_497 : vector<16xf32> to vector<16xf32>
          %swap3A_499 = vector.shape_cast %select_n3A_495 : vector<16xf32> to vector<16xf32>
          tpu.vector_store %arg19[%swap3A_496], %swap3A_499 {strides = array<i32>} : memref<1296xf32, #tpu.memory_space<vmem>>, vector<16xf32>,
          %gt3A_500 = arith.cmpf ogt, %select_n3A_495, %while3A_425 : vector<16xf32>
          %gt3A_501 = arith.cmpf ogt, %select_n3A_495, %while3A_427 : vector<16xf32>
          %select_n3A_502 = arith.select %gt3A_501, %select_n3A_495, %while3A_427 : vector<16xi1>, vector<16xf32>
          %select_n3A_503 = arith.select %gt3A_500, %while3A_425, %select_n3A_502 : vector<16xi1>, vector<16xf32>
          %select_n3A_504 = arith.select %gt3A_501, %while3A_429, %while3A_428 : vector<16xi1>, vector<16xf32>
          %select_n3A_505 = arith.select %gt3A_500, %while3A_426, %select_n3A_504 : vector<16xi1>, vector<16xf32>
          %select_n3A_506 = arith.select %gt3A_500, %select_n3A_495, %while3A_425 : vector<16xi1>, vector<16xf32>
          %select_n3A_507 = arith.select %gt3A_500, %while3A_429, %while3A_426 : vector<16xi1>, vector<16xf32>
          %add3A_508 = arith.constant 1.600000e+01 : f32
          %add3A_509 = vector.broadcast %add3A_508 : f32 to vector<16xf32>
          %add3A_510 = arith.addf %while3A_429, %add3A_509 : vector<16xf32>
          scf.yield %select_n3A_506, %select_n3A_507, %select_n3A_503, %select_n3A_505, %add3A_510 : vector<16xf32>, vector<16xf32>, vector<16xf32>, vector<16xf32>, vector<16xf32>
        }
        %convert_element_type3A_76 = arith.extui %lt3A_46 : i1 to i32
        %cond3A_77 = arith.constant 0 : i32
        %cond3A_78 = arith.cmpi ne, %convert_element_type3A_76, %cond3A_77 : i32
        scf.if %cond3A_78 {
          %slice3A_424 = vector.extract_strided_slice %while3A_75#0 {offsets = [0], sizes = [1], strides = [1]} : vector<16xf32> to vector<1xf32>
          %squeeze3A_425 = vector.extract %slice3A_424[0] : f32 from vector<1xf32>
          %slice3A_426 = vector.extract_strided_slice %while3A_75#1 {offsets = [0], sizes = [1], strides = [1]} : vector<16xf32> to vector<1xf32>
          %squeeze3A_427 = vector.extract %slice3A_426[0] : f32 from vector<1xf32>
          %slice3A_428 = vector.extract_strided_slice %while3A_75#2 {offsets = [0], sizes = [1], strides = [1]} : vector<16xf32> to vector<1xf32>
          %squeeze3A_429 = vector.extract %slice3A_428[0] : f32 from vector<1xf32>
          %slice3A_430 = vector.extract_strided_slice %while3A_75#3 {offsets = [0], sizes = [1], strides = [1]} : vector<16xf32> to vector<1xf32>
          %squeeze3A_431 = vector.extract %slice3A_430[0] : f32 from vector<1xf32>
          %slice3A_432 = vector.extract_strided_slice %while3A_75#0 {offsets = [1], sizes = [1], strides = [1]} : vector<16xf32> to vector<1xf32>
          %squeeze3A_433 = vector.extract %slice3A_432[0] : f32 from vector<1xf32>
          %slice3A_434 = vector.extract_strided_slice %while3A_75#1 {offsets = [1], sizes = [1], strides = [1]} : vector<16xf32> to vector<1xf32>
          %squeeze3A_435 = vector.extract %slice3A_434[0] : f32 from vector<1xf32>
          %gt3A_436 = arith.cmpf ogt, %squeeze3A_433, %squeeze3A_425 : f32
          %eq3A_437 = arith.cmpf oeq, %squeeze3A_433, %squeeze3A_425 : f32
          %lt3A_438 = arith.cmpf olt, %squeeze3A_435, %squeeze3A_427 : f32
          %and3A_439 = arith.andi %eq3A_437, %lt3A_438 : i1
          %or3A = arith.ori %gt3A_436, %and3A_439 : i1
          %gt3A_440 = arith.cmpf ogt, %squeeze3A_433, %squeeze3A_429 : f32
          %eq3A_441 = arith.cmpf oeq, %squeeze3A_433, %squeeze3A_429 : f32
          %lt3A_442 = arith.cmpf olt, %squeeze3A_435, %squeeze3A_431 : f32
          %and3A_443 = arith.andi %eq3A_441, %lt3A_442 : i1
          %or3A_444 = arith.ori %gt3A_440, %and3A_443 : i1
          %select_n3A_445 = arith.select %or3A, %squeeze3A_433, %squeeze3A_425 : f32
          %select_n3A_446 = arith.select %or3A, %squeeze3A_435, %squeeze3A_427 : f32
          %select_n3A_447 = arith.select %or3A_444, %squeeze3A_433, %squeeze3A_429 : f32
          %select_n3A_448 = arith.select %or3A, %squeeze3A_425, %select_n3A_447 : f32
          %select_n3A_449 = arith.select %or3A_444, %squeeze3A_435, %squeeze3A_431 : f32
          %select_n3A_450 = arith.select %or3A, %squeeze3A_427, %select_n3A_449 : f32
          %slice3A_451 = vector.extract_strided_slice %while3A_75#0 {offsets = [2], sizes = [1], strides = [1]} : vector<16xf32> to vector<1xf32>
          %squeeze3A_452 = vector.extract %slice3A_451[0] : f32 from vector<1xf32>
          %slice3A_453 = vector.extract_strided_slice %while3A_75#1 {offsets = [2], sizes = [1], strides = [1]} : vector<16xf32> to vector<1xf32>
          %squeeze3A_454 = vector.extract %slice3A_453[0] : f32 from vector<1xf32>
          %gt3A_455 = arith.cmpf ogt, %squeeze3A_452, %select_n3A_445 : f32
          %eq3A_456 = arith.cmpf oeq, %squeeze3A_452, %select_n3A_445 : f32
          %lt3A_457 = arith.cmpf olt, %squeeze3A_454, %select_n3A_446 : f32
          %and3A_458 = arith.andi %eq3A_456, %lt3A_457 : i1
          %or3A_459 = arith.ori %gt3A_455, %and3A_458 : i1
          %gt3A_460 = arith.cmpf ogt, %squeeze3A_452, %select_n3A_448 : f32
          %eq3A_461 = arith.cmpf oeq, %squeeze3A_452, %select_n3A_448 : f32
          %lt3A_462 = arith.cmpf olt, %squeeze3A_454, %select_n3A_450 : f32
          %and3A_463 = arith.andi %eq3A_461, %lt3A_462 : i1
          %or3A_464 = arith.ori %gt3A_460, %and3A_463 : i1
          %select_n3A_465 = arith.select %or3A_459, %squeeze3A_452, %select_n3A_445 : f32
          %select_n3A_466 = arith.select %or3A_459, %squeeze3A_454, %select_n3A_446 : f32
          %select_n3A_467 = arith.select %or3A_464, %squeeze3A_452, %select_n3A_448 : f32
          %select_n3A_468 = arith.select %or3A_459, %select_n3A_445, %select_n3A_467 : f32
          %select_n3A_469 = arith.select %or3A_464, %squeeze3A_454, %select_n3A_450 : f32
          %select_n3A_470 = arith.select %or3A_459, %select_n3A_446, %select_n3A_469 : f32
          %slice3A_471 = vector.extract_strided_slice %while3A_75#0 {offsets = [3], sizes = [1], strides = [1]} : vector<16xf32> to vector<1xf32>
          %squeeze3A_472 = vector.extract %slice3A_471[0] : f32 from vector<1xf32>
          %slice3A_473 = vector.extract_strided_slice %while3A_75#1 {offsets = [3], sizes = [1], strides = [1]} : vector<16xf32> to vector<1xf32>
          %squeeze3A_474 = vector.extract %slice3A_473[0] : f32 from vector<1xf32>
          %gt3A_475 = arith.cmpf ogt, %squeeze3A_472, %select_n3A_465 : f32
          %eq3A_476 = arith.cmpf oeq, %squeeze3A_472, %select_n3A_465 : f32
          %lt3A_477 = arith.cmpf olt, %squeeze3A_474, %select_n3A_466 : f32
          %and3A_478 = arith.andi %eq3A_476, %lt3A_477 : i1
          %or3A_479 = arith.ori %gt3A_475, %and3A_478 : i1
          %gt3A_480 = arith.cmpf ogt, %squeeze3A_472, %select_n3A_468 : f32
          %eq3A_481 = arith.cmpf oeq, %squeeze3A_472, %select_n3A_468 : f32
          %lt3A_482 = arith.cmpf olt, %squeeze3A_474, %select_n3A_470 : f32
          %and3A_483 = arith.andi %eq3A_481, %lt3A_482 : i1
          %or3A_484 = arith.ori %gt3A_480, %and3A_483 : i1
          %select_n3A_485 = arith.select %or3A_479, %squeeze3A_472, %select_n3A_465 : f32
          %select_n3A_486 = arith.select %or3A_479, %squeeze3A_474, %select_n3A_466 : f32
          %select_n3A_487 = arith.select %or3A_484, %squeeze3A_472, %select_n3A_468 : f32
          %select_n3A_488 = arith.select %or3A_479, %select_n3A_465, %select_n3A_487 : f32
          %select_n3A_489 = arith.select %or3A_484, %squeeze3A_474, %select_n3A_470 : f32
          %select_n3A_490 = arith.select %or3A_479, %select_n3A_466, %select_n3A_489 : f32
          %slice3A_491 = vector.extract_strided_slice %while3A_75#0 {offsets = [4], sizes = [1], strides = [1]} : vector<16xf32> to vector<1xf32>
          %squeeze3A_492 = vector.extract %slice3A_491[0] : f32 from vector<1xf32>
          %slice3A_493 = vector.extract_strided_slice %while3A_75#1 {offsets = [4], sizes = [1], strides = [1]} : vector<16xf32> to vector<1xf32>
          %squeeze3A_494 = vector.extract %slice3A_493[0] : f32 from vector<1xf32>
          %gt3A_495 = arith.cmpf ogt, %squeeze3A_492, %select_n3A_485 : f32
          %eq3A_496 = arith.cmpf oeq, %squeeze3A_492, %select_n3A_485 : f32
          %lt3A_497 = arith.cmpf olt, %squeeze3A_494, %select_n3A_486 : f32
          %and3A_498 = arith.andi %eq3A_496, %lt3A_497 : i1
          %or3A_499 = arith.ori %gt3A_495, %and3A_498 : i1
          %gt3A_500 = arith.cmpf ogt, %squeeze3A_492, %select_n3A_488 : f32
          %eq3A_501 = arith.cmpf oeq, %squeeze3A_492, %select_n3A_488 : f32
          %lt3A_502 = arith.cmpf olt, %squeeze3A_494, %select_n3A_490 : f32
          %and3A_503 = arith.andi %eq3A_501, %lt3A_502 : i1
          %or3A_504 = arith.ori %gt3A_500, %and3A_503 : i1
          %select_n3A_505 = arith.select %or3A_499, %squeeze3A_492, %select_n3A_485 : f32
          %select_n3A_506 = arith.select %or3A_499, %squeeze3A_494, %select_n3A_486 : f32
          %select_n3A_507 = arith.select %or3A_504, %squeeze3A_492, %select_n3A_488 : f32
          %select_n3A_508 = arith.select %or3A_499, %select_n3A_485, %select_n3A_507 : f32
          %select_n3A_509 = arith.select %or3A_504, %squeeze3A_494, %select_n3A_490 : f32
          %select_n3A_510 = arith.select %or3A_499, %select_n3A_486, %select_n3A_509 : f32
          %slice3A_511 = vector.extract_strided_slice %while3A_75#0 {offsets = [5], sizes = [1], strides = [1]} : vector<16xf32> to vector<1xf32>
          %squeeze3A_512 = vector.extract %slice3A_511[0] : f32 from vector<1xf32>
          %slice3A_513 = vector.extract_strided_slice %while3A_75#1 {offsets = [5], sizes = [1], strides = [1]} : vector<16xf32> to vector<1xf32>
          %squeeze3A_514 = vector.extract %slice3A_513[0] : f32 from vector<1xf32>
          %gt3A_515 = arith.cmpf ogt, %squeeze3A_512, %select_n3A_505 : f32
          %eq3A_516 = arith.cmpf oeq, %squeeze3A_512, %select_n3A_505 : f32
          %lt3A_517 = arith.cmpf olt, %squeeze3A_514, %select_n3A_506 : f32
          %and3A_518 = arith.andi %eq3A_516, %lt3A_517 : i1
          %or3A_519 = arith.ori %gt3A_515, %and3A_518 : i1
          %gt3A_520 = arith.cmpf ogt, %squeeze3A_512, %select_n3A_508 : f32
          %eq3A_521 = arith.cmpf oeq, %squeeze3A_512, %select_n3A_508 : f32
          %lt3A_522 = arith.cmpf olt, %squeeze3A_514, %select_n3A_510 : f32
          %and3A_523 = arith.andi %eq3A_521, %lt3A_522 : i1
          %or3A_524 = arith.ori %gt3A_520, %and3A_523 : i1
          %select_n3A_525 = arith.select %or3A_519, %squeeze3A_512, %select_n3A_505 : f32
          %select_n3A_526 = arith.select %or3A_519, %squeeze3A_514, %select_n3A_506 : f32
          %select_n3A_527 = arith.select %or3A_524, %squeeze3A_512, %select_n3A_508 : f32
          %select_n3A_528 = arith.select %or3A_519, %select_n3A_505, %select_n3A_527 : f32
          %select_n3A_529 = arith.select %or3A_524, %squeeze3A_514, %select_n3A_510 : f32
          %select_n3A_530 = arith.select %or3A_519, %select_n3A_506, %select_n3A_529 : f32
          %slice3A_531 = vector.extract_strided_slice %while3A_75#0 {offsets = [6], sizes = [1], strides = [1]} : vector<16xf32> to vector<1xf32>
          %squeeze3A_532 = vector.extract %slice3A_531[0] : f32 from vector<1xf32>
          %slice3A_533 = vector.extract_strided_slice %while3A_75#1 {offsets = [6], sizes = [1], strides = [1]} : vector<16xf32> to vector<1xf32>
          %squeeze3A_534 = vector.extract %slice3A_533[0] : f32 from vector<1xf32>
          %gt3A_535 = arith.cmpf ogt, %squeeze3A_532, %select_n3A_525 : f32
          %eq3A_536 = arith.cmpf oeq, %squeeze3A_532, %select_n3A_525 : f32
          %lt3A_537 = arith.cmpf olt, %squeeze3A_534, %select_n3A_526 : f32
          %and3A_538 = arith.andi %eq3A_536, %lt3A_537 : i1
          %or3A_539 = arith.ori %gt3A_535, %and3A_538 : i1
          %gt3A_540 = arith.cmpf ogt, %squeeze3A_532, %select_n3A_528 : f32
          %eq3A_541 = arith.cmpf oeq, %squeeze3A_532, %select_n3A_528 : f32
          %lt3A_542 = arith.cmpf olt, %squeeze3A_534, %select_n3A_530 : f32
          %and3A_543 = arith.andi %eq3A_541, %lt3A_542 : i1
          %or3A_544 = arith.ori %gt3A_540, %and3A_543 : i1
          %select_n3A_545 = arith.select %or3A_539, %squeeze3A_532, %select_n3A_525 : f32
          %select_n3A_546 = arith.select %or3A_539, %squeeze3A_534, %select_n3A_526 : f32
          %select_n3A_547 = arith.select %or3A_544, %squeeze3A_532, %select_n3A_528 : f32
          %select_n3A_548 = arith.select %or3A_539, %select_n3A_525, %select_n3A_547 : f32
          %select_n3A_549 = arith.select %or3A_544, %squeeze3A_534, %select_n3A_530 : f32
          %select_n3A_550 = arith.select %or3A_539, %select_n3A_526, %select_n3A_549 : f32
          %slice3A_551 = vector.extract_strided_slice %while3A_75#0 {offsets = [7], sizes = [1], strides = [1]} : vector<16xf32> to vector<1xf32>
          %squeeze3A_552 = vector.extract %slice3A_551[0] : f32 from vector<1xf32>
          %slice3A_553 = vector.extract_strided_slice %while3A_75#1 {offsets = [7], sizes = [1], strides = [1]} : vector<16xf32> to vector<1xf32>
          %squeeze3A_554 = vector.extract %slice3A_553[0] : f32 from vector<1xf32>
          %gt3A_555 = arith.cmpf ogt, %squeeze3A_552, %select_n3A_545 : f32
          %eq3A_556 = arith.cmpf oeq, %squeeze3A_552, %select_n3A_545 : f32
          %lt3A_557 = arith.cmpf olt, %squeeze3A_554, %select_n3A_546 : f32
          %and3A_558 = arith.andi %eq3A_556, %lt3A_557 : i1
          %or3A_559 = arith.ori %gt3A_555, %and3A_558 : i1
          %gt3A_560 = arith.cmpf ogt, %squeeze3A_552, %select_n3A_548 : f32
          %eq3A_561 = arith.cmpf oeq, %squeeze3A_552, %select_n3A_548 : f32
          %lt3A_562 = arith.cmpf olt, %squeeze3A_554, %select_n3A_550 : f32
          %and3A_563 = arith.andi %eq3A_561, %lt3A_562 : i1
          %or3A_564 = arith.ori %gt3A_560, %and3A_563 : i1
          %select_n3A_565 = arith.select %or3A_559, %squeeze3A_552, %select_n3A_545 : f32
          %select_n3A_566 = arith.select %or3A_559, %squeeze3A_554, %select_n3A_546 : f32
          %select_n3A_567 = arith.select %or3A_564, %squeeze3A_552, %select_n3A_548 : f32
          %select_n3A_568 = arith.select %or3A_559, %select_n3A_545, %select_n3A_567 : f32
          %select_n3A_569 = arith.select %or3A_564, %squeeze3A_554, %select_n3A_550 : f32
          %select_n3A_570 = arith.select %or3A_559, %select_n3A_546, %select_n3A_569 : f32
          %slice3A_571 = vector.extract_strided_slice %while3A_75#0 {offsets = [8], sizes = [1], strides = [1]} : vector<16xf32> to vector<1xf32>
          %squeeze3A_572 = vector.extract %slice3A_571[0] : f32 from vector<1xf32>
          %slice3A_573 = vector.extract_strided_slice %while3A_75#1 {offsets = [8], sizes = [1], strides = [1]} : vector<16xf32> to vector<1xf32>
          %squeeze3A_574 = vector.extract %slice3A_573[0] : f32 from vector<1xf32>
          %gt3A_575 = arith.cmpf ogt, %squeeze3A_572, %select_n3A_565 : f32
          %eq3A_576 = arith.cmpf oeq, %squeeze3A_572, %select_n3A_565 : f32
          %lt3A_577 = arith.cmpf olt, %squeeze3A_574, %select_n3A_566 : f32
          %and3A_578 = arith.andi %eq3A_576, %lt3A_577 : i1
          %or3A_579 = arith.ori %gt3A_575, %and3A_578 : i1
          %gt3A_580 = arith.cmpf ogt, %squeeze3A_572, %select_n3A_568 : f32
          %eq3A_581 = arith.cmpf oeq, %squeeze3A_572, %select_n3A_568 : f32
          %lt3A_582 = arith.cmpf olt, %squeeze3A_574, %select_n3A_570 : f32
          %and3A_583 = arith.andi %eq3A_581, %lt3A_582 : i1
          %or3A_584 = arith.ori %gt3A_580, %and3A_583 : i1
          %select_n3A_585 = arith.select %or3A_579, %squeeze3A_572, %select_n3A_565 : f32
          %select_n3A_586 = arith.select %or3A_579, %squeeze3A_574, %select_n3A_566 : f32
          %select_n3A_587 = arith.select %or3A_584, %squeeze3A_572, %select_n3A_568 : f32
          %select_n3A_588 = arith.select %or3A_579, %select_n3A_565, %select_n3A_587 : f32
          %select_n3A_589 = arith.select %or3A_584, %squeeze3A_574, %select_n3A_570 : f32
          %select_n3A_590 = arith.select %or3A_579, %select_n3A_566, %select_n3A_589 : f32
          %slice3A_591 = vector.extract_strided_slice %while3A_75#0 {offsets = [9], sizes = [1], strides = [1]} : vector<16xf32> to vector<1xf32>
          %squeeze3A_592 = vector.extract %slice3A_591[0] : f32 from vector<1xf32>
          %slice3A_593 = vector.extract_strided_slice %while3A_75#1 {offsets = [9], sizes = [1], strides = [1]} : vector<16xf32> to vector<1xf32>
          %squeeze3A_594 = vector.extract %slice3A_593[0] : f32 from vector<1xf32>
          %gt3A_595 = arith.cmpf ogt, %squeeze3A_592, %select_n3A_585 : f32
          %eq3A_596 = arith.cmpf oeq, %squeeze3A_592, %select_n3A_585 : f32
          %lt3A_597 = arith.cmpf olt, %squeeze3A_594, %select_n3A_586 : f32
          %and3A_598 = arith.andi %eq3A_596, %lt3A_597 : i1
          %or3A_599 = arith.ori %gt3A_595, %and3A_598 : i1
          %gt3A_600 = arith.cmpf ogt, %squeeze3A_592, %select_n3A_588 : f32
          %eq3A_601 = arith.cmpf oeq, %squeeze3A_592, %select_n3A_588 : f32
          %lt3A_602 = arith.cmpf olt, %squeeze3A_594, %select_n3A_590 : f32
          %and3A_603 = arith.andi %eq3A_601, %lt3A_602 : i1
          %or3A_604 = arith.ori %gt3A_600, %and3A_603 : i1
          %select_n3A_605 = arith.select %or3A_599, %squeeze3A_592, %select_n3A_585 : f32
          %select_n3A_606 = arith.select %or3A_599, %squeeze3A_594, %select_n3A_586 : f32
          %select_n3A_607 = arith.select %or3A_604, %squeeze3A_592, %select_n3A_588 : f32
          %select_n3A_608 = arith.select %or3A_599, %select_n3A_585, %select_n3A_607 : f32
          %select_n3A_609 = arith.select %or3A_604, %squeeze3A_594, %select_n3A_590 : f32
          %select_n3A_610 = arith.select %or3A_599, %select_n3A_586, %select_n3A_609 : f32
          %slice3A_611 = vector.extract_strided_slice %while3A_75#0 {offsets = [10], sizes = [1], strides = [1]} : vector<16xf32> to vector<1xf32>
          %squeeze3A_612 = vector.extract %slice3A_611[0] : f32 from vector<1xf32>
          %slice3A_613 = vector.extract_strided_slice %while3A_75#1 {offsets = [10], sizes = [1], strides = [1]} : vector<16xf32> to vector<1xf32>
          %squeeze3A_614 = vector.extract %slice3A_613[0] : f32 from vector<1xf32>
          %gt3A_615 = arith.cmpf ogt, %squeeze3A_612, %select_n3A_605 : f32
          %eq3A_616 = arith.cmpf oeq, %squeeze3A_612, %select_n3A_605 : f32
          %lt3A_617 = arith.cmpf olt, %squeeze3A_614, %select_n3A_606 : f32
          %and3A_618 = arith.andi %eq3A_616, %lt3A_617 : i1
          %or3A_619 = arith.ori %gt3A_615, %and3A_618 : i1
          %gt3A_620 = arith.cmpf ogt, %squeeze3A_612, %select_n3A_608 : f32
          %eq3A_621 = arith.cmpf oeq, %squeeze3A_612, %select_n3A_608 : f32
          %lt3A_622 = arith.cmpf olt, %squeeze3A_614, %select_n3A_610 : f32
          %and3A_623 = arith.andi %eq3A_621, %lt3A_622 : i1
          %or3A_624 = arith.ori %gt3A_620, %and3A_623 : i1
          %select_n3A_625 = arith.select %or3A_619, %squeeze3A_612, %select_n3A_605 : f32
          %select_n3A_626 = arith.select %or3A_619, %squeeze3A_614, %select_n3A_606 : f32
          %select_n3A_627 = arith.select %or3A_624, %squeeze3A_612, %select_n3A_608 : f32
          %select_n3A_628 = arith.select %or3A_619, %select_n3A_605, %select_n3A_627 : f32
          %select_n3A_629 = arith.select %or3A_624, %squeeze3A_614, %select_n3A_610 : f32
          %select_n3A_630 = arith.select %or3A_619, %select_n3A_606, %select_n3A_629 : f32
          %slice3A_631 = vector.extract_strided_slice %while3A_75#0 {offsets = [11], sizes = [1], strides = [1]} : vector<16xf32> to vector<1xf32>
          %squeeze3A_632 = vector.extract %slice3A_631[0] : f32 from vector<1xf32>
          %slice3A_633 = vector.extract_strided_slice %while3A_75#1 {offsets = [11], sizes = [1], strides = [1]} : vector<16xf32> to vector<1xf32>
          %squeeze3A_634 = vector.extract %slice3A_633[0] : f32 from vector<1xf32>
          %gt3A_635 = arith.cmpf ogt, %squeeze3A_632, %select_n3A_625 : f32
          %eq3A_636 = arith.cmpf oeq, %squeeze3A_632, %select_n3A_625 : f32
          %lt3A_637 = arith.cmpf olt, %squeeze3A_634, %select_n3A_626 : f32
          %and3A_638 = arith.andi %eq3A_636, %lt3A_637 : i1
          %or3A_639 = arith.ori %gt3A_635, %and3A_638 : i1
          %gt3A_640 = arith.cmpf ogt, %squeeze3A_632, %select_n3A_628 : f32
          %eq3A_641 = arith.cmpf oeq, %squeeze3A_632, %select_n3A_628 : f32
          %lt3A_642 = arith.cmpf olt, %squeeze3A_634, %select_n3A_630 : f32
          %and3A_643 = arith.andi %eq3A_641, %lt3A_642 : i1
          %or3A_644 = arith.ori %gt3A_640, %and3A_643 : i1
          %select_n3A_645 = arith.select %or3A_639, %squeeze3A_632, %select_n3A_625 : f32
          %select_n3A_646 = arith.select %or3A_639, %squeeze3A_634, %select_n3A_626 : f32
          %select_n3A_647 = arith.select %or3A_644, %squeeze3A_632, %select_n3A_628 : f32
          %select_n3A_648 = arith.select %or3A_639, %select_n3A_625, %select_n3A_647 : f32
          %select_n3A_649 = arith.select %or3A_644, %squeeze3A_634, %select_n3A_630 : f32
          %select_n3A_650 = arith.select %or3A_639, %select_n3A_626, %select_n3A_649 : f32
          %slice3A_651 = vector.extract_strided_slice %while3A_75#0 {offsets = [12], sizes = [1], strides = [1]} : vector<16xf32> to vector<1xf32>
          %squeeze3A_652 = vector.extract %slice3A_651[0] : f32 from vector<1xf32>
          %slice3A_653 = vector.extract_strided_slice %while3A_75#1 {offsets = [12], sizes = [1], strides = [1]} : vector<16xf32> to vector<1xf32>
          %squeeze3A_654 = vector.extract %slice3A_653[0] : f32 from vector<1xf32>
          %gt3A_655 = arith.cmpf ogt, %squeeze3A_652, %select_n3A_645 : f32
          %eq3A_656 = arith.cmpf oeq, %squeeze3A_652, %select_n3A_645 : f32
          %lt3A_657 = arith.cmpf olt, %squeeze3A_654, %select_n3A_646 : f32
          %and3A_658 = arith.andi %eq3A_656, %lt3A_657 : i1
          %or3A_659 = arith.ori %gt3A_655, %and3A_658 : i1
          %gt3A_660 = arith.cmpf ogt, %squeeze3A_652, %select_n3A_648 : f32
          %eq3A_661 = arith.cmpf oeq, %squeeze3A_652, %select_n3A_648 : f32
          %lt3A_662 = arith.cmpf olt, %squeeze3A_654, %select_n3A_650 : f32
          %and3A_663 = arith.andi %eq3A_661, %lt3A_662 : i1
          %or3A_664 = arith.ori %gt3A_660, %and3A_663 : i1
          %select_n3A_665 = arith.select %or3A_659, %squeeze3A_652, %select_n3A_645 : f32
          %select_n3A_666 = arith.select %or3A_659, %squeeze3A_654, %select_n3A_646 : f32
          %select_n3A_667 = arith.select %or3A_664, %squeeze3A_652, %select_n3A_648 : f32
          %select_n3A_668 = arith.select %or3A_659, %select_n3A_645, %select_n3A_667 : f32
          %select_n3A_669 = arith.select %or3A_664, %squeeze3A_654, %select_n3A_650 : f32
          %select_n3A_670 = arith.select %or3A_659, %select_n3A_646, %select_n3A_669 : f32
          %slice3A_671 = vector.extract_strided_slice %while3A_75#0 {offsets = [13], sizes = [1], strides = [1]} : vector<16xf32> to vector<1xf32>
          %squeeze3A_672 = vector.extract %slice3A_671[0] : f32 from vector<1xf32>
          %slice3A_673 = vector.extract_strided_slice %while3A_75#1 {offsets = [13], sizes = [1], strides = [1]} : vector<16xf32> to vector<1xf32>
          %squeeze3A_674 = vector.extract %slice3A_673[0] : f32 from vector<1xf32>
          %gt3A_675 = arith.cmpf ogt, %squeeze3A_672, %select_n3A_665 : f32
          %eq3A_676 = arith.cmpf oeq, %squeeze3A_672, %select_n3A_665 : f32
          %lt3A_677 = arith.cmpf olt, %squeeze3A_674, %select_n3A_666 : f32
          %and3A_678 = arith.andi %eq3A_676, %lt3A_677 : i1
          %or3A_679 = arith.ori %gt3A_675, %and3A_678 : i1
          %gt3A_680 = arith.cmpf ogt, %squeeze3A_672, %select_n3A_668 : f32
          %eq3A_681 = arith.cmpf oeq, %squeeze3A_672, %select_n3A_668 : f32
          %lt3A_682 = arith.cmpf olt, %squeeze3A_674, %select_n3A_670 : f32
          %and3A_683 = arith.andi %eq3A_681, %lt3A_682 : i1
          %or3A_684 = arith.ori %gt3A_680, %and3A_683 : i1
          %select_n3A_685 = arith.select %or3A_679, %squeeze3A_672, %select_n3A_665 : f32
          %select_n3A_686 = arith.select %or3A_679, %squeeze3A_674, %select_n3A_666 : f32
          %select_n3A_687 = arith.select %or3A_684, %squeeze3A_672, %select_n3A_668 : f32
          %select_n3A_688 = arith.select %or3A_679, %select_n3A_665, %select_n3A_687 : f32
          %select_n3A_689 = arith.select %or3A_684, %squeeze3A_674, %select_n3A_670 : f32
          %select_n3A_690 = arith.select %or3A_679, %select_n3A_666, %select_n3A_689 : f32
          %slice3A_691 = vector.extract_strided_slice %while3A_75#0 {offsets = [14], sizes = [1], strides = [1]} : vector<16xf32> to vector<1xf32>
          %squeeze3A_692 = vector.extract %slice3A_691[0] : f32 from vector<1xf32>
          %slice3A_693 = vector.extract_strided_slice %while3A_75#1 {offsets = [14], sizes = [1], strides = [1]} : vector<16xf32> to vector<1xf32>
          %squeeze3A_694 = vector.extract %slice3A_693[0] : f32 from vector<1xf32>
          %gt3A_695 = arith.cmpf ogt, %squeeze3A_692, %select_n3A_685 : f32
          %eq3A_696 = arith.cmpf oeq, %squeeze3A_692, %select_n3A_685 : f32
          %lt3A_697 = arith.cmpf olt, %squeeze3A_694, %select_n3A_686 : f32
          %and3A_698 = arith.andi %eq3A_696, %lt3A_697 : i1
          %or3A_699 = arith.ori %gt3A_695, %and3A_698 : i1
          %gt3A_700 = arith.cmpf ogt, %squeeze3A_692, %select_n3A_688 : f32
          %eq3A_701 = arith.cmpf oeq, %squeeze3A_692, %select_n3A_688 : f32
          %lt3A_702 = arith.cmpf olt, %squeeze3A_694, %select_n3A_690 : f32
          %and3A_703 = arith.andi %eq3A_701, %lt3A_702 : i1
          %or3A_704 = arith.ori %gt3A_700, %and3A_703 : i1
          %select_n3A_705 = arith.select %or3A_699, %squeeze3A_692, %select_n3A_685 : f32
          %select_n3A_706 = arith.select %or3A_699, %squeeze3A_694, %select_n3A_686 : f32
          %select_n3A_707 = arith.select %or3A_704, %squeeze3A_692, %select_n3A_688 : f32
          %select_n3A_708 = arith.select %or3A_699, %select_n3A_685, %select_n3A_707 : f32
          %select_n3A_709 = arith.select %or3A_704, %squeeze3A_694, %select_n3A_690 : f32
          %select_n3A_710 = arith.select %or3A_699, %select_n3A_686, %select_n3A_709 : f32
          %slice3A_711 = vector.extract_strided_slice %while3A_75#0 {offsets = [15], sizes = [1], strides = [1]} : vector<16xf32> to vector<1xf32>
          %squeeze3A_712 = vector.extract %slice3A_711[0] : f32 from vector<1xf32>
          %slice3A_713 = vector.extract_strided_slice %while3A_75#1 {offsets = [15], sizes = [1], strides = [1]} : vector<16xf32> to vector<1xf32>
          %squeeze3A_714 = vector.extract %slice3A_713[0] : f32 from vector<1xf32>
          %gt3A_715 = arith.cmpf ogt, %squeeze3A_712, %select_n3A_705 : f32
          %eq3A_716 = arith.cmpf oeq, %squeeze3A_712, %select_n3A_705 : f32
          %lt3A_717 = arith.cmpf olt, %squeeze3A_714, %select_n3A_706 : f32
          %and3A_718 = arith.andi %eq3A_716, %lt3A_717 : i1
          %or3A_719 = arith.ori %gt3A_715, %and3A_718 : i1
          %gt3A_720 = arith.cmpf ogt, %squeeze3A_712, %select_n3A_708 : f32
          %eq3A_721 = arith.cmpf oeq, %squeeze3A_712, %select_n3A_708 : f32
          %lt3A_722 = arith.cmpf olt, %squeeze3A_714, %select_n3A_710 : f32
          %and3A_723 = arith.andi %eq3A_721, %lt3A_722 : i1
          %or3A_724 = arith.ori %gt3A_720, %and3A_723 : i1
          %select_n3A_725 = arith.select %or3A_719, %squeeze3A_712, %select_n3A_705 : f32
          %select_n3A_726 = arith.select %or3A_719, %squeeze3A_714, %select_n3A_706 : f32
          %select_n3A_727 = arith.select %or3A_724, %squeeze3A_712, %select_n3A_708 : f32
          %select_n3A_728 = arith.select %or3A_719, %select_n3A_705, %select_n3A_727 : f32
          %select_n3A_729 = arith.select %or3A_724, %squeeze3A_714, %select_n3A_710 : f32
          %select_n3A_730 = arith.select %or3A_719, %select_n3A_706, %select_n3A_729 : f32
          %slice3A_731 = vector.extract_strided_slice %while3A_75#2 {offsets = [0], sizes = [1], strides = [1]} : vector<16xf32> to vector<1xf32>
          %squeeze3A_732 = vector.extract %slice3A_731[0] : f32 from vector<1xf32>
          %slice3A_733 = vector.extract_strided_slice %while3A_75#3 {offsets = [0], sizes = [1], strides = [1]} : vector<16xf32> to vector<1xf32>
          %squeeze3A_734 = vector.extract %slice3A_733[0] : f32 from vector<1xf32>
          %gt3A_735 = arith.cmpf ogt, %squeeze3A_732, %select_n3A_725 : f32
          %eq3A_736 = arith.cmpf oeq, %squeeze3A_732, %select_n3A_725 : f32
          %lt3A_737 = arith.cmpf olt, %squeeze3A_734, %select_n3A_726 : f32
          %and3A_738 = arith.andi %eq3A_736, %lt3A_737 : i1
          %or3A_739 = arith.ori %gt3A_735, %and3A_738 : i1
          %gt3A_740 = arith.cmpf ogt, %squeeze3A_732, %select_n3A_728 : f32
          %eq3A_741 = arith.cmpf oeq, %squeeze3A_732, %select_n3A_728 : f32
          %lt3A_742 = arith.cmpf olt, %squeeze3A_734, %select_n3A_730 : f32
          %and3A_743 = arith.andi %eq3A_741, %lt3A_742 : i1
          %or3A_744 = arith.ori %gt3A_740, %and3A_743 : i1
          %select_n3A_745 = arith.select %or3A_739, %squeeze3A_732, %select_n3A_725 : f32
          %select_n3A_746 = arith.select %or3A_739, %squeeze3A_734, %select_n3A_726 : f32
          %select_n3A_747 = arith.select %or3A_744, %squeeze3A_732, %select_n3A_728 : f32
          %select_n3A_748 = arith.select %or3A_739, %select_n3A_725, %select_n3A_747 : f32
          %select_n3A_749 = arith.select %or3A_744, %squeeze3A_734, %select_n3A_730 : f32
          %select_n3A_750 = arith.select %or3A_739, %select_n3A_726, %select_n3A_749 : f32
          %slice3A_751 = vector.extract_strided_slice %while3A_75#2 {offsets = [1], sizes = [1], strides = [1]} : vector<16xf32> to vector<1xf32>
          %squeeze3A_752 = vector.extract %slice3A_751[0] : f32 from vector<1xf32>
          %slice3A_753 = vector.extract_strided_slice %while3A_75#3 {offsets = [1], sizes = [1], strides = [1]} : vector<16xf32> to vector<1xf32>
          %squeeze3A_754 = vector.extract %slice3A_753[0] : f32 from vector<1xf32>
          %gt3A_755 = arith.cmpf ogt, %squeeze3A_752, %select_n3A_745 : f32
          %eq3A_756 = arith.cmpf oeq, %squeeze3A_752, %select_n3A_745 : f32
          %lt3A_757 = arith.cmpf olt, %squeeze3A_754, %select_n3A_746 : f32
          %and3A_758 = arith.andi %eq3A_756, %lt3A_757 : i1
          %or3A_759 = arith.ori %gt3A_755, %and3A_758 : i1
          %gt3A_760 = arith.cmpf ogt, %squeeze3A_752, %select_n3A_748 : f32
          %eq3A_761 = arith.cmpf oeq, %squeeze3A_752, %select_n3A_748 : f32
          %lt3A_762 = arith.cmpf olt, %squeeze3A_754, %select_n3A_750 : f32
          %and3A_763 = arith.andi %eq3A_761, %lt3A_762 : i1
          %or3A_764 = arith.ori %gt3A_760, %and3A_763 : i1
          %select_n3A_765 = arith.select %or3A_759, %squeeze3A_752, %select_n3A_745 : f32
          %select_n3A_766 = arith.select %or3A_759, %squeeze3A_754, %select_n3A_746 : f32
          %select_n3A_767 = arith.select %or3A_764, %squeeze3A_752, %select_n3A_748 : f32
          %select_n3A_768 = arith.select %or3A_759, %select_n3A_745, %select_n3A_767 : f32
          %select_n3A_769 = arith.select %or3A_764, %squeeze3A_754, %select_n3A_750 : f32
          %select_n3A_770 = arith.select %or3A_759, %select_n3A_746, %select_n3A_769 : f32
          %slice3A_771 = vector.extract_strided_slice %while3A_75#2 {offsets = [2], sizes = [1], strides = [1]} : vector<16xf32> to vector<1xf32>
          %squeeze3A_772 = vector.extract %slice3A_771[0] : f32 from vector<1xf32>
          %slice3A_773 = vector.extract_strided_slice %while3A_75#3 {offsets = [2], sizes = [1], strides = [1]} : vector<16xf32> to vector<1xf32>
          %squeeze3A_774 = vector.extract %slice3A_773[0] : f32 from vector<1xf32>
          %gt3A_775 = arith.cmpf ogt, %squeeze3A_772, %select_n3A_765 : f32
          %eq3A_776 = arith.cmpf oeq, %squeeze3A_772, %select_n3A_765 : f32
          %lt3A_777 = arith.cmpf olt, %squeeze3A_774, %select_n3A_766 : f32
          %and3A_778 = arith.andi %eq3A_776, %lt3A_777 : i1
          %or3A_779 = arith.ori %gt3A_775, %and3A_778 : i1
          %gt3A_780 = arith.cmpf ogt, %squeeze3A_772, %select_n3A_768 : f32
          %eq3A_781 = arith.cmpf oeq, %squeeze3A_772, %select_n3A_768 : f32
          %lt3A_782 = arith.cmpf olt, %squeeze3A_774, %select_n3A_770 : f32
          %and3A_783 = arith.andi %eq3A_781, %lt3A_782 : i1
          %or3A_784 = arith.ori %gt3A_780, %and3A_783 : i1
          %select_n3A_785 = arith.select %or3A_779, %squeeze3A_772, %select_n3A_765 : f32
          %select_n3A_786 = arith.select %or3A_779, %squeeze3A_774, %select_n3A_766 : f32
          %select_n3A_787 = arith.select %or3A_784, %squeeze3A_772, %select_n3A_768 : f32
          %select_n3A_788 = arith.select %or3A_779, %select_n3A_765, %select_n3A_787 : f32
          %select_n3A_789 = arith.select %or3A_784, %squeeze3A_774, %select_n3A_770 : f32
          %select_n3A_790 = arith.select %or3A_779, %select_n3A_766, %select_n3A_789 : f32
          %slice3A_791 = vector.extract_strided_slice %while3A_75#2 {offsets = [3], sizes = [1], strides = [1]} : vector<16xf32> to vector<1xf32>
          %squeeze3A_792 = vector.extract %slice3A_791[0] : f32 from vector<1xf32>
          %slice3A_793 = vector.extract_strided_slice %while3A_75#3 {offsets = [3], sizes = [1], strides = [1]} : vector<16xf32> to vector<1xf32>
          %squeeze3A_794 = vector.extract %slice3A_793[0] : f32 from vector<1xf32>
          %gt3A_795 = arith.cmpf ogt, %squeeze3A_792, %select_n3A_785 : f32
          %eq3A_796 = arith.cmpf oeq, %squeeze3A_792, %select_n3A_785 : f32
          %lt3A_797 = arith.cmpf olt, %squeeze3A_794, %select_n3A_786 : f32
          %and3A_798 = arith.andi %eq3A_796, %lt3A_797 : i1
          %or3A_799 = arith.ori %gt3A_795, %and3A_798 : i1
          %gt3A_800 = arith.cmpf ogt, %squeeze3A_792, %select_n3A_788 : f32
          %eq3A_801 = arith.cmpf oeq, %squeeze3A_792, %select_n3A_788 : f32
          %lt3A_802 = arith.cmpf olt, %squeeze3A_794, %select_n3A_790 : f32
          %and3A_803 = arith.andi %eq3A_801, %lt3A_802 : i1
          %or3A_804 = arith.ori %gt3A_800, %and3A_803 : i1
          %select_n3A_805 = arith.select %or3A_799, %squeeze3A_792, %select_n3A_785 : f32
          %select_n3A_806 = arith.select %or3A_799, %squeeze3A_794, %select_n3A_786 : f32
          %select_n3A_807 = arith.select %or3A_804, %squeeze3A_792, %select_n3A_788 : f32
          %select_n3A_808 = arith.select %or3A_799, %select_n3A_785, %select_n3A_807 : f32
          %select_n3A_809 = arith.select %or3A_804, %squeeze3A_794, %select_n3A_790 : f32
          %select_n3A_810 = arith.select %or3A_799, %select_n3A_786, %select_n3A_809 : f32
          %slice3A_811 = vector.extract_strided_slice %while3A_75#2 {offsets = [4], sizes = [1], strides = [1]} : vector<16xf32> to vector<1xf32>
          %squeeze3A_812 = vector.extract %slice3A_811[0] : f32 from vector<1xf32>
          %slice3A_813 = vector.extract_strided_slice %while3A_75#3 {offsets = [4], sizes = [1], strides = [1]} : vector<16xf32> to vector<1xf32>
          %squeeze3A_814 = vector.extract %slice3A_813[0] : f32 from vector<1xf32>
          %gt3A_815 = arith.cmpf ogt, %squeeze3A_812, %select_n3A_805 : f32
          %eq3A_816 = arith.cmpf oeq, %squeeze3A_812, %select_n3A_805 : f32
          %lt3A_817 = arith.cmpf olt, %squeeze3A_814, %select_n3A_806 : f32
          %and3A_818 = arith.andi %eq3A_816, %lt3A_817 : i1
          %or3A_819 = arith.ori %gt3A_815, %and3A_818 : i1
          %gt3A_820 = arith.cmpf ogt, %squeeze3A_812, %select_n3A_808 : f32
          %eq3A_821 = arith.cmpf oeq, %squeeze3A_812, %select_n3A_808 : f32
          %lt3A_822 = arith.cmpf olt, %squeeze3A_814, %select_n3A_810 : f32
          %and3A_823 = arith.andi %eq3A_821, %lt3A_822 : i1
          %or3A_824 = arith.ori %gt3A_820, %and3A_823 : i1
          %select_n3A_825 = arith.select %or3A_819, %squeeze3A_812, %select_n3A_805 : f32
          %select_n3A_826 = arith.select %or3A_819, %squeeze3A_814, %select_n3A_806 : f32
          %select_n3A_827 = arith.select %or3A_824, %squeeze3A_812, %select_n3A_808 : f32
          %select_n3A_828 = arith.select %or3A_819, %select_n3A_805, %select_n3A_827 : f32
          %select_n3A_829 = arith.select %or3A_824, %squeeze3A_814, %select_n3A_810 : f32
          %select_n3A_830 = arith.select %or3A_819, %select_n3A_806, %select_n3A_829 : f32
          %slice3A_831 = vector.extract_strided_slice %while3A_75#2 {offsets = [5], sizes = [1], strides = [1]} : vector<16xf32> to vector<1xf32>
          %squeeze3A_832 = vector.extract %slice3A_831[0] : f32 from vector<1xf32>
          %slice3A_833 = vector.extract_strided_slice %while3A_75#3 {offsets = [5], sizes = [1], strides = [1]} : vector<16xf32> to vector<1xf32>
          %squeeze3A_834 = vector.extract %slice3A_833[0] : f32 from vector<1xf32>
          %gt3A_835 = arith.cmpf ogt, %squeeze3A_832, %select_n3A_825 : f32
          %eq3A_836 = arith.cmpf oeq, %squeeze3A_832, %select_n3A_825 : f32
          %lt3A_837 = arith.cmpf olt, %squeeze3A_834, %select_n3A_826 : f32
          %and3A_838 = arith.andi %eq3A_836, %lt3A_837 : i1
          %or3A_839 = arith.ori %gt3A_835, %and3A_838 : i1
          %gt3A_840 = arith.cmpf ogt, %squeeze3A_832, %select_n3A_828 : f32
          %eq3A_841 = arith.cmpf oeq, %squeeze3A_832, %select_n3A_828 : f32
          %lt3A_842 = arith.cmpf olt, %squeeze3A_834, %select_n3A_830 : f32
          %and3A_843 = arith.andi %eq3A_841, %lt3A_842 : i1
          %or3A_844 = arith.ori %gt3A_840, %and3A_843 : i1
          %select_n3A_845 = arith.select %or3A_839, %squeeze3A_832, %select_n3A_825 : f32
          %select_n3A_846 = arith.select %or3A_839, %squeeze3A_834, %select_n3A_826 : f32
          %select_n3A_847 = arith.select %or3A_844, %squeeze3A_832, %select_n3A_828 : f32
          %select_n3A_848 = arith.select %or3A_839, %select_n3A_825, %select_n3A_847 : f32
          %select_n3A_849 = arith.select %or3A_844, %squeeze3A_834, %select_n3A_830 : f32
          %select_n3A_850 = arith.select %or3A_839, %select_n3A_826, %select_n3A_849 : f32
          %slice3A_851 = vector.extract_strided_slice %while3A_75#2 {offsets = [6], sizes = [1], strides = [1]} : vector<16xf32> to vector<1xf32>
          %squeeze3A_852 = vector.extract %slice3A_851[0] : f32 from vector<1xf32>
          %slice3A_853 = vector.extract_strided_slice %while3A_75#3 {offsets = [6], sizes = [1], strides = [1]} : vector<16xf32> to vector<1xf32>
          %squeeze3A_854 = vector.extract %slice3A_853[0] : f32 from vector<1xf32>
          %gt3A_855 = arith.cmpf ogt, %squeeze3A_852, %select_n3A_845 : f32
          %eq3A_856 = arith.cmpf oeq, %squeeze3A_852, %select_n3A_845 : f32
          %lt3A_857 = arith.cmpf olt, %squeeze3A_854, %select_n3A_846 : f32
          %and3A_858 = arith.andi %eq3A_856, %lt3A_857 : i1
          %or3A_859 = arith.ori %gt3A_855, %and3A_858 : i1
          %gt3A_860 = arith.cmpf ogt, %squeeze3A_852, %select_n3A_848 : f32
          %eq3A_861 = arith.cmpf oeq, %squeeze3A_852, %select_n3A_848 : f32
          %lt3A_862 = arith.cmpf olt, %squeeze3A_854, %select_n3A_850 : f32
          %and3A_863 = arith.andi %eq3A_861, %lt3A_862 : i1
          %or3A_864 = arith.ori %gt3A_860, %and3A_863 : i1
          %select_n3A_865 = arith.select %or3A_859, %squeeze3A_852, %select_n3A_845 : f32
          %select_n3A_866 = arith.select %or3A_859, %squeeze3A_854, %select_n3A_846 : f32
          %select_n3A_867 = arith.select %or3A_864, %squeeze3A_852, %select_n3A_848 : f32
          %select_n3A_868 = arith.select %or3A_859, %select_n3A_845, %select_n3A_867 : f32
          %select_n3A_869 = arith.select %or3A_864, %squeeze3A_854, %select_n3A_850 : f32
          %select_n3A_870 = arith.select %or3A_859, %select_n3A_846, %select_n3A_869 : f32
          %slice3A_871 = vector.extract_strided_slice %while3A_75#2 {offsets = [7], sizes = [1], strides = [1]} : vector<16xf32> to vector<1xf32>
          %squeeze3A_872 = vector.extract %slice3A_871[0] : f32 from vector<1xf32>
          %slice3A_873 = vector.extract_strided_slice %while3A_75#3 {offsets = [7], sizes = [1], strides = [1]} : vector<16xf32> to vector<1xf32>
          %squeeze3A_874 = vector.extract %slice3A_873[0] : f32 from vector<1xf32>
          %gt3A_875 = arith.cmpf ogt, %squeeze3A_872, %select_n3A_865 : f32
          %eq3A_876 = arith.cmpf oeq, %squeeze3A_872, %select_n3A_865 : f32
          %lt3A_877 = arith.cmpf olt, %squeeze3A_874, %select_n3A_866 : f32
          %and3A_878 = arith.andi %eq3A_876, %lt3A_877 : i1
          %or3A_879 = arith.ori %gt3A_875, %and3A_878 : i1
          %gt3A_880 = arith.cmpf ogt, %squeeze3A_872, %select_n3A_868 : f32
          %eq3A_881 = arith.cmpf oeq, %squeeze3A_872, %select_n3A_868 : f32
          %lt3A_882 = arith.cmpf olt, %squeeze3A_874, %select_n3A_870 : f32
          %and3A_883 = arith.andi %eq3A_881, %lt3A_882 : i1
          %or3A_884 = arith.ori %gt3A_880, %and3A_883 : i1
          %select_n3A_885 = arith.select %or3A_879, %squeeze3A_872, %select_n3A_865 : f32
          %select_n3A_886 = arith.select %or3A_879, %squeeze3A_874, %select_n3A_866 : f32
          %select_n3A_887 = arith.select %or3A_884, %squeeze3A_872, %select_n3A_868 : f32
          %select_n3A_888 = arith.select %or3A_879, %select_n3A_865, %select_n3A_887 : f32
          %select_n3A_889 = arith.select %or3A_884, %squeeze3A_874, %select_n3A_870 : f32
          %select_n3A_890 = arith.select %or3A_879, %select_n3A_866, %select_n3A_889 : f32
          %slice3A_891 = vector.extract_strided_slice %while3A_75#2 {offsets = [8], sizes = [1], strides = [1]} : vector<16xf32> to vector<1xf32>
          %squeeze3A_892 = vector.extract %slice3A_891[0] : f32 from vector<1xf32>
          %slice3A_893 = vector.extract_strided_slice %while3A_75#3 {offsets = [8], sizes = [1], strides = [1]} : vector<16xf32> to vector<1xf32>
          %squeeze3A_894 = vector.extract %slice3A_893[0] : f32 from vector<1xf32>
          %gt3A_895 = arith.cmpf ogt, %squeeze3A_892, %select_n3A_885 : f32
          %eq3A_896 = arith.cmpf oeq, %squeeze3A_892, %select_n3A_885 : f32
          %lt3A_897 = arith.cmpf olt, %squeeze3A_894, %select_n3A_886 : f32
          %and3A_898 = arith.andi %eq3A_896, %lt3A_897 : i1
          %or3A_899 = arith.ori %gt3A_895, %and3A_898 : i1
          %gt3A_900 = arith.cmpf ogt, %squeeze3A_892, %select_n3A_888 : f32
          %eq3A_901 = arith.cmpf oeq, %squeeze3A_892, %select_n3A_888 : f32
          %lt3A_902 = arith.cmpf olt, %squeeze3A_894, %select_n3A_890 : f32
          %and3A_903 = arith.andi %eq3A_901, %lt3A_902 : i1
          %or3A_904 = arith.ori %gt3A_900, %and3A_903 : i1
          %select_n3A_905 = arith.select %or3A_899, %squeeze3A_892, %select_n3A_885 : f32
          %select_n3A_906 = arith.select %or3A_899, %squeeze3A_894, %select_n3A_886 : f32
          %select_n3A_907 = arith.select %or3A_904, %squeeze3A_892, %select_n3A_888 : f32
          %select_n3A_908 = arith.select %or3A_899, %select_n3A_885, %select_n3A_907 : f32
          %select_n3A_909 = arith.select %or3A_904, %squeeze3A_894, %select_n3A_890 : f32
          %select_n3A_910 = arith.select %or3A_899, %select_n3A_886, %select_n3A_909 : f32
          %slice3A_911 = vector.extract_strided_slice %while3A_75#2 {offsets = [9], sizes = [1], strides = [1]} : vector<16xf32> to vector<1xf32>
          %squeeze3A_912 = vector.extract %slice3A_911[0] : f32 from vector<1xf32>
          %slice3A_913 = vector.extract_strided_slice %while3A_75#3 {offsets = [9], sizes = [1], strides = [1]} : vector<16xf32> to vector<1xf32>
          %squeeze3A_914 = vector.extract %slice3A_913[0] : f32 from vector<1xf32>
          %gt3A_915 = arith.cmpf ogt, %squeeze3A_912, %select_n3A_905 : f32
          %eq3A_916 = arith.cmpf oeq, %squeeze3A_912, %select_n3A_905 : f32
          %lt3A_917 = arith.cmpf olt, %squeeze3A_914, %select_n3A_906 : f32
          %and3A_918 = arith.andi %eq3A_916, %lt3A_917 : i1
          %or3A_919 = arith.ori %gt3A_915, %and3A_918 : i1
          %gt3A_920 = arith.cmpf ogt, %squeeze3A_912, %select_n3A_908 : f32
          %eq3A_921 = arith.cmpf oeq, %squeeze3A_912, %select_n3A_908 : f32
          %lt3A_922 = arith.cmpf olt, %squeeze3A_914, %select_n3A_910 : f32
          %and3A_923 = arith.andi %eq3A_921, %lt3A_922 : i1
          %or3A_924 = arith.ori %gt3A_920, %and3A_923 : i1
          %select_n3A_925 = arith.select %or3A_919, %squeeze3A_912, %select_n3A_905 : f32
          %select_n3A_926 = arith.select %or3A_919, %squeeze3A_914, %select_n3A_906 : f32
          %select_n3A_927 = arith.select %or3A_924, %squeeze3A_912, %select_n3A_908 : f32
          %select_n3A_928 = arith.select %or3A_919, %select_n3A_905, %select_n3A_927 : f32
          %select_n3A_929 = arith.select %or3A_924, %squeeze3A_914, %select_n3A_910 : f32
          %select_n3A_930 = arith.select %or3A_919, %select_n3A_906, %select_n3A_929 : f32
          %slice3A_931 = vector.extract_strided_slice %while3A_75#2 {offsets = [10], sizes = [1], strides = [1]} : vector<16xf32> to vector<1xf32>
          %squeeze3A_932 = vector.extract %slice3A_931[0] : f32 from vector<1xf32>
          %slice3A_933 = vector.extract_strided_slice %while3A_75#3 {offsets = [10], sizes = [1], strides = [1]} : vector<16xf32> to vector<1xf32>
          %squeeze3A_934 = vector.extract %slice3A_933[0] : f32 from vector<1xf32>
          %gt3A_935 = arith.cmpf ogt, %squeeze3A_932, %select_n3A_925 : f32
          %eq3A_936 = arith.cmpf oeq, %squeeze3A_932, %select_n3A_925 : f32
          %lt3A_937 = arith.cmpf olt, %squeeze3A_934, %select_n3A_926 : f32
          %and3A_938 = arith.andi %eq3A_936, %lt3A_937 : i1
          %or3A_939 = arith.ori %gt3A_935, %and3A_938 : i1
          %gt3A_940 = arith.cmpf ogt, %squeeze3A_932, %select_n3A_928 : f32
          %eq3A_941 = arith.cmpf oeq, %squeeze3A_932, %select_n3A_928 : f32
          %lt3A_942 = arith.cmpf olt, %squeeze3A_934, %select_n3A_930 : f32
          %and3A_943 = arith.andi %eq3A_941, %lt3A_942 : i1
          %or3A_944 = arith.ori %gt3A_940, %and3A_943 : i1
          %select_n3A_945 = arith.select %or3A_939, %squeeze3A_932, %select_n3A_925 : f32
          %select_n3A_946 = arith.select %or3A_939, %squeeze3A_934, %select_n3A_926 : f32
          %select_n3A_947 = arith.select %or3A_944, %squeeze3A_932, %select_n3A_928 : f32
          %select_n3A_948 = arith.select %or3A_939, %select_n3A_925, %select_n3A_947 : f32
          %select_n3A_949 = arith.select %or3A_944, %squeeze3A_934, %select_n3A_930 : f32
          %select_n3A_950 = arith.select %or3A_939, %select_n3A_926, %select_n3A_949 : f32
          %slice3A_951 = vector.extract_strided_slice %while3A_75#2 {offsets = [11], sizes = [1], strides = [1]} : vector<16xf32> to vector<1xf32>
          %squeeze3A_952 = vector.extract %slice3A_951[0] : f32 from vector<1xf32>
          %slice3A_953 = vector.extract_strided_slice %while3A_75#3 {offsets = [11], sizes = [1], strides = [1]} : vector<16xf32> to vector<1xf32>
          %squeeze3A_954 = vector.extract %slice3A_953[0] : f32 from vector<1xf32>
          %gt3A_955 = arith.cmpf ogt, %squeeze3A_952, %select_n3A_945 : f32
          %eq3A_956 = arith.cmpf oeq, %squeeze3A_952, %select_n3A_945 : f32
          %lt3A_957 = arith.cmpf olt, %squeeze3A_954, %select_n3A_946 : f32
          %and3A_958 = arith.andi %eq3A_956, %lt3A_957 : i1
          %or3A_959 = arith.ori %gt3A_955, %and3A_958 : i1
          %gt3A_960 = arith.cmpf ogt, %squeeze3A_952, %select_n3A_948 : f32
          %eq3A_961 = arith.cmpf oeq, %squeeze3A_952, %select_n3A_948 : f32
          %lt3A_962 = arith.cmpf olt, %squeeze3A_954, %select_n3A_950 : f32
          %and3A_963 = arith.andi %eq3A_961, %lt3A_962 : i1
          %or3A_964 = arith.ori %gt3A_960, %and3A_963 : i1
          %select_n3A_965 = arith.select %or3A_959, %squeeze3A_952, %select_n3A_945 : f32
          %select_n3A_966 = arith.select %or3A_959, %squeeze3A_954, %select_n3A_946 : f32
          %select_n3A_967 = arith.select %or3A_964, %squeeze3A_952, %select_n3A_948 : f32
          %select_n3A_968 = arith.select %or3A_959, %select_n3A_945, %select_n3A_967 : f32
          %select_n3A_969 = arith.select %or3A_964, %squeeze3A_954, %select_n3A_950 : f32
          %select_n3A_970 = arith.select %or3A_959, %select_n3A_946, %select_n3A_969 : f32
          %slice3A_971 = vector.extract_strided_slice %while3A_75#2 {offsets = [12], sizes = [1], strides = [1]} : vector<16xf32> to vector<1xf32>
          %squeeze3A_972 = vector.extract %slice3A_971[0] : f32 from vector<1xf32>
          %slice3A_973 = vector.extract_strided_slice %while3A_75#3 {offsets = [12], sizes = [1], strides = [1]} : vector<16xf32> to vector<1xf32>
          %squeeze3A_974 = vector.extract %slice3A_973[0] : f32 from vector<1xf32>
          %gt3A_975 = arith.cmpf ogt, %squeeze3A_972, %select_n3A_965 : f32
          %eq3A_976 = arith.cmpf oeq, %squeeze3A_972, %select_n3A_965 : f32
          %lt3A_977 = arith.cmpf olt, %squeeze3A_974, %select_n3A_966 : f32
          %and3A_978 = arith.andi %eq3A_976, %lt3A_977 : i1
          %or3A_979 = arith.ori %gt3A_975, %and3A_978 : i1
          %gt3A_980 = arith.cmpf ogt, %squeeze3A_972, %select_n3A_968 : f32
          %eq3A_981 = arith.cmpf oeq, %squeeze3A_972, %select_n3A_968 : f32
          %lt3A_982 = arith.cmpf olt, %squeeze3A_974, %select_n3A_970 : f32
          %and3A_983 = arith.andi %eq3A_981, %lt3A_982 : i1
          %or3A_984 = arith.ori %gt3A_980, %and3A_983 : i1
          %select_n3A_985 = arith.select %or3A_979, %squeeze3A_972, %select_n3A_965 : f32
          %select_n3A_986 = arith.select %or3A_979, %squeeze3A_974, %select_n3A_966 : f32
          %select_n3A_987 = arith.select %or3A_984, %squeeze3A_972, %select_n3A_968 : f32
          %select_n3A_988 = arith.select %or3A_979, %select_n3A_965, %select_n3A_987 : f32
          %select_n3A_989 = arith.select %or3A_984, %squeeze3A_974, %select_n3A_970 : f32
          %select_n3A_990 = arith.select %or3A_979, %select_n3A_966, %select_n3A_989 : f32
          %slice3A_991 = vector.extract_strided_slice %while3A_75#2 {offsets = [13], sizes = [1], strides = [1]} : vector<16xf32> to vector<1xf32>
          %squeeze3A_992 = vector.extract %slice3A_991[0] : f32 from vector<1xf32>
          %slice3A_993 = vector.extract_strided_slice %while3A_75#3 {offsets = [13], sizes = [1], strides = [1]} : vector<16xf32> to vector<1xf32>
          %squeeze3A_994 = vector.extract %slice3A_993[0] : f32 from vector<1xf32>
          %gt3A_995 = arith.cmpf ogt, %squeeze3A_992, %select_n3A_985 : f32
          %eq3A_996 = arith.cmpf oeq, %squeeze3A_992, %select_n3A_985 : f32
          %lt3A_997 = arith.cmpf olt, %squeeze3A_994, %select_n3A_986 : f32
          %and3A_998 = arith.andi %eq3A_996, %lt3A_997 : i1
          %or3A_999 = arith.ori %gt3A_995, %and3A_998 : i1
          %gt3A_1000 = arith.cmpf ogt, %squeeze3A_992, %select_n3A_988 : f32
          %eq3A_1001 = arith.cmpf oeq, %squeeze3A_992, %select_n3A_988 : f32
          %lt3A_1002 = arith.cmpf olt, %squeeze3A_994, %select_n3A_990 : f32
          %and3A_1003 = arith.andi %eq3A_1001, %lt3A_1002 : i1
          %or3A_1004 = arith.ori %gt3A_1000, %and3A_1003 : i1
          %select_n3A_1005 = arith.select %or3A_999, %squeeze3A_992, %select_n3A_985 : f32
          %select_n3A_1006 = arith.select %or3A_999, %squeeze3A_994, %select_n3A_986 : f32
          %select_n3A_1007 = arith.select %or3A_1004, %squeeze3A_992, %select_n3A_988 : f32
          %select_n3A_1008 = arith.select %or3A_999, %select_n3A_985, %select_n3A_1007 : f32
          %select_n3A_1009 = arith.select %or3A_1004, %squeeze3A_994, %select_n3A_990 : f32
          %select_n3A_1010 = arith.select %or3A_999, %select_n3A_986, %select_n3A_1009 : f32
          %slice3A_1011 = vector.extract_strided_slice %while3A_75#2 {offsets = [14], sizes = [1], strides = [1]} : vector<16xf32> to vector<1xf32>
          %squeeze3A_1012 = vector.extract %slice3A_1011[0] : f32 from vector<1xf32>
          %slice3A_1013 = vector.extract_strided_slice %while3A_75#3 {offsets = [14], sizes = [1], strides = [1]} : vector<16xf32> to vector<1xf32>
          %squeeze3A_1014 = vector.extract %slice3A_1013[0] : f32 from vector<1xf32>
          %gt3A_1015 = arith.cmpf ogt, %squeeze3A_1012, %select_n3A_1005 : f32
          %eq3A_1016 = arith.cmpf oeq, %squeeze3A_1012, %select_n3A_1005 : f32
          %lt3A_1017 = arith.cmpf olt, %squeeze3A_1014, %select_n3A_1006 : f32
          %and3A_1018 = arith.andi %eq3A_1016, %lt3A_1017 : i1
          %or3A_1019 = arith.ori %gt3A_1015, %and3A_1018 : i1
          %gt3A_1020 = arith.cmpf ogt, %squeeze3A_1012, %select_n3A_1008 : f32
          %eq3A_1021 = arith.cmpf oeq, %squeeze3A_1012, %select_n3A_1008 : f32
          %lt3A_1022 = arith.cmpf olt, %squeeze3A_1014, %select_n3A_1010 : f32
          %and3A_1023 = arith.andi %eq3A_1021, %lt3A_1022 : i1
          %or3A_1024 = arith.ori %gt3A_1020, %and3A_1023 : i1
          %select_n3A_1025 = arith.select %or3A_1019, %squeeze3A_1012, %select_n3A_1005 : f32
          %select_n3A_1026 = arith.select %or3A_1019, %squeeze3A_1014, %select_n3A_1006 : f32
          %select_n3A_1027 = arith.select %or3A_1024, %squeeze3A_1012, %select_n3A_1008 : f32
          %select_n3A_1028 = arith.select %or3A_1019, %select_n3A_1005, %select_n3A_1027 : f32
          %select_n3A_1029 = arith.select %or3A_1024, %squeeze3A_1014, %select_n3A_1010 : f32
          %select_n3A_1030 = arith.select %or3A_1019, %select_n3A_1006, %select_n3A_1029 : f32
          %slice3A_1031 = vector.extract_strided_slice %while3A_75#2 {offsets = [15], sizes = [1], strides = [1]} : vector<16xf32> to vector<1xf32>
          %squeeze3A_1032 = vector.extract %slice3A_1031[0] : f32 from vector<1xf32>
          %slice3A_1033 = vector.extract_strided_slice %while3A_75#3 {offsets = [15], sizes = [1], strides = [1]} : vector<16xf32> to vector<1xf32>
          %squeeze3A_1034 = vector.extract %slice3A_1033[0] : f32 from vector<1xf32>
          %gt3A_1035 = arith.cmpf ogt, %squeeze3A_1032, %select_n3A_1025 : f32
          %eq3A_1036 = arith.cmpf oeq, %squeeze3A_1032, %select_n3A_1025 : f32
          %lt3A_1037 = arith.cmpf olt, %squeeze3A_1034, %select_n3A_1026 : f32
          %and3A_1038 = arith.andi %eq3A_1036, %lt3A_1037 : i1
          %or3A_1039 = arith.ori %gt3A_1035, %and3A_1038 : i1
          %gt3A_1040 = arith.cmpf ogt, %squeeze3A_1032, %select_n3A_1028 : f32
          %eq3A_1041 = arith.cmpf oeq, %squeeze3A_1032, %select_n3A_1028 : f32
          %lt3A_1042 = arith.cmpf olt, %squeeze3A_1034, %select_n3A_1030 : f32
          %and3A_1043 = arith.andi %eq3A_1041, %lt3A_1042 : i1
          %or3A_1044 = arith.ori %gt3A_1040, %and3A_1043 : i1
          %select_n3A_1045 = arith.select %or3A_1039, %squeeze3A_1032, %select_n3A_1025 : f32
          %select_n3A_1046 = arith.select %or3A_1039, %squeeze3A_1034, %select_n3A_1026 : f32
          %select_n3A_1047 = arith.select %or3A_1044, %squeeze3A_1032, %select_n3A_1028 : f32
          %select_n3A_1048 = arith.select %or3A_1039, %select_n3A_1025, %select_n3A_1047 : f32
          %select_n3A_1049 = arith.select %or3A_1044, %squeeze3A_1034, %select_n3A_1030 : f32
          %select_n3A_1050 = arith.select %or3A_1039, %select_n3A_1026, %select_n3A_1049 : f32
          %convert_element_type3A_1051 = arith.fptosi %select_n3A_1046 : f32 to i32
          %sub3A_1052 = arith.subi %convert_element_type3A_1051, %mul3A_2 : i32
          %get3A_1053 = arith.index_cast %sub3A_1052 : i32 to index
          %get3A_1054 = tpu.vector_load %arg14[%get3A_1053] {strides = array<i32>} : memref<1296xf32, #tpu.memory_space<vmem>>, vector<16xf32>,
          %get3A_1055 = vector.shape_cast %get3A_1054 : vector<16xf32> to vector<16xf32>
          %slice3A_1056 = vector.extract_strided_slice %get3A_1055 {offsets = [0], sizes = [1], strides = [1]} : vector<16xf32> to vector<1xf32>
          %squeeze3A_1057 = vector.extract %slice3A_1056[0] : f32 from vector<1xf32>
          %get3A_1058 = arith.index_cast %sub3A_1052 : i32 to index
          %get3A_1059 = tpu.vector_load %arg15[%get3A_1058] {strides = array<i32>} : memref<1296xf32, #tpu.memory_space<vmem>>, vector<16xf32>,
          %get3A_1060 = vector.shape_cast %get3A_1059 : vector<16xf32> to vector<16xf32>
          %slice3A_1061 = vector.extract_strided_slice %get3A_1060 {offsets = [0], sizes = [1], strides = [1]} : vector<16xf32> to vector<1xf32>
          %squeeze3A_1062 = vector.extract %slice3A_1061[0] : f32 from vector<1xf32>
          %get3A_1063 = arith.index_cast %sub3A_1052 : i32 to index
          %get3A_1064 = tpu.vector_load %arg16[%get3A_1063] {strides = array<i32>} : memref<1296xf32, #tpu.memory_space<vmem>>, vector<16xf32>,
          %get3A_1065 = vector.shape_cast %get3A_1064 : vector<16xf32> to vector<16xf32>
          %slice3A_1066 = vector.extract_strided_slice %get3A_1065 {offsets = [0], sizes = [1], strides = [1]} : vector<16xf32> to vector<1xf32>
          %squeeze3A_1067 = vector.extract %slice3A_1066[0] : f32 from vector<1xf32>
          %get3A_1068 = arith.index_cast %sub3A_1052 : i32 to index
          %get3A_1069 = tpu.vector_load %arg17[%get3A_1068] {strides = array<i32>} : memref<1296xf32, #tpu.memory_space<vmem>>, vector<16xf32>,
          %get3A_1070 = vector.shape_cast %get3A_1069 : vector<16xf32> to vector<16xf32>
          %slice3A_1071 = vector.extract_strided_slice %get3A_1070 {offsets = [0], sizes = [1], strides = [1]} : vector<16xf32> to vector<1xf32>
          %squeeze3A_1072 = vector.extract %slice3A_1071[0] : f32 from vector<1xf32>
          %get3A_1073 = arith.index_cast %sub3A_1052 : i32 to index
          %get3A_1074 = tpu.vector_load %arg18[%get3A_1073] {strides = array<i32>} : memref<1296xf32, #tpu.memory_space<vmem>>, vector<16xf32>,
          %get3A_1075 = vector.shape_cast %get3A_1074 : vector<16xf32> to vector<16xf32>
          %slice3A_1076 = vector.extract_strided_slice %get3A_1075 {offsets = [0], sizes = [1], strides = [1]} : vector<16xf32> to vector<1xf32>
          %squeeze3A_1077 = vector.extract %slice3A_1076[0] : f32 from vector<1xf32>
          %get3A_1078 = arith.index_cast %sub3A_1052 : i32 to index
          %get3A_1079 = tpu.vector_load %arg20[%get3A_1078] {strides = array<i32>} : memref<1296xf32, #tpu.memory_space<vmem>>, vector<16xf32>,
          %get3A_1080 = vector.shape_cast %get3A_1079 : vector<16xf32> to vector<16xf32>
          %slice3A_1081 = vector.extract_strided_slice %get3A_1080 {offsets = [0], sizes = [1], strides = [1]} : vector<16xf32> to vector<1xf32>
          %squeeze3A_1082 = vector.extract %slice3A_1081[0] : f32 from vector<1xf32>
          %get3A_1083 = arith.index_cast %sub3A_1052 : i32 to index
          %get3A_1084 = tpu.vector_load %arg21[%get3A_1083] {strides = array<i32>} : memref<1296xf32, #tpu.memory_space<vmem>>, vector<16xf32>,
          %get3A_1085 = vector.shape_cast %get3A_1084 : vector<16xf32> to vector<16xf32>
          %slice3A_1086 = vector.extract_strided_slice %get3A_1085 {offsets = [0], sizes = [1], strides = [1]} : vector<16xf32> to vector<1xf32>
          %squeeze3A_1087 = vector.extract %slice3A_1086[0] : f32 from vector<1xf32>
          %get3A_1088 = arith.index_cast %sub3A_1052 : i32 to index
          %get3A_1089 = tpu.vector_load %arg22[%get3A_1088] {strides = array<i32>} : memref<1296xf32, #tpu.memory_space<vmem>>, vector<16xf32>,
          %get3A_1090 = vector.shape_cast %get3A_1089 : vector<16xf32> to vector<16xf32>
          %slice3A_1091 = vector.extract_strided_slice %get3A_1090 {offsets = [0], sizes = [1], strides = [1]} : vector<16xf32> to vector<1xf32>
          %squeeze3A_1092 = vector.extract %slice3A_1091[0] : f32 from vector<1xf32>
          %get3A_1093 = arith.index_cast %sub3A_1052 : i32 to index
          %get3A_1094 = tpu.vector_load %arg23[%get3A_1093] {strides = array<i32>} : memref<1296xf32, #tpu.memory_space<vmem>>, vector<16xf32>,
          %get3A_1095 = vector.shape_cast %get3A_1094 : vector<16xf32> to vector<16xf32>
          %slice3A_1096 = vector.extract_strided_slice %get3A_1095 {offsets = [0], sizes = [1], strides = [1]} : vector<16xf32> to vector<1xf32>
          %squeeze3A_1097 = vector.extract %slice3A_1096[0] : f32 from vector<1xf32>
          %eq3A_1098 = arith.constant 0 : i32
          %eq3A_1099 = vector.broadcast %eq3A_1098 : i32 to vector<16xi32>
          %eq3A_1100 = arith.cmpi eq, %iota3A, %eq3A_1099 : vector<16xi32>
          %broadcast_in_dim3A_1101 = vector.broadcast %select_n3A_1045 : f32 to vector<16xf32>
          %select_n3A_1102 = arith.select %eq3A_1100, %broadcast_in_dim3A_1101, %broadcast_in_dim3A_6 : vector<16xi1>, vector<16xf32>
          %eq3A_1103 = arith.constant 1 : i32
          %eq3A_1104 = vector.broadcast %eq3A_1103 : i32 to vector<16xi32>
          %eq3A_1105 = arith.cmpi eq, %iota3A, %eq3A_1104 : vector<16xi32>
          %broadcast_in_dim3A_1106 = vector.broadcast %select_n3A_1046 : f32 to vector<16xf32>
          %select_n3A_1107 = arith.select %eq3A_1105, %broadcast_in_dim3A_1106, %select_n3A_1102 : vector<16xi1>, vector<16xf32>
          %eq3A_1108 = arith.constant 2 : i32
          %eq3A_1109 = vector.broadcast %eq3A_1108 : i32 to vector<16xi32>
          %eq3A_1110 = arith.cmpi eq, %iota3A, %eq3A_1109 : vector<16xi32>
          %broadcast_in_dim3A_1111 = vector.broadcast %squeeze3A_1057 : f32 to vector<16xf32>
          %select_n3A_1112 = arith.select %eq3A_1110, %broadcast_in_dim3A_1111, %select_n3A_1107 : vector<16xi1>, vector<16xf32>
          %eq3A_1113 = arith.constant 3 : i32
          %eq3A_1114 = vector.broadcast %eq3A_1113 : i32 to vector<16xi32>
          %eq3A_1115 = arith.cmpi eq, %iota3A, %eq3A_1114 : vector<16xi32>
          %broadcast_in_dim3A_1116 = vector.broadcast %squeeze3A_1062 : f32 to vector<16xf32>
          %select_n3A_1117 = arith.select %eq3A_1115, %broadcast_in_dim3A_1116, %select_n3A_1112 : vector<16xi1>, vector<16xf32>
          %eq3A_1118 = arith.constant 4 : i32
          %eq3A_1119 = vector.broadcast %eq3A_1118 : i32 to vector<16xi32>
          %eq3A_1120 = arith.cmpi eq, %iota3A, %eq3A_1119 : vector<16xi32>
          %broadcast_in_dim3A_1121 = vector.broadcast %squeeze3A_1067 : f32 to vector<16xf32>
          %select_n3A_1122 = arith.select %eq3A_1120, %broadcast_in_dim3A_1121, %select_n3A_1117 : vector<16xi1>, vector<16xf32>
          %eq3A_1123 = arith.constant 5 : i32
          %eq3A_1124 = vector.broadcast %eq3A_1123 : i32 to vector<16xi32>
          %eq3A_1125 = arith.cmpi eq, %iota3A, %eq3A_1124 : vector<16xi32>
          %broadcast_in_dim3A_1126 = vector.broadcast %squeeze3A_1072 : f32 to vector<16xf32>
          %select_n3A_1127 = arith.select %eq3A_1125, %broadcast_in_dim3A_1126, %select_n3A_1122 : vector<16xi1>, vector<16xf32>
          %eq3A_1128 = arith.constant 6 : i32
          %eq3A_1129 = vector.broadcast %eq3A_1128 : i32 to vector<16xi32>
          %eq3A_1130 = arith.cmpi eq, %iota3A, %eq3A_1129 : vector<16xi32>
          %broadcast_in_dim3A_1131 = vector.broadcast %squeeze3A_1077 : f32 to vector<16xf32>
          %select_n3A_1132 = arith.select %eq3A_1130, %broadcast_in_dim3A_1131, %select_n3A_1127 : vector<16xi1>, vector<16xf32>
          %eq3A_1133 = arith.constant 7 : i32
          %eq3A_1134 = vector.broadcast %eq3A_1133 : i32 to vector<16xi32>
          %eq3A_1135 = arith.cmpi eq, %iota3A, %eq3A_1134 : vector<16xi32>
          %broadcast_in_dim3A_1136 = vector.broadcast %squeeze3A_1082 : f32 to vector<16xf32>
          %select_n3A_1137 = arith.select %eq3A_1135, %broadcast_in_dim3A_1136, %select_n3A_1132 : vector<16xi1>, vector<16xf32>
          %eq3A_1138 = arith.constant 8 : i32
          %eq3A_1139 = vector.broadcast %eq3A_1138 : i32 to vector<16xi32>
          %eq3A_1140 = arith.cmpi eq, %iota3A, %eq3A_1139 : vector<16xi32>
          %broadcast_in_dim3A_1141 = vector.broadcast %squeeze3A_1087 : f32 to vector<16xf32>
          %select_n3A_1142 = arith.select %eq3A_1140, %broadcast_in_dim3A_1141, %select_n3A_1137 : vector<16xi1>, vector<16xf32>
          %eq3A_1143 = arith.constant 9 : i32
          %eq3A_1144 = vector.broadcast %eq3A_1143 : i32 to vector<16xi32>
          %eq3A_1145 = arith.cmpi eq, %iota3A, %eq3A_1144 : vector<16xi32>
          %broadcast_in_dim3A_1146 = vector.broadcast %squeeze3A_1092 : f32 to vector<16xf32>
          %select_n3A_1147 = arith.select %eq3A_1145, %broadcast_in_dim3A_1146, %select_n3A_1142 : vector<16xi1>, vector<16xf32>
          %eq3A_1148 = arith.constant 10 : i32
          %eq3A_1149 = vector.broadcast %eq3A_1148 : i32 to vector<16xi32>
          %eq3A_1150 = arith.cmpi eq, %iota3A, %eq3A_1149 : vector<16xi32>
          %broadcast_in_dim3A_1151 = vector.broadcast %squeeze3A_1097 : f32 to vector<16xf32>
          %select_n3A_1152 = arith.select %eq3A_1150, %broadcast_in_dim3A_1151, %select_n3A_1147 : vector<16xi1>, vector<16xf32>
          %swap3A_1153 = arith.constant 0 : index
          %swap3A_1154 = tpu.vector_load %arg24[%swap3A_1153] {strides = array<i32>} : memref<16xf32, #tpu.memory_space<vmem>>, vector<16xf32>,
          %swap3A_1155 = vector.shape_cast %swap3A_1154 : vector<16xf32> to vector<16xf32>
          %swap3A_1156 = vector.shape_cast %select_n3A_1152 : vector<16xf32> to vector<16xf32>
          tpu.vector_store %arg24[%swap3A_1153], %swap3A_1156 {strides = array<i32>} : memref<16xf32, #tpu.memory_space<vmem>>, vector<16xf32>,
          %convert_element_type3A_1157 = arith.fptosi %select_n3A_1050 : f32 to i32
          %sub3A_1158 = arith.subi %convert_element_type3A_1157, %mul3A_2 : i32
          %get3A_1159 = arith.index_cast %sub3A_1158 : i32 to index
          %get3A_1160 = tpu.vector_load %arg14[%get3A_1159] {strides = array<i32>} : memref<1296xf32, #tpu.memory_space<vmem>>, vector<16xf32>,
          %get3A_1161 = vector.shape_cast %get3A_1160 : vector<16xf32> to vector<16xf32>
          %slice3A_1162 = vector.extract_strided_slice %get3A_1161 {offsets = [0], sizes = [1], strides = [1]} : vector<16xf32> to vector<1xf32>
          %squeeze3A_1163 = vector.extract %slice3A_1162[0] : f32 from vector<1xf32>
          %get3A_1164 = arith.index_cast %sub3A_1158 : i32 to index
          %get3A_1165 = tpu.vector_load %arg15[%get3A_1164] {strides = array<i32>} : memref<1296xf32, #tpu.memory_space<vmem>>, vector<16xf32>,
          %get3A_1166 = vector.shape_cast %get3A_1165 : vector<16xf32> to vector<16xf32>
          %slice3A_1167 = vector.extract_strided_slice %get3A_1166 {offsets = [0], sizes = [1], strides = [1]} : vector<16xf32> to vector<1xf32>
          %squeeze3A_1168 = vector.extract %slice3A_1167[0] : f32 from vector<1xf32>
          %get3A_1169 = arith.index_cast %sub3A_1158 : i32 to index
          %get3A_1170 = tpu.vector_load %arg16[%get3A_1169] {strides = array<i32>} : memref<1296xf32, #tpu.memory_space<vmem>>, vector<16xf32>,
          %get3A_1171 = vector.shape_cast %get3A_1170 : vector<16xf32> to vector<16xf32>
          %slice3A_1172 = vector.extract_strided_slice %get3A_1171 {offsets = [0], sizes = [1], strides = [1]} : vector<16xf32> to vector<1xf32>
          %squeeze3A_1173 = vector.extract %slice3A_1172[0] : f32 from vector<1xf32>
          %get3A_1174 = arith.index_cast %sub3A_1158 : i32 to index
          %get3A_1175 = tpu.vector_load %arg17[%get3A_1174] {strides = array<i32>} : memref<1296xf32, #tpu.memory_space<vmem>>, vector<16xf32>,
          %get3A_1176 = vector.shape_cast %get3A_1175 : vector<16xf32> to vector<16xf32>
          %slice3A_1177 = vector.extract_strided_slice %get3A_1176 {offsets = [0], sizes = [1], strides = [1]} : vector<16xf32> to vector<1xf32>
          %squeeze3A_1178 = vector.extract %slice3A_1177[0] : f32 from vector<1xf32>
          %get3A_1179 = arith.index_cast %sub3A_1158 : i32 to index
          %get3A_1180 = tpu.vector_load %arg18[%get3A_1179] {strides = array<i32>} : memref<1296xf32, #tpu.memory_space<vmem>>, vector<16xf32>,
          %get3A_1181 = vector.shape_cast %get3A_1180 : vector<16xf32> to vector<16xf32>
          %slice3A_1182 = vector.extract_strided_slice %get3A_1181 {offsets = [0], sizes = [1], strides = [1]} : vector<16xf32> to vector<1xf32>
          %squeeze3A_1183 = vector.extract %slice3A_1182[0] : f32 from vector<1xf32>
          %get3A_1184 = arith.index_cast %sub3A_1158 : i32 to index
          %get3A_1185 = tpu.vector_load %arg20[%get3A_1184] {strides = array<i32>} : memref<1296xf32, #tpu.memory_space<vmem>>, vector<16xf32>,
          %get3A_1186 = vector.shape_cast %get3A_1185 : vector<16xf32> to vector<16xf32>
          %slice3A_1187 = vector.extract_strided_slice %get3A_1186 {offsets = [0], sizes = [1], strides = [1]} : vector<16xf32> to vector<1xf32>
          %squeeze3A_1188 = vector.extract %slice3A_1187[0] : f32 from vector<1xf32>
          %get3A_1189 = arith.index_cast %sub3A_1158 : i32 to index
          %get3A_1190 = tpu.vector_load %arg21[%get3A_1189] {strides = array<i32>} : memref<1296xf32, #tpu.memory_space<vmem>>, vector<16xf32>,
          %get3A_1191 = vector.shape_cast %get3A_1190 : vector<16xf32> to vector<16xf32>
          %slice3A_1192 = vector.extract_strided_slice %get3A_1191 {offsets = [0], sizes = [1], strides = [1]} : vector<16xf32> to vector<1xf32>
          %squeeze3A_1193 = vector.extract %slice3A_1192[0] : f32 from vector<1xf32>
          %get3A_1194 = arith.index_cast %sub3A_1158 : i32 to index
          %get3A_1195 = tpu.vector_load %arg22[%get3A_1194] {strides = array<i32>} : memref<1296xf32, #tpu.memory_space<vmem>>, vector<16xf32>,
          %get3A_1196 = vector.shape_cast %get3A_1195 : vector<16xf32> to vector<16xf32>
          %slice3A_1197 = vector.extract_strided_slice %get3A_1196 {offsets = [0], sizes = [1], strides = [1]} : vector<16xf32> to vector<1xf32>
          %squeeze3A_1198 = vector.extract %slice3A_1197[0] : f32 from vector<1xf32>
          %get3A_1199 = arith.index_cast %sub3A_1158 : i32 to index
          %get3A_1200 = tpu.vector_load %arg23[%get3A_1199] {strides = array<i32>} : memref<1296xf32, #tpu.memory_space<vmem>>, vector<16xf32>,
          %get3A_1201 = vector.shape_cast %get3A_1200 : vector<16xf32> to vector<16xf32>
          %slice3A_1202 = vector.extract_strided_slice %get3A_1201 {offsets = [0], sizes = [1], strides = [1]} : vector<16xf32> to vector<1xf32>
          %squeeze3A_1203 = vector.extract %slice3A_1202[0] : f32 from vector<1xf32>
          %eq3A_1204 = arith.constant 0 : i32
          %eq3A_1205 = vector.broadcast %eq3A_1204 : i32 to vector<16xi32>
          %eq3A_1206 = arith.cmpi eq, %iota3A, %eq3A_1205 : vector<16xi32>
          %broadcast_in_dim3A_1207 = vector.broadcast %select_n3A_1048 : f32 to vector<16xf32>
          %select_n3A_1208 = arith.select %eq3A_1206, %broadcast_in_dim3A_1207, %broadcast_in_dim3A_6 : vector<16xi1>, vector<16xf32>
          %eq3A_1209 = arith.constant 1 : i32
          %eq3A_1210 = vector.broadcast %eq3A_1209 : i32 to vector<16xi32>
          %eq3A_1211 = arith.cmpi eq, %iota3A, %eq3A_1210 : vector<16xi32>
          %broadcast_in_dim3A_1212 = vector.broadcast %select_n3A_1050 : f32 to vector<16xf32>
          %select_n3A_1213 = arith.select %eq3A_1211, %broadcast_in_dim3A_1212, %select_n3A_1208 : vector<16xi1>, vector<16xf32>
          %eq3A_1214 = arith.constant 2 : i32
          %eq3A_1215 = vector.broadcast %eq3A_1214 : i32 to vector<16xi32>
          %eq3A_1216 = arith.cmpi eq, %iota3A, %eq3A_1215 : vector<16xi32>
          %broadcast_in_dim3A_1217 = vector.broadcast %squeeze3A_1163 : f32 to vector<16xf32>
          %select_n3A_1218 = arith.select %eq3A_1216, %broadcast_in_dim3A_1217, %select_n3A_1213 : vector<16xi1>, vector<16xf32>
          %eq3A_1219 = arith.constant 3 : i32
          %eq3A_1220 = vector.broadcast %eq3A_1219 : i32 to vector<16xi32>
          %eq3A_1221 = arith.cmpi eq, %iota3A, %eq3A_1220 : vector<16xi32>
          %broadcast_in_dim3A_1222 = vector.broadcast %squeeze3A_1168 : f32 to vector<16xf32>
          %select_n3A_1223 = arith.select %eq3A_1221, %broadcast_in_dim3A_1222, %select_n3A_1218 : vector<16xi1>, vector<16xf32>
          %eq3A_1224 = arith.constant 4 : i32
          %eq3A_1225 = vector.broadcast %eq3A_1224 : i32 to vector<16xi32>
          %eq3A_1226 = arith.cmpi eq, %iota3A, %eq3A_1225 : vector<16xi32>
          %broadcast_in_dim3A_1227 = vector.broadcast %squeeze3A_1173 : f32 to vector<16xf32>
          %select_n3A_1228 = arith.select %eq3A_1226, %broadcast_in_dim3A_1227, %select_n3A_1223 : vector<16xi1>, vector<16xf32>
          %eq3A_1229 = arith.constant 5 : i32
          %eq3A_1230 = vector.broadcast %eq3A_1229 : i32 to vector<16xi32>
          %eq3A_1231 = arith.cmpi eq, %iota3A, %eq3A_1230 : vector<16xi32>
          %broadcast_in_dim3A_1232 = vector.broadcast %squeeze3A_1178 : f32 to vector<16xf32>
          %select_n3A_1233 = arith.select %eq3A_1231, %broadcast_in_dim3A_1232, %select_n3A_1228 : vector<16xi1>, vector<16xf32>
          %eq3A_1234 = arith.constant 6 : i32
          %eq3A_1235 = vector.broadcast %eq3A_1234 : i32 to vector<16xi32>
          %eq3A_1236 = arith.cmpi eq, %iota3A, %eq3A_1235 : vector<16xi32>
          %broadcast_in_dim3A_1237 = vector.broadcast %squeeze3A_1183 : f32 to vector<16xf32>
          %select_n3A_1238 = arith.select %eq3A_1236, %broadcast_in_dim3A_1237, %select_n3A_1233 : vector<16xi1>, vector<16xf32>
          %eq3A_1239 = arith.constant 7 : i32
          %eq3A_1240 = vector.broadcast %eq3A_1239 : i32 to vector<16xi32>
          %eq3A_1241 = arith.cmpi eq, %iota3A, %eq3A_1240 : vector<16xi32>
          %broadcast_in_dim3A_1242 = vector.broadcast %squeeze3A_1188 : f32 to vector<16xf32>
          %select_n3A_1243 = arith.select %eq3A_1241, %broadcast_in_dim3A_1242, %select_n3A_1238 : vector<16xi1>, vector<16xf32>
          %eq3A_1244 = arith.constant 8 : i32
          %eq3A_1245 = vector.broadcast %eq3A_1244 : i32 to vector<16xi32>
          %eq3A_1246 = arith.cmpi eq, %iota3A, %eq3A_1245 : vector<16xi32>
          %broadcast_in_dim3A_1247 = vector.broadcast %squeeze3A_1193 : f32 to vector<16xf32>
          %select_n3A_1248 = arith.select %eq3A_1246, %broadcast_in_dim3A_1247, %select_n3A_1243 : vector<16xi1>, vector<16xf32>
          %eq3A_1249 = arith.constant 9 : i32
          %eq3A_1250 = vector.broadcast %eq3A_1249 : i32 to vector<16xi32>
          %eq3A_1251 = arith.cmpi eq, %iota3A, %eq3A_1250 : vector<16xi32>
          %broadcast_in_dim3A_1252 = vector.broadcast %squeeze3A_1198 : f32 to vector<16xf32>
          %select_n3A_1253 = arith.select %eq3A_1251, %broadcast_in_dim3A_1252, %select_n3A_1248 : vector<16xi1>, vector<16xf32>
          %eq3A_1254 = arith.constant 10 : i32
          %eq3A_1255 = vector.broadcast %eq3A_1254 : i32 to vector<16xi32>
          %eq3A_1256 = arith.cmpi eq, %iota3A, %eq3A_1255 : vector<16xi32>
          %broadcast_in_dim3A_1257 = vector.broadcast %squeeze3A_1203 : f32 to vector<16xf32>
          %select_n3A_1258 = arith.select %eq3A_1256, %broadcast_in_dim3A_1257, %select_n3A_1253 : vector<16xi1>, vector<16xf32>
          %swap3A_1259 = arith.constant 0 : index
          %swap3A_1260 = tpu.vector_load %arg25[%swap3A_1259] {strides = array<i32>} : memref<16xf32, #tpu.memory_space<vmem>>, vector<16xf32>,
          %swap3A_1261 = vector.shape_cast %swap3A_1260 : vector<16xf32> to vector<16xf32>
          %swap3A_1262 = vector.shape_cast %select_n3A_1258 : vector<16xf32> to vector<16xf32>
          tpu.vector_store %arg25[%swap3A_1259], %swap3A_1262 {strides = array<i32>} : memref<16xf32, #tpu.memory_space<vmem>>, vector<16xf32>,
          %add3A_1263 = arith.constant 0 : i32
          %add3A_1264 = arith.addi %add3A_1263, %arg1 : i32
          %dma_start3A = arith.constant 0 : i32
          %dma_start3A_1265 = tpu.memref_slice %arg13[%add3A_1264, %dma_start3A] : memref<64x16xf32, #tpu.memory_space<hbm>> -> memref<1x16xf32, #tpu.memory_space<hbm>>
          %dma_start3A_1266 = tpu.memref_squeeze %dma_start3A_1265 : memref<1x16xf32, #tpu.memory_space<hbm>> -> memref<16xf32, #tpu.memory_space<hbm>>
          %dma_start3A_1267 = arith.constant 0 : i32
          %dma_start3A_1268 = tpu.memref_slice %arg13[%add3A_1264, %dma_start3A_1267] : memref<64x16xf32, #tpu.memory_space<hbm>> -> memref<1x16xf32, #tpu.memory_space<hbm>>
          %dma_start3A_1269 = tpu.memref_squeeze %dma_start3A_1268 : memref<1x16xf32, #tpu.memory_space<hbm>> -> memref<16xf32, #tpu.memory_space<hbm>>
          tpu.enqueue_dma source(%arg24 : memref<16xf32, #tpu.memory_space<vmem>>) target(%dma_start3A_1269 : memref<16xf32, #tpu.memory_space<hbm>>) target_semaphore(%arg28 : memref<!tpu.dma_semaphore, #tpu.memory_space<semaphore_mem>>)
          %add3A_1270 = arith.constant 16 : i32
          %add3A_1271 = arith.addi %add3A_1270, %arg1 : i32
          %dma_start3A_1272 = arith.constant 0 : i32
          %dma_start3A_1273 = tpu.memref_slice %arg13[%add3A_1271, %dma_start3A_1272] : memref<64x16xf32, #tpu.memory_space<hbm>> -> memref<1x16xf32, #tpu.memory_space<hbm>>
          %dma_start3A_1274 = tpu.memref_squeeze %dma_start3A_1273 : memref<1x16xf32, #tpu.memory_space<hbm>> -> memref<16xf32, #tpu.memory_space<hbm>>
          %dma_start3A_1275 = arith.constant 0 : i32
          %dma_start3A_1276 = tpu.memref_slice %arg13[%add3A_1271, %dma_start3A_1275] : memref<64x16xf32, #tpu.memory_space<hbm>> -> memref<1x16xf32, #tpu.memory_space<hbm>>
          %dma_start3A_1277 = tpu.memref_squeeze %dma_start3A_1276 : memref<1x16xf32, #tpu.memory_space<hbm>> -> memref<16xf32, #tpu.memory_space<hbm>>
          tpu.enqueue_dma source(%arg25 : memref<16xf32, #tpu.memory_space<vmem>>) target(%dma_start3A_1277 : memref<16xf32, #tpu.memory_space<hbm>>) target_semaphore(%arg29 : memref<!tpu.dma_semaphore, #tpu.memory_space<semaphore_mem>>)
          %dma_wait3A = arith.constant 0 : i32
          %dma_wait3A_1278 = tpu.memref_slice %arg13[%add3A_1264, %dma_wait3A] : memref<64x16xf32, #tpu.memory_space<hbm>> -> memref<1x16xf32, #tpu.memory_space<hbm>>
          %dma_wait3A_1279 = tpu.memref_squeeze %dma_wait3A_1278 : memref<1x16xf32, #tpu.memory_space<hbm>> -> memref<16xf32, #tpu.memory_space<hbm>>
          %dma_wait3A_1280 = arith.constant 0 : i32
          %dma_wait3A_1281 = tpu.memref_slice %arg13[%add3A_1264, %dma_wait3A_1280] : memref<64x16xf32, #tpu.memory_space<hbm>> -> memref<1x16xf32, #tpu.memory_space<hbm>>
          %dma_wait3A_1282 = tpu.memref_squeeze %dma_wait3A_1281 : memref<1x16xf32, #tpu.memory_space<hbm>> -> memref<16xf32, #tpu.memory_space<hbm>>
          tpu.wait_dma2 semaphore(%arg28 : memref<!tpu.dma_semaphore, #tpu.memory_space<semaphore_mem>>) src(%arg24 : memref<16xf32, #tpu.memory_space<vmem>>) dst(%dma_wait3A_1282 : memref<16xf32, #tpu.memory_space<hbm>>)
          %dma_wait3A_1283 = arith.constant 0 : i32
          %dma_wait3A_1284 = tpu.memref_slice %arg13[%add3A_1271, %dma_wait3A_1283] : memref<64x16xf32, #tpu.memory_space<hbm>> -> memref<1x16xf32, #tpu.memory_space<hbm>>
          %dma_wait3A_1285 = tpu.memref_squeeze %dma_wait3A_1284 : memref<1x16xf32, #tpu.memory_space<hbm>> -> memref<16xf32, #tpu.memory_space<hbm>>
          %dma_wait3A_1286 = arith.constant 0 : i32
          %dma_wait3A_1287 = tpu.memref_slice %arg13[%add3A_1271, %dma_wait3A_1286] : memref<64x16xf32, #tpu.memory_space<hbm>> -> memref<1x16xf32, #tpu.memory_space<hbm>>
          %dma_wait3A_1288 = tpu.memref_squeeze %dma_wait3A_1287 : memref<1x16xf32, #tpu.memory_space<hbm>> -> memref<16xf32, #tpu.memory_space<hbm>>
          tpu.wait_dma2 semaphore(%arg29 : memref<!tpu.dma_semaphore, #tpu.memory_space<semaphore_mem>>) src(%arg25 : memref<16xf32, #tpu.memory_space<vmem>>) dst(%dma_wait3A_1288 : memref<16xf32, #tpu.memory_space<hbm>>)
          %barrier3A = arith.constant 0 : index
          tpu.barrier barrier_id(%barrier3A)
          "tpu.region"() ({
            %run_scoped3A = tpu.sem_alloc : memref<!tpu.dma_semaphore, #tpu.memory_space<semaphore_mem>>
            %dma_start3A_1289 = arith.constant 0 : i32
            %dma_start3A_1290 = arith.constant 0 : i32
            %dma_start3A_1291 = tpu.memref_slice %arg13[%dma_start3A_1289, %dma_start3A_1290] : memref<64x16xf32, #tpu.memory_space<hbm>> -> memref<32x16xf32, #tpu.memory_space<hbm>>
            %dma_start3A_1292 = arith.constant 0 : i32
            %dma_start3A_1293 = arith.constant 0 : i32
            %dma_start3A_1294 = tpu.memref_slice %arg13[%dma_start3A_1292, %dma_start3A_1293] : memref<64x16xf32, #tpu.memory_space<hbm>> -> memref<32x16xf32, #tpu.memory_space<hbm>>
            tpu.enqueue_dma source(%dma_start3A_1294 : memref<32x16xf32, #tpu.memory_space<hbm>>) target(%arg26 : memref<32x16xf32, #tpu.memory_space<vmem>>) target_semaphore(%run_scoped3A : memref<!tpu.dma_semaphore, #tpu.memory_space<semaphore_mem>>)
            %dma_wait3A_1295 = arith.constant 0 : i32
            %dma_wait3A_1296 = arith.constant 0 : i32
            %dma_wait3A_1297 = tpu.memref_slice %arg13[%dma_wait3A_1295, %dma_wait3A_1296] : memref<64x16xf32, #tpu.memory_space<hbm>> -> memref<32x16xf32, #tpu.memory_space<hbm>>
            %dma_wait3A_1298 = arith.constant 0 : i32
            %dma_wait3A_1299 = arith.constant 0 : i32
            %dma_wait3A_1300 = tpu.memref_slice %arg13[%dma_wait3A_1298, %dma_wait3A_1299] : memref<64x16xf32, #tpu.memory_space<hbm>> -> memref<32x16xf32, #tpu.memory_space<hbm>>
            tpu.wait_dma2 semaphore(%run_scoped3A : memref<!tpu.dma_semaphore, #tpu.memory_space<semaphore_mem>>) src(%dma_wait3A_1300 : memref<32x16xf32, #tpu.memory_space<hbm>>) dst(%arg26 : memref<32x16xf32, #tpu.memory_space<vmem>>)
            tpu.yield
          }) : () -> ()
        } else {
        }
        %jit3A_79 = arith.constant 32 : i32
        %jit3A_80 = arith.constant 0 : i32
        %select_n3A_81 = arith.select %lt3A_46, %jit3A_79, %jit3A_80 : i32
        %while3A_82 = arith.constant 0 : i32
        %while3A_83 = arith.constant -4.000000e+09 : f32
        %while3A_84 = arith.constant 0.000000e+00 : f32
        %while3A_85 = arith.constant 0 : i32
        %while3A_86 = arith.constant -4.000000e+09 : f32
        %while3A_87 = arith.constant 0.000000e+00 : f32
        %while3A_88 = arith.constant 0 : i32
        %while3A_89 = arith.subi %select_n3A_81, %while3A_82 : i32
        %while3A_90 = arith.addi %while3A_82, %while3A_89 : i32
        %while3A_91 = arith.constant 1 : i32
        %while3A_92 = arith.divsi %while3A_89, %while3A_91 : i32
        %while3A_93 = arith.muli %while3A_92, %while3A_91 : i32
        %while3A_94 = arith.addi %while3A_82, %while3A_93 : i32
        %while3A_95 = arith.constant 1 : i32
        %while3A_96:6 = scf.for %while3A_424 = %while3A_82 to %while3A_94 step %while3A_95 iter_args(%while3A_425 = %while3A_83, %while3A_426 = %while3A_84, %while3A_427 = %while3A_85, %while3A_428 = %while3A_86, %while3A_429 = %while3A_87, %while3A_430 = %while3A_88) -> (f32, f32, i32, f32, f32, i32)  : i32 {
          %get3A_431 = arith.index_cast %while3A_424 : i32 to index
          %get3A_432 = arith.constant 0 : index
          %get3A_433 = tpu.vector_load %arg26[%get3A_431, %get3A_432] {strides = array<i32>} : memref<32x16xf32, #tpu.memory_space<vmem>>, vector<1x16xf32>,
          %get3A_434 = vector.shape_cast %get3A_433 : vector<1x16xf32> to vector<16xf32>
          %slice3A_435 = vector.extract_strided_slice %get3A_434 {offsets = [0], sizes = [1], strides = [1]} : vector<16xf32> to vector<1xf32>
          %squeeze3A_436 = vector.extract %slice3A_435[0] : f32 from vector<1xf32>
          %slice3A_437 = vector.extract_strided_slice %get3A_434 {offsets = [1], sizes = [1], strides = [1]} : vector<16xf32> to vector<1xf32>
          %squeeze3A_438 = vector.extract %slice3A_437[0] : f32 from vector<1xf32>
          %gt3A_439 = arith.cmpf ogt, %squeeze3A_436, %while3A_425 : f32
          %eq3A_440 = arith.cmpf oeq, %squeeze3A_436, %while3A_425 : f32
          %lt3A_441 = arith.cmpf olt, %squeeze3A_438, %while3A_426 : f32
          %and3A_442 = arith.andi %eq3A_440, %lt3A_441 : i1
          %or3A = arith.ori %gt3A_439, %and3A_442 : i1
          %gt3A_443 = arith.cmpf ogt, %squeeze3A_436, %while3A_428 : f32
          %eq3A_444 = arith.cmpf oeq, %squeeze3A_436, %while3A_428 : f32
          %lt3A_445 = arith.cmpf olt, %squeeze3A_438, %while3A_429 : f32
          %and3A_446 = arith.andi %eq3A_444, %lt3A_445 : i1
          %or3A_447 = arith.ori %gt3A_443, %and3A_446 : i1
          %select_n3A_448 = arith.select %or3A, %squeeze3A_436, %while3A_425 : f32
          %select_n3A_449 = arith.select %or3A, %squeeze3A_438, %while3A_426 : f32
          %select_n3A_450 = arith.select %or3A, %while3A_424, %while3A_427 : i32
          %select_n3A_451 = arith.select %or3A_447, %squeeze3A_436, %while3A_428 : f32
          %select_n3A_452 = arith.select %or3A, %while3A_425, %select_n3A_451 : f32
          %select_n3A_453 = arith.select %or3A_447, %squeeze3A_438, %while3A_429 : f32
          %select_n3A_454 = arith.select %or3A, %while3A_426, %select_n3A_453 : f32
          %select_n3A_455 = arith.select %or3A_447, %while3A_424, %while3A_430 : i32
          %select_n3A_456 = arith.select %or3A, %while3A_427, %select_n3A_455 : i32
          scf.yield %select_n3A_448, %select_n3A_449, %select_n3A_450, %select_n3A_452, %select_n3A_454, %select_n3A_456 : f32, f32, i32, f32, f32, i32
        }
        %while3A_97 = arith.constant 1 : i32
        %while3A_98:6 = scf.for %while3A_424 = %while3A_94 to %while3A_90 step %while3A_97 iter_args(%while3A_425 = %while3A_96#0, %while3A_426 = %while3A_96#1, %while3A_427 = %while3A_96#2, %while3A_428 = %while3A_96#3, %while3A_429 = %while3A_96#4, %while3A_430 = %while3A_96#5) -> (f32, f32, i32, f32, f32, i32)  : i32 {
          %get3A_431 = arith.index_cast %while3A_424 : i32 to index
          %get3A_432 = arith.constant 0 : index
          %get3A_433 = tpu.vector_load %arg26[%get3A_431, %get3A_432] {strides = array<i32>} : memref<32x16xf32, #tpu.memory_space<vmem>>, vector<1x16xf32>,
          %get3A_434 = vector.shape_cast %get3A_433 : vector<1x16xf32> to vector<16xf32>
          %slice3A_435 = vector.extract_strided_slice %get3A_434 {offsets = [0], sizes = [1], strides = [1]} : vector<16xf32> to vector<1xf32>
          %squeeze3A_436 = vector.extract %slice3A_435[0] : f32 from vector<1xf32>
          %slice3A_437 = vector.extract_strided_slice %get3A_434 {offsets = [1], sizes = [1], strides = [1]} : vector<16xf32> to vector<1xf32>
          %squeeze3A_438 = vector.extract %slice3A_437[0] : f32 from vector<1xf32>
          %gt3A_439 = arith.cmpf ogt, %squeeze3A_436, %while3A_425 : f32
          %eq3A_440 = arith.cmpf oeq, %squeeze3A_436, %while3A_425 : f32
          %lt3A_441 = arith.cmpf olt, %squeeze3A_438, %while3A_426 : f32
          %and3A_442 = arith.andi %eq3A_440, %lt3A_441 : i1
          %or3A = arith.ori %gt3A_439, %and3A_442 : i1
          %gt3A_443 = arith.cmpf ogt, %squeeze3A_436, %while3A_428 : f32
          %eq3A_444 = arith.cmpf oeq, %squeeze3A_436, %while3A_428 : f32
          %lt3A_445 = arith.cmpf olt, %squeeze3A_438, %while3A_429 : f32
          %and3A_446 = arith.andi %eq3A_444, %lt3A_445 : i1
          %or3A_447 = arith.ori %gt3A_443, %and3A_446 : i1
          %select_n3A_448 = arith.select %or3A, %squeeze3A_436, %while3A_425 : f32
          %select_n3A_449 = arith.select %or3A, %squeeze3A_438, %while3A_426 : f32
          %select_n3A_450 = arith.select %or3A, %while3A_424, %while3A_427 : i32
          %select_n3A_451 = arith.select %or3A_447, %squeeze3A_436, %while3A_428 : f32
          %select_n3A_452 = arith.select %or3A, %while3A_425, %select_n3A_451 : f32
          %select_n3A_453 = arith.select %or3A_447, %squeeze3A_438, %while3A_429 : f32
          %select_n3A_454 = arith.select %or3A, %while3A_426, %select_n3A_453 : f32
          %select_n3A_455 = arith.select %or3A_447, %while3A_424, %while3A_430 : i32
          %select_n3A_456 = arith.select %or3A, %while3A_427, %select_n3A_455 : i32
          scf.yield %select_n3A_448, %select_n3A_449, %select_n3A_450, %select_n3A_452, %select_n3A_454, %select_n3A_456 : f32, f32, i32, f32, f32, i32
        }
        %get3A = arith.index_cast %while3A_98#2 : i32 to index
        %get3A_99 = arith.constant 0 : index
        %get3A_100 = tpu.vector_load %arg26[%get3A, %get3A_99] {strides = array<i32>} : memref<32x16xf32, #tpu.memory_space<vmem>>, vector<1x16xf32>,
        %get3A_101 = vector.shape_cast %get3A_100 : vector<1x16xf32> to vector<16xf32>
        %get3A_102 = arith.index_cast %while3A_98#5 : i32 to index
        %get3A_103 = arith.constant 0 : index
        %get3A_104 = tpu.vector_load %arg26[%get3A_102, %get3A_103] {strides = array<i32>} : memref<32x16xf32, #tpu.memory_space<vmem>>, vector<1x16xf32>,
        %get3A_105 = vector.shape_cast %get3A_104 : vector<1x16xf32> to vector<16xf32>
        %gt3A = arith.constant -1.000000e+08 : f32
        %gt3A_106 = arith.cmpf ogt, %while3A_98#0, %gt3A : f32
        %jit3A_107 = arith.constant 1.000000e+00 : f32
        %jit3A_108 = arith.constant 0.000000e+00 : f32
        %select_n3A_109 = arith.select %gt3A_106, %jit3A_107, %jit3A_108 : f32
        %gt3A_110 = arith.constant -1.000000e+08 : f32
        %gt3A_111 = arith.cmpf ogt, %while3A_98#3, %gt3A_110 : f32
        %jit3A_112 = arith.constant 1.000000e+00 : f32
        %jit3A_113 = arith.constant 0.000000e+00 : f32
        %select_n3A_114 = arith.select %gt3A_111, %jit3A_112, %jit3A_113 : f32
        %slice3A = vector.extract_strided_slice %get3A_101 {offsets = [2], sizes = [1], strides = [1]} : vector<16xf32> to vector<1xf32>
        %squeeze3A = vector.extract %slice3A[0] : f32 from vector<1xf32>
        %broadcast_in_dim3A_115 = vector.broadcast %squeeze3A : f32 to vector<16xf32>
        %slice3A_116 = vector.extract_strided_slice %get3A_101 {offsets = [3], sizes = [1], strides = [1]} : vector<16xf32> to vector<1xf32>
        %squeeze3A_117 = vector.extract %slice3A_116[0] : f32 from vector<1xf32>
        %broadcast_in_dim3A_118 = vector.broadcast %squeeze3A_117 : f32 to vector<16xf32>
        %slice3A_119 = vector.extract_strided_slice %get3A_101 {offsets = [4], sizes = [1], strides = [1]} : vector<16xf32> to vector<1xf32>
        %squeeze3A_120 = vector.extract %slice3A_119[0] : f32 from vector<1xf32>
        %broadcast_in_dim3A_121 = vector.broadcast %squeeze3A_120 : f32 to vector<16xf32>
        %slice3A_122 = vector.extract_strided_slice %get3A_101 {offsets = [5], sizes = [1], strides = [1]} : vector<16xf32> to vector<1xf32>
        %squeeze3A_123 = vector.extract %slice3A_122[0] : f32 from vector<1xf32>
        %broadcast_in_dim3A_124 = vector.broadcast %squeeze3A_123 : f32 to vector<16xf32>
        %slice3A_125 = vector.extract_strided_slice %get3A_101 {offsets = [6], sizes = [1], strides = [1]} : vector<16xf32> to vector<1xf32>
        %squeeze3A_126 = vector.extract %slice3A_125[0] : f32 from vector<1xf32>
        %broadcast_in_dim3A_127 = vector.broadcast %squeeze3A_126 : f32 to vector<16xf32>
        %slice3A_128 = vector.extract_strided_slice %get3A_105 {offsets = [2], sizes = [1], strides = [1]} : vector<16xf32> to vector<1xf32>
        %squeeze3A_129 = vector.extract %slice3A_128[0] : f32 from vector<1xf32>
        %broadcast_in_dim3A_130 = vector.broadcast %squeeze3A_129 : f32 to vector<16xf32>
        %slice3A_131 = vector.extract_strided_slice %get3A_105 {offsets = [3], sizes = [1], strides = [1]} : vector<16xf32> to vector<1xf32>
        %squeeze3A_132 = vector.extract %slice3A_131[0] : f32 from vector<1xf32>
        %broadcast_in_dim3A_133 = vector.broadcast %squeeze3A_132 : f32 to vector<16xf32>
        %slice3A_134 = vector.extract_strided_slice %get3A_105 {offsets = [4], sizes = [1], strides = [1]} : vector<16xf32> to vector<1xf32>
        %squeeze3A_135 = vector.extract %slice3A_134[0] : f32 from vector<1xf32>
        %broadcast_in_dim3A_136 = vector.broadcast %squeeze3A_135 : f32 to vector<16xf32>
        %slice3A_137 = vector.extract_strided_slice %get3A_105 {offsets = [5], sizes = [1], strides = [1]} : vector<16xf32> to vector<1xf32>
        %squeeze3A_138 = vector.extract %slice3A_137[0] : f32 from vector<1xf32>
        %broadcast_in_dim3A_139 = vector.broadcast %squeeze3A_138 : f32 to vector<16xf32>
        %slice3A_140 = vector.extract_strided_slice %get3A_105 {offsets = [6], sizes = [1], strides = [1]} : vector<16xf32> to vector<1xf32>
        %squeeze3A_141 = vector.extract %slice3A_140[0] : f32 from vector<1xf32>
        %broadcast_in_dim3A_142 = vector.broadcast %squeeze3A_141 : f32 to vector<16xf32>
        %max3A = arith.maximumf %broadcast_in_dim3A_115, %broadcast_in_dim3A_130 : vector<16xf32>
        %max3A_143 = arith.maximumf %broadcast_in_dim3A_118, %broadcast_in_dim3A_133 : vector<16xf32>
        %min3A = arith.minimumf %broadcast_in_dim3A_121, %broadcast_in_dim3A_136 : vector<16xf32>
        %min3A_144 = arith.minimumf %broadcast_in_dim3A_124, %broadcast_in_dim3A_139 : vector<16xf32>
        %sub3A = arith.subf %min3A, %max3A : vector<16xf32>
        %max3A_145 = arith.constant 0.000000e+00 : f32
        %max3A_146 = vector.broadcast %max3A_145 : f32 to vector<16xf32>
        %max3A_147 = arith.maximumf %sub3A, %max3A_146 : vector<16xf32>
        %sub3A_148 = arith.subf %min3A_144, %max3A_143 : vector<16xf32>
        %max3A_149 = arith.constant 0.000000e+00 : f32
        %max3A_150 = vector.broadcast %max3A_149 : f32 to vector<16xf32>
        %max3A_151 = arith.maximumf %sub3A_148, %max3A_150 : vector<16xf32>
        %mul3A_152 = arith.mulf %max3A_147, %max3A_151 : vector<16xf32>
        %add3A_153 = arith.addf %broadcast_in_dim3A_127, %broadcast_in_dim3A_142 : vector<16xf32>
        %sub3A_154 = arith.subf %add3A_153, %mul3A_152 : vector<16xf32>
        %max3A_155 = arith.constant 9.99999971E-10 : f32
        %max3A_156 = vector.broadcast %max3A_155 : f32 to vector<16xf32>
        %max3A_157 = arith.maximumf %sub3A_154, %max3A_156 : vector<16xf32>
        %div3A = arith.divf %mul3A_152, %max3A_157 : vector<16xf32>
        %swap3A = arith.constant 0 : index
        %swap3A_158 = tpu.vector_load %arg24[%swap3A] {strides = array<i32>} : memref<16xf32, #tpu.memory_space<vmem>>, vector<16xf32>,
        %swap3A_159 = vector.shape_cast %swap3A_158 : vector<16xf32> to vector<16xf32>
        %swap3A_160 = vector.shape_cast %div3A : vector<16xf32> to vector<16xf32>
        tpu.vector_store %arg24[%swap3A], %swap3A_160 {strides = array<i32>} : memref<16xf32, #tpu.memory_space<vmem>>, vector<16xf32>,
        %get3A_161 = arith.constant 0 : index
        %get3A_162 = tpu.vector_load %arg24[%get3A_161] {strides = array<i32>} : memref<16xf32, #tpu.memory_space<vmem>>, vector<16xf32>,
        %get3A_163 = vector.shape_cast %get3A_162 : vector<16xf32> to vector<16xf32>
        %slice3A_164 = vector.extract_strided_slice %get3A_163 {offsets = [0], sizes = [1], strides = [1]} : vector<16xf32> to vector<1xf32>
        %squeeze3A_165 = vector.extract %slice3A_164[0] : f32 from vector<1xf32>
        %gt3A_166 = arith.constant 5.000000e-01 : f32
        %gt3A_167 = arith.cmpf ogt, %squeeze3A_165, %gt3A_166 : f32
        %and3A = arith.andi %gt3A_167, %gt3A_106 : i1
        %not3A = arith.constant true
        %not3A_168 = arith.xori %and3A, %not3A : i1
        %add3A_169 = arith.constant 1 : i32
        %add3A_170 = arith.addi %scan3A_33, %add3A_169 : i32
        %lt3A_171 = arith.constant 300 : i32
        %lt3A_172 = arith.cmpi slt, %add3A_170, %lt3A_171 : i32
        %and3A_173 = arith.andi %not3A_168, %lt3A_172 : i1
        %and3A_174 = arith.andi %and3A_173, %lt3A_46 : i1
        %eq3A_175 = arith.constant 0 : i32
        %eq3A_176 = arith.cmpi eq, %arg1, %eq3A_175 : i32
        %and3A_177 = arith.andi %eq3A_176, %lt3A_46 : i1
        %convert_element_type3A_178 = arith.extui %and3A_177 : i1 to i32
        %cond3A_179 = arith.constant 0 : i32
        %cond3A_180 = arith.cmpi ne, %convert_element_type3A_178, %cond3A_179 : i32
        scf.if %cond3A_180 {
          %slice3A_424 = vector.extract_strided_slice %get3A_101 {offsets = [7], sizes = [1], strides = [1]} : vector<16xf32> to vector<1xf32>
          %squeeze3A_425 = vector.extract %slice3A_424[0] : f32 from vector<1xf32>
          %slice3A_426 = vector.extract_strided_slice %get3A_101 {offsets = [8], sizes = [1], strides = [1]} : vector<16xf32> to vector<1xf32>
          %squeeze3A_427 = vector.extract %slice3A_426[0] : f32 from vector<1xf32>
          %slice3A_428 = vector.extract_strided_slice %get3A_101 {offsets = [9], sizes = [1], strides = [1]} : vector<16xf32> to vector<1xf32>
          %squeeze3A_429 = vector.extract %slice3A_428[0] : f32 from vector<1xf32>
          %slice3A_430 = vector.extract_strided_slice %get3A_101 {offsets = [10], sizes = [1], strides = [1]} : vector<16xf32> to vector<1xf32>
          %squeeze3A_431 = vector.extract %slice3A_430[0] : f32 from vector<1xf32>
          %eq3A_432 = arith.constant 0 : i32
          %eq3A_433 = vector.broadcast %eq3A_432 : i32 to vector<16xi32>
          %eq3A_434 = arith.cmpi eq, %iota3A, %eq3A_433 : vector<16xi32>
          %mul3A_435 = arith.mulf %squeeze3A_425, %select_n3A_109 : f32
          %broadcast_in_dim3A_436 = vector.broadcast %mul3A_435 : f32 to vector<16xf32>
          %select_n3A_437 = arith.select %eq3A_434, %broadcast_in_dim3A_436, %broadcast_in_dim3A_6 : vector<16xi1>, vector<16xf32>
          %eq3A_438 = arith.constant 1 : i32
          %eq3A_439 = vector.broadcast %eq3A_438 : i32 to vector<16xi32>
          %eq3A_440 = arith.cmpi eq, %iota3A, %eq3A_439 : vector<16xi32>
          %mul3A_441 = arith.mulf %squeeze3A_427, %select_n3A_109 : f32
          %broadcast_in_dim3A_442 = vector.broadcast %mul3A_441 : f32 to vector<16xf32>
          %select_n3A_443 = arith.select %eq3A_440, %broadcast_in_dim3A_442, %select_n3A_437 : vector<16xi1>, vector<16xf32>
          %eq3A_444 = arith.constant 2 : i32
          %eq3A_445 = vector.broadcast %eq3A_444 : i32 to vector<16xi32>
          %eq3A_446 = arith.cmpi eq, %iota3A, %eq3A_445 : vector<16xi32>
          %mul3A_447 = arith.mulf %squeeze3A_429, %select_n3A_109 : f32
          %broadcast_in_dim3A_448 = vector.broadcast %mul3A_447 : f32 to vector<16xf32>
          %select_n3A_449 = arith.select %eq3A_446, %broadcast_in_dim3A_448, %select_n3A_443 : vector<16xi1>, vector<16xf32>
          %eq3A_450 = arith.constant 3 : i32
          %eq3A_451 = vector.broadcast %eq3A_450 : i32 to vector<16xi32>
          %eq3A_452 = arith.cmpi eq, %iota3A, %eq3A_451 : vector<16xi32>
          %mul3A_453 = arith.mulf %squeeze3A_431, %select_n3A_109 : f32
          %broadcast_in_dim3A_454 = vector.broadcast %mul3A_453 : f32 to vector<16xf32>
          %select_n3A_455 = arith.select %eq3A_452, %broadcast_in_dim3A_454, %select_n3A_449 : vector<16xi1>, vector<16xf32>
          %eq3A_456 = arith.constant 4 : i32
          %eq3A_457 = vector.broadcast %eq3A_456 : i32 to vector<16xi32>
          %eq3A_458 = arith.cmpi eq, %iota3A, %eq3A_457 : vector<16xi32>
          %mul3A_459 = arith.mulf %while3A_98#0, %select_n3A_109 : f32
          %broadcast_in_dim3A_460 = vector.broadcast %mul3A_459 : f32 to vector<16xf32>
          %select_n3A_461 = arith.select %eq3A_458, %broadcast_in_dim3A_460, %select_n3A_455 : vector<16xi1>, vector<16xf32>
          %swap3A_462 = arith.index_cast %scan3A_33 : i32 to index
          %swap3A_463 = arith.constant 0 : index
          %swap3A_464 = tpu.vector_load %arg27[%swap3A_462, %swap3A_463] {strides = array<i32>} : memref<300x16xf32, #tpu.memory_space<vmem>>, vector<1x16xf32>,
          %swap3A_465 = vector.shape_cast %swap3A_464 : vector<1x16xf32> to vector<16xf32>
          %swap3A_466 = vector.shape_cast %select_n3A_461 : vector<16xf32> to vector<1x16xf32>
          tpu.vector_store %arg27[%swap3A_462, %swap3A_463], %swap3A_466 {strides = array<i32>} : memref<300x16xf32, #tpu.memory_space<vmem>>, vector<1x16xf32>,
        } else {
        }
        %eq3A_181 = arith.constant 0 : i32
        %eq3A_182 = arith.cmpi eq, %arg1, %eq3A_181 : i32
        %and3A_183 = arith.andi %eq3A_182, %and3A_174 : i1
        %convert_element_type3A_184 = arith.extui %and3A_183 : i1 to i32
        %cond3A_185 = arith.constant 0 : i32
        %cond3A_186 = arith.cmpi ne, %convert_element_type3A_184, %cond3A_185 : i32
        scf.if %cond3A_186 {
          %slice3A_424 = vector.extract_strided_slice %get3A_105 {offsets = [7], sizes = [1], strides = [1]} : vector<16xf32> to vector<1xf32>
          %squeeze3A_425 = vector.extract %slice3A_424[0] : f32 from vector<1xf32>
          %slice3A_426 = vector.extract_strided_slice %get3A_105 {offsets = [8], sizes = [1], strides = [1]} : vector<16xf32> to vector<1xf32>
          %squeeze3A_427 = vector.extract %slice3A_426[0] : f32 from vector<1xf32>
          %slice3A_428 = vector.extract_strided_slice %get3A_105 {offsets = [9], sizes = [1], strides = [1]} : vector<16xf32> to vector<1xf32>
          %squeeze3A_429 = vector.extract %slice3A_428[0] : f32 from vector<1xf32>
          %slice3A_430 = vector.extract_strided_slice %get3A_105 {offsets = [10], sizes = [1], strides = [1]} : vector<16xf32> to vector<1xf32>
          %squeeze3A_431 = vector.extract %slice3A_430[0] : f32 from vector<1xf32>
          %eq3A_432 = arith.constant 0 : i32
          %eq3A_433 = vector.broadcast %eq3A_432 : i32 to vector<16xi32>
          %eq3A_434 = arith.cmpi eq, %iota3A, %eq3A_433 : vector<16xi32>
          %mul3A_435 = arith.mulf %squeeze3A_425, %select_n3A_114 : f32
          %broadcast_in_dim3A_436 = vector.broadcast %mul3A_435 : f32 to vector<16xf32>
          %select_n3A_437 = arith.select %eq3A_434, %broadcast_in_dim3A_436, %broadcast_in_dim3A_6 : vector<16xi1>, vector<16xf32>
          %eq3A_438 = arith.constant 1 : i32
          %eq3A_439 = vector.broadcast %eq3A_438 : i32 to vector<16xi32>
          %eq3A_440 = arith.cmpi eq, %iota3A, %eq3A_439 : vector<16xi32>
          %mul3A_441 = arith.mulf %squeeze3A_427, %select_n3A_114 : f32
          %broadcast_in_dim3A_442 = vector.broadcast %mul3A_441 : f32 to vector<16xf32>
          %select_n3A_443 = arith.select %eq3A_440, %broadcast_in_dim3A_442, %select_n3A_437 : vector<16xi1>, vector<16xf32>
          %eq3A_444 = arith.constant 2 : i32
          %eq3A_445 = vector.broadcast %eq3A_444 : i32 to vector<16xi32>
          %eq3A_446 = arith.cmpi eq, %iota3A, %eq3A_445 : vector<16xi32>
          %mul3A_447 = arith.mulf %squeeze3A_429, %select_n3A_114 : f32
          %broadcast_in_dim3A_448 = vector.broadcast %mul3A_447 : f32 to vector<16xf32>
          %select_n3A_449 = arith.select %eq3A_446, %broadcast_in_dim3A_448, %select_n3A_443 : vector<16xi1>, vector<16xf32>
          %eq3A_450 = arith.constant 3 : i32
          %eq3A_451 = vector.broadcast %eq3A_450 : i32 to vector<16xi32>
          %eq3A_452 = arith.cmpi eq, %iota3A, %eq3A_451 : vector<16xi32>
          %mul3A_453 = arith.mulf %squeeze3A_431, %select_n3A_114 : f32
          %broadcast_in_dim3A_454 = vector.broadcast %mul3A_453 : f32 to vector<16xf32>
          %select_n3A_455 = arith.select %eq3A_452, %broadcast_in_dim3A_454, %select_n3A_449 : vector<16xi1>, vector<16xf32>
          %eq3A_456 = arith.constant 4 : i32
          %eq3A_457 = vector.broadcast %eq3A_456 : i32 to vector<16xi32>
          %eq3A_458 = arith.cmpi eq, %iota3A, %eq3A_457 : vector<16xi32>
          %mul3A_459 = arith.mulf %while3A_98#3, %select_n3A_114 : f32
          %broadcast_in_dim3A_460 = vector.broadcast %mul3A_459 : f32 to vector<16xf32>
          %select_n3A_461 = arith.select %eq3A_458, %broadcast_in_dim3A_460, %select_n3A_455 : vector<16xi1>, vector<16xf32>
          %add3A_462 = arith.constant 1 : i32
          %add3A_463 = arith.addi %scan3A_33, %add3A_462 : i32
          %swap3A_464 = arith.index_cast %add3A_463 : i32 to index
          %swap3A_465 = arith.constant 0 : index
          %swap3A_466 = tpu.vector_load %arg27[%swap3A_464, %swap3A_465] {strides = array<i32>} : memref<300x16xf32, #tpu.memory_space<vmem>>, vector<1x16xf32>,
          %swap3A_467 = vector.shape_cast %swap3A_466 : vector<1x16xf32> to vector<16xf32>
          %swap3A_468 = vector.shape_cast %select_n3A_461 : vector<16xf32> to vector<1x16xf32>
          tpu.vector_store %arg27[%swap3A_464, %swap3A_465], %swap3A_468 {strides = array<i32>} : memref<300x16xf32, #tpu.memory_space<vmem>>, vector<1x16xf32>,
        } else {
        }
        %select_n3A_187 = arith.select %gt3A_106, %scan3A, %scan3A_7 : f32
        %and3A_188 = arith.andi %and3A_174, %gt3A_111 : i1
        %select_n3A_189 = arith.select %and3A_188, %scan3A, %scan3A_7 : f32
        %add3A_190 = arith.constant 1 : i32
        %add3A_191 = arith.addi %scan3A_33, %add3A_190 : i32
        %convert_element_type3A_192 = arith.extui %and3A_174 : i1 to i32
        %add3A_193 = arith.addi %add3A_191, %convert_element_type3A_192 : i32
        %select_n3A_194 = arith.select %lt3A_46, %add3A_193, %scan3A_33 : i32
        %slice3A_195 = vector.extract_strided_slice %get3A_101 {offsets = [2], sizes = [1], strides = [1]} : vector<16xf32> to vector<1xf32>
        %squeeze3A_196 = vector.extract %slice3A_195[0] : f32 from vector<1xf32>
        %select_n3A_197 = arith.select %lt3A_46, %squeeze3A_196, %scan3A_34 : f32
        %slice3A_198 = vector.extract_strided_slice %get3A_101 {offsets = [3], sizes = [1], strides = [1]} : vector<16xf32> to vector<1xf32>
        %squeeze3A_199 = vector.extract %slice3A_198[0] : f32 from vector<1xf32>
        %select_n3A_200 = arith.select %lt3A_46, %squeeze3A_199, %scan3A_35 : f32
        %slice3A_201 = vector.extract_strided_slice %get3A_101 {offsets = [4], sizes = [1], strides = [1]} : vector<16xf32> to vector<1xf32>
        %squeeze3A_202 = vector.extract %slice3A_201[0] : f32 from vector<1xf32>
        %select_n3A_203 = arith.select %lt3A_46, %squeeze3A_202, %scan3A_36 : f32
        %slice3A_204 = vector.extract_strided_slice %get3A_101 {offsets = [5], sizes = [1], strides = [1]} : vector<16xf32> to vector<1xf32>
        %squeeze3A_205 = vector.extract %slice3A_204[0] : f32 from vector<1xf32>
        %select_n3A_206 = arith.select %lt3A_46, %squeeze3A_205, %scan3A_37 : f32
        %slice3A_207 = vector.extract_strided_slice %get3A_101 {offsets = [6], sizes = [1], strides = [1]} : vector<16xf32> to vector<1xf32>
        %squeeze3A_208 = vector.extract %slice3A_207[0] : f32 from vector<1xf32>
        %select_n3A_209 = arith.select %lt3A_46, %squeeze3A_208, %scan3A_38 : f32
        %select_n3A_210 = arith.select %lt3A_46, %select_n3A_187, %scan3A_39 : f32
        %slice3A_211 = vector.extract_strided_slice %get3A_105 {offsets = [2], sizes = [1], strides = [1]} : vector<16xf32> to vector<1xf32>
        %squeeze3A_212 = vector.extract %slice3A_211[0] : f32 from vector<1xf32>
        %select_n3A_213 = arith.select %lt3A_46, %squeeze3A_212, %scan3A_40 : f32
        %slice3A_214 = vector.extract_strided_slice %get3A_105 {offsets = [3], sizes = [1], strides = [1]} : vector<16xf32> to vector<1xf32>
        %squeeze3A_215 = vector.extract %slice3A_214[0] : f32 from vector<1xf32>
        %select_n3A_216 = arith.select %lt3A_46, %squeeze3A_215, %scan3A_41 : f32
        %slice3A_217 = vector.extract_strided_slice %get3A_105 {offsets = [4], sizes = [1], strides = [1]} : vector<16xf32> to vector<1xf32>
        %squeeze3A_218 = vector.extract %slice3A_217[0] : f32 from vector<1xf32>
        %select_n3A_219 = arith.select %lt3A_46, %squeeze3A_218, %scan3A_42 : f32
        %slice3A_220 = vector.extract_strided_slice %get3A_105 {offsets = [5], sizes = [1], strides = [1]} : vector<16xf32> to vector<1xf32>
        %squeeze3A_221 = vector.extract %slice3A_220[0] : f32 from vector<1xf32>
        %select_n3A_222 = arith.select %lt3A_46, %squeeze3A_221, %scan3A_43 : f32
        %slice3A_223 = vector.extract_strided_slice %get3A_105 {offsets = [6], sizes = [1], strides = [1]} : vector<16xf32> to vector<1xf32>
        %squeeze3A_224 = vector.extract %slice3A_223[0] : f32 from vector<1xf32>
        %select_n3A_225 = arith.select %lt3A_46, %squeeze3A_224, %scan3A_44 : f32
        %select_n3A_226 = arith.select %lt3A_46, %select_n3A_189, %scan3A_45 : f32
        %lt3A_227 = arith.constant 300 : i32
        %lt3A_228 = arith.cmpi slt, %select_n3A_194, %lt3A_227 : i32
        %broadcast_in_dim3A_229 = vector.broadcast %select_n3A_197 : f32 to vector<16xf32>
        %broadcast_in_dim3A_230 = vector.broadcast %select_n3A_200 : f32 to vector<16xf32>
        %broadcast_in_dim3A_231 = vector.broadcast %select_n3A_203 : f32 to vector<16xf32>
        %broadcast_in_dim3A_232 = vector.broadcast %select_n3A_206 : f32 to vector<16xf32>
        %broadcast_in_dim3A_233 = vector.broadcast %select_n3A_209 : f32 to vector<16xf32>
        %broadcast_in_dim3A_234 = vector.broadcast %select_n3A_210 : f32 to vector<16xf32>
        %broadcast_in_dim3A_235 = vector.broadcast %select_n3A_213 : f32 to vector<16xf32>
        %broadcast_in_dim3A_236 = vector.broadcast %select_n3A_216 : f32 to vector<16xf32>
        %broadcast_in_dim3A_237 = vector.broadcast %select_n3A_219 : f32 to vector<16xf32>
        %broadcast_in_dim3A_238 = vector.broadcast %select_n3A_222 : f32 to vector<16xf32>
        %broadcast_in_dim3A_239 = vector.broadcast %select_n3A_225 : f32 to vector<16xf32>
        %broadcast_in_dim3A_240 = vector.broadcast %select_n3A_226 : f32 to vector<16xf32>
        %broadcast_in_dim3A_241 = arith.constant -2.000000e+09 : f32
        %broadcast_in_dim3A_242 = vector.broadcast %broadcast_in_dim3A_241 : f32 to vector<16xf32>
        %add3A_243 = arith.addf %convert_element_type3A_4, %convert_element_type3A_3 : vector<16xf32>
        %broadcast_in_dim3A_244 = arith.constant -2.000000e+09 : f32
        %broadcast_in_dim3A_245 = vector.broadcast %broadcast_in_dim3A_244 : f32 to vector<16xf32>
        %add3A_246 = arith.addf %convert_element_type3A_4, %convert_element_type3A_3 : vector<16xf32>
        %add3A_247 = arith.addf %convert_element_type3A_4, %convert_element_type3A_3 : vector<16xf32>
        %jit3A_248 = arith.constant 80 : i32
        %jit3A_249 = arith.constant 0 : i32
        %select_n3A_250 = arith.select %lt3A_228, %jit3A_248, %jit3A_249 : i32
        %while3A_251 = arith.constant 0 : i32
        %while3A_252 = arith.subi %select_n3A_250, %while3A_251 : i32
        %while3A_253 = arith.addi %while3A_251, %while3A_252 : i32
        %while3A_254 = arith.constant 1 : i32
        %while3A_255 = arith.divsi %while3A_252, %while3A_254 : i32
        %while3A_256 = arith.muli %while3A_255, %while3A_254 : i32
        %while3A_257 = arith.addi %while3A_251, %while3A_256 : i32
        %while3A_258 = arith.constant 1 : i32
        %while3A_259:5 = scf.for %while3A_424 = %while3A_251 to %while3A_257 step %while3A_258 iter_args(%while3A_425 = %broadcast_in_dim3A_242, %while3A_426 = %add3A_243, %while3A_427 = %broadcast_in_dim3A_245, %while3A_428 = %add3A_246, %while3A_429 = %add3A_247) -> (vector<16xf32>, vector<16xf32>, vector<16xf32>, vector<16xf32>, vector<16xf32>)  : i32 {
          %mul3A_430 = arith.constant 16 : i32
          %mul3A_431 = arith.muli %while3A_424, %mul3A_430 : i32
          %get3A_432 = arith.index_cast %mul3A_431 : i32 to index
          %get3A_433 = tpu.vector_load %arg19[%get3A_432] {strides = array<i32>} : memref<1296xf32, #tpu.memory_space<vmem>>, vector<16xf32>,
          %get3A_434 = vector.shape_cast %get3A_433 : vector<16xf32> to vector<16xf32>
          %get3A_435 = arith.index_cast %mul3A_431 : i32 to index
          %get3A_436 = tpu.vector_load %arg14[%get3A_435] {strides = array<i32>} : memref<1296xf32, #tpu.memory_space<vmem>>, vector<16xf32>,
          %get3A_437 = vector.shape_cast %get3A_436 : vector<16xf32> to vector<16xf32>
          %get3A_438 = arith.index_cast %mul3A_431 : i32 to index
          %get3A_439 = tpu.vector_load %arg15[%get3A_438] {strides = array<i32>} : memref<1296xf32, #tpu.memory_space<vmem>>, vector<16xf32>,
          %get3A_440 = vector.shape_cast %get3A_439 : vector<16xf32> to vector<16xf32>
          %get3A_441 = arith.index_cast %mul3A_431 : i32 to index
          %get3A_442 = tpu.vector_load %arg16[%get3A_441] {strides = array<i32>} : memref<1296xf32, #tpu.memory_space<vmem>>, vector<16xf32>,
          %get3A_443 = vector.shape_cast %get3A_442 : vector<16xf32> to vector<16xf32>
          %get3A_444 = arith.index_cast %mul3A_431 : i32 to index
          %get3A_445 = tpu.vector_load %arg17[%get3A_444] {strides = array<i32>} : memref<1296xf32, #tpu.memory_space<vmem>>, vector<16xf32>,
          %get3A_446 = vector.shape_cast %get3A_445 : vector<16xf32> to vector<16xf32>
          %get3A_447 = arith.index_cast %mul3A_431 : i32 to index
          %get3A_448 = tpu.vector_load %arg18[%get3A_447] {strides = array<i32>} : memref<1296xf32, #tpu.memory_space<vmem>>, vector<16xf32>,
          %get3A_449 = vector.shape_cast %get3A_448 : vector<16xf32> to vector<16xf32>
          %max3A_450 = arith.maximumf %broadcast_in_dim3A_229, %get3A_437 : vector<16xf32>
          %max3A_451 = arith.maximumf %broadcast_in_dim3A_230, %get3A_440 : vector<16xf32>
          %min3A_452 = arith.minimumf %broadcast_in_dim3A_231, %get3A_443 : vector<16xf32>
          %min3A_453 = arith.minimumf %broadcast_in_dim3A_232, %get3A_446 : vector<16xf32>
          %sub3A_454 = arith.subf %min3A_452, %max3A_450 : vector<16xf32>
          %max3A_455 = arith.constant 0.000000e+00 : f32
          %max3A_456 = vector.broadcast %max3A_455 : f32 to vector<16xf32>
          %max3A_457 = arith.maximumf %sub3A_454, %max3A_456 : vector<16xf32>
          %sub3A_458 = arith.subf %min3A_453, %max3A_451 : vector<16xf32>
          %max3A_459 = arith.constant 0.000000e+00 : f32
          %max3A_460 = vector.broadcast %max3A_459 : f32 to vector<16xf32>
          %max3A_461 = arith.maximumf %sub3A_458, %max3A_460 : vector<16xf32>
          %mul3A_462 = arith.mulf %max3A_457, %max3A_461 : vector<16xf32>
          %add3A_463 = arith.addf %broadcast_in_dim3A_233, %get3A_449 : vector<16xf32>
          %sub3A_464 = arith.subf %add3A_463, %mul3A_462 : vector<16xf32>
          %max3A_465 = arith.constant 9.99999971E-10 : f32
          %max3A_466 = vector.broadcast %max3A_465 : f32 to vector<16xf32>
          %max3A_467 = arith.maximumf %sub3A_464, %max3A_466 : vector<16xf32>
          %div3A_468 = arith.divf %mul3A_462, %max3A_467 : vector<16xf32>
          %gt3A_469 = arith.cmpf ogt, %div3A_468, %broadcast_in_dim3A_234 : vector<16xf32>
          %jit3A_470 = arith.constant -1.000000e+09 : f32
          %broadcast_in_dim3A_471 = vector.broadcast %jit3A_470 : f32 to vector<16xf32>
          %select_n3A_472 = arith.select %gt3A_469, %broadcast_in_dim3A_471, %get3A_434 : vector<16xi1>, vector<16xf32>
          %max3A_473 = arith.maximumf %broadcast_in_dim3A_235, %get3A_437 : vector<16xf32>
          %max3A_474 = arith.maximumf %broadcast_in_dim3A_236, %get3A_440 : vector<16xf32>
          %min3A_475 = arith.minimumf %broadcast_in_dim3A_237, %get3A_443 : vector<16xf32>
          %min3A_476 = arith.minimumf %broadcast_in_dim3A_238, %get3A_446 : vector<16xf32>
          %sub3A_477 = arith.subf %min3A_475, %max3A_473 : vector<16xf32>
          %max3A_478 = arith.constant 0.000000e+00 : f32
          %max3A_479 = vector.broadcast %max3A_478 : f32 to vector<16xf32>
          %max3A_480 = arith.maximumf %sub3A_477, %max3A_479 : vector<16xf32>
          %sub3A_481 = arith.subf %min3A_476, %max3A_474 : vector<16xf32>
          %max3A_482 = arith.constant 0.000000e+00 : f32
          %max3A_483 = vector.broadcast %max3A_482 : f32 to vector<16xf32>
          %max3A_484 = arith.maximumf %sub3A_481, %max3A_483 : vector<16xf32>
          %mul3A_485 = arith.mulf %max3A_480, %max3A_484 : vector<16xf32>
          %add3A_486 = arith.addf %broadcast_in_dim3A_239, %get3A_449 : vector<16xf32>
          %sub3A_487 = arith.subf %add3A_486, %mul3A_485 : vector<16xf32>
          %max3A_488 = arith.constant 9.99999971E-10 : f32
          %max3A_489 = vector.broadcast %max3A_488 : f32 to vector<16xf32>
          %max3A_490 = arith.maximumf %sub3A_487, %max3A_489 : vector<16xf32>
          %div3A_491 = arith.divf %mul3A_485, %max3A_490 : vector<16xf32>
          %gt3A_492 = arith.cmpf ogt, %div3A_491, %broadcast_in_dim3A_240 : vector<16xf32>
          %jit3A_493 = arith.constant -1.000000e+09 : f32
          %broadcast_in_dim3A_494 = vector.broadcast %jit3A_493 : f32 to vector<16xf32>
          %select_n3A_495 = arith.select %gt3A_492, %broadcast_in_dim3A_494, %select_n3A_472 : vector<16xi1>, vector<16xf32>
          %swap3A_496 = arith.index_cast %mul3A_431 : i32 to index
          %swap3A_497 = tpu.vector_load %arg19[%swap3A_496] {strides = array<i32>} : memref<1296xf32, #tpu.memory_space<vmem>>, vector<16xf32>,
          %swap3A_498 = vector.shape_cast %swap3A_497 : vector<16xf32> to vector<16xf32>
          %swap3A_499 = vector.shape_cast %select_n3A_495 : vector<16xf32> to vector<16xf32>
          tpu.vector_store %arg19[%swap3A_496], %swap3A_499 {strides = array<i32>} : memref<1296xf32, #tpu.memory_space<vmem>>, vector<16xf32>,
          %gt3A_500 = arith.cmpf ogt, %select_n3A_495, %while3A_425 : vector<16xf32>
          %gt3A_501 = arith.cmpf ogt, %select_n3A_495, %while3A_427 : vector<16xf32>
          %select_n3A_502 = arith.select %gt3A_501, %select_n3A_495, %while3A_427 : vector<16xi1>, vector<16xf32>
          %select_n3A_503 = arith.select %gt3A_500, %while3A_425, %select_n3A_502 : vector<16xi1>, vector<16xf32>
          %select_n3A_504 = arith.select %gt3A_501, %while3A_429, %while3A_428 : vector<16xi1>, vector<16xf32>
          %select_n3A_505 = arith.select %gt3A_500, %while3A_426, %select_n3A_504 : vector<16xi1>, vector<16xf32>
          %select_n3A_506 = arith.select %gt3A_500, %select_n3A_495, %while3A_425 : vector<16xi1>, vector<16xf32>
          %select_n3A_507 = arith.select %gt3A_500, %while3A_429, %while3A_426 : vector<16xi1>, vector<16xf32>
          %add3A_508 = arith.constant 1.600000e+01 : f32
          %add3A_509 = vector.broadcast %add3A_508 : f32 to vector<16xf32>
          %add3A_510 = arith.addf %while3A_429, %add3A_509 : vector<16xf32>
          scf.yield %select_n3A_506, %select_n3A_507, %select_n3A_503, %select_n3A_505, %add3A_510 : vector<16xf32>, vector<16xf32>, vector<16xf32>, vector<16xf32>, vector<16xf32>
        }
        %while3A_260 = arith.constant 1 : i32
        %while3A_261:5 = scf.for %while3A_424 = %while3A_257 to %while3A_253 step %while3A_260 iter_args(%while3A_425 = %while3A_259#0, %while3A_426 = %while3A_259#1, %while3A_427 = %while3A_259#2, %while3A_428 = %while3A_259#3, %while3A_429 = %while3A_259#4) -> (vector<16xf32>, vector<16xf32>, vector<16xf32>, vector<16xf32>, vector<16xf32>)  : i32 {
          %mul3A_430 = arith.constant 16 : i32
          %mul3A_431 = arith.muli %while3A_424, %mul3A_430 : i32
          %get3A_432 = arith.index_cast %mul3A_431 : i32 to index
          %get3A_433 = tpu.vector_load %arg19[%get3A_432] {strides = array<i32>} : memref<1296xf32, #tpu.memory_space<vmem>>, vector<16xf32>,
          %get3A_434 = vector.shape_cast %get3A_433 : vector<16xf32> to vector<16xf32>
          %get3A_435 = arith.index_cast %mul3A_431 : i32 to index
          %get3A_436 = tpu.vector_load %arg14[%get3A_435] {strides = array<i32>} : memref<1296xf32, #tpu.memory_space<vmem>>, vector<16xf32>,
          %get3A_437 = vector.shape_cast %get3A_436 : vector<16xf32> to vector<16xf32>
          %get3A_438 = arith.index_cast %mul3A_431 : i32 to index
          %get3A_439 = tpu.vector_load %arg15[%get3A_438] {strides = array<i32>} : memref<1296xf32, #tpu.memory_space<vmem>>, vector<16xf32>,
          %get3A_440 = vector.shape_cast %get3A_439 : vector<16xf32> to vector<16xf32>
          %get3A_441 = arith.index_cast %mul3A_431 : i32 to index
          %get3A_442 = tpu.vector_load %arg16[%get3A_441] {strides = array<i32>} : memref<1296xf32, #tpu.memory_space<vmem>>, vector<16xf32>,
          %get3A_443 = vector.shape_cast %get3A_442 : vector<16xf32> to vector<16xf32>
          %get3A_444 = arith.index_cast %mul3A_431 : i32 to index
          %get3A_445 = tpu.vector_load %arg17[%get3A_444] {strides = array<i32>} : memref<1296xf32, #tpu.memory_space<vmem>>, vector<16xf32>,
          %get3A_446 = vector.shape_cast %get3A_445 : vector<16xf32> to vector<16xf32>
          %get3A_447 = arith.index_cast %mul3A_431 : i32 to index
          %get3A_448 = tpu.vector_load %arg18[%get3A_447] {strides = array<i32>} : memref<1296xf32, #tpu.memory_space<vmem>>, vector<16xf32>,
          %get3A_449 = vector.shape_cast %get3A_448 : vector<16xf32> to vector<16xf32>
          %max3A_450 = arith.maximumf %broadcast_in_dim3A_229, %get3A_437 : vector<16xf32>
          %max3A_451 = arith.maximumf %broadcast_in_dim3A_230, %get3A_440 : vector<16xf32>
          %min3A_452 = arith.minimumf %broadcast_in_dim3A_231, %get3A_443 : vector<16xf32>
          %min3A_453 = arith.minimumf %broadcast_in_dim3A_232, %get3A_446 : vector<16xf32>
          %sub3A_454 = arith.subf %min3A_452, %max3A_450 : vector<16xf32>
          %max3A_455 = arith.constant 0.000000e+00 : f32
          %max3A_456 = vector.broadcast %max3A_455 : f32 to vector<16xf32>
          %max3A_457 = arith.maximumf %sub3A_454, %max3A_456 : vector<16xf32>
          %sub3A_458 = arith.subf %min3A_453, %max3A_451 : vector<16xf32>
          %max3A_459 = arith.constant 0.000000e+00 : f32
          %max3A_460 = vector.broadcast %max3A_459 : f32 to vector<16xf32>
          %max3A_461 = arith.maximumf %sub3A_458, %max3A_460 : vector<16xf32>
          %mul3A_462 = arith.mulf %max3A_457, %max3A_461 : vector<16xf32>
          %add3A_463 = arith.addf %broadcast_in_dim3A_233, %get3A_449 : vector<16xf32>
          %sub3A_464 = arith.subf %add3A_463, %mul3A_462 : vector<16xf32>
          %max3A_465 = arith.constant 9.99999971E-10 : f32
          %max3A_466 = vector.broadcast %max3A_465 : f32 to vector<16xf32>
          %max3A_467 = arith.maximumf %sub3A_464, %max3A_466 : vector<16xf32>
          %div3A_468 = arith.divf %mul3A_462, %max3A_467 : vector<16xf32>
          %gt3A_469 = arith.cmpf ogt, %div3A_468, %broadcast_in_dim3A_234 : vector<16xf32>
          %jit3A_470 = arith.constant -1.000000e+09 : f32
          %broadcast_in_dim3A_471 = vector.broadcast %jit3A_470 : f32 to vector<16xf32>
          %select_n3A_472 = arith.select %gt3A_469, %broadcast_in_dim3A_471, %get3A_434 : vector<16xi1>, vector<16xf32>
          %max3A_473 = arith.maximumf %broadcast_in_dim3A_235, %get3A_437 : vector<16xf32>
          %max3A_474 = arith.maximumf %broadcast_in_dim3A_236, %get3A_440 : vector<16xf32>
          %min3A_475 = arith.minimumf %broadcast_in_dim3A_237, %get3A_443 : vector<16xf32>
          %min3A_476 = arith.minimumf %broadcast_in_dim3A_238, %get3A_446 : vector<16xf32>
          %sub3A_477 = arith.subf %min3A_475, %max3A_473 : vector<16xf32>
          %max3A_478 = arith.constant 0.000000e+00 : f32
          %max3A_479 = vector.broadcast %max3A_478 : f32 to vector<16xf32>
          %max3A_480 = arith.maximumf %sub3A_477, %max3A_479 : vector<16xf32>
          %sub3A_481 = arith.subf %min3A_476, %max3A_474 : vector<16xf32>
          %max3A_482 = arith.constant 0.000000e+00 : f32
          %max3A_483 = vector.broadcast %max3A_482 : f32 to vector<16xf32>
          %max3A_484 = arith.maximumf %sub3A_481, %max3A_483 : vector<16xf32>
          %mul3A_485 = arith.mulf %max3A_480, %max3A_484 : vector<16xf32>
          %add3A_486 = arith.addf %broadcast_in_dim3A_239, %get3A_449 : vector<16xf32>
          %sub3A_487 = arith.subf %add3A_486, %mul3A_485 : vector<16xf32>
          %max3A_488 = arith.constant 9.99999971E-10 : f32
          %max3A_489 = vector.broadcast %max3A_488 : f32 to vector<16xf32>
          %max3A_490 = arith.maximumf %sub3A_487, %max3A_489 : vector<16xf32>
          %div3A_491 = arith.divf %mul3A_485, %max3A_490 : vector<16xf32>
          %gt3A_492 = arith.cmpf ogt, %div3A_491, %broadcast_in_dim3A_240 : vector<16xf32>
          %jit3A_493 = arith.constant -1.000000e+09 : f32
          %broadcast_in_dim3A_494 = vector.broadcast %jit3A_493 : f32 to vector<16xf32>
          %select_n3A_495 = arith.select %gt3A_492, %broadcast_in_dim3A_494, %select_n3A_472 : vector<16xi1>, vector<16xf32>
          %swap3A_496 = arith.index_cast %mul3A_431 : i32 to index
          %swap3A_497 = tpu.vector_load %arg19[%swap3A_496] {strides = array<i32>} : memref<1296xf32, #tpu.memory_space<vmem>>, vector<16xf32>,
          %swap3A_498 = vector.shape_cast %swap3A_497 : vector<16xf32> to vector<16xf32>
          %swap3A_499 = vector.shape_cast %select_n3A_495 : vector<16xf32> to vector<16xf32>
          tpu.vector_store %arg19[%swap3A_496], %swap3A_499 {strides = array<i32>} : memref<1296xf32, #tpu.memory_space<vmem>>, vector<16xf32>,
          %gt3A_500 = arith.cmpf ogt, %select_n3A_495, %while3A_425 : vector<16xf32>
          %gt3A_501 = arith.cmpf ogt, %select_n3A_495, %while3A_427 : vector<16xf32>
          %select_n3A_502 = arith.select %gt3A_501, %select_n3A_495, %while3A_427 : vector<16xi1>, vector<16xf32>
          %select_n3A_503 = arith.select %gt3A_500, %while3A_425, %select_n3A_502 : vector<16xi1>, vector<16xf32>
          %select_n3A_504 = arith.select %gt3A_501, %while3A_429, %while3A_428 : vector<16xi1>, vector<16xf32>
          %select_n3A_505 = arith.select %gt3A_500, %while3A_426, %select_n3A_504 : vector<16xi1>, vector<16xf32>
          %select_n3A_506 = arith.select %gt3A_500, %select_n3A_495, %while3A_425 : vector<16xi1>, vector<16xf32>
          %select_n3A_507 = arith.select %gt3A_500, %while3A_429, %while3A_426 : vector<16xi1>, vector<16xf32>
          %add3A_508 = arith.constant 1.600000e+01 : f32
          %add3A_509 = vector.broadcast %add3A_508 : f32 to vector<16xf32>
          %add3A_510 = arith.addf %while3A_429, %add3A_509 : vector<16xf32>
          scf.yield %select_n3A_506, %select_n3A_507, %select_n3A_503, %select_n3A_505, %add3A_510 : vector<16xf32>, vector<16xf32>, vector<16xf32>, vector<16xf32>, vector<16xf32>
        }
        %convert_element_type3A_262 = arith.extui %lt3A_228 : i1 to i32
        %cond3A_263 = arith.constant 0 : i32
        %cond3A_264 = arith.cmpi ne, %convert_element_type3A_262, %cond3A_263 : i32
        scf.if %cond3A_264 {
          %slice3A_424 = vector.extract_strided_slice %while3A_261#0 {offsets = [0], sizes = [1], strides = [1]} : vector<16xf32> to vector<1xf32>
          %squeeze3A_425 = vector.extract %slice3A_424[0] : f32 from vector<1xf32>
          %slice3A_426 = vector.extract_strided_slice %while3A_261#1 {offsets = [0], sizes = [1], strides = [1]} : vector<16xf32> to vector<1xf32>
          %squeeze3A_427 = vector.extract %slice3A_426[0] : f32 from vector<1xf32>
          %slice3A_428 = vector.extract_strided_slice %while3A_261#2 {offsets = [0], sizes = [1], strides = [1]} : vector<16xf32> to vector<1xf32>
          %squeeze3A_429 = vector.extract %slice3A_428[0] : f32 from vector<1xf32>
          %slice3A_430 = vector.extract_strided_slice %while3A_261#3 {offsets = [0], sizes = [1], strides = [1]} : vector<16xf32> to vector<1xf32>
          %squeeze3A_431 = vector.extract %slice3A_430[0] : f32 from vector<1xf32>
          %slice3A_432 = vector.extract_strided_slice %while3A_261#0 {offsets = [1], sizes = [1], strides = [1]} : vector<16xf32> to vector<1xf32>
          %squeeze3A_433 = vector.extract %slice3A_432[0] : f32 from vector<1xf32>
          %slice3A_434 = vector.extract_strided_slice %while3A_261#1 {offsets = [1], sizes = [1], strides = [1]} : vector<16xf32> to vector<1xf32>
          %squeeze3A_435 = vector.extract %slice3A_434[0] : f32 from vector<1xf32>
          %gt3A_436 = arith.cmpf ogt, %squeeze3A_433, %squeeze3A_425 : f32
          %eq3A_437 = arith.cmpf oeq, %squeeze3A_433, %squeeze3A_425 : f32
          %lt3A_438 = arith.cmpf olt, %squeeze3A_435, %squeeze3A_427 : f32
          %and3A_439 = arith.andi %eq3A_437, %lt3A_438 : i1
          %or3A = arith.ori %gt3A_436, %and3A_439 : i1
          %gt3A_440 = arith.cmpf ogt, %squeeze3A_433, %squeeze3A_429 : f32
          %eq3A_441 = arith.cmpf oeq, %squeeze3A_433, %squeeze3A_429 : f32
          %lt3A_442 = arith.cmpf olt, %squeeze3A_435, %squeeze3A_431 : f32
          %and3A_443 = arith.andi %eq3A_441, %lt3A_442 : i1
          %or3A_444 = arith.ori %gt3A_440, %and3A_443 : i1
          %select_n3A_445 = arith.select %or3A, %squeeze3A_433, %squeeze3A_425 : f32
          %select_n3A_446 = arith.select %or3A, %squeeze3A_435, %squeeze3A_427 : f32
          %select_n3A_447 = arith.select %or3A_444, %squeeze3A_433, %squeeze3A_429 : f32
          %select_n3A_448 = arith.select %or3A, %squeeze3A_425, %select_n3A_447 : f32
          %select_n3A_449 = arith.select %or3A_444, %squeeze3A_435, %squeeze3A_431 : f32
          %select_n3A_450 = arith.select %or3A, %squeeze3A_427, %select_n3A_449 : f32
          %slice3A_451 = vector.extract_strided_slice %while3A_261#0 {offsets = [2], sizes = [1], strides = [1]} : vector<16xf32> to vector<1xf32>
          %squeeze3A_452 = vector.extract %slice3A_451[0] : f32 from vector<1xf32>
          %slice3A_453 = vector.extract_strided_slice %while3A_261#1 {offsets = [2], sizes = [1], strides = [1]} : vector<16xf32> to vector<1xf32>
          %squeeze3A_454 = vector.extract %slice3A_453[0] : f32 from vector<1xf32>
          %gt3A_455 = arith.cmpf ogt, %squeeze3A_452, %select_n3A_445 : f32
          %eq3A_456 = arith.cmpf oeq, %squeeze3A_452, %select_n3A_445 : f32
          %lt3A_457 = arith.cmpf olt, %squeeze3A_454, %select_n3A_446 : f32
          %and3A_458 = arith.andi %eq3A_456, %lt3A_457 : i1
          %or3A_459 = arith.ori %gt3A_455, %and3A_458 : i1
          %gt3A_460 = arith.cmpf ogt, %squeeze3A_452, %select_n3A_448 : f32
          %eq3A_461 = arith.cmpf oeq, %squeeze3A_452, %select_n3A_448 : f32
          %lt3A_462 = arith.cmpf olt, %squeeze3A_454, %select_n3A_450 : f32
          %and3A_463 = arith.andi %eq3A_461, %lt3A_462 : i1
          %or3A_464 = arith.ori %gt3A_460, %and3A_463 : i1
          %select_n3A_465 = arith.select %or3A_459, %squeeze3A_452, %select_n3A_445 : f32
          %select_n3A_466 = arith.select %or3A_459, %squeeze3A_454, %select_n3A_446 : f32
          %select_n3A_467 = arith.select %or3A_464, %squeeze3A_452, %select_n3A_448 : f32
          %select_n3A_468 = arith.select %or3A_459, %select_n3A_445, %select_n3A_467 : f32
          %select_n3A_469 = arith.select %or3A_464, %squeeze3A_454, %select_n3A_450 : f32
          %select_n3A_470 = arith.select %or3A_459, %select_n3A_446, %select_n3A_469 : f32
          %slice3A_471 = vector.extract_strided_slice %while3A_261#0 {offsets = [3], sizes = [1], strides = [1]} : vector<16xf32> to vector<1xf32>
          %squeeze3A_472 = vector.extract %slice3A_471[0] : f32 from vector<1xf32>
          %slice3A_473 = vector.extract_strided_slice %while3A_261#1 {offsets = [3], sizes = [1], strides = [1]} : vector<16xf32> to vector<1xf32>
          %squeeze3A_474 = vector.extract %slice3A_473[0] : f32 from vector<1xf32>
          %gt3A_475 = arith.cmpf ogt, %squeeze3A_472, %select_n3A_465 : f32
          %eq3A_476 = arith.cmpf oeq, %squeeze3A_472, %select_n3A_465 : f32
          %lt3A_477 = arith.cmpf olt, %squeeze3A_474, %select_n3A_466 : f32
          %and3A_478 = arith.andi %eq3A_476, %lt3A_477 : i1
          %or3A_479 = arith.ori %gt3A_475, %and3A_478 : i1
          %gt3A_480 = arith.cmpf ogt, %squeeze3A_472, %select_n3A_468 : f32
          %eq3A_481 = arith.cmpf oeq, %squeeze3A_472, %select_n3A_468 : f32
          %lt3A_482 = arith.cmpf olt, %squeeze3A_474, %select_n3A_470 : f32
          %and3A_483 = arith.andi %eq3A_481, %lt3A_482 : i1
          %or3A_484 = arith.ori %gt3A_480, %and3A_483 : i1
          %select_n3A_485 = arith.select %or3A_479, %squeeze3A_472, %select_n3A_465 : f32
          %select_n3A_486 = arith.select %or3A_479, %squeeze3A_474, %select_n3A_466 : f32
          %select_n3A_487 = arith.select %or3A_484, %squeeze3A_472, %select_n3A_468 : f32
          %select_n3A_488 = arith.select %or3A_479, %select_n3A_465, %select_n3A_487 : f32
          %select_n3A_489 = arith.select %or3A_484, %squeeze3A_474, %select_n3A_470 : f32
          %select_n3A_490 = arith.select %or3A_479, %select_n3A_466, %select_n3A_489 : f32
          %slice3A_491 = vector.extract_strided_slice %while3A_261#0 {offsets = [4], sizes = [1], strides = [1]} : vector<16xf32> to vector<1xf32>
          %squeeze3A_492 = vector.extract %slice3A_491[0] : f32 from vector<1xf32>
          %slice3A_493 = vector.extract_strided_slice %while3A_261#1 {offsets = [4], sizes = [1], strides = [1]} : vector<16xf32> to vector<1xf32>
          %squeeze3A_494 = vector.extract %slice3A_493[0] : f32 from vector<1xf32>
          %gt3A_495 = arith.cmpf ogt, %squeeze3A_492, %select_n3A_485 : f32
          %eq3A_496 = arith.cmpf oeq, %squeeze3A_492, %select_n3A_485 : f32
          %lt3A_497 = arith.cmpf olt, %squeeze3A_494, %select_n3A_486 : f32
          %and3A_498 = arith.andi %eq3A_496, %lt3A_497 : i1
          %or3A_499 = arith.ori %gt3A_495, %and3A_498 : i1
          %gt3A_500 = arith.cmpf ogt, %squeeze3A_492, %select_n3A_488 : f32
          %eq3A_501 = arith.cmpf oeq, %squeeze3A_492, %select_n3A_488 : f32
          %lt3A_502 = arith.cmpf olt, %squeeze3A_494, %select_n3A_490 : f32
          %and3A_503 = arith.andi %eq3A_501, %lt3A_502 : i1
          %or3A_504 = arith.ori %gt3A_500, %and3A_503 : i1
          %select_n3A_505 = arith.select %or3A_499, %squeeze3A_492, %select_n3A_485 : f32
          %select_n3A_506 = arith.select %or3A_499, %squeeze3A_494, %select_n3A_486 : f32
          %select_n3A_507 = arith.select %or3A_504, %squeeze3A_492, %select_n3A_488 : f32
          %select_n3A_508 = arith.select %or3A_499, %select_n3A_485, %select_n3A_507 : f32
          %select_n3A_509 = arith.select %or3A_504, %squeeze3A_494, %select_n3A_490 : f32
          %select_n3A_510 = arith.select %or3A_499, %select_n3A_486, %select_n3A_509 : f32
          %slice3A_511 = vector.extract_strided_slice %while3A_261#0 {offsets = [5], sizes = [1], strides = [1]} : vector<16xf32> to vector<1xf32>
          %squeeze3A_512 = vector.extract %slice3A_511[0] : f32 from vector<1xf32>
          %slice3A_513 = vector.extract_strided_slice %while3A_261#1 {offsets = [5], sizes = [1], strides = [1]} : vector<16xf32> to vector<1xf32>
          %squeeze3A_514 = vector.extract %slice3A_513[0] : f32 from vector<1xf32>
          %gt3A_515 = arith.cmpf ogt, %squeeze3A_512, %select_n3A_505 : f32
          %eq3A_516 = arith.cmpf oeq, %squeeze3A_512, %select_n3A_505 : f32
          %lt3A_517 = arith.cmpf olt, %squeeze3A_514, %select_n3A_506 : f32
          %and3A_518 = arith.andi %eq3A_516, %lt3A_517 : i1
          %or3A_519 = arith.ori %gt3A_515, %and3A_518 : i1
          %gt3A_520 = arith.cmpf ogt, %squeeze3A_512, %select_n3A_508 : f32
          %eq3A_521 = arith.cmpf oeq, %squeeze3A_512, %select_n3A_508 : f32
          %lt3A_522 = arith.cmpf olt, %squeeze3A_514, %select_n3A_510 : f32
          %and3A_523 = arith.andi %eq3A_521, %lt3A_522 : i1
          %or3A_524 = arith.ori %gt3A_520, %and3A_523 : i1
          %select_n3A_525 = arith.select %or3A_519, %squeeze3A_512, %select_n3A_505 : f32
          %select_n3A_526 = arith.select %or3A_519, %squeeze3A_514, %select_n3A_506 : f32
          %select_n3A_527 = arith.select %or3A_524, %squeeze3A_512, %select_n3A_508 : f32
          %select_n3A_528 = arith.select %or3A_519, %select_n3A_505, %select_n3A_527 : f32
          %select_n3A_529 = arith.select %or3A_524, %squeeze3A_514, %select_n3A_510 : f32
          %select_n3A_530 = arith.select %or3A_519, %select_n3A_506, %select_n3A_529 : f32
          %slice3A_531 = vector.extract_strided_slice %while3A_261#0 {offsets = [6], sizes = [1], strides = [1]} : vector<16xf32> to vector<1xf32>
          %squeeze3A_532 = vector.extract %slice3A_531[0] : f32 from vector<1xf32>
          %slice3A_533 = vector.extract_strided_slice %while3A_261#1 {offsets = [6], sizes = [1], strides = [1]} : vector<16xf32> to vector<1xf32>
          %squeeze3A_534 = vector.extract %slice3A_533[0] : f32 from vector<1xf32>
          %gt3A_535 = arith.cmpf ogt, %squeeze3A_532, %select_n3A_525 : f32
          %eq3A_536 = arith.cmpf oeq, %squeeze3A_532, %select_n3A_525 : f32
          %lt3A_537 = arith.cmpf olt, %squeeze3A_534, %select_n3A_526 : f32
          %and3A_538 = arith.andi %eq3A_536, %lt3A_537 : i1
          %or3A_539 = arith.ori %gt3A_535, %and3A_538 : i1
          %gt3A_540 = arith.cmpf ogt, %squeeze3A_532, %select_n3A_528 : f32
          %eq3A_541 = arith.cmpf oeq, %squeeze3A_532, %select_n3A_528 : f32
          %lt3A_542 = arith.cmpf olt, %squeeze3A_534, %select_n3A_530 : f32
          %and3A_543 = arith.andi %eq3A_541, %lt3A_542 : i1
          %or3A_544 = arith.ori %gt3A_540, %and3A_543 : i1
          %select_n3A_545 = arith.select %or3A_539, %squeeze3A_532, %select_n3A_525 : f32
          %select_n3A_546 = arith.select %or3A_539, %squeeze3A_534, %select_n3A_526 : f32
          %select_n3A_547 = arith.select %or3A_544, %squeeze3A_532, %select_n3A_528 : f32
          %select_n3A_548 = arith.select %or3A_539, %select_n3A_525, %select_n3A_547 : f32
          %select_n3A_549 = arith.select %or3A_544, %squeeze3A_534, %select_n3A_530 : f32
          %select_n3A_550 = arith.select %or3A_539, %select_n3A_526, %select_n3A_549 : f32
          %slice3A_551 = vector.extract_strided_slice %while3A_261#0 {offsets = [7], sizes = [1], strides = [1]} : vector<16xf32> to vector<1xf32>
          %squeeze3A_552 = vector.extract %slice3A_551[0] : f32 from vector<1xf32>
          %slice3A_553 = vector.extract_strided_slice %while3A_261#1 {offsets = [7], sizes = [1], strides = [1]} : vector<16xf32> to vector<1xf32>
          %squeeze3A_554 = vector.extract %slice3A_553[0] : f32 from vector<1xf32>
          %gt3A_555 = arith.cmpf ogt, %squeeze3A_552, %select_n3A_545 : f32
          %eq3A_556 = arith.cmpf oeq, %squeeze3A_552, %select_n3A_545 : f32
          %lt3A_557 = arith.cmpf olt, %squeeze3A_554, %select_n3A_546 : f32
          %and3A_558 = arith.andi %eq3A_556, %lt3A_557 : i1
          %or3A_559 = arith.ori %gt3A_555, %and3A_558 : i1
          %gt3A_560 = arith.cmpf ogt, %squeeze3A_552, %select_n3A_548 : f32
          %eq3A_561 = arith.cmpf oeq, %squeeze3A_552, %select_n3A_548 : f32
          %lt3A_562 = arith.cmpf olt, %squeeze3A_554, %select_n3A_550 : f32
          %and3A_563 = arith.andi %eq3A_561, %lt3A_562 : i1
          %or3A_564 = arith.ori %gt3A_560, %and3A_563 : i1
          %select_n3A_565 = arith.select %or3A_559, %squeeze3A_552, %select_n3A_545 : f32
          %select_n3A_566 = arith.select %or3A_559, %squeeze3A_554, %select_n3A_546 : f32
          %select_n3A_567 = arith.select %or3A_564, %squeeze3A_552, %select_n3A_548 : f32
          %select_n3A_568 = arith.select %or3A_559, %select_n3A_545, %select_n3A_567 : f32
          %select_n3A_569 = arith.select %or3A_564, %squeeze3A_554, %select_n3A_550 : f32
          %select_n3A_570 = arith.select %or3A_559, %select_n3A_546, %select_n3A_569 : f32
          %slice3A_571 = vector.extract_strided_slice %while3A_261#0 {offsets = [8], sizes = [1], strides = [1]} : vector<16xf32> to vector<1xf32>
          %squeeze3A_572 = vector.extract %slice3A_571[0] : f32 from vector<1xf32>
          %slice3A_573 = vector.extract_strided_slice %while3A_261#1 {offsets = [8], sizes = [1], strides = [1]} : vector<16xf32> to vector<1xf32>
          %squeeze3A_574 = vector.extract %slice3A_573[0] : f32 from vector<1xf32>
          %gt3A_575 = arith.cmpf ogt, %squeeze3A_572, %select_n3A_565 : f32
          %eq3A_576 = arith.cmpf oeq, %squeeze3A_572, %select_n3A_565 : f32
          %lt3A_577 = arith.cmpf olt, %squeeze3A_574, %select_n3A_566 : f32
          %and3A_578 = arith.andi %eq3A_576, %lt3A_577 : i1
          %or3A_579 = arith.ori %gt3A_575, %and3A_578 : i1
          %gt3A_580 = arith.cmpf ogt, %squeeze3A_572, %select_n3A_568 : f32
          %eq3A_581 = arith.cmpf oeq, %squeeze3A_572, %select_n3A_568 : f32
          %lt3A_582 = arith.cmpf olt, %squeeze3A_574, %select_n3A_570 : f32
          %and3A_583 = arith.andi %eq3A_581, %lt3A_582 : i1
          %or3A_584 = arith.ori %gt3A_580, %and3A_583 : i1
          %select_n3A_585 = arith.select %or3A_579, %squeeze3A_572, %select_n3A_565 : f32
          %select_n3A_586 = arith.select %or3A_579, %squeeze3A_574, %select_n3A_566 : f32
          %select_n3A_587 = arith.select %or3A_584, %squeeze3A_572, %select_n3A_568 : f32
          %select_n3A_588 = arith.select %or3A_579, %select_n3A_565, %select_n3A_587 : f32
          %select_n3A_589 = arith.select %or3A_584, %squeeze3A_574, %select_n3A_570 : f32
          %select_n3A_590 = arith.select %or3A_579, %select_n3A_566, %select_n3A_589 : f32
          %slice3A_591 = vector.extract_strided_slice %while3A_261#0 {offsets = [9], sizes = [1], strides = [1]} : vector<16xf32> to vector<1xf32>
          %squeeze3A_592 = vector.extract %slice3A_591[0] : f32 from vector<1xf32>
          %slice3A_593 = vector.extract_strided_slice %while3A_261#1 {offsets = [9], sizes = [1], strides = [1]} : vector<16xf32> to vector<1xf32>
          %squeeze3A_594 = vector.extract %slice3A_593[0] : f32 from vector<1xf32>
          %gt3A_595 = arith.cmpf ogt, %squeeze3A_592, %select_n3A_585 : f32
          %eq3A_596 = arith.cmpf oeq, %squeeze3A_592, %select_n3A_585 : f32
          %lt3A_597 = arith.cmpf olt, %squeeze3A_594, %select_n3A_586 : f32
          %and3A_598 = arith.andi %eq3A_596, %lt3A_597 : i1
          %or3A_599 = arith.ori %gt3A_595, %and3A_598 : i1
          %gt3A_600 = arith.cmpf ogt, %squeeze3A_592, %select_n3A_588 : f32
          %eq3A_601 = arith.cmpf oeq, %squeeze3A_592, %select_n3A_588 : f32
          %lt3A_602 = arith.cmpf olt, %squeeze3A_594, %select_n3A_590 : f32
          %and3A_603 = arith.andi %eq3A_601, %lt3A_602 : i1
          %or3A_604 = arith.ori %gt3A_600, %and3A_603 : i1
          %select_n3A_605 = arith.select %or3A_599, %squeeze3A_592, %select_n3A_585 : f32
          %select_n3A_606 = arith.select %or3A_599, %squeeze3A_594, %select_n3A_586 : f32
          %select_n3A_607 = arith.select %or3A_604, %squeeze3A_592, %select_n3A_588 : f32
          %select_n3A_608 = arith.select %or3A_599, %select_n3A_585, %select_n3A_607 : f32
          %select_n3A_609 = arith.select %or3A_604, %squeeze3A_594, %select_n3A_590 : f32
          %select_n3A_610 = arith.select %or3A_599, %select_n3A_586, %select_n3A_609 : f32
          %slice3A_611 = vector.extract_strided_slice %while3A_261#0 {offsets = [10], sizes = [1], strides = [1]} : vector<16xf32> to vector<1xf32>
          %squeeze3A_612 = vector.extract %slice3A_611[0] : f32 from vector<1xf32>
          %slice3A_613 = vector.extract_strided_slice %while3A_261#1 {offsets = [10], sizes = [1], strides = [1]} : vector<16xf32> to vector<1xf32>
          %squeeze3A_614 = vector.extract %slice3A_613[0] : f32 from vector<1xf32>
          %gt3A_615 = arith.cmpf ogt, %squeeze3A_612, %select_n3A_605 : f32
          %eq3A_616 = arith.cmpf oeq, %squeeze3A_612, %select_n3A_605 : f32
          %lt3A_617 = arith.cmpf olt, %squeeze3A_614, %select_n3A_606 : f32
          %and3A_618 = arith.andi %eq3A_616, %lt3A_617 : i1
          %or3A_619 = arith.ori %gt3A_615, %and3A_618 : i1
          %gt3A_620 = arith.cmpf ogt, %squeeze3A_612, %select_n3A_608 : f32
          %eq3A_621 = arith.cmpf oeq, %squeeze3A_612, %select_n3A_608 : f32
          %lt3A_622 = arith.cmpf olt, %squeeze3A_614, %select_n3A_610 : f32
          %and3A_623 = arith.andi %eq3A_621, %lt3A_622 : i1
          %or3A_624 = arith.ori %gt3A_620, %and3A_623 : i1
          %select_n3A_625 = arith.select %or3A_619, %squeeze3A_612, %select_n3A_605 : f32
          %select_n3A_626 = arith.select %or3A_619, %squeeze3A_614, %select_n3A_606 : f32
          %select_n3A_627 = arith.select %or3A_624, %squeeze3A_612, %select_n3A_608 : f32
          %select_n3A_628 = arith.select %or3A_619, %select_n3A_605, %select_n3A_627 : f32
          %select_n3A_629 = arith.select %or3A_624, %squeeze3A_614, %select_n3A_610 : f32
          %select_n3A_630 = arith.select %or3A_619, %select_n3A_606, %select_n3A_629 : f32
          %slice3A_631 = vector.extract_strided_slice %while3A_261#0 {offsets = [11], sizes = [1], strides = [1]} : vector<16xf32> to vector<1xf32>
          %squeeze3A_632 = vector.extract %slice3A_631[0] : f32 from vector<1xf32>
          %slice3A_633 = vector.extract_strided_slice %while3A_261#1 {offsets = [11], sizes = [1], strides = [1]} : vector<16xf32> to vector<1xf32>
          %squeeze3A_634 = vector.extract %slice3A_633[0] : f32 from vector<1xf32>
          %gt3A_635 = arith.cmpf ogt, %squeeze3A_632, %select_n3A_625 : f32
          %eq3A_636 = arith.cmpf oeq, %squeeze3A_632, %select_n3A_625 : f32
          %lt3A_637 = arith.cmpf olt, %squeeze3A_634, %select_n3A_626 : f32
          %and3A_638 = arith.andi %eq3A_636, %lt3A_637 : i1
          %or3A_639 = arith.ori %gt3A_635, %and3A_638 : i1
          %gt3A_640 = arith.cmpf ogt, %squeeze3A_632, %select_n3A_628 : f32
          %eq3A_641 = arith.cmpf oeq, %squeeze3A_632, %select_n3A_628 : f32
          %lt3A_642 = arith.cmpf olt, %squeeze3A_634, %select_n3A_630 : f32
          %and3A_643 = arith.andi %eq3A_641, %lt3A_642 : i1
          %or3A_644 = arith.ori %gt3A_640, %and3A_643 : i1
          %select_n3A_645 = arith.select %or3A_639, %squeeze3A_632, %select_n3A_625 : f32
          %select_n3A_646 = arith.select %or3A_639, %squeeze3A_634, %select_n3A_626 : f32
          %select_n3A_647 = arith.select %or3A_644, %squeeze3A_632, %select_n3A_628 : f32
          %select_n3A_648 = arith.select %or3A_639, %select_n3A_625, %select_n3A_647 : f32
          %select_n3A_649 = arith.select %or3A_644, %squeeze3A_634, %select_n3A_630 : f32
          %select_n3A_650 = arith.select %or3A_639, %select_n3A_626, %select_n3A_649 : f32
          %slice3A_651 = vector.extract_strided_slice %while3A_261#0 {offsets = [12], sizes = [1], strides = [1]} : vector<16xf32> to vector<1xf32>
          %squeeze3A_652 = vector.extract %slice3A_651[0] : f32 from vector<1xf32>
          %slice3A_653 = vector.extract_strided_slice %while3A_261#1 {offsets = [12], sizes = [1], strides = [1]} : vector<16xf32> to vector<1xf32>
          %squeeze3A_654 = vector.extract %slice3A_653[0] : f32 from vector<1xf32>
          %gt3A_655 = arith.cmpf ogt, %squeeze3A_652, %select_n3A_645 : f32
          %eq3A_656 = arith.cmpf oeq, %squeeze3A_652, %select_n3A_645 : f32
          %lt3A_657 = arith.cmpf olt, %squeeze3A_654, %select_n3A_646 : f32
          %and3A_658 = arith.andi %eq3A_656, %lt3A_657 : i1
          %or3A_659 = arith.ori %gt3A_655, %and3A_658 : i1
          %gt3A_660 = arith.cmpf ogt, %squeeze3A_652, %select_n3A_648 : f32
          %eq3A_661 = arith.cmpf oeq, %squeeze3A_652, %select_n3A_648 : f32
          %lt3A_662 = arith.cmpf olt, %squeeze3A_654, %select_n3A_650 : f32
          %and3A_663 = arith.andi %eq3A_661, %lt3A_662 : i1
          %or3A_664 = arith.ori %gt3A_660, %and3A_663 : i1
          %select_n3A_665 = arith.select %or3A_659, %squeeze3A_652, %select_n3A_645 : f32
          %select_n3A_666 = arith.select %or3A_659, %squeeze3A_654, %select_n3A_646 : f32
          %select_n3A_667 = arith.select %or3A_664, %squeeze3A_652, %select_n3A_648 : f32
          %select_n3A_668 = arith.select %or3A_659, %select_n3A_645, %select_n3A_667 : f32
          %select_n3A_669 = arith.select %or3A_664, %squeeze3A_654, %select_n3A_650 : f32
          %select_n3A_670 = arith.select %or3A_659, %select_n3A_646, %select_n3A_669 : f32
          %slice3A_671 = vector.extract_strided_slice %while3A_261#0 {offsets = [13], sizes = [1], strides = [1]} : vector<16xf32> to vector<1xf32>
          %squeeze3A_672 = vector.extract %slice3A_671[0] : f32 from vector<1xf32>
          %slice3A_673 = vector.extract_strided_slice %while3A_261#1 {offsets = [13], sizes = [1], strides = [1]} : vector<16xf32> to vector<1xf32>
          %squeeze3A_674 = vector.extract %slice3A_673[0] : f32 from vector<1xf32>
          %gt3A_675 = arith.cmpf ogt, %squeeze3A_672, %select_n3A_665 : f32
          %eq3A_676 = arith.cmpf oeq, %squeeze3A_672, %select_n3A_665 : f32
          %lt3A_677 = arith.cmpf olt, %squeeze3A_674, %select_n3A_666 : f32
          %and3A_678 = arith.andi %eq3A_676, %lt3A_677 : i1
          %or3A_679 = arith.ori %gt3A_675, %and3A_678 : i1
          %gt3A_680 = arith.cmpf ogt, %squeeze3A_672, %select_n3A_668 : f32
          %eq3A_681 = arith.cmpf oeq, %squeeze3A_672, %select_n3A_668 : f32
          %lt3A_682 = arith.cmpf olt, %squeeze3A_674, %select_n3A_670 : f32
          %and3A_683 = arith.andi %eq3A_681, %lt3A_682 : i1
          %or3A_684 = arith.ori %gt3A_680, %and3A_683 : i1
          %select_n3A_685 = arith.select %or3A_679, %squeeze3A_672, %select_n3A_665 : f32
          %select_n3A_686 = arith.select %or3A_679, %squeeze3A_674, %select_n3A_666 : f32
          %select_n3A_687 = arith.select %or3A_684, %squeeze3A_672, %select_n3A_668 : f32
          %select_n3A_688 = arith.select %or3A_679, %select_n3A_665, %select_n3A_687 : f32
          %select_n3A_689 = arith.select %or3A_684, %squeeze3A_674, %select_n3A_670 : f32
          %select_n3A_690 = arith.select %or3A_679, %select_n3A_666, %select_n3A_689 : f32
          %slice3A_691 = vector.extract_strided_slice %while3A_261#0 {offsets = [14], sizes = [1], strides = [1]} : vector<16xf32> to vector<1xf32>
          %squeeze3A_692 = vector.extract %slice3A_691[0] : f32 from vector<1xf32>
          %slice3A_693 = vector.extract_strided_slice %while3A_261#1 {offsets = [14], sizes = [1], strides = [1]} : vector<16xf32> to vector<1xf32>
          %squeeze3A_694 = vector.extract %slice3A_693[0] : f32 from vector<1xf32>
          %gt3A_695 = arith.cmpf ogt, %squeeze3A_692, %select_n3A_685 : f32
          %eq3A_696 = arith.cmpf oeq, %squeeze3A_692, %select_n3A_685 : f32
          %lt3A_697 = arith.cmpf olt, %squeeze3A_694, %select_n3A_686 : f32
          %and3A_698 = arith.andi %eq3A_696, %lt3A_697 : i1
          %or3A_699 = arith.ori %gt3A_695, %and3A_698 : i1
          %gt3A_700 = arith.cmpf ogt, %squeeze3A_692, %select_n3A_688 : f32
          %eq3A_701 = arith.cmpf oeq, %squeeze3A_692, %select_n3A_688 : f32
          %lt3A_702 = arith.cmpf olt, %squeeze3A_694, %select_n3A_690 : f32
          %and3A_703 = arith.andi %eq3A_701, %lt3A_702 : i1
          %or3A_704 = arith.ori %gt3A_700, %and3A_703 : i1
          %select_n3A_705 = arith.select %or3A_699, %squeeze3A_692, %select_n3A_685 : f32
          %select_n3A_706 = arith.select %or3A_699, %squeeze3A_694, %select_n3A_686 : f32
          %select_n3A_707 = arith.select %or3A_704, %squeeze3A_692, %select_n3A_688 : f32
          %select_n3A_708 = arith.select %or3A_699, %select_n3A_685, %select_n3A_707 : f32
          %select_n3A_709 = arith.select %or3A_704, %squeeze3A_694, %select_n3A_690 : f32
          %select_n3A_710 = arith.select %or3A_699, %select_n3A_686, %select_n3A_709 : f32
          %slice3A_711 = vector.extract_strided_slice %while3A_261#0 {offsets = [15], sizes = [1], strides = [1]} : vector<16xf32> to vector<1xf32>
          %squeeze3A_712 = vector.extract %slice3A_711[0] : f32 from vector<1xf32>
          %slice3A_713 = vector.extract_strided_slice %while3A_261#1 {offsets = [15], sizes = [1], strides = [1]} : vector<16xf32> to vector<1xf32>
          %squeeze3A_714 = vector.extract %slice3A_713[0] : f32 from vector<1xf32>
          %gt3A_715 = arith.cmpf ogt, %squeeze3A_712, %select_n3A_705 : f32
          %eq3A_716 = arith.cmpf oeq, %squeeze3A_712, %select_n3A_705 : f32
          %lt3A_717 = arith.cmpf olt, %squeeze3A_714, %select_n3A_706 : f32
          %and3A_718 = arith.andi %eq3A_716, %lt3A_717 : i1
          %or3A_719 = arith.ori %gt3A_715, %and3A_718 : i1
          %gt3A_720 = arith.cmpf ogt, %squeeze3A_712, %select_n3A_708 : f32
          %eq3A_721 = arith.cmpf oeq, %squeeze3A_712, %select_n3A_708 : f32
          %lt3A_722 = arith.cmpf olt, %squeeze3A_714, %select_n3A_710 : f32
          %and3A_723 = arith.andi %eq3A_721, %lt3A_722 : i1
          %or3A_724 = arith.ori %gt3A_720, %and3A_723 : i1
          %select_n3A_725 = arith.select %or3A_719, %squeeze3A_712, %select_n3A_705 : f32
          %select_n3A_726 = arith.select %or3A_719, %squeeze3A_714, %select_n3A_706 : f32
          %select_n3A_727 = arith.select %or3A_724, %squeeze3A_712, %select_n3A_708 : f32
          %select_n3A_728 = arith.select %or3A_719, %select_n3A_705, %select_n3A_727 : f32
          %select_n3A_729 = arith.select %or3A_724, %squeeze3A_714, %select_n3A_710 : f32
          %select_n3A_730 = arith.select %or3A_719, %select_n3A_706, %select_n3A_729 : f32
          %slice3A_731 = vector.extract_strided_slice %while3A_261#2 {offsets = [0], sizes = [1], strides = [1]} : vector<16xf32> to vector<1xf32>
          %squeeze3A_732 = vector.extract %slice3A_731[0] : f32 from vector<1xf32>
          %slice3A_733 = vector.extract_strided_slice %while3A_261#3 {offsets = [0], sizes = [1], strides = [1]} : vector<16xf32> to vector<1xf32>
          %squeeze3A_734 = vector.extract %slice3A_733[0] : f32 from vector<1xf32>
          %gt3A_735 = arith.cmpf ogt, %squeeze3A_732, %select_n3A_725 : f32
          %eq3A_736 = arith.cmpf oeq, %squeeze3A_732, %select_n3A_725 : f32
          %lt3A_737 = arith.cmpf olt, %squeeze3A_734, %select_n3A_726 : f32
          %and3A_738 = arith.andi %eq3A_736, %lt3A_737 : i1
          %or3A_739 = arith.ori %gt3A_735, %and3A_738 : i1
          %gt3A_740 = arith.cmpf ogt, %squeeze3A_732, %select_n3A_728 : f32
          %eq3A_741 = arith.cmpf oeq, %squeeze3A_732, %select_n3A_728 : f32
          %lt3A_742 = arith.cmpf olt, %squeeze3A_734, %select_n3A_730 : f32
          %and3A_743 = arith.andi %eq3A_741, %lt3A_742 : i1
          %or3A_744 = arith.ori %gt3A_740, %and3A_743 : i1
          %select_n3A_745 = arith.select %or3A_739, %squeeze3A_732, %select_n3A_725 : f32
          %select_n3A_746 = arith.select %or3A_739, %squeeze3A_734, %select_n3A_726 : f32
          %select_n3A_747 = arith.select %or3A_744, %squeeze3A_732, %select_n3A_728 : f32
          %select_n3A_748 = arith.select %or3A_739, %select_n3A_725, %select_n3A_747 : f32
          %select_n3A_749 = arith.select %or3A_744, %squeeze3A_734, %select_n3A_730 : f32
          %select_n3A_750 = arith.select %or3A_739, %select_n3A_726, %select_n3A_749 : f32
          %slice3A_751 = vector.extract_strided_slice %while3A_261#2 {offsets = [1], sizes = [1], strides = [1]} : vector<16xf32> to vector<1xf32>
          %squeeze3A_752 = vector.extract %slice3A_751[0] : f32 from vector<1xf32>
          %slice3A_753 = vector.extract_strided_slice %while3A_261#3 {offsets = [1], sizes = [1], strides = [1]} : vector<16xf32> to vector<1xf32>
          %squeeze3A_754 = vector.extract %slice3A_753[0] : f32 from vector<1xf32>
          %gt3A_755 = arith.cmpf ogt, %squeeze3A_752, %select_n3A_745 : f32
          %eq3A_756 = arith.cmpf oeq, %squeeze3A_752, %select_n3A_745 : f32
          %lt3A_757 = arith.cmpf olt, %squeeze3A_754, %select_n3A_746 : f32
          %and3A_758 = arith.andi %eq3A_756, %lt3A_757 : i1
          %or3A_759 = arith.ori %gt3A_755, %and3A_758 : i1
          %gt3A_760 = arith.cmpf ogt, %squeeze3A_752, %select_n3A_748 : f32
          %eq3A_761 = arith.cmpf oeq, %squeeze3A_752, %select_n3A_748 : f32
          %lt3A_762 = arith.cmpf olt, %squeeze3A_754, %select_n3A_750 : f32
          %and3A_763 = arith.andi %eq3A_761, %lt3A_762 : i1
          %or3A_764 = arith.ori %gt3A_760, %and3A_763 : i1
          %select_n3A_765 = arith.select %or3A_759, %squeeze3A_752, %select_n3A_745 : f32
          %select_n3A_766 = arith.select %or3A_759, %squeeze3A_754, %select_n3A_746 : f32
          %select_n3A_767 = arith.select %or3A_764, %squeeze3A_752, %select_n3A_748 : f32
          %select_n3A_768 = arith.select %or3A_759, %select_n3A_745, %select_n3A_767 : f32
          %select_n3A_769 = arith.select %or3A_764, %squeeze3A_754, %select_n3A_750 : f32
          %select_n3A_770 = arith.select %or3A_759, %select_n3A_746, %select_n3A_769 : f32
          %slice3A_771 = vector.extract_strided_slice %while3A_261#2 {offsets = [2], sizes = [1], strides = [1]} : vector<16xf32> to vector<1xf32>
          %squeeze3A_772 = vector.extract %slice3A_771[0] : f32 from vector<1xf32>
          %slice3A_773 = vector.extract_strided_slice %while3A_261#3 {offsets = [2], sizes = [1], strides = [1]} : vector<16xf32> to vector<1xf32>
          %squeeze3A_774 = vector.extract %slice3A_773[0] : f32 from vector<1xf32>
          %gt3A_775 = arith.cmpf ogt, %squeeze3A_772, %select_n3A_765 : f32
          %eq3A_776 = arith.cmpf oeq, %squeeze3A_772, %select_n3A_765 : f32
          %lt3A_777 = arith.cmpf olt, %squeeze3A_774, %select_n3A_766 : f32
          %and3A_778 = arith.andi %eq3A_776, %lt3A_777 : i1
          %or3A_779 = arith.ori %gt3A_775, %and3A_778 : i1
          %gt3A_780 = arith.cmpf ogt, %squeeze3A_772, %select_n3A_768 : f32
          %eq3A_781 = arith.cmpf oeq, %squeeze3A_772, %select_n3A_768 : f32
          %lt3A_782 = arith.cmpf olt, %squeeze3A_774, %select_n3A_770 : f32
          %and3A_783 = arith.andi %eq3A_781, %lt3A_782 : i1
          %or3A_784 = arith.ori %gt3A_780, %and3A_783 : i1
          %select_n3A_785 = arith.select %or3A_779, %squeeze3A_772, %select_n3A_765 : f32
          %select_n3A_786 = arith.select %or3A_779, %squeeze3A_774, %select_n3A_766 : f32
          %select_n3A_787 = arith.select %or3A_784, %squeeze3A_772, %select_n3A_768 : f32
          %select_n3A_788 = arith.select %or3A_779, %select_n3A_765, %select_n3A_787 : f32
          %select_n3A_789 = arith.select %or3A_784, %squeeze3A_774, %select_n3A_770 : f32
          %select_n3A_790 = arith.select %or3A_779, %select_n3A_766, %select_n3A_789 : f32
          %slice3A_791 = vector.extract_strided_slice %while3A_261#2 {offsets = [3], sizes = [1], strides = [1]} : vector<16xf32> to vector<1xf32>
          %squeeze3A_792 = vector.extract %slice3A_791[0] : f32 from vector<1xf32>
          %slice3A_793 = vector.extract_strided_slice %while3A_261#3 {offsets = [3], sizes = [1], strides = [1]} : vector<16xf32> to vector<1xf32>
          %squeeze3A_794 = vector.extract %slice3A_793[0] : f32 from vector<1xf32>
          %gt3A_795 = arith.cmpf ogt, %squeeze3A_792, %select_n3A_785 : f32
          %eq3A_796 = arith.cmpf oeq, %squeeze3A_792, %select_n3A_785 : f32
          %lt3A_797 = arith.cmpf olt, %squeeze3A_794, %select_n3A_786 : f32
          %and3A_798 = arith.andi %eq3A_796, %lt3A_797 : i1
          %or3A_799 = arith.ori %gt3A_795, %and3A_798 : i1
          %gt3A_800 = arith.cmpf ogt, %squeeze3A_792, %select_n3A_788 : f32
          %eq3A_801 = arith.cmpf oeq, %squeeze3A_792, %select_n3A_788 : f32
          %lt3A_802 = arith.cmpf olt, %squeeze3A_794, %select_n3A_790 : f32
          %and3A_803 = arith.andi %eq3A_801, %lt3A_802 : i1
          %or3A_804 = arith.ori %gt3A_800, %and3A_803 : i1
          %select_n3A_805 = arith.select %or3A_799, %squeeze3A_792, %select_n3A_785 : f32
          %select_n3A_806 = arith.select %or3A_799, %squeeze3A_794, %select_n3A_786 : f32
          %select_n3A_807 = arith.select %or3A_804, %squeeze3A_792, %select_n3A_788 : f32
          %select_n3A_808 = arith.select %or3A_799, %select_n3A_785, %select_n3A_807 : f32
          %select_n3A_809 = arith.select %or3A_804, %squeeze3A_794, %select_n3A_790 : f32
          %select_n3A_810 = arith.select %or3A_799, %select_n3A_786, %select_n3A_809 : f32
          %slice3A_811 = vector.extract_strided_slice %while3A_261#2 {offsets = [4], sizes = [1], strides = [1]} : vector<16xf32> to vector<1xf32>
          %squeeze3A_812 = vector.extract %slice3A_811[0] : f32 from vector<1xf32>
          %slice3A_813 = vector.extract_strided_slice %while3A_261#3 {offsets = [4], sizes = [1], strides = [1]} : vector<16xf32> to vector<1xf32>
          %squeeze3A_814 = vector.extract %slice3A_813[0] : f32 from vector<1xf32>
          %gt3A_815 = arith.cmpf ogt, %squeeze3A_812, %select_n3A_805 : f32
          %eq3A_816 = arith.cmpf oeq, %squeeze3A_812, %select_n3A_805 : f32
          %lt3A_817 = arith.cmpf olt, %squeeze3A_814, %select_n3A_806 : f32
          %and3A_818 = arith.andi %eq3A_816, %lt3A_817 : i1
          %or3A_819 = arith.ori %gt3A_815, %and3A_818 : i1
          %gt3A_820 = arith.cmpf ogt, %squeeze3A_812, %select_n3A_808 : f32
          %eq3A_821 = arith.cmpf oeq, %squeeze3A_812, %select_n3A_808 : f32
          %lt3A_822 = arith.cmpf olt, %squeeze3A_814, %select_n3A_810 : f32
          %and3A_823 = arith.andi %eq3A_821, %lt3A_822 : i1
          %or3A_824 = arith.ori %gt3A_820, %and3A_823 : i1
          %select_n3A_825 = arith.select %or3A_819, %squeeze3A_812, %select_n3A_805 : f32
          %select_n3A_826 = arith.select %or3A_819, %squeeze3A_814, %select_n3A_806 : f32
          %select_n3A_827 = arith.select %or3A_824, %squeeze3A_812, %select_n3A_808 : f32
          %select_n3A_828 = arith.select %or3A_819, %select_n3A_805, %select_n3A_827 : f32
          %select_n3A_829 = arith.select %or3A_824, %squeeze3A_814, %select_n3A_810 : f32
          %select_n3A_830 = arith.select %or3A_819, %select_n3A_806, %select_n3A_829 : f32
          %slice3A_831 = vector.extract_strided_slice %while3A_261#2 {offsets = [5], sizes = [1], strides = [1]} : vector<16xf32> to vector<1xf32>
          %squeeze3A_832 = vector.extract %slice3A_831[0] : f32 from vector<1xf32>
          %slice3A_833 = vector.extract_strided_slice %while3A_261#3 {offsets = [5], sizes = [1], strides = [1]} : vector<16xf32> to vector<1xf32>
          %squeeze3A_834 = vector.extract %slice3A_833[0] : f32 from vector<1xf32>
          %gt3A_835 = arith.cmpf ogt, %squeeze3A_832, %select_n3A_825 : f32
          %eq3A_836 = arith.cmpf oeq, %squeeze3A_832, %select_n3A_825 : f32
          %lt3A_837 = arith.cmpf olt, %squeeze3A_834, %select_n3A_826 : f32
          %and3A_838 = arith.andi %eq3A_836, %lt3A_837 : i1
          %or3A_839 = arith.ori %gt3A_835, %and3A_838 : i1
          %gt3A_840 = arith.cmpf ogt, %squeeze3A_832, %select_n3A_828 : f32
          %eq3A_841 = arith.cmpf oeq, %squeeze3A_832, %select_n3A_828 : f32
          %lt3A_842 = arith.cmpf olt, %squeeze3A_834, %select_n3A_830 : f32
          %and3A_843 = arith.andi %eq3A_841, %lt3A_842 : i1
          %or3A_844 = arith.ori %gt3A_840, %and3A_843 : i1
          %select_n3A_845 = arith.select %or3A_839, %squeeze3A_832, %select_n3A_825 : f32
          %select_n3A_846 = arith.select %or3A_839, %squeeze3A_834, %select_n3A_826 : f32
          %select_n3A_847 = arith.select %or3A_844, %squeeze3A_832, %select_n3A_828 : f32
          %select_n3A_848 = arith.select %or3A_839, %select_n3A_825, %select_n3A_847 : f32
          %select_n3A_849 = arith.select %or3A_844, %squeeze3A_834, %select_n3A_830 : f32
          %select_n3A_850 = arith.select %or3A_839, %select_n3A_826, %select_n3A_849 : f32
          %slice3A_851 = vector.extract_strided_slice %while3A_261#2 {offsets = [6], sizes = [1], strides = [1]} : vector<16xf32> to vector<1xf32>
          %squeeze3A_852 = vector.extract %slice3A_851[0] : f32 from vector<1xf32>
          %slice3A_853 = vector.extract_strided_slice %while3A_261#3 {offsets = [6], sizes = [1], strides = [1]} : vector<16xf32> to vector<1xf32>
          %squeeze3A_854 = vector.extract %slice3A_853[0] : f32 from vector<1xf32>
          %gt3A_855 = arith.cmpf ogt, %squeeze3A_852, %select_n3A_845 : f32
          %eq3A_856 = arith.cmpf oeq, %squeeze3A_852, %select_n3A_845 : f32
          %lt3A_857 = arith.cmpf olt, %squeeze3A_854, %select_n3A_846 : f32
          %and3A_858 = arith.andi %eq3A_856, %lt3A_857 : i1
          %or3A_859 = arith.ori %gt3A_855, %and3A_858 : i1
          %gt3A_860 = arith.cmpf ogt, %squeeze3A_852, %select_n3A_848 : f32
          %eq3A_861 = arith.cmpf oeq, %squeeze3A_852, %select_n3A_848 : f32
          %lt3A_862 = arith.cmpf olt, %squeeze3A_854, %select_n3A_850 : f32
          %and3A_863 = arith.andi %eq3A_861, %lt3A_862 : i1
          %or3A_864 = arith.ori %gt3A_860, %and3A_863 : i1
          %select_n3A_865 = arith.select %or3A_859, %squeeze3A_852, %select_n3A_845 : f32
          %select_n3A_866 = arith.select %or3A_859, %squeeze3A_854, %select_n3A_846 : f32
          %select_n3A_867 = arith.select %or3A_864, %squeeze3A_852, %select_n3A_848 : f32
          %select_n3A_868 = arith.select %or3A_859, %select_n3A_845, %select_n3A_867 : f32
          %select_n3A_869 = arith.select %or3A_864, %squeeze3A_854, %select_n3A_850 : f32
          %select_n3A_870 = arith.select %or3A_859, %select_n3A_846, %select_n3A_869 : f32
          %slice3A_871 = vector.extract_strided_slice %while3A_261#2 {offsets = [7], sizes = [1], strides = [1]} : vector<16xf32> to vector<1xf32>
          %squeeze3A_872 = vector.extract %slice3A_871[0] : f32 from vector<1xf32>
          %slice3A_873 = vector.extract_strided_slice %while3A_261#3 {offsets = [7], sizes = [1], strides = [1]} : vector<16xf32> to vector<1xf32>
          %squeeze3A_874 = vector.extract %slice3A_873[0] : f32 from vector<1xf32>
          %gt3A_875 = arith.cmpf ogt, %squeeze3A_872, %select_n3A_865 : f32
          %eq3A_876 = arith.cmpf oeq, %squeeze3A_872, %select_n3A_865 : f32
          %lt3A_877 = arith.cmpf olt, %squeeze3A_874, %select_n3A_866 : f32
          %and3A_878 = arith.andi %eq3A_876, %lt3A_877 : i1
          %or3A_879 = arith.ori %gt3A_875, %and3A_878 : i1
          %gt3A_880 = arith.cmpf ogt, %squeeze3A_872, %select_n3A_868 : f32
          %eq3A_881 = arith.cmpf oeq, %squeeze3A_872, %select_n3A_868 : f32
          %lt3A_882 = arith.cmpf olt, %squeeze3A_874, %select_n3A_870 : f32
          %and3A_883 = arith.andi %eq3A_881, %lt3A_882 : i1
          %or3A_884 = arith.ori %gt3A_880, %and3A_883 : i1
          %select_n3A_885 = arith.select %or3A_879, %squeeze3A_872, %select_n3A_865 : f32
          %select_n3A_886 = arith.select %or3A_879, %squeeze3A_874, %select_n3A_866 : f32
          %select_n3A_887 = arith.select %or3A_884, %squeeze3A_872, %select_n3A_868 : f32
          %select_n3A_888 = arith.select %or3A_879, %select_n3A_865, %select_n3A_887 : f32
          %select_n3A_889 = arith.select %or3A_884, %squeeze3A_874, %select_n3A_870 : f32
          %select_n3A_890 = arith.select %or3A_879, %select_n3A_866, %select_n3A_889 : f32
          %slice3A_891 = vector.extract_strided_slice %while3A_261#2 {offsets = [8], sizes = [1], strides = [1]} : vector<16xf32> to vector<1xf32>
          %squeeze3A_892 = vector.extract %slice3A_891[0] : f32 from vector<1xf32>
          %slice3A_893 = vector.extract_strided_slice %while3A_261#3 {offsets = [8], sizes = [1], strides = [1]} : vector<16xf32> to vector<1xf32>
          %squeeze3A_894 = vector.extract %slice3A_893[0] : f32 from vector<1xf32>
          %gt3A_895 = arith.cmpf ogt, %squeeze3A_892, %select_n3A_885 : f32
          %eq3A_896 = arith.cmpf oeq, %squeeze3A_892, %select_n3A_885 : f32
          %lt3A_897 = arith.cmpf olt, %squeeze3A_894, %select_n3A_886 : f32
          %and3A_898 = arith.andi %eq3A_896, %lt3A_897 : i1
          %or3A_899 = arith.ori %gt3A_895, %and3A_898 : i1
          %gt3A_900 = arith.cmpf ogt, %squeeze3A_892, %select_n3A_888 : f32
          %eq3A_901 = arith.cmpf oeq, %squeeze3A_892, %select_n3A_888 : f32
          %lt3A_902 = arith.cmpf olt, %squeeze3A_894, %select_n3A_890 : f32
          %and3A_903 = arith.andi %eq3A_901, %lt3A_902 : i1
          %or3A_904 = arith.ori %gt3A_900, %and3A_903 : i1
          %select_n3A_905 = arith.select %or3A_899, %squeeze3A_892, %select_n3A_885 : f32
          %select_n3A_906 = arith.select %or3A_899, %squeeze3A_894, %select_n3A_886 : f32
          %select_n3A_907 = arith.select %or3A_904, %squeeze3A_892, %select_n3A_888 : f32
          %select_n3A_908 = arith.select %or3A_899, %select_n3A_885, %select_n3A_907 : f32
          %select_n3A_909 = arith.select %or3A_904, %squeeze3A_894, %select_n3A_890 : f32
          %select_n3A_910 = arith.select %or3A_899, %select_n3A_886, %select_n3A_909 : f32
          %slice3A_911 = vector.extract_strided_slice %while3A_261#2 {offsets = [9], sizes = [1], strides = [1]} : vector<16xf32> to vector<1xf32>
          %squeeze3A_912 = vector.extract %slice3A_911[0] : f32 from vector<1xf32>
          %slice3A_913 = vector.extract_strided_slice %while3A_261#3 {offsets = [9], sizes = [1], strides = [1]} : vector<16xf32> to vector<1xf32>
          %squeeze3A_914 = vector.extract %slice3A_913[0] : f32 from vector<1xf32>
          %gt3A_915 = arith.cmpf ogt, %squeeze3A_912, %select_n3A_905 : f32
          %eq3A_916 = arith.cmpf oeq, %squeeze3A_912, %select_n3A_905 : f32
          %lt3A_917 = arith.cmpf olt, %squeeze3A_914, %select_n3A_906 : f32
          %and3A_918 = arith.andi %eq3A_916, %lt3A_917 : i1
          %or3A_919 = arith.ori %gt3A_915, %and3A_918 : i1
          %gt3A_920 = arith.cmpf ogt, %squeeze3A_912, %select_n3A_908 : f32
          %eq3A_921 = arith.cmpf oeq, %squeeze3A_912, %select_n3A_908 : f32
          %lt3A_922 = arith.cmpf olt, %squeeze3A_914, %select_n3A_910 : f32
          %and3A_923 = arith.andi %eq3A_921, %lt3A_922 : i1
          %or3A_924 = arith.ori %gt3A_920, %and3A_923 : i1
          %select_n3A_925 = arith.select %or3A_919, %squeeze3A_912, %select_n3A_905 : f32
          %select_n3A_926 = arith.select %or3A_919, %squeeze3A_914, %select_n3A_906 : f32
          %select_n3A_927 = arith.select %or3A_924, %squeeze3A_912, %select_n3A_908 : f32
          %select_n3A_928 = arith.select %or3A_919, %select_n3A_905, %select_n3A_927 : f32
          %select_n3A_929 = arith.select %or3A_924, %squeeze3A_914, %select_n3A_910 : f32
          %select_n3A_930 = arith.select %or3A_919, %select_n3A_906, %select_n3A_929 : f32
          %slice3A_931 = vector.extract_strided_slice %while3A_261#2 {offsets = [10], sizes = [1], strides = [1]} : vector<16xf32> to vector<1xf32>
          %squeeze3A_932 = vector.extract %slice3A_931[0] : f32 from vector<1xf32>
          %slice3A_933 = vector.extract_strided_slice %while3A_261#3 {offsets = [10], sizes = [1], strides = [1]} : vector<16xf32> to vector<1xf32>
          %squeeze3A_934 = vector.extract %slice3A_933[0] : f32 from vector<1xf32>
          %gt3A_935 = arith.cmpf ogt, %squeeze3A_932, %select_n3A_925 : f32
          %eq3A_936 = arith.cmpf oeq, %squeeze3A_932, %select_n3A_925 : f32
          %lt3A_937 = arith.cmpf olt, %squeeze3A_934, %select_n3A_926 : f32
          %and3A_938 = arith.andi %eq3A_936, %lt3A_937 : i1
          %or3A_939 = arith.ori %gt3A_935, %and3A_938 : i1
          %gt3A_940 = arith.cmpf ogt, %squeeze3A_932, %select_n3A_928 : f32
          %eq3A_941 = arith.cmpf oeq, %squeeze3A_932, %select_n3A_928 : f32
          %lt3A_942 = arith.cmpf olt, %squeeze3A_934, %select_n3A_930 : f32
          %and3A_943 = arith.andi %eq3A_941, %lt3A_942 : i1
          %or3A_944 = arith.ori %gt3A_940, %and3A_943 : i1
          %select_n3A_945 = arith.select %or3A_939, %squeeze3A_932, %select_n3A_925 : f32
          %select_n3A_946 = arith.select %or3A_939, %squeeze3A_934, %select_n3A_926 : f32
          %select_n3A_947 = arith.select %or3A_944, %squeeze3A_932, %select_n3A_928 : f32
          %select_n3A_948 = arith.select %or3A_939, %select_n3A_925, %select_n3A_947 : f32
          %select_n3A_949 = arith.select %or3A_944, %squeeze3A_934, %select_n3A_930 : f32
          %select_n3A_950 = arith.select %or3A_939, %select_n3A_926, %select_n3A_949 : f32
          %slice3A_951 = vector.extract_strided_slice %while3A_261#2 {offsets = [11], sizes = [1], strides = [1]} : vector<16xf32> to vector<1xf32>
          %squeeze3A_952 = vector.extract %slice3A_951[0] : f32 from vector<1xf32>
          %slice3A_953 = vector.extract_strided_slice %while3A_261#3 {offsets = [11], sizes = [1], strides = [1]} : vector<16xf32> to vector<1xf32>
          %squeeze3A_954 = vector.extract %slice3A_953[0] : f32 from vector<1xf32>
          %gt3A_955 = arith.cmpf ogt, %squeeze3A_952, %select_n3A_945 : f32
          %eq3A_956 = arith.cmpf oeq, %squeeze3A_952, %select_n3A_945 : f32
          %lt3A_957 = arith.cmpf olt, %squeeze3A_954, %select_n3A_946 : f32
          %and3A_958 = arith.andi %eq3A_956, %lt3A_957 : i1
          %or3A_959 = arith.ori %gt3A_955, %and3A_958 : i1
          %gt3A_960 = arith.cmpf ogt, %squeeze3A_952, %select_n3A_948 : f32
          %eq3A_961 = arith.cmpf oeq, %squeeze3A_952, %select_n3A_948 : f32
          %lt3A_962 = arith.cmpf olt, %squeeze3A_954, %select_n3A_950 : f32
          %and3A_963 = arith.andi %eq3A_961, %lt3A_962 : i1
          %or3A_964 = arith.ori %gt3A_960, %and3A_963 : i1
          %select_n3A_965 = arith.select %or3A_959, %squeeze3A_952, %select_n3A_945 : f32
          %select_n3A_966 = arith.select %or3A_959, %squeeze3A_954, %select_n3A_946 : f32
          %select_n3A_967 = arith.select %or3A_964, %squeeze3A_952, %select_n3A_948 : f32
          %select_n3A_968 = arith.select %or3A_959, %select_n3A_945, %select_n3A_967 : f32
          %select_n3A_969 = arith.select %or3A_964, %squeeze3A_954, %select_n3A_950 : f32
          %select_n3A_970 = arith.select %or3A_959, %select_n3A_946, %select_n3A_969 : f32
          %slice3A_971 = vector.extract_strided_slice %while3A_261#2 {offsets = [12], sizes = [1], strides = [1]} : vector<16xf32> to vector<1xf32>
          %squeeze3A_972 = vector.extract %slice3A_971[0] : f32 from vector<1xf32>
          %slice3A_973 = vector.extract_strided_slice %while3A_261#3 {offsets = [12], sizes = [1], strides = [1]} : vector<16xf32> to vector<1xf32>
          %squeeze3A_974 = vector.extract %slice3A_973[0] : f32 from vector<1xf32>
          %gt3A_975 = arith.cmpf ogt, %squeeze3A_972, %select_n3A_965 : f32
          %eq3A_976 = arith.cmpf oeq, %squeeze3A_972, %select_n3A_965 : f32
          %lt3A_977 = arith.cmpf olt, %squeeze3A_974, %select_n3A_966 : f32
          %and3A_978 = arith.andi %eq3A_976, %lt3A_977 : i1
          %or3A_979 = arith.ori %gt3A_975, %and3A_978 : i1
          %gt3A_980 = arith.cmpf ogt, %squeeze3A_972, %select_n3A_968 : f32
          %eq3A_981 = arith.cmpf oeq, %squeeze3A_972, %select_n3A_968 : f32
          %lt3A_982 = arith.cmpf olt, %squeeze3A_974, %select_n3A_970 : f32
          %and3A_983 = arith.andi %eq3A_981, %lt3A_982 : i1
          %or3A_984 = arith.ori %gt3A_980, %and3A_983 : i1
          %select_n3A_985 = arith.select %or3A_979, %squeeze3A_972, %select_n3A_965 : f32
          %select_n3A_986 = arith.select %or3A_979, %squeeze3A_974, %select_n3A_966 : f32
          %select_n3A_987 = arith.select %or3A_984, %squeeze3A_972, %select_n3A_968 : f32
          %select_n3A_988 = arith.select %or3A_979, %select_n3A_965, %select_n3A_987 : f32
          %select_n3A_989 = arith.select %or3A_984, %squeeze3A_974, %select_n3A_970 : f32
          %select_n3A_990 = arith.select %or3A_979, %select_n3A_966, %select_n3A_989 : f32
          %slice3A_991 = vector.extract_strided_slice %while3A_261#2 {offsets = [13], sizes = [1], strides = [1]} : vector<16xf32> to vector<1xf32>
          %squeeze3A_992 = vector.extract %slice3A_991[0] : f32 from vector<1xf32>
          %slice3A_993 = vector.extract_strided_slice %while3A_261#3 {offsets = [13], sizes = [1], strides = [1]} : vector<16xf32> to vector<1xf32>
          %squeeze3A_994 = vector.extract %slice3A_993[0] : f32 from vector<1xf32>
          %gt3A_995 = arith.cmpf ogt, %squeeze3A_992, %select_n3A_985 : f32
          %eq3A_996 = arith.cmpf oeq, %squeeze3A_992, %select_n3A_985 : f32
          %lt3A_997 = arith.cmpf olt, %squeeze3A_994, %select_n3A_986 : f32
          %and3A_998 = arith.andi %eq3A_996, %lt3A_997 : i1
          %or3A_999 = arith.ori %gt3A_995, %and3A_998 : i1
          %gt3A_1000 = arith.cmpf ogt, %squeeze3A_992, %select_n3A_988 : f32
          %eq3A_1001 = arith.cmpf oeq, %squeeze3A_992, %select_n3A_988 : f32
          %lt3A_1002 = arith.cmpf olt, %squeeze3A_994, %select_n3A_990 : f32
          %and3A_1003 = arith.andi %eq3A_1001, %lt3A_1002 : i1
          %or3A_1004 = arith.ori %gt3A_1000, %and3A_1003 : i1
          %select_n3A_1005 = arith.select %or3A_999, %squeeze3A_992, %select_n3A_985 : f32
          %select_n3A_1006 = arith.select %or3A_999, %squeeze3A_994, %select_n3A_986 : f32
          %select_n3A_1007 = arith.select %or3A_1004, %squeeze3A_992, %select_n3A_988 : f32
          %select_n3A_1008 = arith.select %or3A_999, %select_n3A_985, %select_n3A_1007 : f32
          %select_n3A_1009 = arith.select %or3A_1004, %squeeze3A_994, %select_n3A_990 : f32
          %select_n3A_1010 = arith.select %or3A_999, %select_n3A_986, %select_n3A_1009 : f32
          %slice3A_1011 = vector.extract_strided_slice %while3A_261#2 {offsets = [14], sizes = [1], strides = [1]} : vector<16xf32> to vector<1xf32>
          %squeeze3A_1012 = vector.extract %slice3A_1011[0] : f32 from vector<1xf32>
          %slice3A_1013 = vector.extract_strided_slice %while3A_261#3 {offsets = [14], sizes = [1], strides = [1]} : vector<16xf32> to vector<1xf32>
          %squeeze3A_1014 = vector.extract %slice3A_1013[0] : f32 from vector<1xf32>
          %gt3A_1015 = arith.cmpf ogt, %squeeze3A_1012, %select_n3A_1005 : f32
          %eq3A_1016 = arith.cmpf oeq, %squeeze3A_1012, %select_n3A_1005 : f32
          %lt3A_1017 = arith.cmpf olt, %squeeze3A_1014, %select_n3A_1006 : f32
          %and3A_1018 = arith.andi %eq3A_1016, %lt3A_1017 : i1
          %or3A_1019 = arith.ori %gt3A_1015, %and3A_1018 : i1
          %gt3A_1020 = arith.cmpf ogt, %squeeze3A_1012, %select_n3A_1008 : f32
          %eq3A_1021 = arith.cmpf oeq, %squeeze3A_1012, %select_n3A_1008 : f32
          %lt3A_1022 = arith.cmpf olt, %squeeze3A_1014, %select_n3A_1010 : f32
          %and3A_1023 = arith.andi %eq3A_1021, %lt3A_1022 : i1
          %or3A_1024 = arith.ori %gt3A_1020, %and3A_1023 : i1
          %select_n3A_1025 = arith.select %or3A_1019, %squeeze3A_1012, %select_n3A_1005 : f32
          %select_n3A_1026 = arith.select %or3A_1019, %squeeze3A_1014, %select_n3A_1006 : f32
          %select_n3A_1027 = arith.select %or3A_1024, %squeeze3A_1012, %select_n3A_1008 : f32
          %select_n3A_1028 = arith.select %or3A_1019, %select_n3A_1005, %select_n3A_1027 : f32
          %select_n3A_1029 = arith.select %or3A_1024, %squeeze3A_1014, %select_n3A_1010 : f32
          %select_n3A_1030 = arith.select %or3A_1019, %select_n3A_1006, %select_n3A_1029 : f32
          %slice3A_1031 = vector.extract_strided_slice %while3A_261#2 {offsets = [15], sizes = [1], strides = [1]} : vector<16xf32> to vector<1xf32>
          %squeeze3A_1032 = vector.extract %slice3A_1031[0] : f32 from vector<1xf32>
          %slice3A_1033 = vector.extract_strided_slice %while3A_261#3 {offsets = [15], sizes = [1], strides = [1]} : vector<16xf32> to vector<1xf32>
          %squeeze3A_1034 = vector.extract %slice3A_1033[0] : f32 from vector<1xf32>
          %gt3A_1035 = arith.cmpf ogt, %squeeze3A_1032, %select_n3A_1025 : f32
          %eq3A_1036 = arith.cmpf oeq, %squeeze3A_1032, %select_n3A_1025 : f32
          %lt3A_1037 = arith.cmpf olt, %squeeze3A_1034, %select_n3A_1026 : f32
          %and3A_1038 = arith.andi %eq3A_1036, %lt3A_1037 : i1
          %or3A_1039 = arith.ori %gt3A_1035, %and3A_1038 : i1
          %gt3A_1040 = arith.cmpf ogt, %squeeze3A_1032, %select_n3A_1028 : f32
          %eq3A_1041 = arith.cmpf oeq, %squeeze3A_1032, %select_n3A_1028 : f32
          %lt3A_1042 = arith.cmpf olt, %squeeze3A_1034, %select_n3A_1030 : f32
          %and3A_1043 = arith.andi %eq3A_1041, %lt3A_1042 : i1
          %or3A_1044 = arith.ori %gt3A_1040, %and3A_1043 : i1
          %select_n3A_1045 = arith.select %or3A_1039, %squeeze3A_1032, %select_n3A_1025 : f32
          %select_n3A_1046 = arith.select %or3A_1039, %squeeze3A_1034, %select_n3A_1026 : f32
          %select_n3A_1047 = arith.select %or3A_1044, %squeeze3A_1032, %select_n3A_1028 : f32
          %select_n3A_1048 = arith.select %or3A_1039, %select_n3A_1025, %select_n3A_1047 : f32
          %select_n3A_1049 = arith.select %or3A_1044, %squeeze3A_1034, %select_n3A_1030 : f32
          %select_n3A_1050 = arith.select %or3A_1039, %select_n3A_1026, %select_n3A_1049 : f32
          %convert_element_type3A_1051 = arith.fptosi %select_n3A_1046 : f32 to i32
          %sub3A_1052 = arith.subi %convert_element_type3A_1051, %mul3A_2 : i32
          %get3A_1053 = arith.index_cast %sub3A_1052 : i32 to index
          %get3A_1054 = tpu.vector_load %arg14[%get3A_1053] {strides = array<i32>} : memref<1296xf32, #tpu.memory_space<vmem>>, vector<16xf32>,
          %get3A_1055 = vector.shape_cast %get3A_1054 : vector<16xf32> to vector<16xf32>
          %slice3A_1056 = vector.extract_strided_slice %get3A_1055 {offsets = [0], sizes = [1], strides = [1]} : vector<16xf32> to vector<1xf32>
          %squeeze3A_1057 = vector.extract %slice3A_1056[0] : f32 from vector<1xf32>
          %get3A_1058 = arith.index_cast %sub3A_1052 : i32 to index
          %get3A_1059 = tpu.vector_load %arg15[%get3A_1058] {strides = array<i32>} : memref<1296xf32, #tpu.memory_space<vmem>>, vector<16xf32>,
          %get3A_1060 = vector.shape_cast %get3A_1059 : vector<16xf32> to vector<16xf32>
          %slice3A_1061 = vector.extract_strided_slice %get3A_1060 {offsets = [0], sizes = [1], strides = [1]} : vector<16xf32> to vector<1xf32>
          %squeeze3A_1062 = vector.extract %slice3A_1061[0] : f32 from vector<1xf32>
          %get3A_1063 = arith.index_cast %sub3A_1052 : i32 to index
          %get3A_1064 = tpu.vector_load %arg16[%get3A_1063] {strides = array<i32>} : memref<1296xf32, #tpu.memory_space<vmem>>, vector<16xf32>,
          %get3A_1065 = vector.shape_cast %get3A_1064 : vector<16xf32> to vector<16xf32>
          %slice3A_1066 = vector.extract_strided_slice %get3A_1065 {offsets = [0], sizes = [1], strides = [1]} : vector<16xf32> to vector<1xf32>
          %squeeze3A_1067 = vector.extract %slice3A_1066[0] : f32 from vector<1xf32>
          %get3A_1068 = arith.index_cast %sub3A_1052 : i32 to index
          %get3A_1069 = tpu.vector_load %arg17[%get3A_1068] {strides = array<i32>} : memref<1296xf32, #tpu.memory_space<vmem>>, vector<16xf32>,
          %get3A_1070 = vector.shape_cast %get3A_1069 : vector<16xf32> to vector<16xf32>
          %slice3A_1071 = vector.extract_strided_slice %get3A_1070 {offsets = [0], sizes = [1], strides = [1]} : vector<16xf32> to vector<1xf32>
          %squeeze3A_1072 = vector.extract %slice3A_1071[0] : f32 from vector<1xf32>
          %get3A_1073 = arith.index_cast %sub3A_1052 : i32 to index
          %get3A_1074 = tpu.vector_load %arg18[%get3A_1073] {strides = array<i32>} : memref<1296xf32, #tpu.memory_space<vmem>>, vector<16xf32>,
          %get3A_1075 = vector.shape_cast %get3A_1074 : vector<16xf32> to vector<16xf32>
          %slice3A_1076 = vector.extract_strided_slice %get3A_1075 {offsets = [0], sizes = [1], strides = [1]} : vector<16xf32> to vector<1xf32>
          %squeeze3A_1077 = vector.extract %slice3A_1076[0] : f32 from vector<1xf32>
          %get3A_1078 = arith.index_cast %sub3A_1052 : i32 to index
          %get3A_1079 = tpu.vector_load %arg20[%get3A_1078] {strides = array<i32>} : memref<1296xf32, #tpu.memory_space<vmem>>, vector<16xf32>,
          %get3A_1080 = vector.shape_cast %get3A_1079 : vector<16xf32> to vector<16xf32>
          %slice3A_1081 = vector.extract_strided_slice %get3A_1080 {offsets = [0], sizes = [1], strides = [1]} : vector<16xf32> to vector<1xf32>
          %squeeze3A_1082 = vector.extract %slice3A_1081[0] : f32 from vector<1xf32>
          %get3A_1083 = arith.index_cast %sub3A_1052 : i32 to index
          %get3A_1084 = tpu.vector_load %arg21[%get3A_1083] {strides = array<i32>} : memref<1296xf32, #tpu.memory_space<vmem>>, vector<16xf32>,
          %get3A_1085 = vector.shape_cast %get3A_1084 : vector<16xf32> to vector<16xf32>
          %slice3A_1086 = vector.extract_strided_slice %get3A_1085 {offsets = [0], sizes = [1], strides = [1]} : vector<16xf32> to vector<1xf32>
          %squeeze3A_1087 = vector.extract %slice3A_1086[0] : f32 from vector<1xf32>
          %get3A_1088 = arith.index_cast %sub3A_1052 : i32 to index
          %get3A_1089 = tpu.vector_load %arg22[%get3A_1088] {strides = array<i32>} : memref<1296xf32, #tpu.memory_space<vmem>>, vector<16xf32>,
          %get3A_1090 = vector.shape_cast %get3A_1089 : vector<16xf32> to vector<16xf32>
          %slice3A_1091 = vector.extract_strided_slice %get3A_1090 {offsets = [0], sizes = [1], strides = [1]} : vector<16xf32> to vector<1xf32>
          %squeeze3A_1092 = vector.extract %slice3A_1091[0] : f32 from vector<1xf32>
          %get3A_1093 = arith.index_cast %sub3A_1052 : i32 to index
          %get3A_1094 = tpu.vector_load %arg23[%get3A_1093] {strides = array<i32>} : memref<1296xf32, #tpu.memory_space<vmem>>, vector<16xf32>,
          %get3A_1095 = vector.shape_cast %get3A_1094 : vector<16xf32> to vector<16xf32>
          %slice3A_1096 = vector.extract_strided_slice %get3A_1095 {offsets = [0], sizes = [1], strides = [1]} : vector<16xf32> to vector<1xf32>
          %squeeze3A_1097 = vector.extract %slice3A_1096[0] : f32 from vector<1xf32>
          %eq3A_1098 = arith.constant 0 : i32
          %eq3A_1099 = vector.broadcast %eq3A_1098 : i32 to vector<16xi32>
          %eq3A_1100 = arith.cmpi eq, %iota3A, %eq3A_1099 : vector<16xi32>
          %broadcast_in_dim3A_1101 = vector.broadcast %select_n3A_1045 : f32 to vector<16xf32>
          %select_n3A_1102 = arith.select %eq3A_1100, %broadcast_in_dim3A_1101, %broadcast_in_dim3A_6 : vector<16xi1>, vector<16xf32>
          %eq3A_1103 = arith.constant 1 : i32
          %eq3A_1104 = vector.broadcast %eq3A_1103 : i32 to vector<16xi32>
          %eq3A_1105 = arith.cmpi eq, %iota3A, %eq3A_1104 : vector<16xi32>
          %broadcast_in_dim3A_1106 = vector.broadcast %select_n3A_1046 : f32 to vector<16xf32>
          %select_n3A_1107 = arith.select %eq3A_1105, %broadcast_in_dim3A_1106, %select_n3A_1102 : vector<16xi1>, vector<16xf32>
          %eq3A_1108 = arith.constant 2 : i32
          %eq3A_1109 = vector.broadcast %eq3A_1108 : i32 to vector<16xi32>
          %eq3A_1110 = arith.cmpi eq, %iota3A, %eq3A_1109 : vector<16xi32>
          %broadcast_in_dim3A_1111 = vector.broadcast %squeeze3A_1057 : f32 to vector<16xf32>
          %select_n3A_1112 = arith.select %eq3A_1110, %broadcast_in_dim3A_1111, %select_n3A_1107 : vector<16xi1>, vector<16xf32>
          %eq3A_1113 = arith.constant 3 : i32
          %eq3A_1114 = vector.broadcast %eq3A_1113 : i32 to vector<16xi32>
          %eq3A_1115 = arith.cmpi eq, %iota3A, %eq3A_1114 : vector<16xi32>
          %broadcast_in_dim3A_1116 = vector.broadcast %squeeze3A_1062 : f32 to vector<16xf32>
          %select_n3A_1117 = arith.select %eq3A_1115, %broadcast_in_dim3A_1116, %select_n3A_1112 : vector<16xi1>, vector<16xf32>
          %eq3A_1118 = arith.constant 4 : i32
          %eq3A_1119 = vector.broadcast %eq3A_1118 : i32 to vector<16xi32>
          %eq3A_1120 = arith.cmpi eq, %iota3A, %eq3A_1119 : vector<16xi32>
          %broadcast_in_dim3A_1121 = vector.broadcast %squeeze3A_1067 : f32 to vector<16xf32>
          %select_n3A_1122 = arith.select %eq3A_1120, %broadcast_in_dim3A_1121, %select_n3A_1117 : vector<16xi1>, vector<16xf32>
          %eq3A_1123 = arith.constant 5 : i32
          %eq3A_1124 = vector.broadcast %eq3A_1123 : i32 to vector<16xi32>
          %eq3A_1125 = arith.cmpi eq, %iota3A, %eq3A_1124 : vector<16xi32>
          %broadcast_in_dim3A_1126 = vector.broadcast %squeeze3A_1072 : f32 to vector<16xf32>
          %select_n3A_1127 = arith.select %eq3A_1125, %broadcast_in_dim3A_1126, %select_n3A_1122 : vector<16xi1>, vector<16xf32>
          %eq3A_1128 = arith.constant 6 : i32
          %eq3A_1129 = vector.broadcast %eq3A_1128 : i32 to vector<16xi32>
          %eq3A_1130 = arith.cmpi eq, %iota3A, %eq3A_1129 : vector<16xi32>
          %broadcast_in_dim3A_1131 = vector.broadcast %squeeze3A_1077 : f32 to vector<16xf32>
          %select_n3A_1132 = arith.select %eq3A_1130, %broadcast_in_dim3A_1131, %select_n3A_1127 : vector<16xi1>, vector<16xf32>
          %eq3A_1133 = arith.constant 7 : i32
          %eq3A_1134 = vector.broadcast %eq3A_1133 : i32 to vector<16xi32>
          %eq3A_1135 = arith.cmpi eq, %iota3A, %eq3A_1134 : vector<16xi32>
          %broadcast_in_dim3A_1136 = vector.broadcast %squeeze3A_1082 : f32 to vector<16xf32>
          %select_n3A_1137 = arith.select %eq3A_1135, %broadcast_in_dim3A_1136, %select_n3A_1132 : vector<16xi1>, vector<16xf32>
          %eq3A_1138 = arith.constant 8 : i32
          %eq3A_1139 = vector.broadcast %eq3A_1138 : i32 to vector<16xi32>
          %eq3A_1140 = arith.cmpi eq, %iota3A, %eq3A_1139 : vector<16xi32>
          %broadcast_in_dim3A_1141 = vector.broadcast %squeeze3A_1087 : f32 to vector<16xf32>
          %select_n3A_1142 = arith.select %eq3A_1140, %broadcast_in_dim3A_1141, %select_n3A_1137 : vector<16xi1>, vector<16xf32>
          %eq3A_1143 = arith.constant 9 : i32
          %eq3A_1144 = vector.broadcast %eq3A_1143 : i32 to vector<16xi32>
          %eq3A_1145 = arith.cmpi eq, %iota3A, %eq3A_1144 : vector<16xi32>
          %broadcast_in_dim3A_1146 = vector.broadcast %squeeze3A_1092 : f32 to vector<16xf32>
          %select_n3A_1147 = arith.select %eq3A_1145, %broadcast_in_dim3A_1146, %select_n3A_1142 : vector<16xi1>, vector<16xf32>
          %eq3A_1148 = arith.constant 10 : i32
          %eq3A_1149 = vector.broadcast %eq3A_1148 : i32 to vector<16xi32>
          %eq3A_1150 = arith.cmpi eq, %iota3A, %eq3A_1149 : vector<16xi32>
          %broadcast_in_dim3A_1151 = vector.broadcast %squeeze3A_1097 : f32 to vector<16xf32>
          %select_n3A_1152 = arith.select %eq3A_1150, %broadcast_in_dim3A_1151, %select_n3A_1147 : vector<16xi1>, vector<16xf32>
          %swap3A_1153 = arith.constant 0 : index
          %swap3A_1154 = tpu.vector_load %arg24[%swap3A_1153] {strides = array<i32>} : memref<16xf32, #tpu.memory_space<vmem>>, vector<16xf32>,
          %swap3A_1155 = vector.shape_cast %swap3A_1154 : vector<16xf32> to vector<16xf32>
          %swap3A_1156 = vector.shape_cast %select_n3A_1152 : vector<16xf32> to vector<16xf32>
          tpu.vector_store %arg24[%swap3A_1153], %swap3A_1156 {strides = array<i32>} : memref<16xf32, #tpu.memory_space<vmem>>, vector<16xf32>,
          %convert_element_type3A_1157 = arith.fptosi %select_n3A_1050 : f32 to i32
          %sub3A_1158 = arith.subi %convert_element_type3A_1157, %mul3A_2 : i32
          %get3A_1159 = arith.index_cast %sub3A_1158 : i32 to index
          %get3A_1160 = tpu.vector_load %arg14[%get3A_1159] {strides = array<i32>} : memref<1296xf32, #tpu.memory_space<vmem>>, vector<16xf32>,
          %get3A_1161 = vector.shape_cast %get3A_1160 : vector<16xf32> to vector<16xf32>
          %slice3A_1162 = vector.extract_strided_slice %get3A_1161 {offsets = [0], sizes = [1], strides = [1]} : vector<16xf32> to vector<1xf32>
          %squeeze3A_1163 = vector.extract %slice3A_1162[0] : f32 from vector<1xf32>
          %get3A_1164 = arith.index_cast %sub3A_1158 : i32 to index
          %get3A_1165 = tpu.vector_load %arg15[%get3A_1164] {strides = array<i32>} : memref<1296xf32, #tpu.memory_space<vmem>>, vector<16xf32>,
          %get3A_1166 = vector.shape_cast %get3A_1165 : vector<16xf32> to vector<16xf32>
          %slice3A_1167 = vector.extract_strided_slice %get3A_1166 {offsets = [0], sizes = [1], strides = [1]} : vector<16xf32> to vector<1xf32>
          %squeeze3A_1168 = vector.extract %slice3A_1167[0] : f32 from vector<1xf32>
          %get3A_1169 = arith.index_cast %sub3A_1158 : i32 to index
          %get3A_1170 = tpu.vector_load %arg16[%get3A_1169] {strides = array<i32>} : memref<1296xf32, #tpu.memory_space<vmem>>, vector<16xf32>,
          %get3A_1171 = vector.shape_cast %get3A_1170 : vector<16xf32> to vector<16xf32>
          %slice3A_1172 = vector.extract_strided_slice %get3A_1171 {offsets = [0], sizes = [1], strides = [1]} : vector<16xf32> to vector<1xf32>
          %squeeze3A_1173 = vector.extract %slice3A_1172[0] : f32 from vector<1xf32>
          %get3A_1174 = arith.index_cast %sub3A_1158 : i32 to index
          %get3A_1175 = tpu.vector_load %arg17[%get3A_1174] {strides = array<i32>} : memref<1296xf32, #tpu.memory_space<vmem>>, vector<16xf32>,
          %get3A_1176 = vector.shape_cast %get3A_1175 : vector<16xf32> to vector<16xf32>
          %slice3A_1177 = vector.extract_strided_slice %get3A_1176 {offsets = [0], sizes = [1], strides = [1]} : vector<16xf32> to vector<1xf32>
          %squeeze3A_1178 = vector.extract %slice3A_1177[0] : f32 from vector<1xf32>
          %get3A_1179 = arith.index_cast %sub3A_1158 : i32 to index
          %get3A_1180 = tpu.vector_load %arg18[%get3A_1179] {strides = array<i32>} : memref<1296xf32, #tpu.memory_space<vmem>>, vector<16xf32>,
          %get3A_1181 = vector.shape_cast %get3A_1180 : vector<16xf32> to vector<16xf32>
          %slice3A_1182 = vector.extract_strided_slice %get3A_1181 {offsets = [0], sizes = [1], strides = [1]} : vector<16xf32> to vector<1xf32>
          %squeeze3A_1183 = vector.extract %slice3A_1182[0] : f32 from vector<1xf32>
          %get3A_1184 = arith.index_cast %sub3A_1158 : i32 to index
          %get3A_1185 = tpu.vector_load %arg20[%get3A_1184] {strides = array<i32>} : memref<1296xf32, #tpu.memory_space<vmem>>, vector<16xf32>,
          %get3A_1186 = vector.shape_cast %get3A_1185 : vector<16xf32> to vector<16xf32>
          %slice3A_1187 = vector.extract_strided_slice %get3A_1186 {offsets = [0], sizes = [1], strides = [1]} : vector<16xf32> to vector<1xf32>
          %squeeze3A_1188 = vector.extract %slice3A_1187[0] : f32 from vector<1xf32>
          %get3A_1189 = arith.index_cast %sub3A_1158 : i32 to index
          %get3A_1190 = tpu.vector_load %arg21[%get3A_1189] {strides = array<i32>} : memref<1296xf32, #tpu.memory_space<vmem>>, vector<16xf32>,
          %get3A_1191 = vector.shape_cast %get3A_1190 : vector<16xf32> to vector<16xf32>
          %slice3A_1192 = vector.extract_strided_slice %get3A_1191 {offsets = [0], sizes = [1], strides = [1]} : vector<16xf32> to vector<1xf32>
          %squeeze3A_1193 = vector.extract %slice3A_1192[0] : f32 from vector<1xf32>
          %get3A_1194 = arith.index_cast %sub3A_1158 : i32 to index
          %get3A_1195 = tpu.vector_load %arg22[%get3A_1194] {strides = array<i32>} : memref<1296xf32, #tpu.memory_space<vmem>>, vector<16xf32>,
          %get3A_1196 = vector.shape_cast %get3A_1195 : vector<16xf32> to vector<16xf32>
          %slice3A_1197 = vector.extract_strided_slice %get3A_1196 {offsets = [0], sizes = [1], strides = [1]} : vector<16xf32> to vector<1xf32>
          %squeeze3A_1198 = vector.extract %slice3A_1197[0] : f32 from vector<1xf32>
          %get3A_1199 = arith.index_cast %sub3A_1158 : i32 to index
          %get3A_1200 = tpu.vector_load %arg23[%get3A_1199] {strides = array<i32>} : memref<1296xf32, #tpu.memory_space<vmem>>, vector<16xf32>,
          %get3A_1201 = vector.shape_cast %get3A_1200 : vector<16xf32> to vector<16xf32>
          %slice3A_1202 = vector.extract_strided_slice %get3A_1201 {offsets = [0], sizes = [1], strides = [1]} : vector<16xf32> to vector<1xf32>
          %squeeze3A_1203 = vector.extract %slice3A_1202[0] : f32 from vector<1xf32>
          %eq3A_1204 = arith.constant 0 : i32
          %eq3A_1205 = vector.broadcast %eq3A_1204 : i32 to vector<16xi32>
          %eq3A_1206 = arith.cmpi eq, %iota3A, %eq3A_1205 : vector<16xi32>
          %broadcast_in_dim3A_1207 = vector.broadcast %select_n3A_1048 : f32 to vector<16xf32>
          %select_n3A_1208 = arith.select %eq3A_1206, %broadcast_in_dim3A_1207, %broadcast_in_dim3A_6 : vector<16xi1>, vector<16xf32>
          %eq3A_1209 = arith.constant 1 : i32
          %eq3A_1210 = vector.broadcast %eq3A_1209 : i32 to vector<16xi32>
          %eq3A_1211 = arith.cmpi eq, %iota3A, %eq3A_1210 : vector<16xi32>
          %broadcast_in_dim3A_1212 = vector.broadcast %select_n3A_1050 : f32 to vector<16xf32>
          %select_n3A_1213 = arith.select %eq3A_1211, %broadcast_in_dim3A_1212, %select_n3A_1208 : vector<16xi1>, vector<16xf32>
          %eq3A_1214 = arith.constant 2 : i32
          %eq3A_1215 = vector.broadcast %eq3A_1214 : i32 to vector<16xi32>
          %eq3A_1216 = arith.cmpi eq, %iota3A, %eq3A_1215 : vector<16xi32>
          %broadcast_in_dim3A_1217 = vector.broadcast %squeeze3A_1163 : f32 to vector<16xf32>
          %select_n3A_1218 = arith.select %eq3A_1216, %broadcast_in_dim3A_1217, %select_n3A_1213 : vector<16xi1>, vector<16xf32>
          %eq3A_1219 = arith.constant 3 : i32
          %eq3A_1220 = vector.broadcast %eq3A_1219 : i32 to vector<16xi32>
          %eq3A_1221 = arith.cmpi eq, %iota3A, %eq3A_1220 : vector<16xi32>
          %broadcast_in_dim3A_1222 = vector.broadcast %squeeze3A_1168 : f32 to vector<16xf32>
          %select_n3A_1223 = arith.select %eq3A_1221, %broadcast_in_dim3A_1222, %select_n3A_1218 : vector<16xi1>, vector<16xf32>
          %eq3A_1224 = arith.constant 4 : i32
          %eq3A_1225 = vector.broadcast %eq3A_1224 : i32 to vector<16xi32>
          %eq3A_1226 = arith.cmpi eq, %iota3A, %eq3A_1225 : vector<16xi32>
          %broadcast_in_dim3A_1227 = vector.broadcast %squeeze3A_1173 : f32 to vector<16xf32>
          %select_n3A_1228 = arith.select %eq3A_1226, %broadcast_in_dim3A_1227, %select_n3A_1223 : vector<16xi1>, vector<16xf32>
          %eq3A_1229 = arith.constant 5 : i32
          %eq3A_1230 = vector.broadcast %eq3A_1229 : i32 to vector<16xi32>
          %eq3A_1231 = arith.cmpi eq, %iota3A, %eq3A_1230 : vector<16xi32>
          %broadcast_in_dim3A_1232 = vector.broadcast %squeeze3A_1178 : f32 to vector<16xf32>
          %select_n3A_1233 = arith.select %eq3A_1231, %broadcast_in_dim3A_1232, %select_n3A_1228 : vector<16xi1>, vector<16xf32>
          %eq3A_1234 = arith.constant 6 : i32
          %eq3A_1235 = vector.broadcast %eq3A_1234 : i32 to vector<16xi32>
          %eq3A_1236 = arith.cmpi eq, %iota3A, %eq3A_1235 : vector<16xi32>
          %broadcast_in_dim3A_1237 = vector.broadcast %squeeze3A_1183 : f32 to vector<16xf32>
          %select_n3A_1238 = arith.select %eq3A_1236, %broadcast_in_dim3A_1237, %select_n3A_1233 : vector<16xi1>, vector<16xf32>
          %eq3A_1239 = arith.constant 7 : i32
          %eq3A_1240 = vector.broadcast %eq3A_1239 : i32 to vector<16xi32>
          %eq3A_1241 = arith.cmpi eq, %iota3A, %eq3A_1240 : vector<16xi32>
          %broadcast_in_dim3A_1242 = vector.broadcast %squeeze3A_1188 : f32 to vector<16xf32>
          %select_n3A_1243 = arith.select %eq3A_1241, %broadcast_in_dim3A_1242, %select_n3A_1238 : vector<16xi1>, vector<16xf32>
          %eq3A_1244 = arith.constant 8 : i32
          %eq3A_1245 = vector.broadcast %eq3A_1244 : i32 to vector<16xi32>
          %eq3A_1246 = arith.cmpi eq, %iota3A, %eq3A_1245 : vector<16xi32>
          %broadcast_in_dim3A_1247 = vector.broadcast %squeeze3A_1193 : f32 to vector<16xf32>
          %select_n3A_1248 = arith.select %eq3A_1246, %broadcast_in_dim3A_1247, %select_n3A_1243 : vector<16xi1>, vector<16xf32>
          %eq3A_1249 = arith.constant 9 : i32
          %eq3A_1250 = vector.broadcast %eq3A_1249 : i32 to vector<16xi32>
          %eq3A_1251 = arith.cmpi eq, %iota3A, %eq3A_1250 : vector<16xi32>
          %broadcast_in_dim3A_1252 = vector.broadcast %squeeze3A_1198 : f32 to vector<16xf32>
          %select_n3A_1253 = arith.select %eq3A_1251, %broadcast_in_dim3A_1252, %select_n3A_1248 : vector<16xi1>, vector<16xf32>
          %eq3A_1254 = arith.constant 10 : i32
          %eq3A_1255 = vector.broadcast %eq3A_1254 : i32 to vector<16xi32>
          %eq3A_1256 = arith.cmpi eq, %iota3A, %eq3A_1255 : vector<16xi32>
          %broadcast_in_dim3A_1257 = vector.broadcast %squeeze3A_1203 : f32 to vector<16xf32>
          %select_n3A_1258 = arith.select %eq3A_1256, %broadcast_in_dim3A_1257, %select_n3A_1253 : vector<16xi1>, vector<16xf32>
          %swap3A_1259 = arith.constant 0 : index
          %swap3A_1260 = tpu.vector_load %arg25[%swap3A_1259] {strides = array<i32>} : memref<16xf32, #tpu.memory_space<vmem>>, vector<16xf32>,
          %swap3A_1261 = vector.shape_cast %swap3A_1260 : vector<16xf32> to vector<16xf32>
          %swap3A_1262 = vector.shape_cast %select_n3A_1258 : vector<16xf32> to vector<16xf32>
          tpu.vector_store %arg25[%swap3A_1259], %swap3A_1262 {strides = array<i32>} : memref<16xf32, #tpu.memory_space<vmem>>, vector<16xf32>,
          %add3A_1263 = arith.constant 32 : i32
          %add3A_1264 = arith.addi %add3A_1263, %arg1 : i32
          %dma_start3A = arith.constant 0 : i32
          %dma_start3A_1265 = tpu.memref_slice %arg13[%add3A_1264, %dma_start3A] : memref<64x16xf32, #tpu.memory_space<hbm>> -> memref<1x16xf32, #tpu.memory_space<hbm>>
          %dma_start3A_1266 = tpu.memref_squeeze %dma_start3A_1265 : memref<1x16xf32, #tpu.memory_space<hbm>> -> memref<16xf32, #tpu.memory_space<hbm>>
          %dma_start3A_1267 = arith.constant 0 : i32
          %dma_start3A_1268 = tpu.memref_slice %arg13[%add3A_1264, %dma_start3A_1267] : memref<64x16xf32, #tpu.memory_space<hbm>> -> memref<1x16xf32, #tpu.memory_space<hbm>>
          %dma_start3A_1269 = tpu.memref_squeeze %dma_start3A_1268 : memref<1x16xf32, #tpu.memory_space<hbm>> -> memref<16xf32, #tpu.memory_space<hbm>>
          tpu.enqueue_dma source(%arg24 : memref<16xf32, #tpu.memory_space<vmem>>) target(%dma_start3A_1269 : memref<16xf32, #tpu.memory_space<hbm>>) target_semaphore(%arg28 : memref<!tpu.dma_semaphore, #tpu.memory_space<semaphore_mem>>)
          %add3A_1270 = arith.constant 48 : i32
          %add3A_1271 = arith.addi %add3A_1270, %arg1 : i32
          %dma_start3A_1272 = arith.constant 0 : i32
          %dma_start3A_1273 = tpu.memref_slice %arg13[%add3A_1271, %dma_start3A_1272] : memref<64x16xf32, #tpu.memory_space<hbm>> -> memref<1x16xf32, #tpu.memory_space<hbm>>
          %dma_start3A_1274 = tpu.memref_squeeze %dma_start3A_1273 : memref<1x16xf32, #tpu.memory_space<hbm>> -> memref<16xf32, #tpu.memory_space<hbm>>
          %dma_start3A_1275 = arith.constant 0 : i32
          %dma_start3A_1276 = tpu.memref_slice %arg13[%add3A_1271, %dma_start3A_1275] : memref<64x16xf32, #tpu.memory_space<hbm>> -> memref<1x16xf32, #tpu.memory_space<hbm>>
          %dma_start3A_1277 = tpu.memref_squeeze %dma_start3A_1276 : memref<1x16xf32, #tpu.memory_space<hbm>> -> memref<16xf32, #tpu.memory_space<hbm>>
          tpu.enqueue_dma source(%arg25 : memref<16xf32, #tpu.memory_space<vmem>>) target(%dma_start3A_1277 : memref<16xf32, #tpu.memory_space<hbm>>) target_semaphore(%arg29 : memref<!tpu.dma_semaphore, #tpu.memory_space<semaphore_mem>>)
          %dma_wait3A = arith.constant 0 : i32
          %dma_wait3A_1278 = tpu.memref_slice %arg13[%add3A_1264, %dma_wait3A] : memref<64x16xf32, #tpu.memory_space<hbm>> -> memref<1x16xf32, #tpu.memory_space<hbm>>
          %dma_wait3A_1279 = tpu.memref_squeeze %dma_wait3A_1278 : memref<1x16xf32, #tpu.memory_space<hbm>> -> memref<16xf32, #tpu.memory_space<hbm>>
          %dma_wait3A_1280 = arith.constant 0 : i32
          %dma_wait3A_1281 = tpu.memref_slice %arg13[%add3A_1264, %dma_wait3A_1280] : memref<64x16xf32, #tpu.memory_space<hbm>> -> memref<1x16xf32, #tpu.memory_space<hbm>>
          %dma_wait3A_1282 = tpu.memref_squeeze %dma_wait3A_1281 : memref<1x16xf32, #tpu.memory_space<hbm>> -> memref<16xf32, #tpu.memory_space<hbm>>
          tpu.wait_dma2 semaphore(%arg28 : memref<!tpu.dma_semaphore, #tpu.memory_space<semaphore_mem>>) src(%arg24 : memref<16xf32, #tpu.memory_space<vmem>>) dst(%dma_wait3A_1282 : memref<16xf32, #tpu.memory_space<hbm>>)
          %dma_wait3A_1283 = arith.constant 0 : i32
          %dma_wait3A_1284 = tpu.memref_slice %arg13[%add3A_1271, %dma_wait3A_1283] : memref<64x16xf32, #tpu.memory_space<hbm>> -> memref<1x16xf32, #tpu.memory_space<hbm>>
          %dma_wait3A_1285 = tpu.memref_squeeze %dma_wait3A_1284 : memref<1x16xf32, #tpu.memory_space<hbm>> -> memref<16xf32, #tpu.memory_space<hbm>>
          %dma_wait3A_1286 = arith.constant 0 : i32
          %dma_wait3A_1287 = tpu.memref_slice %arg13[%add3A_1271, %dma_wait3A_1286] : memref<64x16xf32, #tpu.memory_space<hbm>> -> memref<1x16xf32, #tpu.memory_space<hbm>>
          %dma_wait3A_1288 = tpu.memref_squeeze %dma_wait3A_1287 : memref<1x16xf32, #tpu.memory_space<hbm>> -> memref<16xf32, #tpu.memory_space<hbm>>
          tpu.wait_dma2 semaphore(%arg29 : memref<!tpu.dma_semaphore, #tpu.memory_space<semaphore_mem>>) src(%arg25 : memref<16xf32, #tpu.memory_space<vmem>>) dst(%dma_wait3A_1288 : memref<16xf32, #tpu.memory_space<hbm>>)
          %barrier3A = arith.constant 0 : index
          tpu.barrier barrier_id(%barrier3A)
          "tpu.region"() ({
            %run_scoped3A = tpu.sem_alloc : memref<!tpu.dma_semaphore, #tpu.memory_space<semaphore_mem>>
            %dma_start3A_1289 = arith.constant 32 : i32
            %dma_start3A_1290 = arith.constant 0 : i32
            %dma_start3A_1291 = tpu.memref_slice %arg13[%dma_start3A_1289, %dma_start3A_1290] : memref<64x16xf32, #tpu.memory_space<hbm>> -> memref<32x16xf32, #tpu.memory_space<hbm>>
            %dma_start3A_1292 = arith.constant 32 : i32
            %dma_start3A_1293 = arith.constant 0 : i32
            %dma_start3A_1294 = tpu.memref_slice %arg13[%dma_start3A_1292, %dma_start3A_1293] : memref<64x16xf32, #tpu.memory_space<hbm>> -> memref<32x16xf32, #tpu.memory_space<hbm>>
            tpu.enqueue_dma source(%dma_start3A_1294 : memref<32x16xf32, #tpu.memory_space<hbm>>) target(%arg26 : memref<32x16xf32, #tpu.memory_space<vmem>>) target_semaphore(%run_scoped3A : memref<!tpu.dma_semaphore, #tpu.memory_space<semaphore_mem>>)
            %dma_wait3A_1295 = arith.constant 32 : i32
            %dma_wait3A_1296 = arith.constant 0 : i32
            %dma_wait3A_1297 = tpu.memref_slice %arg13[%dma_wait3A_1295, %dma_wait3A_1296] : memref<64x16xf32, #tpu.memory_space<hbm>> -> memref<32x16xf32, #tpu.memory_space<hbm>>
            %dma_wait3A_1298 = arith.constant 32 : i32
            %dma_wait3A_1299 = arith.constant 0 : i32
            %dma_wait3A_1300 = tpu.memref_slice %arg13[%dma_wait3A_1298, %dma_wait3A_1299] : memref<64x16xf32, #tpu.memory_space<hbm>> -> memref<32x16xf32, #tpu.memory_space<hbm>>
            tpu.wait_dma2 semaphore(%run_scoped3A : memref<!tpu.dma_semaphore, #tpu.memory_space<semaphore_mem>>) src(%dma_wait3A_1300 : memref<32x16xf32, #tpu.memory_space<hbm>>) dst(%arg26 : memref<32x16xf32, #tpu.memory_space<vmem>>)
            tpu.yield
          }) : () -> ()
        } else {
        }
        %jit3A_265 = arith.constant 32 : i32
        %jit3A_266 = arith.constant 0 : i32
        %select_n3A_267 = arith.select %lt3A_228, %jit3A_265, %jit3A_266 : i32
        %while3A_268 = arith.constant 0 : i32
        %while3A_269 = arith.constant -4.000000e+09 : f32
        %while3A_270 = arith.constant 0.000000e+00 : f32
        %while3A_271 = arith.constant 0 : i32
        %while3A_272 = arith.constant -4.000000e+09 : f32
        %while3A_273 = arith.constant 0.000000e+00 : f32
        %while3A_274 = arith.constant 0 : i32
        %while3A_275 = arith.subi %select_n3A_267, %while3A_268 : i32
        %while3A_276 = arith.addi %while3A_268, %while3A_275 : i32
        %while3A_277 = arith.constant 1 : i32
        %while3A_278 = arith.divsi %while3A_275, %while3A_277 : i32
        %while3A_279 = arith.muli %while3A_278, %while3A_277 : i32
        %while3A_280 = arith.addi %while3A_268, %while3A_279 : i32
        %while3A_281 = arith.constant 1 : i32
        %while3A_282:6 = scf.for %while3A_424 = %while3A_268 to %while3A_280 step %while3A_281 iter_args(%while3A_425 = %while3A_269, %while3A_426 = %while3A_270, %while3A_427 = %while3A_271, %while3A_428 = %while3A_272, %while3A_429 = %while3A_273, %while3A_430 = %while3A_274) -> (f32, f32, i32, f32, f32, i32)  : i32 {
          %get3A_431 = arith.index_cast %while3A_424 : i32 to index
          %get3A_432 = arith.constant 0 : index
          %get3A_433 = tpu.vector_load %arg26[%get3A_431, %get3A_432] {strides = array<i32>} : memref<32x16xf32, #tpu.memory_space<vmem>>, vector<1x16xf32>,
          %get3A_434 = vector.shape_cast %get3A_433 : vector<1x16xf32> to vector<16xf32>
          %slice3A_435 = vector.extract_strided_slice %get3A_434 {offsets = [0], sizes = [1], strides = [1]} : vector<16xf32> to vector<1xf32>
          %squeeze3A_436 = vector.extract %slice3A_435[0] : f32 from vector<1xf32>
          %slice3A_437 = vector.extract_strided_slice %get3A_434 {offsets = [1], sizes = [1], strides = [1]} : vector<16xf32> to vector<1xf32>
          %squeeze3A_438 = vector.extract %slice3A_437[0] : f32 from vector<1xf32>
          %gt3A_439 = arith.cmpf ogt, %squeeze3A_436, %while3A_425 : f32
          %eq3A_440 = arith.cmpf oeq, %squeeze3A_436, %while3A_425 : f32
          %lt3A_441 = arith.cmpf olt, %squeeze3A_438, %while3A_426 : f32
          %and3A_442 = arith.andi %eq3A_440, %lt3A_441 : i1
          %or3A = arith.ori %gt3A_439, %and3A_442 : i1
          %gt3A_443 = arith.cmpf ogt, %squeeze3A_436, %while3A_428 : f32
          %eq3A_444 = arith.cmpf oeq, %squeeze3A_436, %while3A_428 : f32
          %lt3A_445 = arith.cmpf olt, %squeeze3A_438, %while3A_429 : f32
          %and3A_446 = arith.andi %eq3A_444, %lt3A_445 : i1
          %or3A_447 = arith.ori %gt3A_443, %and3A_446 : i1
          %select_n3A_448 = arith.select %or3A, %squeeze3A_436, %while3A_425 : f32
          %select_n3A_449 = arith.select %or3A, %squeeze3A_438, %while3A_426 : f32
          %select_n3A_450 = arith.select %or3A, %while3A_424, %while3A_427 : i32
          %select_n3A_451 = arith.select %or3A_447, %squeeze3A_436, %while3A_428 : f32
          %select_n3A_452 = arith.select %or3A, %while3A_425, %select_n3A_451 : f32
          %select_n3A_453 = arith.select %or3A_447, %squeeze3A_438, %while3A_429 : f32
          %select_n3A_454 = arith.select %or3A, %while3A_426, %select_n3A_453 : f32
          %select_n3A_455 = arith.select %or3A_447, %while3A_424, %while3A_430 : i32
          %select_n3A_456 = arith.select %or3A, %while3A_427, %select_n3A_455 : i32
          scf.yield %select_n3A_448, %select_n3A_449, %select_n3A_450, %select_n3A_452, %select_n3A_454, %select_n3A_456 : f32, f32, i32, f32, f32, i32
        }
        %while3A_283 = arith.constant 1 : i32
        %while3A_284:6 = scf.for %while3A_424 = %while3A_280 to %while3A_276 step %while3A_283 iter_args(%while3A_425 = %while3A_282#0, %while3A_426 = %while3A_282#1, %while3A_427 = %while3A_282#2, %while3A_428 = %while3A_282#3, %while3A_429 = %while3A_282#4, %while3A_430 = %while3A_282#5) -> (f32, f32, i32, f32, f32, i32)  : i32 {
          %get3A_431 = arith.index_cast %while3A_424 : i32 to index
          %get3A_432 = arith.constant 0 : index
          %get3A_433 = tpu.vector_load %arg26[%get3A_431, %get3A_432] {strides = array<i32>} : memref<32x16xf32, #tpu.memory_space<vmem>>, vector<1x16xf32>,
          %get3A_434 = vector.shape_cast %get3A_433 : vector<1x16xf32> to vector<16xf32>
          %slice3A_435 = vector.extract_strided_slice %get3A_434 {offsets = [0], sizes = [1], strides = [1]} : vector<16xf32> to vector<1xf32>
          %squeeze3A_436 = vector.extract %slice3A_435[0] : f32 from vector<1xf32>
          %slice3A_437 = vector.extract_strided_slice %get3A_434 {offsets = [1], sizes = [1], strides = [1]} : vector<16xf32> to vector<1xf32>
          %squeeze3A_438 = vector.extract %slice3A_437[0] : f32 from vector<1xf32>
          %gt3A_439 = arith.cmpf ogt, %squeeze3A_436, %while3A_425 : f32
          %eq3A_440 = arith.cmpf oeq, %squeeze3A_436, %while3A_425 : f32
          %lt3A_441 = arith.cmpf olt, %squeeze3A_438, %while3A_426 : f32
          %and3A_442 = arith.andi %eq3A_440, %lt3A_441 : i1
          %or3A = arith.ori %gt3A_439, %and3A_442 : i1
          %gt3A_443 = arith.cmpf ogt, %squeeze3A_436, %while3A_428 : f32
          %eq3A_444 = arith.cmpf oeq, %squeeze3A_436, %while3A_428 : f32
          %lt3A_445 = arith.cmpf olt, %squeeze3A_438, %while3A_429 : f32
          %and3A_446 = arith.andi %eq3A_444, %lt3A_445 : i1
          %or3A_447 = arith.ori %gt3A_443, %and3A_446 : i1
          %select_n3A_448 = arith.select %or3A, %squeeze3A_436, %while3A_425 : f32
          %select_n3A_449 = arith.select %or3A, %squeeze3A_438, %while3A_426 : f32
          %select_n3A_450 = arith.select %or3A, %while3A_424, %while3A_427 : i32
          %select_n3A_451 = arith.select %or3A_447, %squeeze3A_436, %while3A_428 : f32
          %select_n3A_452 = arith.select %or3A, %while3A_425, %select_n3A_451 : f32
          %select_n3A_453 = arith.select %or3A_447, %squeeze3A_438, %while3A_429 : f32
          %select_n3A_454 = arith.select %or3A, %while3A_426, %select_n3A_453 : f32
          %select_n3A_455 = arith.select %or3A_447, %while3A_424, %while3A_430 : i32
          %select_n3A_456 = arith.select %or3A, %while3A_427, %select_n3A_455 : i32
          scf.yield %select_n3A_448, %select_n3A_449, %select_n3A_450, %select_n3A_452, %select_n3A_454, %select_n3A_456 : f32, f32, i32, f32, f32, i32
        }
        %get3A_285 = arith.index_cast %while3A_284#2 : i32 to index
        %get3A_286 = arith.constant 0 : index
        %get3A_287 = tpu.vector_load %arg26[%get3A_285, %get3A_286] {strides = array<i32>} : memref<32x16xf32, #tpu.memory_space<vmem>>, vector<1x16xf32>,
        %get3A_288 = vector.shape_cast %get3A_287 : vector<1x16xf32> to vector<16xf32>
        %get3A_289 = arith.index_cast %while3A_284#5 : i32 to index
        %get3A_290 = arith.constant 0 : index
        %get3A_291 = tpu.vector_load %arg26[%get3A_289, %get3A_290] {strides = array<i32>} : memref<32x16xf32, #tpu.memory_space<vmem>>, vector<1x16xf32>,
        %get3A_292 = vector.shape_cast %get3A_291 : vector<1x16xf32> to vector<16xf32>
        %gt3A_293 = arith.constant -1.000000e+08 : f32
        %gt3A_294 = arith.cmpf ogt, %while3A_284#0, %gt3A_293 : f32
        %jit3A_295 = arith.constant 1.000000e+00 : f32
        %jit3A_296 = arith.constant 0.000000e+00 : f32
        %select_n3A_297 = arith.select %gt3A_294, %jit3A_295, %jit3A_296 : f32
        %gt3A_298 = arith.constant -1.000000e+08 : f32
        %gt3A_299 = arith.cmpf ogt, %while3A_284#3, %gt3A_298 : f32
        %jit3A_300 = arith.constant 1.000000e+00 : f32
        %jit3A_301 = arith.constant 0.000000e+00 : f32
        %select_n3A_302 = arith.select %gt3A_299, %jit3A_300, %jit3A_301 : f32
        %slice3A_303 = vector.extract_strided_slice %get3A_288 {offsets = [2], sizes = [1], strides = [1]} : vector<16xf32> to vector<1xf32>
        %squeeze3A_304 = vector.extract %slice3A_303[0] : f32 from vector<1xf32>
        %broadcast_in_dim3A_305 = vector.broadcast %squeeze3A_304 : f32 to vector<16xf32>
        %slice3A_306 = vector.extract_strided_slice %get3A_288 {offsets = [3], sizes = [1], strides = [1]} : vector<16xf32> to vector<1xf32>
        %squeeze3A_307 = vector.extract %slice3A_306[0] : f32 from vector<1xf32>
        %broadcast_in_dim3A_308 = vector.broadcast %squeeze3A_307 : f32 to vector<16xf32>
        %slice3A_309 = vector.extract_strided_slice %get3A_288 {offsets = [4], sizes = [1], strides = [1]} : vector<16xf32> to vector<1xf32>
        %squeeze3A_310 = vector.extract %slice3A_309[0] : f32 from vector<1xf32>
        %broadcast_in_dim3A_311 = vector.broadcast %squeeze3A_310 : f32 to vector<16xf32>
        %slice3A_312 = vector.extract_strided_slice %get3A_288 {offsets = [5], sizes = [1], strides = [1]} : vector<16xf32> to vector<1xf32>
        %squeeze3A_313 = vector.extract %slice3A_312[0] : f32 from vector<1xf32>
        %broadcast_in_dim3A_314 = vector.broadcast %squeeze3A_313 : f32 to vector<16xf32>
        %slice3A_315 = vector.extract_strided_slice %get3A_288 {offsets = [6], sizes = [1], strides = [1]} : vector<16xf32> to vector<1xf32>
        %squeeze3A_316 = vector.extract %slice3A_315[0] : f32 from vector<1xf32>
        %broadcast_in_dim3A_317 = vector.broadcast %squeeze3A_316 : f32 to vector<16xf32>
        %slice3A_318 = vector.extract_strided_slice %get3A_292 {offsets = [2], sizes = [1], strides = [1]} : vector<16xf32> to vector<1xf32>
        %squeeze3A_319 = vector.extract %slice3A_318[0] : f32 from vector<1xf32>
        %broadcast_in_dim3A_320 = vector.broadcast %squeeze3A_319 : f32 to vector<16xf32>
        %slice3A_321 = vector.extract_strided_slice %get3A_292 {offsets = [3], sizes = [1], strides = [1]} : vector<16xf32> to vector<1xf32>
        %squeeze3A_322 = vector.extract %slice3A_321[0] : f32 from vector<1xf32>
        %broadcast_in_dim3A_323 = vector.broadcast %squeeze3A_322 : f32 to vector<16xf32>
        %slice3A_324 = vector.extract_strided_slice %get3A_292 {offsets = [4], sizes = [1], strides = [1]} : vector<16xf32> to vector<1xf32>
        %squeeze3A_325 = vector.extract %slice3A_324[0] : f32 from vector<1xf32>
        %broadcast_in_dim3A_326 = vector.broadcast %squeeze3A_325 : f32 to vector<16xf32>
        %slice3A_327 = vector.extract_strided_slice %get3A_292 {offsets = [5], sizes = [1], strides = [1]} : vector<16xf32> to vector<1xf32>
        %squeeze3A_328 = vector.extract %slice3A_327[0] : f32 from vector<1xf32>
        %broadcast_in_dim3A_329 = vector.broadcast %squeeze3A_328 : f32 to vector<16xf32>
        %slice3A_330 = vector.extract_strided_slice %get3A_292 {offsets = [6], sizes = [1], strides = [1]} : vector<16xf32> to vector<1xf32>
        %squeeze3A_331 = vector.extract %slice3A_330[0] : f32 from vector<1xf32>
        %broadcast_in_dim3A_332 = vector.broadcast %squeeze3A_331 : f32 to vector<16xf32>
        %max3A_333 = arith.maximumf %broadcast_in_dim3A_305, %broadcast_in_dim3A_320 : vector<16xf32>
        %max3A_334 = arith.maximumf %broadcast_in_dim3A_308, %broadcast_in_dim3A_323 : vector<16xf32>
        %min3A_335 = arith.minimumf %broadcast_in_dim3A_311, %broadcast_in_dim3A_326 : vector<16xf32>
        %min3A_336 = arith.minimumf %broadcast_in_dim3A_314, %broadcast_in_dim3A_329 : vector<16xf32>
        %sub3A_337 = arith.subf %min3A_335, %max3A_333 : vector<16xf32>
        %max3A_338 = arith.constant 0.000000e+00 : f32
        %max3A_339 = vector.broadcast %max3A_338 : f32 to vector<16xf32>
        %max3A_340 = arith.maximumf %sub3A_337, %max3A_339 : vector<16xf32>
        %sub3A_341 = arith.subf %min3A_336, %max3A_334 : vector<16xf32>
        %max3A_342 = arith.constant 0.000000e+00 : f32
        %max3A_343 = vector.broadcast %max3A_342 : f32 to vector<16xf32>
        %max3A_344 = arith.maximumf %sub3A_341, %max3A_343 : vector<16xf32>
        %mul3A_345 = arith.mulf %max3A_340, %max3A_344 : vector<16xf32>
        %add3A_346 = arith.addf %broadcast_in_dim3A_317, %broadcast_in_dim3A_332 : vector<16xf32>
        %sub3A_347 = arith.subf %add3A_346, %mul3A_345 : vector<16xf32>
        %max3A_348 = arith.constant 9.99999971E-10 : f32
        %max3A_349 = vector.broadcast %max3A_348 : f32 to vector<16xf32>
        %max3A_350 = arith.maximumf %sub3A_347, %max3A_349 : vector<16xf32>
        %div3A_351 = arith.divf %mul3A_345, %max3A_350 : vector<16xf32>
        %swap3A_352 = arith.constant 0 : index
        %swap3A_353 = tpu.vector_load %arg24[%swap3A_352] {strides = array<i32>} : memref<16xf32, #tpu.memory_space<vmem>>, vector<16xf32>,
        %swap3A_354 = vector.shape_cast %swap3A_353 : vector<16xf32> to vector<16xf32>
        %swap3A_355 = vector.shape_cast %div3A_351 : vector<16xf32> to vector<16xf32>
        tpu.vector_store %arg24[%swap3A_352], %swap3A_355 {strides = array<i32>} : memref<16xf32, #tpu.memory_space<vmem>>, vector<16xf32>,
        %get3A_356 = arith.constant 0 : index
        %get3A_357 = tpu.vector_load %arg24[%get3A_356] {strides = array<i32>} : memref<16xf32, #tpu.memory_space<vmem>>, vector<16xf32>,
        %get3A_358 = vector.shape_cast %get3A_357 : vector<16xf32> to vector<16xf32>
        %slice3A_359 = vector.extract_strided_slice %get3A_358 {offsets = [0], sizes = [1], strides = [1]} : vector<16xf32> to vector<1xf32>
        %squeeze3A_360 = vector.extract %slice3A_359[0] : f32 from vector<1xf32>
        %gt3A_361 = arith.constant 5.000000e-01 : f32
        %gt3A_362 = arith.cmpf ogt, %squeeze3A_360, %gt3A_361 : f32
        %and3A_363 = arith.andi %gt3A_362, %gt3A_294 : i1
        %not3A_364 = arith.constant true
        %not3A_365 = arith.xori %and3A_363, %not3A_364 : i1
        %add3A_366 = arith.constant 1 : i32
        %add3A_367 = arith.addi %select_n3A_194, %add3A_366 : i32
        %lt3A_368 = arith.constant 300 : i32
        %lt3A_369 = arith.cmpi slt, %add3A_367, %lt3A_368 : i32
        %and3A_370 = arith.andi %not3A_365, %lt3A_369 : i1
        %and3A_371 = arith.andi %and3A_370, %lt3A_228 : i1
        %eq3A_372 = arith.constant 0 : i32
        %eq3A_373 = arith.cmpi eq, %arg1, %eq3A_372 : i32
        %and3A_374 = arith.andi %eq3A_373, %lt3A_228 : i1
        %convert_element_type3A_375 = arith.extui %and3A_374 : i1 to i32
        %cond3A_376 = arith.constant 0 : i32
        %cond3A_377 = arith.cmpi ne, %convert_element_type3A_375, %cond3A_376 : i32
        scf.if %cond3A_377 {
          %slice3A_424 = vector.extract_strided_slice %get3A_288 {offsets = [7], sizes = [1], strides = [1]} : vector<16xf32> to vector<1xf32>
          %squeeze3A_425 = vector.extract %slice3A_424[0] : f32 from vector<1xf32>
          %slice3A_426 = vector.extract_strided_slice %get3A_288 {offsets = [8], sizes = [1], strides = [1]} : vector<16xf32> to vector<1xf32>
          %squeeze3A_427 = vector.extract %slice3A_426[0] : f32 from vector<1xf32>
          %slice3A_428 = vector.extract_strided_slice %get3A_288 {offsets = [9], sizes = [1], strides = [1]} : vector<16xf32> to vector<1xf32>
          %squeeze3A_429 = vector.extract %slice3A_428[0] : f32 from vector<1xf32>
          %slice3A_430 = vector.extract_strided_slice %get3A_288 {offsets = [10], sizes = [1], strides = [1]} : vector<16xf32> to vector<1xf32>
          %squeeze3A_431 = vector.extract %slice3A_430[0] : f32 from vector<1xf32>
          %eq3A_432 = arith.constant 0 : i32
          %eq3A_433 = vector.broadcast %eq3A_432 : i32 to vector<16xi32>
          %eq3A_434 = arith.cmpi eq, %iota3A, %eq3A_433 : vector<16xi32>
          %mul3A_435 = arith.mulf %squeeze3A_425, %select_n3A_297 : f32
          %broadcast_in_dim3A_436 = vector.broadcast %mul3A_435 : f32 to vector<16xf32>
          %select_n3A_437 = arith.select %eq3A_434, %broadcast_in_dim3A_436, %broadcast_in_dim3A_6 : vector<16xi1>, vector<16xf32>
          %eq3A_438 = arith.constant 1 : i32
          %eq3A_439 = vector.broadcast %eq3A_438 : i32 to vector<16xi32>
          %eq3A_440 = arith.cmpi eq, %iota3A, %eq3A_439 : vector<16xi32>
          %mul3A_441 = arith.mulf %squeeze3A_427, %select_n3A_297 : f32
          %broadcast_in_dim3A_442 = vector.broadcast %mul3A_441 : f32 to vector<16xf32>
          %select_n3A_443 = arith.select %eq3A_440, %broadcast_in_dim3A_442, %select_n3A_437 : vector<16xi1>, vector<16xf32>
          %eq3A_444 = arith.constant 2 : i32
          %eq3A_445 = vector.broadcast %eq3A_444 : i32 to vector<16xi32>
          %eq3A_446 = arith.cmpi eq, %iota3A, %eq3A_445 : vector<16xi32>
          %mul3A_447 = arith.mulf %squeeze3A_429, %select_n3A_297 : f32
          %broadcast_in_dim3A_448 = vector.broadcast %mul3A_447 : f32 to vector<16xf32>
          %select_n3A_449 = arith.select %eq3A_446, %broadcast_in_dim3A_448, %select_n3A_443 : vector<16xi1>, vector<16xf32>
          %eq3A_450 = arith.constant 3 : i32
          %eq3A_451 = vector.broadcast %eq3A_450 : i32 to vector<16xi32>
          %eq3A_452 = arith.cmpi eq, %iota3A, %eq3A_451 : vector<16xi32>
          %mul3A_453 = arith.mulf %squeeze3A_431, %select_n3A_297 : f32
          %broadcast_in_dim3A_454 = vector.broadcast %mul3A_453 : f32 to vector<16xf32>
          %select_n3A_455 = arith.select %eq3A_452, %broadcast_in_dim3A_454, %select_n3A_449 : vector<16xi1>, vector<16xf32>
          %eq3A_456 = arith.constant 4 : i32
          %eq3A_457 = vector.broadcast %eq3A_456 : i32 to vector<16xi32>
          %eq3A_458 = arith.cmpi eq, %iota3A, %eq3A_457 : vector<16xi32>
          %mul3A_459 = arith.mulf %while3A_284#0, %select_n3A_297 : f32
          %broadcast_in_dim3A_460 = vector.broadcast %mul3A_459 : f32 to vector<16xf32>
          %select_n3A_461 = arith.select %eq3A_458, %broadcast_in_dim3A_460, %select_n3A_455 : vector<16xi1>, vector<16xf32>
          %swap3A_462 = arith.index_cast %select_n3A_194 : i32 to index
          %swap3A_463 = arith.constant 0 : index
          %swap3A_464 = tpu.vector_load %arg27[%swap3A_462, %swap3A_463] {strides = array<i32>} : memref<300x16xf32, #tpu.memory_space<vmem>>, vector<1x16xf32>,
          %swap3A_465 = vector.shape_cast %swap3A_464 : vector<1x16xf32> to vector<16xf32>
          %swap3A_466 = vector.shape_cast %select_n3A_461 : vector<16xf32> to vector<1x16xf32>
          tpu.vector_store %arg27[%swap3A_462, %swap3A_463], %swap3A_466 {strides = array<i32>} : memref<300x16xf32, #tpu.memory_space<vmem>>, vector<1x16xf32>,
        } else {
        }
        %eq3A_378 = arith.constant 0 : i32
        %eq3A_379 = arith.cmpi eq, %arg1, %eq3A_378 : i32
        %and3A_380 = arith.andi %eq3A_379, %and3A_371 : i1
        %convert_element_type3A_381 = arith.extui %and3A_380 : i1 to i32
        %cond3A_382 = arith.constant 0 : i32
        %cond3A_383 = arith.cmpi ne, %convert_element_type3A_381, %cond3A_382 : i32
        scf.if %cond3A_383 {
          %slice3A_424 = vector.extract_strided_slice %get3A_292 {offsets = [7], sizes = [1], strides = [1]} : vector<16xf32> to vector<1xf32>
          %squeeze3A_425 = vector.extract %slice3A_424[0] : f32 from vector<1xf32>
          %slice3A_426 = vector.extract_strided_slice %get3A_292 {offsets = [8], sizes = [1], strides = [1]} : vector<16xf32> to vector<1xf32>
          %squeeze3A_427 = vector.extract %slice3A_426[0] : f32 from vector<1xf32>
          %slice3A_428 = vector.extract_strided_slice %get3A_292 {offsets = [9], sizes = [1], strides = [1]} : vector<16xf32> to vector<1xf32>
          %squeeze3A_429 = vector.extract %slice3A_428[0] : f32 from vector<1xf32>
          %slice3A_430 = vector.extract_strided_slice %get3A_292 {offsets = [10], sizes = [1], strides = [1]} : vector<16xf32> to vector<1xf32>
          %squeeze3A_431 = vector.extract %slice3A_430[0] : f32 from vector<1xf32>
          %eq3A_432 = arith.constant 0 : i32
          %eq3A_433 = vector.broadcast %eq3A_432 : i32 to vector<16xi32>
          %eq3A_434 = arith.cmpi eq, %iota3A, %eq3A_433 : vector<16xi32>
          %mul3A_435 = arith.mulf %squeeze3A_425, %select_n3A_302 : f32
          %broadcast_in_dim3A_436 = vector.broadcast %mul3A_435 : f32 to vector<16xf32>
          %select_n3A_437 = arith.select %eq3A_434, %broadcast_in_dim3A_436, %broadcast_in_dim3A_6 : vector<16xi1>, vector<16xf32>
          %eq3A_438 = arith.constant 1 : i32
          %eq3A_439 = vector.broadcast %eq3A_438 : i32 to vector<16xi32>
          %eq3A_440 = arith.cmpi eq, %iota3A, %eq3A_439 : vector<16xi32>
          %mul3A_441 = arith.mulf %squeeze3A_427, %select_n3A_302 : f32
          %broadcast_in_dim3A_442 = vector.broadcast %mul3A_441 : f32 to vector<16xf32>
          %select_n3A_443 = arith.select %eq3A_440, %broadcast_in_dim3A_442, %select_n3A_437 : vector<16xi1>, vector<16xf32>
          %eq3A_444 = arith.constant 2 : i32
          %eq3A_445 = vector.broadcast %eq3A_444 : i32 to vector<16xi32>
          %eq3A_446 = arith.cmpi eq, %iota3A, %eq3A_445 : vector<16xi32>
          %mul3A_447 = arith.mulf %squeeze3A_429, %select_n3A_302 : f32
          %broadcast_in_dim3A_448 = vector.broadcast %mul3A_447 : f32 to vector<16xf32>
          %select_n3A_449 = arith.select %eq3A_446, %broadcast_in_dim3A_448, %select_n3A_443 : vector<16xi1>, vector<16xf32>
          %eq3A_450 = arith.constant 3 : i32
          %eq3A_451 = vector.broadcast %eq3A_450 : i32 to vector<16xi32>
          %eq3A_452 = arith.cmpi eq, %iota3A, %eq3A_451 : vector<16xi32>
          %mul3A_453 = arith.mulf %squeeze3A_431, %select_n3A_302 : f32
          %broadcast_in_dim3A_454 = vector.broadcast %mul3A_453 : f32 to vector<16xf32>
          %select_n3A_455 = arith.select %eq3A_452, %broadcast_in_dim3A_454, %select_n3A_449 : vector<16xi1>, vector<16xf32>
          %eq3A_456 = arith.constant 4 : i32
          %eq3A_457 = vector.broadcast %eq3A_456 : i32 to vector<16xi32>
          %eq3A_458 = arith.cmpi eq, %iota3A, %eq3A_457 : vector<16xi32>
          %mul3A_459 = arith.mulf %while3A_284#3, %select_n3A_302 : f32
          %broadcast_in_dim3A_460 = vector.broadcast %mul3A_459 : f32 to vector<16xf32>
          %select_n3A_461 = arith.select %eq3A_458, %broadcast_in_dim3A_460, %select_n3A_455 : vector<16xi1>, vector<16xf32>
          %add3A_462 = arith.constant 1 : i32
          %add3A_463 = arith.addi %select_n3A_194, %add3A_462 : i32
          %swap3A_464 = arith.index_cast %add3A_463 : i32 to index
          %swap3A_465 = arith.constant 0 : index
          %swap3A_466 = tpu.vector_load %arg27[%swap3A_464, %swap3A_465] {strides = array<i32>} : memref<300x16xf32, #tpu.memory_space<vmem>>, vector<1x16xf32>,
          %swap3A_467 = vector.shape_cast %swap3A_466 : vector<1x16xf32> to vector<16xf32>
          %swap3A_468 = vector.shape_cast %select_n3A_461 : vector<16xf32> to vector<1x16xf32>
          tpu.vector_store %arg27[%swap3A_464, %swap3A_465], %swap3A_468 {strides = array<i32>} : memref<300x16xf32, #tpu.memory_space<vmem>>, vector<1x16xf32>,
        } else {
        }
        %select_n3A_384 = arith.select %gt3A_294, %scan3A, %scan3A_7 : f32
        %and3A_385 = arith.andi %and3A_371, %gt3A_299 : i1
        %select_n3A_386 = arith.select %and3A_385, %scan3A, %scan3A_7 : f32
        %add3A_387 = arith.constant 1 : i32
        %add3A_388 = arith.addi %select_n3A_194, %add3A_387 : i32
        %convert_element_type3A_389 = arith.extui %and3A_371 : i1 to i32
        %add3A_390 = arith.addi %add3A_388, %convert_element_type3A_389 : i32
        %select_n3A_391 = arith.select %lt3A_228, %add3A_390, %select_n3A_194 : i32
        %slice3A_392 = vector.extract_strided_slice %get3A_288 {offsets = [2], sizes = [1], strides = [1]} : vector<16xf32> to vector<1xf32>
        %squeeze3A_393 = vector.extract %slice3A_392[0] : f32 from vector<1xf32>
        %select_n3A_394 = arith.select %lt3A_228, %squeeze3A_393, %select_n3A_197 : f32
        %slice3A_395 = vector.extract_strided_slice %get3A_288 {offsets = [3], sizes = [1], strides = [1]} : vector<16xf32> to vector<1xf32>
        %squeeze3A_396 = vector.extract %slice3A_395[0] : f32 from vector<1xf32>
        %select_n3A_397 = arith.select %lt3A_228, %squeeze3A_396, %select_n3A_200 : f32
        %slice3A_398 = vector.extract_strided_slice %get3A_288 {offsets = [4], sizes = [1], strides = [1]} : vector<16xf32> to vector<1xf32>
        %squeeze3A_399 = vector.extract %slice3A_398[0] : f32 from vector<1xf32>
        %select_n3A_400 = arith.select %lt3A_228, %squeeze3A_399, %select_n3A_203 : f32
        %slice3A_401 = vector.extract_strided_slice %get3A_288 {offsets = [5], sizes = [1], strides = [1]} : vector<16xf32> to vector<1xf32>
        %squeeze3A_402 = vector.extract %slice3A_401[0] : f32 from vector<1xf32>
        %select_n3A_403 = arith.select %lt3A_228, %squeeze3A_402, %select_n3A_206 : f32
        %slice3A_404 = vector.extract_strided_slice %get3A_288 {offsets = [6], sizes = [1], strides = [1]} : vector<16xf32> to vector<1xf32>
        %squeeze3A_405 = vector.extract %slice3A_404[0] : f32 from vector<1xf32>
        %select_n3A_406 = arith.select %lt3A_228, %squeeze3A_405, %select_n3A_209 : f32
        %select_n3A_407 = arith.select %lt3A_228, %select_n3A_384, %select_n3A_210 : f32
        %slice3A_408 = vector.extract_strided_slice %get3A_292 {offsets = [2], sizes = [1], strides = [1]} : vector<16xf32> to vector<1xf32>
        %squeeze3A_409 = vector.extract %slice3A_408[0] : f32 from vector<1xf32>
        %select_n3A_410 = arith.select %lt3A_228, %squeeze3A_409, %select_n3A_213 : f32
        %slice3A_411 = vector.extract_strided_slice %get3A_292 {offsets = [3], sizes = [1], strides = [1]} : vector<16xf32> to vector<1xf32>
        %squeeze3A_412 = vector.extract %slice3A_411[0] : f32 from vector<1xf32>
        %select_n3A_413 = arith.select %lt3A_228, %squeeze3A_412, %select_n3A_216 : f32
        %slice3A_414 = vector.extract_strided_slice %get3A_292 {offsets = [4], sizes = [1], strides = [1]} : vector<16xf32> to vector<1xf32>
        %squeeze3A_415 = vector.extract %slice3A_414[0] : f32 from vector<1xf32>
        %select_n3A_416 = arith.select %lt3A_228, %squeeze3A_415, %select_n3A_219 : f32
        %slice3A_417 = vector.extract_strided_slice %get3A_292 {offsets = [5], sizes = [1], strides = [1]} : vector<16xf32> to vector<1xf32>
        %squeeze3A_418 = vector.extract %slice3A_417[0] : f32 from vector<1xf32>
        %select_n3A_419 = arith.select %lt3A_228, %squeeze3A_418, %select_n3A_222 : f32
        %slice3A_420 = vector.extract_strided_slice %get3A_292 {offsets = [6], sizes = [1], strides = [1]} : vector<16xf32> to vector<1xf32>
        %squeeze3A_421 = vector.extract %slice3A_420[0] : f32 from vector<1xf32>
        %select_n3A_422 = arith.select %lt3A_228, %squeeze3A_421, %select_n3A_225 : f32
        %select_n3A_423 = arith.select %lt3A_228, %select_n3A_386, %select_n3A_226 : f32
        scf.yield %select_n3A_391, %select_n3A_394, %select_n3A_397, %select_n3A_400, %select_n3A_403, %select_n3A_406, %select_n3A_407, %select_n3A_410, %select_n3A_413, %select_n3A_416, %select_n3A_419, %select_n3A_422, %select_n3A_423 : i32, f32, f32, f32, f32, f32, f32, f32, f32, f32, f32, f32, f32
      }
      %scan3A_26 = arith.constant 150 : i32
      %eq3A_27 = arith.constant 0 : i32
      %eq3A_28 = arith.cmpi eq, %arg1, %eq3A_27 : i32
      %convert_element_type3A_29 = arith.extui %eq3A_28 : i1 to i32
      %cond3A_30 = arith.constant 0 : i32
      %cond3A_31 = arith.cmpi ne, %convert_element_type3A_29, %cond3A_30 : i32
      scf.if %cond3A_31 {
        "tpu.region"() ({
          %run_scoped3A = tpu.sem_alloc : memref<!tpu.dma_semaphore, #tpu.memory_space<semaphore_mem>>
          tpu.enqueue_dma source(%arg27 : memref<300x16xf32, #tpu.memory_space<vmem>>) target(%arg12 : memref<300x16xf32, #tpu.memory_space<hbm>>) target_semaphore(%run_scoped3A : memref<!tpu.dma_semaphore, #tpu.memory_space<semaphore_mem>>)
          tpu.wait_dma2 semaphore(%run_scoped3A : memref<!tpu.dma_semaphore, #tpu.memory_space<semaphore_mem>>) src(%arg27 : memref<300x16xf32, #tpu.memory_space<vmem>>) dst(%arg12 : memref<300x16xf32, #tpu.memory_space<hbm>>)
          tpu.yield
        }) : () -> ()
      } else {
      }
    } else {
    }
    return
  }
}

module attributes {stable_mosaic.version = 14 : i64} {
  func.func @_prep_body(%arg0: memref<160x128xf32, #tpu.memory_space<vmem>>, %arg1: memref<160x128xf32, #tpu.memory_space<vmem>>, %arg2: memref<160x128xf32, #tpu.memory_space<vmem>>, %arg3: memref<160x128xf32, #tpu.memory_space<vmem>>, %arg4: memref<160x128xf32, #tpu.memory_space<vmem>>, %arg5: memref<160x128xf32, #tpu.memory_space<vmem>>, %arg6: memref<160x128xf32, #tpu.memory_space<vmem>>, %arg7: memref<160x128xf32, #tpu.memory_space<vmem>>, %arg8: memref<160x128xf32, #tpu.memory_space<vmem>>, %arg9: memref<160x128xf32, #tpu.memory_space<vmem>>) attributes {dimension_semantics = [], scalar_prefetch = 0 : i64, scratch_operands = 0 : i64, tpu.core_type = #tpu.core_type<tc>} {
    %get3A = arith.constant 0 : index
    %get3A_0 = arith.constant 0 : index
    %get3A_1 = vector.load %arg0[%get3A, %get3A_0] : memref<160x128xf32, #tpu.memory_space<vmem>>, vector<160x128xf32>
    %get3A_2 = arith.constant 0 : index
    %get3A_3 = arith.constant 0 : index
    %get3A_4 = vector.load %arg1[%get3A_2, %get3A_3] : memref<160x128xf32, #tpu.memory_space<vmem>>, vector<160x128xf32>
    %get3A_5 = arith.constant 0 : index
    %get3A_6 = arith.constant 0 : index
    %get3A_7 = vector.load %arg2[%get3A_5, %get3A_6] : memref<160x128xf32, #tpu.memory_space<vmem>>, vector<160x128xf32>
    %get3A_8 = arith.constant 0 : index
    %get3A_9 = arith.constant 0 : index
    %get3A_10 = vector.load %arg3[%get3A_8, %get3A_9] : memref<160x128xf32, #tpu.memory_space<vmem>>, vector<160x128xf32>
    %get3A_11 = arith.constant 0 : index
    %get3A_12 = arith.constant 0 : index
    %get3A_13 = vector.load %arg4[%get3A_11, %get3A_12] : memref<160x128xf32, #tpu.memory_space<vmem>>, vector<160x128xf32>
    %max3A = arith.maximumf %get3A_1, %get3A_7 : vector<160x128xf32>
    %max3A_14 = arith.maximumf %get3A_4, %get3A_10 : vector<160x128xf32>
    %max3A_15 = arith.maximumf %max3A, %max3A_14 : vector<160x128xf32>
    %reduce_max3A = vector.shape_cast %max3A_15 : vector<160x128xf32> to vector<1x160x128xf32>
    %reduce_max3A_16 = arith.constant dense<0xFF800000> : vector<1xf32>
    %reduce_max3A_17 = vector.multi_reduction <maximumf>, %reduce_max3A, %reduce_max3A_16 [1, 2] : vector<1x160x128xf32> to vector<1xf32>
    %reduce_max3A_18 = vector.shape_cast %reduce_max3A_17 : vector<1xf32> to vector<1x1x1xf32>
    %reduce_max3A_19 = vector.extract %reduce_max3A_18[0, 0, 0] : f32 from vector<1x1x1xf32>
    %add3A = arith.constant 1.000000e+00 : f32
    %add3A_20 = arith.addf %reduce_max3A_19, %add3A : f32
    %mul3A = vector.broadcast %add3A_20 : f32 to vector<160x128xf32>
    %mul3A_21 = arith.mulf %get3A_13, %mul3A : vector<160x128xf32>
    %add3A_22 = arith.addf %get3A_1, %mul3A_21 : vector<160x128xf32>
    %add3A_23 = arith.addf %get3A_4, %mul3A_21 : vector<160x128xf32>
    %add3A_24 = arith.addf %get3A_7, %mul3A_21 : vector<160x128xf32>
    %add3A_25 = arith.addf %get3A_10, %mul3A_21 : vector<160x128xf32>
    %swap3A = arith.constant 0 : index
    %swap3A_26 = arith.constant 0 : index
    %swap3A_27 = vector.load %arg5[%swap3A, %swap3A_26] : memref<160x128xf32, #tpu.memory_space<vmem>>, vector<160x128xf32>
    tpu.vector_store %arg5[%swap3A, %swap3A_26], %add3A_22 {strides = array<i32>} : memref<160x128xf32, #tpu.memory_space<vmem>>, vector<160x128xf32>,
    %swap3A_28 = arith.constant 0 : index
    %swap3A_29 = arith.constant 0 : index
    %swap3A_30 = vector.load %arg6[%swap3A_28, %swap3A_29] : memref<160x128xf32, #tpu.memory_space<vmem>>, vector<160x128xf32>
    tpu.vector_store %arg6[%swap3A_28, %swap3A_29], %add3A_23 {strides = array<i32>} : memref<160x128xf32, #tpu.memory_space<vmem>>, vector<160x128xf32>,
    %swap3A_31 = arith.constant 0 : index
    %swap3A_32 = arith.constant 0 : index
    %swap3A_33 = vector.load %arg7[%swap3A_31, %swap3A_32] : memref<160x128xf32, #tpu.memory_space<vmem>>, vector<160x128xf32>
    tpu.vector_store %arg7[%swap3A_31, %swap3A_32], %add3A_24 {strides = array<i32>} : memref<160x128xf32, #tpu.memory_space<vmem>>, vector<160x128xf32>,
    %swap3A_34 = arith.constant 0 : index
    %swap3A_35 = arith.constant 0 : index
    %swap3A_36 = vector.load %arg8[%swap3A_34, %swap3A_35] : memref<160x128xf32, #tpu.memory_space<vmem>>, vector<160x128xf32>
    tpu.vector_store %arg8[%swap3A_34, %swap3A_35], %add3A_25 {strides = array<i32>} : memref<160x128xf32, #tpu.memory_space<vmem>>, vector<160x128xf32>,
    %sub3A = arith.subf %add3A_24, %add3A_22 : vector<160x128xf32>
    %sub3A_37 = arith.subf %add3A_25, %add3A_23 : vector<160x128xf32>
    %mul3A_38 = arith.mulf %sub3A, %sub3A_37 : vector<160x128xf32>
    %swap3A_39 = arith.constant 0 : index
    %swap3A_40 = arith.constant 0 : index
    %swap3A_41 = vector.load %arg9[%swap3A_39, %swap3A_40] : memref<160x128xf32, #tpu.memory_space<vmem>>, vector<160x128xf32>
    tpu.vector_store %arg9[%swap3A_39, %swap3A_40], %mul3A_38 {strides = array<i32>} : memref<160x128xf32, #tpu.memory_space<vmem>>, vector<160x128xf32>,
    return
  }
}

</mosaic_0001>

<sc_bundles>
// kernel: kernel.4.cloned.1.call-start
scs
__scs_entry_jumppad:
0x0: {  	(pc) =	sbr.rel $0x88, $3  }
0x1: {  	(tag) =	ssettag $0x0;
	lr =	simm.s32 $0x1  }
0x2: {  	[smem:$0x3F9E] =	sst lr;
	_ =	strace $0xD0000000  }
0x3: {  	_ = 	snop  }
0x4: {  	_ = 	snop  }
0x5: {  	_ = 	snop  }
0x6: {  	_ = 	snop  }
0x7: {  	_ = 	snop  }
__scs_overlays_trampoline_lowered:
0x8: {  	[smem:$0x3FAD] =	sst s0  }
0x9: {  	[smem:$0x3FAE] =	sst s1  }
0xa: {  	[smem:$0x3FAF] =	sst s2  }
0xb: {  	[smem:$0x3FB0] =	sst s3  }
0xc: {  	[smem:$0x3FB1] =	sst s4  }
0xd: {  	[smem:$0x3FB2] =	sst s5  }
0xe: {  	[smem:$0x3FB3] =	sst s6  }
0xf: {  	[smem:$0x3FB4] =	sst s7  }
0x10: {  	[smem:$0x3FB5] =	sst s8  }
0x11: {  	[smem:$0x3FB6] =	sst s9;
	s0 =	simm.s32 @!p0 $0x0  }
0x12: {  	s1 =	sld [smem:$0x3F9C];
	s0 =	simm.s32 @p0 $0x1  }
0x13: {  	[smem:$0x3FB7] =	sst s0;
	s0 =	simm.s32 @!p1 $0x0  }
0x14: {  	s2 =	sld [smem:$0x3F9B];
	s0 =	simm.s32 @p1 $0x1  }
0x15: {  	[smem:$0x3FB8] =	sst s0;
	s0 =	simm.s32 @!p2 $0x0  }
0x16: {  	s3 =	sld [smem:$0x3FDB];
	s0 =	simm.s32 @p2 $0x1  }
0x17: {  	s4 =	simm.s32 $0x1BF5;
	[smem:$0x3FBA] =	sst s0  }
0x18: {  	s0 =	sld [smem:$0x3F9D];
	_ =	swait.ge [sflag:s4], $0x0  }
0x19: {  	s7 =	sld [smem:$0x3F9E]  }
0x1a: {  	s8 =	sadd.s32 $0xFFFFE003, lr  }
0x1b: {  	s9 =	sadd.s32 $0xFFFFFEF7, lr;
	s5 =	simm.s32 $0xFFFFFFFF;
	p2 =	slt.u32 s8, $0xFFFFF086  }
0x1c: {  	p1 =	slt.u32 s9, $0xF7A;
	s5 =	simm.s32 @!p2 $0x0  }
0x1d: {  	s5 =	simm.s32 @p1 $0x1;
	p0 =	seq.s32 s7, s2  }
0x1e: {  	s7 =	smul.u32 @!p0 $0xF7A, s2;
	p2 =	seq.s32 @!p0 s5, $0x0  }
0x1f: {  	s9 =	smul.u32 $0xF7A, s1;
	s8 =	simm.s32 @!p0 $0x1BF5;
	p2 =	por !p2, p0  }
0x20: {  	[sflag:s8] =	ssyncset.s32 @!p0 $0xFFFFF086;
	s6 =	sadd.s32 @!p0 s3, s7;
	s7 =	simm.s32 @!p0 $0x108  }
0x21: {  	s3 =	sadd.s32 s3, s9;
	s6 =	sadd.s32 @!p0 $0x88, s6;
	s7 =	simm.s32 @p2 $0x1082  }
0x22: {  	[simem:s7], [sflag:s8] =	dma.local @!p0 [hbm:s6], $0xF7A  }
0x23: {  	s9 =	sor.u32 $0xD0000000, s2;
	s6 =	simm.s32 $0x108;
	_ =	swait.ge @!p0 [sflag:s8], $0x0  }
0x24: {  	s3 =	sadd.s32 $0x88, s3;
	s6 =	simm.s32 @!p1 $0x1082;
	[sflag:s4] =	ssyncset.s32 $0xFFFFF086  }
0x25: {  	[simem:s6], [sflag:s4] =	dma.local [hbm:s3], $0xF7A  }
0x26: {  	[smem:$0x3F9E] =	sst s1;
	(tag) =	ssettag s2;
	_ =	strace s9  }
0x27: {  	s1 =	sld [smem:$0x3FAE]  }
0x28: {  	s2 =	sld [smem:$0x3FAF]  }
0x29: {  	s4 =	sld [smem:$0x3FB1]  }
0x2a: {  	p0 =	seq.s32 s5, $0x0;
	s5 =	sld [smem:$0x3FB2]  }
0x2b: {  	s6 =	sld [smem:$0x3FB3]  }
0x2c: {  	s7 =	sld [smem:$0x3FB4]  }
0x2d: {  	s3 =	simm.s32 $0x108;
	s8 =	sld [smem:$0x3FB5]  }
0x2e: {  	s3 =	simm.s32 @!p0 $0x1082;
	s9 =	sld [smem:$0x3FB6]  }
0x2f: {  	lr =	sadd.s32 s0, s3;
	s0 =	sld [smem:$0x3FAD]  }
0x30: {  	s3 =	sld [smem:$0x3FB0]  }
0x31: {  	[smem:$0x3FB9] =	sst s10  }
0x32: {  	s10 =	sld [smem:$0x3FB7];
	_ =	sdelay $0x3  }
0x33: {  	p0 =	seq.s32 s10, $0x1;
	s10 =	sld [smem:$0x3FB9];
	_ =	sdelay $0x3  }
0x34: {  	[smem:$0x3FB9] =	sst s10  }
0x35: {  	s10 =	sld [smem:$0x3FB8];
	_ =	sdelay $0x3  }
0x36: {  	p1 =	seq.s32 s10, $0x1;
	s10 =	sld [smem:$0x3FB9];
	_ =	sdelay $0x3  }
0x37: {  	[smem:$0x3FB9] =	sst s10  }
0x38: {  	s10 =	sld [smem:$0x3FBA]  }
0x39: {  	_ = 	snop;
	(pc) =	sbr.ind lr, $3  }
0x3a: {  	_ = 	snop  }
0x3b: {  	_ = 	snop  }
0x3c: {  	p2 =	seq.s32 s10, $0x1;
	s10 =	sld [smem:$0x3FB9]  }
0x3d: {  	_ =	shalt  }
0x3e: {  	_ =	shalt  }
0x3f: {  	_ =	shalt  }
0x40: {  	_ =	shalt  }
0x41: {  	_ =	shalt  }
0x42: {  	_ =	shalt  }
0x43: {  	_ =	shalt  }
0x44: {  	_ =	shalt  }
0x45: {  	_ =	shalt  }
0x46: {  	_ =	shalt  }
0x47: {  	_ =	shalt  }
0x48: {  	_ =	shalt  }
0x49: {  	_ =	shalt  }
0x4a: {  	_ =	shalt  }
0x4b: {  	_ =	shalt  }
0x4c: {  	_ =	shalt  }
0x4d: {  	_ =	shalt  }
0x4e: {  	_ =	shalt  }
0x4f: {  	_ =	shalt  }
0x50: {  	_ =	shalt  }
0x51: {  	_ =	shalt  }
0x52: {  	_ =	shalt  }
0x53: {  	_ =	shalt  }
0x54: {  	_ =	shalt  }
0x55: {  	_ =	shalt  }
0x56: {  	_ =	shalt  }
0x57: {  	_ =	shalt  }
0x58: {  	_ =	shalt  }
0x59: {  	_ =	shalt  }
0x5a: {  	_ =	shalt  }
0x5b: {  	_ =	shalt  }
0x5c: {  	_ =	shalt  }
0x5d: {  	_ =	shalt  }
0x5e: {  	_ =	shalt  }
0x5f: {  	_ =	shalt  }
0x60: {  	_ =	shalt  }
0x61: {  	_ =	shalt  }
0x62: {  	_ =	shalt  }
0x63: {  	_ =	shalt  }
0x64: {  	_ =	shalt  }
0x65: {  	_ =	shalt  }
0x66: {  	_ =	shalt  }
0x67: {  	_ =	shalt  }
0x68: {  	_ =	shalt  }
0x69: {  	_ =	shalt  }
0x6a: {  	_ =	shalt  }
0x6b: {  	_ =	shalt  }
0x6c: {  	_ =	shalt  }
0x6d: {  	_ =	shalt  }
0x6e: {  	_ =	shalt  }
0x6f: {  	_ =	shalt  }
0x70: {  	_ =	shalt  }
0x71: {  	_ =	shalt  }
0x72: {  	_ =	shalt  }
0x73: {  	_ =	shalt  }
0x74: {  	_ =	shalt  }
0x75: {  	_ =	shalt  }
0x76: {  	_ =	shalt  }
0x77: {  	_ =	shalt  }
0x78: {  	_ =	shalt  }
0x79: {  	_ =	shalt  }
0x7a: {  	_ =	shalt  }
0x7b: {  	_ =	shalt  }
0x7c: {  	_ =	shalt  }
0x7d: {  	_ =	shalt  }
0x7e: {  	_ =	shalt  }
0x7f: {  	_ =	shalt  }
0x80: {  	_ =	shalt  }
0x81: {  	_ =	shalt  }
0x82: {  	_ =	shalt  }
0x83: {  	_ =	shalt  }
0x84: {  	_ =	shalt  }
0x85: {  	_ =	shalt  }
0x86: {  	_ =	shalt  }
0x87: {  	_ =	shalt  }
.Lfunc_end0:
.L_simem_size_0:
called_computation_lowered:
.L_overlay_start_0:
0x88: {  	s2 =	sld [smem:$0x3FD9]  }
0x89: {  	s3 =	sld [smem:$0x3FFE];
	_ =	sdelay $0x1  }
0x8a: {  	s1 =	srdreg.scid  }
0x8b: {  	s0 =	sand.u32 $0x1, s1  }
0x8c: {  	s16 =	sshll.u32 s0, $0xA;
	s2 =	sadd.s32 s3, s2  }
0x8d: {  	s2 =	sadd.s32 s2, s16  }
0x8e: {  	[smem:$0x3FC5] =	sst s2  }
0x8f: {  	_ = 	snop  }
0x90: {  	(tm) =	ssettm $0x1  }
0x91: {  	s17 =	sld [smem:$0x3FFB];
	_ =	sdelay $0x3  }
0x92: {  	_ =	strace s17  }
0x93: {  	s2 =	sld [smem:$0x3FFC];
	_ =	sdelay $0x3  }
0x94: {  	_ =	strace s2  }
0x95: {  	s2 =	sld [smem:$0x3FFD];
	_ =	sdelay $0x3  }
0x96: {  	_ =	strace s2  }
0x97: {  	_ =	strace $0x8FFFFFFF  }
0x98: {  	s18 =	sld [smem:$0x3FDB];
	_ =	sdelay $0x1  }
0x99: {  	s19 =	simm.s32 $_scs_section_size  }
0x9a: {  	s4 =	simm.s32 $_size__tile_overlayer_lowered;
	s5 =	simm.s32 $_tile_overlayer_lowered  }
0x9b: {  	s22 =	simm.s32 $0x1BFF;
	s21 =	sshll.u32 s5, $0x1;
	s2 =	sadd.s32 s19, s18  }
0x9c: {  	s6 =	simm.s32 $0x0;
	s20 =	sshll.u32 s4, $0x1;
	s4 =	sadd.s32 s21, s2  }
0x9d: {  	[timem:s6], [sflag:s22] =	dma.local [hbm:s4], s20  }
0x9e: {  	_ =	swait.ge [sflag:s22], s20  }
0x9f: {  	s3 =	ssub.s32 $0x0, s20;
	[sflag:s22] =	ssyncset.done $0x0  }
0xa0: {  	[sflag:s22] =	ssyncadd.s32 s3;
	_ =	sdelay $0x1  }
0xa1: {  	s23 =	simm.s32 $0x1B8B  }
0xa2: {  	_ =	swait.ge [sflag:s23], $0x1  }
0xa3: {  	[sflag:s23] =	ssyncset.done $0x0  }
0xa4: {  	s25 =	simm.s32 $0x1B8E;
	s24 =	sld [smem:$0x3FFE];
	[sflag:s23] =	ssyncadd.s32 $0xFFFFFFFF  }
0xa5: {  	s26 =	simm.s32 $execute0_lowered;
	[smem:$0x3FD2] =	sst s25  }
0xa6: {  	s4 =	sshll.u32 s26, $0x1;
	_ =	strace $0x80000046;
	[dreg:$0x1] =	wrdreg $0xFFFFFFFF  }
0xa7: {  	s28 =	simm.s32 $_size_execute0_lowered;
	s2 =	sadd.s32 s2, s4;
	[dreg:$0x0] =	wrdreg $0x0  }
0xa8: {  	s4 =	sshll.u32 s28, $0x1;
	[dreg:$0x2] =	wrdreg s2  }
0xa9: {  	[dreg:$0x3] =	wrdreg s4  }
0xaa: {  	[dreg:$0x4] =	wrdreg $0xC0  }
0xab: {  	_ =	task [dreg:s6], $0x5FFFF  }
0xac: {  	[dreg:$0x1] =	wrdreg $0xFFFFFFFF  }
0xad: {  	[dreg:$0x0] =	wrdreg $0x60  }
0xae: {  	[dreg:$0x2] =	wrdreg s24  }
0xaf: {  	[dreg:$0x3] =	wrdreg $0x9  }
0xb0: {  	_ =	task.clear_ibuf [dreg:s6], $0x4FFFF;
	_ =	strace $0x90000046  }
0xb1: {  	s29 =	simm.s32 $0x9;
	_ =	strace $0x80000048  }
0xb2: {  	_ =	swait.ge [sflag:s29], $0x1  }
0xb3: {  	[sflag:s29] =	ssyncadd.s32 $0xFFFFFFFF  }
0xb4: {  	_ =	strace $0x90000048  }
0xb5: {  	_ =	sfence  }
0xb6: {  	s30 =	sld [smem:$0x0];
	_ =	sdelay $0x2  }
0xb7: {  	s31 =	sshll.u32 s1, $0xD;
	s1 =	sshrl.u32 s1, $0x2  }
0xb8: {  	s3 =	sand.u32 $0x4000, s31;
	s1 =	sadd.s32 s1, s30  }
0xb9: {  	s0 =	sor.u32 s3, s0;
	s1 =	sshll.u32 s1, $0x11  }
0xba: {  	s0 =	sor.u32 s1, s0  }
0xbb: {  	s0 =	sadd.s32 $0x8F2B, s0  }
0xbc: {  	[sflag:s0] =	ssyncadd.remote.s32 $0x1  }
0xbd: {  	_ =	sfence.sel $0xFFFF  }
0xbe: {  	[dreg:$0x0] =	wrdreg $0xFFFFFFFF;
	(pc) =	sbr.abs _section_cstart, $3  }
0xbf: {  	[dreg:$0x1] =	wrdreg $0xFFFFFFFF  }
0xc0: {  	_ =	task.clear_ibuf [dreg:s6], $0x2FFFF;
	_ =	strace $0x9FFFFFFF  }
0xc1: {  	(tm) =	ssettm $0x7FFFFFFF  }
tec
execute0_lowered:
.L_overlay_start_1:
0x0: {  	(tag) =	ssettag $0x1  }
0x1: {  	s1 =	srdreg.scid  }
0x2: {  	s1 =	sand.u32 $0x1, s1  }
0x3: {  	p0 =	seq.s32 s1, $0x1  }
.Ltmp0:
0x4: {  	_ = 	snop;
	(pc) =	sbr.rel @p0 .LBB2_16-.Ltmp0, $4  }
0x5: {  	_ = 	snop  }
0x6: {  	s0 =	rddreg [dreg:$0x0];
	s2 =	simm.s32 $0x0  }
0x7: {  	[smem:$0x7FF] =	sst s2  }
0x8: {  	s3 =	rddreg [dreg:$0x1];
	s12 =	stileid.u32;
	_ =	strace $0x80000047  }
0x9: {  	s6 =	smul.u32 $0x500, s12;
	_ =	sdelay $0x1  }
0xa: {  	s1 =	sadd.s32 $0x3A00, s0;
	s5 =	sshrl.u32 s6, $0x3  }
0xb: {  	s2 =	simm.s32 $0x0;
	s7 =	simm.s32 $0x3;
	s1 =	sadd.s32 s1, s5  }
0xc: {  	[tilespmem:s2], [sflag:$0x3] =	stream.linear.gather [hbm4b:s1+s2], $0x500, $0x38;
	[tilespmem:$0xE000] =	vst v63  }
0xd: {  	_ =	swait.ge [sflag:s7], $0x500  }
0xe: {  	s28 =	sadd.s32 $0x4400, s0;
	[sflag:s7] =	ssyncset.done $0x0  }
0xf: {  	s3 =	simm.s32 $0x580;
	s1 =	sadd.s32 s28, s5;
	[sflag:s7] =	ssyncadd.s32 $0xFFFFFB00  }
0x10: {  	[tilespmem:s3], [sflag:$0x3] =	stream.linear.gather [hbm4b:s1+s2], $0x500, $0x38;
	[tilespmem:$0xE000] =	vst v63  }
0x11: {  	_ =	swait.ge [sflag:s7], $0x500  }
0x12: {  	s30 =	sadd.s32 $0x4E00, s0;
	[sflag:s7] =	ssyncset.done $0x0  }
0x13: {  	s31 =	simm.s32 $0xB00;
	s1 =	sadd.s32 s30, s5;
	[sflag:s7] =	ssyncadd.s32 $0xFFFFFB00  }
0x14: {  	[tilespmem:s31], [sflag:$0x3] =	stream.linear.gather [hbm4b:s1+s2], $0x500, $0x38;
	[tilespmem:$0xE000] =	vst v63  }
0x15: {  	_ =	swait.ge [sflag:s7], $0x500  }
0x16: {  	s4 =	sadd.s32 $0x5800, s0;
	[sflag:s7] =	ssyncset.done $0x0  }
0x17: {  	s8 =	simm.s32 $0x1080;
	s1 =	sadd.s32 s4, s5;
	[sflag:s7] =	ssyncadd.s32 $0xFFFFFB00  }
0x18: {  	[tilespmem:s8], [sflag:$0x3] =	stream.linear.gather [hbm4b:s1+s2], $0x500, $0x38;
	[tilespmem:$0xE000] =	vst v63  }
0x19: {  	_ =	swait.ge [sflag:s7], $0x500  }
0x1a: {  	s9 =	sadd.s32 $0x6200, s0;
	[sflag:s7] =	ssyncset.done $0x0  }
0x1b: {  	s10 =	simm.s32 $0x1600;
	s1 =	sadd.s32 s9, s5;
	[sflag:s7] =	ssyncadd.s32 $0xFFFFFB00  }
0x1c: {  	[tilespmem:s10], [sflag:$0x3] =	stream.linear.gather [hbm4b:s1+s2], $0x500, $0x38;
	[tilespmem:$0xE000] =	vst v63  }
0x1d: {  	_ =	swait.ge [sflag:s7], $0x500  }
0x1e: {  	s11 =	sadd.s32 $0x3000, s0;
	s13 =	simm.s32 $0x1B80;
	[sflag:s7] =	ssyncset.done $0x0  }
0x1f: {  	s14 =	sadd.s32 $0x2600, s0;
	s1 =	sadd.s32 s11, s5;
	[sflag:s7] =	ssyncadd.s32 $0xFFFFFB00  }
0x20: {  	[tilespmem:s13], [sflag:$0x3] =	stream.linear.gather [hbm4b:s1+s2], $0x500, $0x38;
	[tilespmem:$0xE000] =	vst v63  }
0x21: {  	s15 =	simm.s32 $0x2100;
	s16 =	sadd.s32 $0x1C00, s0;
	_ =	swait.ge [sflag:s7], $0x500  }
0x22: {  	s17 =	simm.s32 $0x2680;
	s18 =	sadd.s32 $0x1200, s0;
	[sflag:s7] =	ssyncset.done $0x0  }
0x23: {  	s19 =	sadd.s32 $0x800, s0;
	s1 =	sadd.s32 s14, s5;
	[sflag:s7] =	ssyncadd.s32 $0xFFFFFB00  }
0x24: {  	[tilespmem:s15], [sflag:$0x3] =	stream.linear.gather [hbm4b:s1+s2], $0x500, $0x38;
	[tilespmem:$0xE000] =	vst v63  }
0x25: {  	s20 =	sadd.s32 $0x6C00, s0;
	s21 =	sshll.u32 s12, $0x4;
	_ =	swait.ge [sflag:s7], $0x500  }
0x26: {  	s23 =	simm.s32 $0x3180;
	s24 =	simm.s32 $0x0;
	[sflag:s7] =	ssyncset.done $0x0  }
0x27: {  	s26 =	sadd.s32 $0x6E00, s0;
	s1 =	sadd.s32 s16, s5;
	[sflag:s7] =	ssyncadd.s32 $0xFFFFFB00  }
0x28: {  	v0 =	vimm.f32 $1.500000000e+01;
	vm0 =	vcmask $0x300;
	[tilespmem:s17], [sflag:$0x3] =	stream.linear.gather [hbm4b:s1+s2], $0x500, $0x38;
	[tilespmem:$0xE000] =	vst v63  }
0x29: {  	s29 =	simm.f32 $3.000000010e+38;
	v0 =	vsel vm0, $0x0, v0;
	vm0 =	vcmask $0x704;
	s22 =	sadd.s32 s20, s21;
	_ =	swait.ge [sflag:s7], $0x500  }
0x2a: {  	v0 =	vsel vm0, $0x3F800000, v0;
	vm0 =	vcmask $0xB08;
	s25 =	sadd.s32 $0x100, s22;
	s4 =	simm.s32 $0x2C00;
	[sflag:s7] =	ssyncset.done $0x0  }
0x2b: {  	vm1 =	vcmask $0xF0C;
	v0 =	vsel vm0, $0x40000000, v0;
	s8 =	sadd.s32 $0x7000, s0;
	s1 =	sadd.s32 s18, s5;
	[sflag:s7] =	ssyncadd.s32 $0xFFFFFB00  }
0x2c: {  	v0 =	vsel vm1, $0x40400000, v0;
	vm1 =	vcmask $0x1310;
	[tilespmem:s4], [sflag:$0x3] =	stream.linear.gather [hbm4b:s1+s2], $0x500, $0x38;
	[tilespmem:$0xE000] =	vst v63  }
0x2d: {  	s28 =	sadd.s32 $0x300, s22;
	v0 =	vsel vm1, $0x40800000, v0;
	vm1 =	vcmask $0x1714;
	_ =	swait.ge [sflag:s7], $0x500;
	[dreg:$0x4] =	wrdreg s8  }
0x2e: {  	v0 =	vsel vm1, $0x40A00000, v0;
	vm1 =	vcmask $0x1B18;
	s3 =	sadd.s32 s19, s5;
	s19 =	simm.f32 $0.0e+00;
	[dreg:$0x3] =	wrdreg s20  }
0x2f: {  	vm2 =	vcmask $0xF2C;
	v0 =	vsel vm1, $0x40C00000, v0;
	vm1 =	vcmask $0x1F1C;
	s30 =	simm.f32 $0.0e+00;
	s31 =	simm.f32 $0.0e+00;
	[dreg:$0x2] =	wrdreg s6  }
0x30: {  	vm3 =	vcmask $0x132C;
	v0 =	vsel vm1, $0x40E00000, v0;
	vm1 =	vcmask $0x2320;
	s0 =	sadd.s32 s21, s26;
	[dreg:$0x10] =	wrdreg s24;
	[sflag:s7] =	ssyncset.done $0x0  }
0x31: {  	vm4 =	vcmask $0x172C;
	v0 =	vsel vm1, $0x41000000, v0;
	vm1 =	vcmask $0x2724;
	s10 =	simm.f32 $0.0e+00;
	[dreg:$0x6] =	wrdreg s25;
	[sflag:s7] =	ssyncadd.s32 $0xFFFFFB00  }
0x32: {  	vm5 =	vcmask $0x1B2C;
	v0 =	vsel vm1, $0x41100000, v0;
	vm1 =	vcmask $0x2B28;
	[tilespmem:s23], [sflag:$0x3] =	stream.linear.gather [hbm4b:s3+s2], $0x500, $0x38;
	[tilespmem:$0xE000] =	vst v63  }
0x33: {  	v1 =	vmov s6;
	v0 =	vsel vm1, $0x41200000, v0;
	vm1 =	vcmask $0x2F2C;
	s11 =	simm.f32 $0.0e+00;
	_ =	swait.ge [sflag:s7], $0x500;
	[dreg:$0x7] =	wrdreg s26  }
.Ltmp1:
0x34: {  	v1 =	vcvt.s32.f32 v1;
	v0 =	vsel vm1, $0x41300000, v0;
	vm1 =	vcmask $0x3330;
	s14 =	simm.f32 $0.0e+00;
	[dreg:$0x8] =	wrdreg s0;
	(pc) =	sbr.rel .LBB2_2-.Ltmp1, $4  }
0x35: {  	vm6 =	vcmask $0x1F2C;
	v0 =	vsel vm1, $0x41400000, v0;
	vm1 =	vcmask $0x3734;
	s13 =	simm.f32 $0.0e+00;
	s18 =	simm.f32 $3.000000010e+38;
	[dreg:$0x5] =	wrdreg s22  }
0x36: {  	v1 =	vbroadcast v1, $0x0;
	v0 =	vsel vm1, $0x41500000, v0;
	vm1 =	vcmask $0x3B38;
	s25 =	simm.f32 $0.0e+00;
	s24 =	simm.f32 $0.0e+00;
	[dreg:$0x9] =	wrdreg s28  }
0x37: {  	vm7 =	vcmask $0x232C;
	vm8 =	vcmask $0x272C;
	v0 =	vsel vm1, $0x41600000, v0;
	s8 =	simm.s32 $0x0;
	[dreg:$0xc] =	wrdreg s30;
	[sflag:s7] =	ssyncset.done $0x0  }
0x38: {  	vm1 =	vcmask $0xB2C;
	v0 =	vadd.f32 v0, v1;
	v1 =	vlaneseq.u32;
	s2 =	simm.f32 $0.0e+00;
	[dreg:$0xd] =	wrdreg s31;
	[sflag:s7] =	ssyncadd.s32 $0xFFFFFB00  }
.LBB2_13:
0x39: {  	(v2sf) =	vpush v2, $0x0  }
0x3a: {  	(v2sf) =	vpush v2, $0x1;
	_ =	sdelay $0x3  }
0x3b: {  	p2 =	por p3, p4  }
0x3c: {  	s0 =	smov.u32 @p1 s9;
	s10 =	smov.u32 @p1 s7;
	s1 =	spop (v2sf)  }
0x3d: {  	s14 =	smov.u32 @p1 s3;
	s5 =	smov.u32 @p2 s9;
	s11 =	smov.u32 @p2 s7  }
0x3e: {  	s10 =	smov.u32 @p2 s4;
	s0 =	smov.u32 @p2 s17;
	s4 =	spop (v2sf)  }
0x3f: {  	s6 =	smov.u32 @p2 s3;
	p3 =	seq.f32 s1, s0;
	p4 =	slt.f32 s4, s10  }
0x40: {  	s14 =	smov.u32 @p2 s30;
	p5 =	slt.f32 s4, s11;
	p6 =	seq.f32 s1, s5  }
0x41: {  	s9 =	smov.u32 s19;
	p1 =	sgt.f32 s1, s0;
	p3 =	por !p3, !p4  }
0x42: {  	p4 =	sgt.f32 s1, s5;
	p5 =	por !p6, !p5;
	p3 =	por !p3, !p3  }
0x43: {  	s3 =	smov.u32 s5;
	p5 =	por !p5, !p5;
	p2 =	por p1, p3  }
0x44: {  	p1 =	por p4, p5;
	s0 =	smov.u32 @p2 s1;
	s10 =	smov.u32 @p2 s4  }
0x45: {  	s3 =	smov.u32 @p1 s1;
	s14 =	smov.u32 @p2 s15;
	s1 =	spop (v2sf)  }
0x46: {  	s10 =	smov.u32 @p1 s11;
	s0 =	smov.u32 @p1 s5;
	s17 =	spop (v2sf)  }
0x47: {  	s11 =	smov.u32 @p1 s4;
	p3 =	seq.f32 s1, s0;
	p4 =	slt.f32 s17, s10  }
0x48: {  	s4 =	smov.u32 s6;
	p6 =	seq.f32 s1, s3;
	p5 =	slt.f32 s17, s11  }
0x49: {  	s14 =	smov.u32 @p1 s6;
	s30 =	smov.u32 s3;
	p4 =	por !p3, !p4  }
0x4a: {  	p3 =	sgt.f32 s1, s0;
	p5 =	por !p6, !p5;
	p6 =	sgt.f32 s1, s3  }
0x4b: {  	s4 =	smov.u32 @p1 s15;
	p2 =	por !p4, !p4;
	p4 =	por !p5, !p5  }
0x4c: {  	s10 =	smov.u32 s20;
	p2 =	por p3, p2;
	p1 =	por p6, p4  }
0x4d: {  	s0 =	smov.u32 @p2 s1;
	s30 =	smov.u32 @p1 s1;
	s1 =	smov.u32 s4  }
0x4e: {  	s11 =	smov.u32 s22;
	s14 =	smov.u32 @p2 s8;
	s1 =	smov.u32 @p1 s8  }
0x4f: {  	s14 =	smov.u32 @p1 s4;
	s0 =	smov.u32 @p1 s3;
	s8 =	rddreg [dreg:$0x11]  }
0x50: {  	s3 =	sshll.u32 s1, $0x9;
	s1 =	sshll.u32 s14, $0x9;
	s14 =	smov.u32 s2  }
.LBB2_14:
0x51: {  	s3 =	sshra.s32 s3, $0x2  }
0x52: {  	s1 =	sshra.s32 s1, $0x2;
	v2 =	vld [tilespmem:s3+$0x3800]  }
0x53: {  	v3 =	vld [tilespmem:s1+$0x3800];
	_ =	sdelay $0x4  }
0x54: {  	v4 =	vmax.f32 v2, v3  }
0x55: {  	v6 =	vmin.f32 v2, v3;
	v5 =	vbroadcast v4, $0x2;
	v4 =	vbroadcast v4, $0x3  }
0x56: {  	v7 =	vbroadcast v6, $0x4;
	v6 =	vbroadcast v6, $0x5;
	_ =	sdelay $0x1  }
0x57: {  	v5 =	vsub.f32 v7, v5;
	v4 =	vsub.f32 v6, v4  }
0x58: {  	v62 =	vadd.f32 v3, v2  }
0x59: {  	v5 =	vmax.f32 v5, $0.0e+00;
	v4 =	vmax.f32 v4, $0.0e+00  }
0x5a: {  	v63 =	vbroadcast v62, $0x6;
	v4 =	vmul.f32 v4, v5;
	_ =	sdelay $0x1  }
0x5b: {  	v5 =	vsub.f32 v63, v4;
	_ =	sdelay $0x1  }
0x5c: {  	v5 =	vmax.f32 v5, $9.999999710e-10  }
0x5d: {  	(erf) = vrcp.f32 v5;
	_ =	sdelay $0x1  }
0x5e: {  	(v2sf) =	vpush v2, $0x2  }
0x5f: {  	(v2sf) =	vpush v2, $0x3  }
0x60: {  	(v2sf) =	vpush v2, $0x4  }
0x61: {  	(v2sf) =	vpush v2, $0x5  }
0x62: {  	(v2sf) =	vpush v2, $0x6  }
0x63: {  	(v2sf) =	vpush v3, $0x2  }
0x64: {  	(v2sf) =	vpush v3, $0x3  }
0x65: {  	(v2sf) =	vpush v3, $0x4;
	v5 =	vpop (erf)  }
0x66: {  	(v2sf) =	vpush v3, $0x5;
	v4 =	vmul.f32 v5, v4  }
0x67: {  	(v2sf) =	vpush v3, $0x6  }
0x68: {  	(v2sf) =	vpush v4, $0x0;
	_ =	sdelay $0x4  }
0x69: {  	s7 =	spop (v2sf)  }
0x6a: {  	s15 =	spop (v2sf)  }
0x6b: {  	s1 =	spop (v2sf)  }
0x6c: {  	s2 =	spop (v2sf)  }
0x6d: {  	s12 =	spop (v2sf)  }
0x6e: {  	s13 =	spop (v2sf)  }
0x6f: {  	s16 =	spop (v2sf)  }
0x70: {  	s17 =	spop (v2sf)  }
0x71: {  	s19 =	spop (v2sf)  }
0x72: {  	s20 =	spop (v2sf)  }
0x73: {  	s22 =	spop (v2sf)  }
0x74: {  	p4 =	sgt.f32 s30, $-1.000000000e+08;
	p1 =	sgt.f32 s22, $5.000000000e-01  }
0x75: {  	_ = 	snop  }
0x76: {  	p5 =	sgt.s32 @!p0 s28, $0x12B;
	p2 =	por !p4, !p4;
	p1 =	por !p1, !p1  }
0x77: {  	p3 =	slt.s32 s28, $0x12B;
	p2 =	por p2, p1;
	p1 =	por p5, p0  }
0x78: {  	p2 =	por !p3, !p2;
	(v2sf) =	vpush @!p1 v2, $0x7  }
0x79: {  	p3 =	por !p2, !p2;
	(v2sf) =	vpush @!p1 v2, $0x8  }
0x7a: {  	(v2sf) =	vpush @!p1 v2, $0x9;
	p2 =	por !p3, !p3  }
0x7b: {  	(v2sf) =	vpush @!p1 v2, $0xA;
	p2 =	por p0, p2  }
0x7c: {  	s6 =	smov.u32 s25;
	(v2sf) =	vpush @!p2 v3, $0x7  }
0x7d: {  	s25 =	smov.u32 s24;
	s24 =	smov.u32 s23;
	[dreg:$0x1a] =	wrdreg s2  }
0x7e: {  	s23 =	smov.u32 s18;
	s5 =	smov.u32 s14;
	[dreg:$0x19] =	wrdreg s12;
	(v2sf) =	vpush @!p2 v3, $0x8  }
0x7f: {  	s14 =	smov.u32 s31;
	s31 =	smov.u32 s29;
	[dreg:$0x18] =	wrdreg s13;
	(v2sf) =	vpush @!p2 v3, $0x9  }
0x80: {  	s29 =	simm.s32 $0x1;
	[dreg:$0x16] =	wrdreg s16;
	p6 =	sgt.f32 @!p1 s30, $-1.000000000e+08  }
0x81: {  	s8 =	sadd.s32 $0x1, s8;
	s2 =	smov.u32 s28;
	[dreg:$0x17] =	wrdreg s17;
	(v2sf) =	vpush @!p2 v3, $0xA  }
0x82: {  	[dreg:$0x14] =	wrdreg s19;
	p5 =	por @!p0 !p6, p5;
	p6 =	slt.s32 s2, $0x12C  }
0x83: {  	s12 =	simm.f32 @!p1 $1.000000000e+00;
	p5 =	por !p5, p0;
	s10 =	smov.u32 @p6 s1  }
0x84: {  	s1 =	rddreg [dreg:$0x1a];
	s12 =	simm.s32 @!p5 $0x0;
	p5 =	sgt.f32 s0, $-1.000000000e+08  }
0x85: {  	s19 =	simm.f32 $1.000000000e+00;
	[dreg:$0x12] =	wrdreg s20;
	s26 =	smov.u32 @p6 s1  }
0x86: {  	s28 =	sadd.s32 $0x1, s28;
	[dreg:$0xd] =	wrdreg s26;
	s19 =	simm.s32 @!p5 $0x0  }
0x87: {  	s29 =	simm.s32 @!p3 $0x0;
	s0 =	smul.f32 @!p2 s19, s0;
	s3 =	spop @!p1 (v2sf)  }
0x88: {  	s29 =	sadd.s32 s29, s28;
	s4 =	spop @!p1 (v2sf);
	s3 =	smul.f32 @!p1 s3, s12  }
0x89: {  	s5 =	smov.u32 @p6 s7;
	s13 =	spop @!p1 (v2sf);
	s4 =	smul.f32 @!p1 s4, s12  }
0x8a: {  	s1 =	simm.f32 $5.000000000e-01;
	s16 =	spop @!p1 (v2sf);
	s13 =	smul.f32 @!p1 s13, s12  }
0x8b: {  	s1 =	simm.s32 @!p4 $0x7F61B1E6;
	s17 =	spop @!p2 (v2sf);
	s16 =	smul.f32 @!p1 s16, s12  }
0x8c: {  	vm9 =	vcmask @!p1 $0x300;
	v2 =	vmov @!p1 s3;
	s12 =	smul.f32 @!p1 s12, s30;
	s30 =	sshll.u32 @!p1 s2, $0x9;
	s2 =	smov.u32 @p6 s29  }
0x8d: {  	s29 =	smov.u32 s31;
	v2 =	vnsel @!p1 vm9, $0x0, v2;
	vm9 =	vcmask @!p1 $0x704;
	s18 =	spop @!p2 (v2sf);
	s17 =	smul.f32 @!p2 s17, s19  }
0x8e: {  	v2 =	vsel @!p1 vm9, s4, v2;
	vm9 =	vcmask @!p1 $0xB08;
	s29 =	smov.u32 @p6 s1;
	s1 =	rddreg [dreg:$0x18];
	s20 =	spop @!p2 (v2sf)  }
0x8f: {  	s18 =	smul.f32 @!p2 s18, s19;
	v2 =	vsel @!p1 vm9, s13, v2;
	vm9 =	vcmask @!p2 $0x300;
	s9 =	smov.u32 @p6 s1;
	s1 =	rddreg [dreg:$0x16];
	v3 =	vmov @!p2 s17  }
0x90: {  	s11 =	smov.u32 @p6 s15;
	s22 =	spop @!p2 (v2sf);
	s20 =	smul.f32 @!p2 s20, s19;
	v3 =	vnsel @!p2 vm9, $0x0, v3;
	vm9 =	vcmask @!p2 $0x704  }
0x91: {  	vm10 =	vcmask @!p1 $0xF0C;
	s22 =	smul.f32 @!p2 s22, s19;
	s19 =	smov.u32 s24;
	s24 =	smov.u32 s6;
	v3 =	vsel @!p2 vm9, s18, v3;
	vm9 =	vcmask @!p2 $0xB08  }
0x92: {  	s3 =	simm.f32 $5.000000000e-01;
	v2 =	vsel @!p1 vm10, s16, v2;
	s24 =	smov.u32 @p6 s1;
	s1 =	rddreg [dreg:$0x17];
	v3 =	vsel @!p2 vm9, s20, v3;
	vm9 =	vcmask @!p1 $0x1310  }
0x93: {  	[tilespmem:$0x3700] =	vst v4;
	[dreg:$0x10] =	wrdreg s2;
	s25 =	smov.u32 @p6 s1;
	s1 =	sshra.s32 @!p1 s30, $0x2;
	v2 =	vsel @!p1 vm9, s12, v2  }
0x94: {  	s3 =	simm.s32 @!p3 $0x7F61B1E6;
	s2 =	rddreg [dreg:$0x19];
	[tilespmem:s1+$0x4800] =	vst @!p1 v2;
	p1 =	sne.s32 s8, $0x96  }
.Ltmp2:
0x95: {  	s21 =	smov.u32 @p6 s2;
	s2 =	rddreg [dreg:$0x14];
	vm10 =	vcmask @!p2 $0xF0C;
	(pc) =	sbr.rel @!p1 .LBB2_15-.Ltmp2, $4  }
0x96: {  	s4 =	sshll.u32 @!p2 s28, $0x9;
	s3 =	simm.s32 @!p5 $0x7F61B1E6;
	[dreg:$0xc] =	wrdreg s21;
	v3 =	vsel @!p2 vm10, s22, v3;
	vm9 =	vcmask @!p2 $0x1310  }
0x97: {  	s13 =	smov.u32 s9;
	s18 =	smov.u32 s23;
	v2 =	vsel @!p2 vm9, s0, v3;
	s0 =	sshra.s32 @!p2 s4, $0x2  }
0x98: {  	s19 =	smov.u32 @p6 s2;
	s2 =	smov.u32 s5;
	[tilespmem:s0+$0x4800] =	vst @!p2 v2;
	s0 =	rddreg [dreg:$0x12]  }
0x99: {  	s18 =	smov.u32 @p6 s3;
	s12 =	stileid.u32;
	s14 =	smov.u32 @p6 s0  }
.LBB2_2:
0x9a: {  	s0 =	rddreg [dreg:$0x10]  }
0x9b: {  	[dreg:$0x11] =	wrdreg s8;
	p0 =	sgt.s32 s0, $0x12B  }
.Ltmp3:
0x9c: {  	[dreg:$0xf] =	wrdreg s11;
	(pc) =	sbr.rel @p0 .LBB2_8-.Ltmp3, $4  }
0x9d: {  	[dreg:$0xe] =	wrdreg s10  }
0x9e: {  	[dreg:$0xb] =	wrdreg s29  }
0x9f: {  	[dreg:$0xa] =	wrdreg s14;
	s6 =	simm.f32 $-4.000000000e+09  }
0xa0: {  	s1 =	simm.s32 $0x0;
	s3 =	simm.s32 $0x0;
	s0 =	simm.f32 $-4.000000000e+09  }
0xa1: {  	s8 =	simm.s32 $0x0  }
0xa2: {  	v6 =	vld [tilespmem:s8+$0x0]  }
0xa3: {  	v12 =	vld [tilespmem:s8+$0x580]  }
0xa4: {  	v13 =	vld [tilespmem:s8+$0xB00]  }
0xa5: {  	s0 =	rddreg [dreg:$0xf];
	v14 =	vld [tilespmem:s8+$0x1080]  }
0xa6: {  	v9 =	vmov s2;
	s28 =	rddreg [dreg:$0xe]  }
0xa7: {  	s29 =	rddreg [dreg:$0xd];
	v10 =	vmov s13;
	v7 =	vmov s24;
	v8 =	vmov s25  }
0xa8: {  	s30 =	rddreg [dreg:$0xc];
	v5 =	vmov s19;
	v11 =	vmov s0;
	v3 =	vmov s28  }
0xa9: {  	v4 =	vmov s29;
	v2 =	vmov s30;
	v16 =	vld [tilespmem:s8+$0x1600];
	v15 =	vmax.f32 v9, v6  }
0xaa: {  	v17 =	vmax.f32 v11, v12;
	v18 =	vmin.f32 v3, v13;
	v19 =	vmin.f32 v4, v14  }
0xab: {  	v20 =	vmax.f32 v10, v6;
	v12 =	vmax.f32 v7, v12;
	v13 =	vmin.f32 v8, v13  }
0xac: {  	s31 =	rddreg [dreg:$0xa];
	v14 =	vmin.f32 v5, v14;
	v15 =	vsub.f32 v18, v15;
	v17 =	vsub.f32 v19, v17  }
0xad: {  	s6 =	simm.s32 $0x10;
	v6 =	vmov s31;
	v13 =	vsub.f32 v13, v20;
	v12 =	vsub.f32 v14, v12  }
0xae: {  	v18 =	vld [tilespmem:s6+$0x0];
	v14 =	vmax.f32 v15, $0.0e+00;
	v15 =	vmax.f32 v17, $0.0e+00;
	v17 =	vadd.f32 v16, v2  }
0xaf: {  	v13 =	vmax.f32 v13, $0.0e+00;
	v12 =	vmax.f32 v12, $0.0e+00;
	v19 =	vmul.f32 v15, v14;
	v14 =	vld [tilespmem:s6+$0x580]  }
0xb0: {  	v20 =	vmul.f32 v12, v13;
	v12 =	vadd.f32 v16, v6;
	v13 =	vld [tilespmem:s6+$0xB00]  }
0xb1: {  	v16 =	vld [tilespmem:s6+$0x1080];
	v15 =	vsub.f32 v17, v19  }
0xb2: {  	v12 =	vsub.f32 v12, v20  }
0xb3: {  	v15 =	vmax.f32 v15, $9.999999710e-10  }
0xb4: {  	v12 =	vmax.f32 v12, $9.999999710e-10;
	(erf) = vrcp.f32 v15  }
0xb5: {  	v21 =	vld [tilespmem:s6+$0x1600];
	v15 =	vmax.f32 v11, v14;
	(erf) = vrcp.f32 v12  }
0xb6: {  	v17 =	vmin.f32 v3, v13;
	v22 =	vmin.f32 v4, v16;
	v12 =	vmax.f32 v9, v18  }
0xb7: {  	v14 =	vmax.f32 v7, v14;
	v15 =	vsub.f32 v22, v15;
	v12 =	vsub.f32 v17, v12  }
0xb8: {  	v13 =	vmin.f32 v8, v13;
	v16 =	vmin.f32 v5, v16;
	v18 =	vmax.f32 v10, v18  }
0xb9: {  	v14 =	vsub.f32 v16, v14;
	v15 =	vmax.f32 v15, $0.0e+00;
	v12 =	vmax.f32 v12, $0.0e+00  }
0xba: {  	s0 =	simm.s32 $0x20;
	v16 =	vadd.f32 v21, v2;
	v13 =	vsub.f32 v13, v18;
	v15 =	vmul.f32 v15, v12  }
0xbb: {  	v23 =	vld [tilespmem:s0+$0x580]  }
0xbc: {  	v22 =	vld [tilespmem:s0+$0x0];
	v14 =	vmax.f32 v14, $0.0e+00;
	v13 =	vmax.f32 v13, $0.0e+00;
	v16 =	vsub.f32 v16, v15  }
0xbd: {  	v21 =	vadd.f32 v21, v6;
	v17 =	vmul.f32 v14, v13;
	v18 =	vpop (erf)  }
0xbe: {  	v28 =	vld [tilespmem:s8+$0x1B80];
	v16 =	vmax.f32 v16, $9.999999710e-10;
	v24 =	vpop (erf)  }
0xbf: {  	s1 =	rddreg [dreg:$0xb];
	v18 =	vmul.f32 v18, v19;
	v19 =	vmul.f32 v24, v20;
	v20 =	vsub.f32 v21, v17;
	v24 =	vld [tilespmem:s0+$0xB00]  }
0xc0: {  	v25 =	vld [tilespmem:s0+$0x1080];
	v27 =	vmax.f32 v11, v23;
	v12 =	vmov s1;
	v13 =	vmov s18  }
0xc1: {  	v14 =	vimm.f32 $-2.000000000e+09;
	v26 =	vmax.f32 v9, v22;
	(erf) = vrcp.f32 v16  }
0xc2: {  	v21 =	vimm.f32 $-2.000000000e+09;
	vm9 =	vgt.f32 v18, v12;
	v16 =	vmovc v0;
	vm10 =	vgt.f32 v19, v13  }
0xc3: {  	s5 =	simm.s32 $0xC0;
	v29 =	vmax.f32 v20, $9.999999710e-10;
	vm9 =	vmor vm10, vm9;
	v18 =	vmovc v0;
	v20 =	vmovc v0;
	v19 =	vmov v0  }
.LBB2_4:
0xc4: {  	p0 =	sne.s32 s5, $0x13C0;
	v30 =	vmin.f32 v3, v24;
	(erf) = vrcp.f32 v29;
	v28 =	vsel vm9, $0xCE6E6B28, v28  }
0xc5: {  	v29 =	vmin.f32 v4, v25;
	[tilespmem:s8+$0x1B80] =	vst v28;
	vm9 =	vgt.f32 v28, v14;
	vm10 =	vgt.f32 v28, v21;
	s8 =	smov.u32 s6;
	s6 =	smov.u32 s0  }
0xc6: {  	v31 =	vld [tilespmem:s6+$0x1600];
	v21 =	vsel vm10, v28, v21;
	v20 =	vsel vm10, v16, v20;
	v19 =	vsel vm9, v16, v19  }
0xc7: {  	v21 =	vsel vm9, v14, v21;
	v20 =	vsel vm9, v18, v20;
	v14 =	vsel vm9, v28, v14;
	v18 =	vmovc v19  }
0xc8: {  	v32 =	vmax.f32 v7, v23;
	v24 =	vmin.f32 v8, v24;
	s0 =	sshra.s32 s5, $0x2;
	v28 =	vmax.f32 v10, v22  }
0xc9: {  	v26 =	vsub.f32 v30, v26;
	v25 =	vmin.f32 v5, v25;
	v27 =	vsub.f32 v29, v27;
	v22 =	vld [tilespmem:s0+$0x0]  }
0xca: {  	v25 =	vsub.f32 v25, v32;
	v28 =	vsub.f32 v24, v28;
	v23 =	vld [tilespmem:s0+$0x580]  }
0xcb: {  	v26 =	vmax.f32 v26, $0.0e+00;
	v34 =	vmax.f32 v27, $0.0e+00;
	v29 =	vadd.f32 v31, v2  }
0xcc: {  	v25 =	vmax.f32 v25, $0.0e+00;
	v26 =	vmul.f32 v34, v26;
	v33 =	vmax.f32 v28, $0.0e+00;
	v24 =	vld [tilespmem:s0+$0xB00];
	v30 =	vpop (erf)  }
.Ltmp4:
0xcd: {  	v16 =	vadd.f32 $1.600000000e+01, v16;
	v32 =	vmul.f32 v25, v33;
	v31 =	vadd.f32 v31, v6;
	v28 =	vld [tilespmem:s8+$0x1B80];
	v27 =	vpop (erf);
	(pc) =	sbr.rel @p0 .LBB2_4-.Ltmp4, $4  }
0xce: {  	v29 =	vsub.f32 v29, v26;
	v30 =	vmul.f32 v30, v15;
	v15 =	vmovc v26;
	v25 =	vld [tilespmem:s0+$0x1080];
	v33 =	vmul.f32 v27, v17  }
0xcf: {  	v31 =	vsub.f32 v31, v32;
	v26 =	vmax.f32 v9, v22;
	v17 =	vmovc v32;
	v27 =	vmax.f32 v11, v23  }
0xd0: {  	v32 =	vmax.f32 v29, $9.999999710e-10;
	vm9 =	vgt.f32 v30, v12;
	vm10 =	vgt.f32 v33, v13  }
0xd1: {  	s5 =	sadd.s32 $0x40, s5;
	v29 =	vmax.f32 v31, $9.999999710e-10;
	(erf) = vrcp.f32 v32;
	vm9 =	vmor vm10, vm9  }
0xd2: {  	v9 =	vsel vm9, $0xCE6E6B28, v28  }
0xd3: {  	[tilespmem:s8+$0x1B80] =	vst v9  }
0xd4: {  	v10 =	vmax.f32 v10, v22;
	v3 =	vmin.f32 v3, v24;
	v7 =	vmax.f32 v7, v23;
	v11 =	vld [tilespmem:s0+$0x1600]  }
0xd5: {  	v8 =	vmin.f32 v8, v24;
	v4 =	vmin.f32 v4, v25;
	v3 =	vsub.f32 v3, v26  }
0xd6: {  	v5 =	vmin.f32 v5, v25;
	v8 =	vsub.f32 v8, v10;
	v4 =	vsub.f32 v4, v27  }
0xd7: {  	(erf) = vrcp.f32 v29;
	v5 =	vsub.f32 v5, v7  }
0xd8: {  	v3 =	vmax.f32 v3, $0.0e+00;
	v33 =	vmax.f32 v8, $0.0e+00;
	v4 =	vmax.f32 v4, $0.0e+00  }
0xd9: {  	v5 =	vmax.f32 v5, $0.0e+00;
	v3 =	vmul.f32 v4, v3;
	v2 =	vadd.f32 v11, v2  }
0xda: {  	v4 =	vmul.f32 v5, v33;
	v34 =	vadd.f32 v11, v6  }
0xdb: {  	v2 =	vsub.f32 v2, v3  }
0xdc: {  	v5 =	vsub.f32 v34, v4  }
0xdd: {  	v2 =	vmax.f32 v2, $9.999999710e-10  }
0xde: {  	v5 =	vmax.f32 v5, $9.999999710e-10;
	(erf) = vrcp.f32 v2  }
0xdf: {  	(erf) = vrcp.f32 v5  }
0xe0: {  	v2 =	vpop (erf)  }
0xe1: {  	v36 =	vld [tilespmem:s6+$0x1B80];
	v35 =	vpop (erf)  }
0xe2: {  	v2 =	vmul.f32 v2, v15;
	v5 =	vmul.f32 v35, v17;
	_ =	sdelay $0x1  }
0xe3: {  	vm9 =	vgt.f32 v2, v12;
	vm10 =	vgt.f32 v5, v13  }
0xe4: {  	vm9 =	vmor vm10, vm9  }
0xe5: {  	v2 =	vsel vm9, $0xCE6E6B28, v36  }
0xe6: {  	v44 =	vadd.f32 $1.600000000e+01, v16;
	vm10 =	vgt.f32 v9, v21;
	vm9 =	vgt.f32 v9, v14;
	[tilespmem:s6+$0x1B80] =	vst v2;
	v38 =	vpop (erf)  }
0xe7: {  	v37 =	vsel vm10, v9, v21;
	v39 =	vsel vm10, v16, v20;
	v40 =	vsel vm9, v16, v19;
	v41 =	vld [tilespmem:s0+$0x1B80];
	v42 =	vpop (erf)  }
0xe8: {  	v5 =	vsel vm9, v14, v37;
	v3 =	vmul.f32 v38, v3;
	v4 =	vmul.f32 v42, v4  }
0xe9: {  	v7 =	vsel vm9, v18, v39;
	v43 =	vsel vm9, v9, v14;
	vm9 =	vgt.f32 v2, v5  }
0xea: {  	v5 =	vsel vm9, v2, v5;
	vm10 =	vgt.f32 v3, v12;
	vm11 =	vgt.f32 v4, v13  }
0xeb: {  	v3 =	vsel vm9, v44, v7;
	vm9 =	vmor vm11, vm10;
	vm10 =	vgt.f32 v2, v43  }
0xec: {  	v46 =	vsel vm10, v2, v43;
	v2 =	vsel vm9, $0xCE6E6B28, v41  }
0xed: {  	v9 =	vadd.f32 $1.600000000e+01, v44;
	vm9 =	vgt.f32 v2, v46  }
0xee: {  	v45 =	vsel vm10, v44, v40;
	v5 =	vsel vm10, v43, v5;
	v47 =	vsel vm9, v2, v46  }
0xef: {  	v3 =	vsel vm10, v40, v3;
	vm10 =	vgt.f32 v2, v5;
	(v2sf) =	vpush v47, $0x0  }
0xf0: {  	v48 =	vsel vm10, v2, v5;
	v49 =	vsel vm9, v9, v45  }
0xf1: {  	v3 =	vsel vm10, v9, v3;
	v4 =	vsel vm9, v46, v48;
	(v2sf) =	vpush v49, $0x0  }
0xf2: {  	v3 =	vsel vm9, v45, v3;
	(v2sf) =	vpush v4, $0x0  }
0xf3: {  	(v2sf) =	vpush v3, $0x0  }
0xf4: {  	(v2sf) =	vpush v47, $0x1  }
0xf5: {  	(v2sf) =	vpush v49, $0x1;
	_ =	sdelay $0x7  }
0xf6: {  	(v2sf) =	vpush v47, $0x2  }
0xf7: {  	s1 =	spop (v2sf);
	(v2sf) =	vpush v49, $0x2;
	_ =	sdelay $0x1  }
0xf8: {  	s3 =	spop (v2sf)  }
0xf9: {  	s8 =	spop (v2sf)  }
0xfa: {  	s15 =	spop (v2sf)  }
0xfb: {  	s4 =	spop (v2sf)  }
0xfc: {  	s5 =	spop (v2sf)  }
0xfd: {  	(v2sf) =	vpush v47, $0x3;
	p0 =	seq.f32 s4, s1;
	p2 =	seq.f32 s4, s8  }
0xfe: {  	(v2sf) =	vpush v49, $0x3;
	p1 =	slt.f32 s5, s3;
	p3 =	slt.f32 s5, s15  }
0xff: {  	s7 =	smov.u32 s1;
	p4 =	sgt.f32 s4, s1  }
0x100: {  	p6 =	sgt.f32 s4, s8;
	p0 =	por !p0, !p1;
	p2 =	por !p2, !p3  }
0x101: {  	s9 =	smov.u32 s3;
	p0 =	por !p0, !p0;
	p2 =	por !p2, !p2  }
0x102: {  	s6 =	smov.u32 s8;
	p0 =	por p4, p0;
	p1 =	por p6, p2  }
0x103: {  	s14 =	smov.u32 s15;
	s7 =	smov.u32 @p0 s4;
	s6 =	smov.u32 @p1 s4  }
0x104: {  	s14 =	smov.u32 @p1 s5;
	s6 =	smov.u32 @p0 s1;
	s1 =	spop (v2sf)  }
0x105: {  	s9 =	smov.u32 @p0 s5;
	s14 =	smov.u32 @p0 s3;
	s3 =	spop (v2sf);
	(v2sf) =	vpush v47, $0x4  }
0x106: {  	p1 =	seq.f32 s1, s7;
	p2 =	slt.f32 s3, s9;
	(v2sf) =	vpush v49, $0x4  }
0x107: {  	p3 =	seq.f32 s1, s6;
	p4 =	slt.f32 s3, s14  }
0x108: {  	p5 =	sgt.f32 s1, s7;
	p0 =	por !p1, !p2  }
0x109: {  	p6 =	sgt.f32 s1, s6;
	p2 =	por !p3, !p4;
	p0 =	por !p0, !p0  }
0x10a: {  	s4 =	smov.u32 s7;
	p2 =	por !p2, !p2;
	p0 =	por p5, p0  }
0x10b: {  	s5 =	smov.u32 s9;
	p1 =	por p6, p2;
	s4 =	smov.u32 @p0 s1  }
0x10c: {  	s6 =	smov.u32 @p1 s1;
	s5 =	smov.u32 @p0 s3;
	s1 =	spop (v2sf)  }
0x10d: {  	s14 =	smov.u32 @p1 s3;
	(v2sf) =	vpush v47, $0x5;
	s6 =	smov.u32 @p0 s7;
	s3 =	spop (v2sf)  }
0x10e: {  	s14 =	smov.u32 @p0 s9;
	p1 =	seq.f32 s1, s4;
	(v2sf) =	vpush v49, $0x5;
	p2 =	slt.f32 s3, s5  }
0x10f: {  	p3 =	seq.f32 s1, s6;
	p4 =	slt.f32 s3, s14  }
0x110: {  	p5 =	sgt.f32 s1, s4;
	p0 =	por !p1, !p2  }
0x111: {  	p6 =	sgt.f32 s1, s6;
	p2 =	por !p3, !p4;
	p0 =	por !p0, !p0  }
0x112: {  	s7 =	smov.u32 s4;
	p2 =	por !p2, !p2;
	p0 =	por p5, p0  }
0x113: {  	s9 =	smov.u32 s5;
	p1 =	por p6, p2;
	s7 =	smov.u32 @p0 s1  }
0x114: {  	s6 =	smov.u32 @p1 s1;
	s9 =	smov.u32 @p0 s3;
	s1 =	spop (v2sf)  }
0x115: {  	s14 =	smov.u32 @p1 s3;
	s6 =	smov.u32 @p0 s4;
	(v2sf) =	vpush v47, $0x6;
	s3 =	spop (v2sf)  }
0x116: {  	s14 =	smov.u32 @p0 s5;
	p1 =	seq.f32 s1, s7;
	(v2sf) =	vpush v49, $0x6;
	p2 =	slt.f32 s3, s9  }
0x117: {  	p3 =	seq.f32 s1, s6;
	p4 =	slt.f32 s3, s14  }
0x118: {  	p5 =	sgt.f32 s1, s7;
	p0 =	por !p1, !p2  }
0x119: {  	p6 =	sgt.f32 s1, s6;
	p2 =	por !p3, !p4;
	p0 =	por !p0, !p0  }
0x11a: {  	s4 =	smov.u32 s7;
	p2 =	por !p2, !p2;
	p0 =	por p5, p0  }
0x11b: {  	s5 =	smov.u32 s9;
	p1 =	por p6, p2;
	s4 =	smov.u32 @p0 s1  }
0x11c: {  	s6 =	smov.u32 @p1 s1;
	s5 =	smov.u32 @p0 s3;
	s1 =	spop (v2sf)  }
0x11d: {  	s14 =	smov.u32 @p1 s3;
	(v2sf) =	vpush v47, $0x7;
	s6 =	smov.u32 @p0 s7;
	s3 =	spop (v2sf)  }
0x11e: {  	s14 =	smov.u32 @p0 s9;
	p1 =	seq.f32 s1, s4;
	(v2sf) =	vpush v49, $0x7;
	p2 =	slt.f32 s3, s5  }
0x11f: {  	p3 =	seq.f32 s1, s6;
	p4 =	slt.f32 s3, s14  }
0x120: {  	p5 =	sgt.f32 s1, s4;
	p0 =	por !p1, !p2  }
0x121: {  	p6 =	sgt.f32 s1, s6;
	p2 =	por !p3, !p4;
	p0 =	por !p0, !p0  }
0x122: {  	s7 =	smov.u32 s4;
	p2 =	por !p2, !p2;
	p0 =	por p5, p0  }
0x123: {  	s9 =	smov.u32 s5;
	p1 =	por p6, p2;
	s7 =	smov.u32 @p0 s1  }
0x124: {  	s6 =	smov.u32 @p1 s1;
	s9 =	smov.u32 @p0 s3;
	s1 =	spop (v2sf)  }
0x125: {  	s14 =	smov.u32 @p1 s3;
	s6 =	smov.u32 @p0 s4;
	(v2sf) =	vpush v47, $0x8;
	s3 =	spop (v2sf)  }
0x126: {  	s14 =	smov.u32 @p0 s5;
	p1 =	seq.f32 s1, s7;
	(v2sf) =	vpush v49, $0x8;
	p2 =	slt.f32 s3, s9  }
0x127: {  	p3 =	seq.f32 s1, s6;
	p4 =	slt.f32 s3, s14  }
0x128: {  	p5 =	sgt.f32 s1, s7;
	p0 =	por !p1, !p2  }
0x129: {  	p6 =	sgt.f32 s1, s6;
	p2 =	por !p3, !p4;
	p0 =	por !p0, !p0  }
0x12a: {  	s4 =	smov.u32 s7;
	p2 =	por !p2, !p2;
	p0 =	por p5, p0  }
0x12b: {  	s5 =	smov.u32 s9;
	p1 =	por p6, p2;
	s4 =	smov.u32 @p0 s1  }
0x12c: {  	s6 =	smov.u32 @p1 s1;
	s5 =	smov.u32 @p0 s3;
	s1 =	spop (v2sf)  }
0x12d: {  	s14 =	smov.u32 @p1 s3;
	(v2sf) =	vpush v47, $0x9;
	s6 =	smov.u32 @p0 s7;
	s3 =	spop (v2sf)  }
0x12e: {  	s14 =	smov.u32 @p0 s9;
	p1 =	seq.f32 s1, s4;
	(v2sf) =	vpush v49, $0x9;
	p2 =	slt.f32 s3, s5  }
0x12f: {  	p3 =	seq.f32 s1, s6;
	p4 =	slt.f32 s3, s14  }
0x130: {  	p5 =	sgt.f32 s1, s4;
	p0 =	por !p1, !p2  }
0x131: {  	p6 =	sgt.f32 s1, s6;
	p2 =	por !p3, !p4;
	p0 =	por !p0, !p0  }
0x132: {  	s7 =	smov.u32 s4;
	p2 =	por !p2, !p2;
	p0 =	por p5, p0  }
0x133: {  	s9 =	smov.u32 s5;
	p1 =	por p6, p2;
	s7 =	smov.u32 @p0 s1  }
0x134: {  	s6 =	smov.u32 @p1 s1;
	s9 =	smov.u32 @p0 s3;
	s1 =	spop (v2sf)  }
0x135: {  	s14 =	smov.u32 @p1 s3;
	s6 =	smov.u32 @p0 s4;
	(v2sf) =	vpush v47, $0xA;
	s3 =	spop (v2sf)  }
0x136: {  	s14 =	smov.u32 @p0 s5;
	p1 =	seq.f32 s1, s7;
	(v2sf) =	vpush v49, $0xA;
	p2 =	slt.f32 s3, s9  }
0x137: {  	p3 =	seq.f32 s1, s6;
	p4 =	slt.f32 s3, s14  }
0x138: {  	p5 =	sgt.f32 s1, s7;
	p0 =	por !p1, !p2  }
0x139: {  	p6 =	sgt.f32 s1, s6;
	p2 =	por !p3, !p4;
	p0 =	por !p0, !p0  }
0x13a: {  	s4 =	smov.u32 s7;
	p2 =	por !p2, !p2;
	p0 =	por p5, p0  }
0x13b: {  	s5 =	smov.u32 s9;
	p1 =	por p6, p2;
	s4 =	smov.u32 @p0 s1  }
0x13c: {  	s6 =	smov.u32 @p1 s1;
	s5 =	smov.u32 @p0 s3;
	s1 =	spop (v2sf)  }
0x13d: {  	s14 =	smov.u32 @p1 s3;
	(v2sf) =	vpush v47, $0xB;
	s6 =	smov.u32 @p0 s7;
	s3 =	spop (v2sf)  }
0x13e: {  	s14 =	smov.u32 @p0 s9;
	p1 =	seq.f32 s1, s4;
	(v2sf) =	vpush v49, $0xB;
	p2 =	slt.f32 s3, s5  }
0x13f: {  	p3 =	seq.f32 s1, s6;
	p4 =	slt.f32 s3, s14  }
0x140: {  	p5 =	sgt.f32 s1, s4;
	p0 =	por !p1, !p2  }
0x141: {  	p6 =	sgt.f32 s1, s6;
	p2 =	por !p3, !p4;
	p0 =	por !p0, !p0  }
0x142: {  	s7 =	smov.u32 s4;
	p2 =	por !p2, !p2;
	p0 =	por p5, p0  }
0x143: {  	s9 =	smov.u32 s5;
	p1 =	por p6, p2;
	s7 =	smov.u32 @p0 s1  }
0x144: {  	s6 =	smov.u32 @p1 s1;
	s9 =	smov.u32 @p0 s3;
	s1 =	spop (v2sf)  }
0x145: {  	s14 =	smov.u32 @p1 s3;
	s6 =	smov.u32 @p0 s4;
	(v2sf) =	vpush v47, $0xC;
	s3 =	spop (v2sf)  }
0x146: {  	s14 =	smov.u32 @p0 s5;
	p1 =	seq.f32 s1, s7;
	(v2sf) =	vpush v49, $0xC;
	p2 =	slt.f32 s3, s9  }
0x147: {  	p3 =	seq.f32 s1, s6;
	p4 =	slt.f32 s3, s14  }
0x148: {  	p5 =	sgt.f32 s1, s7;
	p0 =	por !p1, !p2  }
0x149: {  	p6 =	sgt.f32 s1, s6;
	p2 =	por !p3, !p4;
	p0 =	por !p0, !p0  }
0x14a: {  	s4 =	smov.u32 s7;
	p2 =	por !p2, !p2;
	p0 =	por p5, p0  }
0x14b: {  	s5 =	smov.u32 s9;
	p1 =	por p6, p2;
	s4 =	smov.u32 @p0 s1  }
0x14c: {  	s6 =	smov.u32 @p1 s1;
	s5 =	smov.u32 @p0 s3;
	s1 =	spop (v2sf)  }
0x14d: {  	s14 =	smov.u32 @p1 s3;
	(v2sf) =	vpush v47, $0xD;
	s6 =	smov.u32 @p0 s7;
	s3 =	spop (v2sf)  }
0x14e: {  	s14 =	smov.u32 @p0 s9;
	p1 =	seq.f32 s1, s4;
	(v2sf) =	vpush v49, $0xD;
	p2 =	slt.f32 s3, s5  }
0x14f: {  	p3 =	seq.f32 s1, s6;
	p4 =	slt.f32 s3, s14  }
0x150: {  	p5 =	sgt.f32 s1, s4;
	p0 =	por !p1, !p2  }
0x151: {  	p6 =	sgt.f32 s1, s6;
	p2 =	por !p3, !p4;
	p0 =	por !p0, !p0  }
0x152: {  	s7 =	smov.u32 s4;
	p2 =	por !p2, !p2;
	p0 =	por p5, p0  }
0x153: {  	s9 =	smov.u32 s5;
	p1 =	por p6, p2;
	s7 =	smov.u32 @p0 s1  }
0x154: {  	s6 =	smov.u32 @p1 s1;
	s9 =	smov.u32 @p0 s3;
	s1 =	spop (v2sf)  }
0x155: {  	s14 =	smov.u32 @p1 s3;
	s6 =	smov.u32 @p0 s4;
	(v2sf) =	vpush v47, $0xE;
	s3 =	spop (v2sf)  }
0x156: {  	s14 =	smov.u32 @p0 s5;
	p1 =	seq.f32 s1, s7;
	(v2sf) =	vpush v49, $0xE;
	p2 =	slt.f32 s3, s9  }
0x157: {  	p3 =	seq.f32 s1, s6;
	p4 =	slt.f32 s3, s14  }
0x158: {  	p5 =	sgt.f32 s1, s7;
	p0 =	por !p1, !p2  }
0x159: {  	p6 =	sgt.f32 s1, s6;
	p2 =	por !p3, !p4;
	p0 =	por !p0, !p0  }
0x15a: {  	s4 =	smov.u32 s7;
	p2 =	por !p2, !p2;
	p0 =	por p5, p0  }
0x15b: {  	s5 =	smov.u32 s9;
	p1 =	por p6, p2;
	s4 =	smov.u32 @p0 s1  }
0x15c: {  	s6 =	smov.u32 @p1 s1;
	s5 =	smov.u32 @p0 s3;
	s1 =	spop (v2sf)  }
0x15d: {  	s14 =	smov.u32 @p1 s3;
	(v2sf) =	vpush v47, $0xF;
	s6 =	smov.u32 @p0 s7;
	s3 =	spop (v2sf)  }
0x15e: {  	s14 =	smov.u32 @p0 s9;
	p1 =	seq.f32 s1, s4;
	(v2sf) =	vpush v49, $0xF;
	p2 =	slt.f32 s3, s5  }
0x15f: {  	p3 =	seq.f32 s1, s6;
	p4 =	slt.f32 s3, s14  }
0x160: {  	p5 =	sgt.f32 s1, s4;
	p0 =	por !p1, !p2  }
0x161: {  	p6 =	sgt.f32 s1, s6;
	p2 =	por !p3, !p4;
	p0 =	por !p0, !p0  }
0x162: {  	s7 =	smov.u32 s4;
	p2 =	por !p2, !p2;
	p0 =	por p5, p0  }
0x163: {  	s9 =	smov.u32 s5;
	p1 =	por p6, p2;
	s7 =	smov.u32 @p0 s1  }
0x164: {  	s6 =	smov.u32 @p1 s1;
	s9 =	smov.u32 @p0 s3;
	s1 =	spop (v2sf)  }
0x165: {  	s14 =	smov.u32 @p1 s3;
	s6 =	smov.u32 @p0 s4;
	s3 =	spop (v2sf)  }
0x166: {  	s14 =	smov.u32 @p0 s5;
	p1 =	seq.f32 s1, s7;
	p2 =	slt.f32 s3, s9  }
0x167: {  	p3 =	seq.f32 s1, s6;
	p4 =	slt.f32 s3, s14  }
0x168: {  	p5 =	sgt.f32 s1, s7;
	p0 =	por !p1, !p2  }
0x169: {  	p6 =	sgt.f32 s1, s6;
	p2 =	por !p3, !p4;
	p0 =	por !p0, !p0  }
0x16a: {  	s4 =	smov.u32 s7;
	p2 =	por !p2, !p2;
	p0 =	por p5, p0  }
0x16b: {  	s5 =	smov.u32 s9;
	p1 =	por p6, p2;
	s4 =	smov.u32 @p0 s1  }
0x16c: {  	(v2sf) =	vpush v4, $0x1;
	s6 =	smov.u32 @p1 s1;
	s5 =	smov.u32 @p0 s3;
	s1 =	spop (v2sf)  }
0x16d: {  	s14 =	smov.u32 @p1 s3;
	s6 =	smov.u32 @p0 s7;
	s3 =	spop (v2sf)  }
0x16e: {  	(v2sf) =	vpush v3, $0x1;
	s14 =	smov.u32 @p0 s9;
	p1 =	seq.f32 s1, s4;
	p2 =	slt.f32 s3, s5  }
0x16f: {  	p3 =	seq.f32 s1, s6;
	p4 =	slt.f32 s3, s14  }
0x170: {  	p5 =	sgt.f32 s1, s4  }
0x171: {  	p6 =	sgt.f32 s1, s6;
	p0 =	por !p1, !p2;
	p2 =	por !p3, !p4  }
0x172: {  	p0 =	por !p0, !p0;
	p2 =	por !p2, !p2  }
0x173: {  	s7 =	smov.u32 s4;
	p0 =	por p5, p0;
	p1 =	por p6, p2  }
0x174: {  	s9 =	smov.u32 s5;
	s7 =	smov.u32 @p0 s1;
	s6 =	smov.u32 @p1 s1  }
0x175: {  	s9 =	smov.u32 @p0 s3;
	s14 =	smov.u32 @p1 s3;
	s6 =	smov.u32 @p0 s4  }
0x176: {  	(v2sf) =	vpush v4, $0x2;
	s14 =	smov.u32 @p0 s5;
	p1 =	seq.f32 s8, s7;
	p2 =	slt.f32 s15, s9  }
0x177: {  	(v2sf) =	vpush v3, $0x2;
	p3 =	seq.f32 s8, s6;
	p4 =	slt.f32 s15, s14  }
0x178: {  	p5 =	sgt.f32 s8, s7;
	s1 =	smov.u32 s7  }
0x179: {  	p6 =	sgt.f32 s8, s6;
	p0 =	por !p1, !p2;
	p2 =	por !p3, !p4  }
0x17a: {  	s3 =	smov.u32 s9;
	p0 =	por !p0, !p0;
	p2 =	por !p2, !p2  }
0x17b: {  	s4 =	spop (v2sf);
	p0 =	por p5, p0;
	p1 =	por p6, p2  }
0x17c: {  	s1 =	smov.u32 @p0 s8;
	s3 =	smov.u32 @p0 s15;
	s6 =	smov.u32 @p1 s8  }
0x17d: {  	s14 =	smov.u32 @p1 s15;
	p1 =	seq.f32 s4, s1;
	s5 =	spop (v2sf)  }
0x17e: {  	(v2sf) =	vpush v4, $0x3;
	s6 =	smov.u32 @p0 s7;
	s14 =	smov.u32 @p0 s9;
	p2 =	slt.f32 s5, s3  }
0x17f: {  	(v2sf) =	vpush v3, $0x3;
	p3 =	seq.f32 s4, s6;
	p4 =	slt.f32 s5, s14  }
0x180: {  	p5 =	sgt.f32 s4, s1  }
0x181: {  	p6 =	sgt.f32 s4, s6;
	p0 =	por !p1, !p2;
	p2 =	por !p3, !p4  }
0x182: {  	p0 =	por !p0, !p0;
	p2 =	por !p2, !p2  }
0x183: {  	s7 =	smov.u32 s1;
	p0 =	por p5, p0;
	p1 =	por p6, p2  }
0x184: {  	s8 =	smov.u32 s3;
	s7 =	smov.u32 @p0 s4;
	s6 =	smov.u32 @p1 s4  }
0x185: {  	s14 =	smov.u32 @p1 s5;
	s6 =	smov.u32 @p0 s1;
	s1 =	spop (v2sf)  }
0x186: {  	s8 =	smov.u32 @p0 s5;
	s14 =	smov.u32 @p0 s3;
	(v2sf) =	vpush v4, $0x4;
	s3 =	spop (v2sf)  }
0x187: {  	p1 =	seq.f32 s1, s7;
	(v2sf) =	vpush v3, $0x4;
	p2 =	slt.f32 s3, s8  }
0x188: {  	p3 =	seq.f32 s1, s6;
	p4 =	slt.f32 s3, s14  }
0x189: {  	p5 =	sgt.f32 s1, s7;
	p0 =	por !p1, !p2  }
0x18a: {  	p6 =	sgt.f32 s1, s6;
	p2 =	por !p3, !p4;
	p0 =	por !p0, !p0  }
0x18b: {  	s4 =	smov.u32 s7;
	p2 =	por !p2, !p2;
	p0 =	por p5, p0  }
0x18c: {  	s5 =	smov.u32 s8;
	p1 =	por p6, p2;
	s4 =	smov.u32 @p0 s1  }
0x18d: {  	s6 =	smov.u32 @p1 s1;
	s5 =	smov.u32 @p0 s3;
	s1 =	spop (v2sf)  }
0x18e: {  	s14 =	smov.u32 @p1 s3;
	(v2sf) =	vpush v4, $0x5;
	s6 =	smov.u32 @p0 s7;
	s3 =	spop (v2sf)  }
0x18f: {  	s14 =	smov.u32 @p0 s8;
	p1 =	seq.f32 s1, s4;
	(v2sf) =	vpush v3, $0x5;
	p2 =	slt.f32 s3, s5  }
0x190: {  	p3 =	seq.f32 s1, s6;
	p4 =	slt.f32 s3, s14  }
0x191: {  	p5 =	sgt.f32 s1, s4;
	p0 =	por !p1, !p2  }
0x192: {  	p6 =	sgt.f32 s1, s6;
	p2 =	por !p3, !p4;
	p0 =	por !p0, !p0  }
0x193: {  	s7 =	smov.u32 s4;
	p2 =	por !p2, !p2;
	p0 =	por p5, p0  }
0x194: {  	s8 =	smov.u32 s5;
	p1 =	por p6, p2;
	s7 =	smov.u32 @p0 s1  }
0x195: {  	s6 =	smov.u32 @p1 s1;
	s8 =	smov.u32 @p0 s3;
	s1 =	spop (v2sf)  }
0x196: {  	s14 =	smov.u32 @p1 s3;
	s6 =	smov.u32 @p0 s4;
	(v2sf) =	vpush v4, $0x6;
	s3 =	spop (v2sf)  }
0x197: {  	s14 =	smov.u32 @p0 s5;
	p1 =	seq.f32 s1, s7;
	(v2sf) =	vpush v3, $0x6;
	p2 =	slt.f32 s3, s8  }
0x198: {  	p3 =	seq.f32 s1, s6;
	p4 =	slt.f32 s3, s14  }
0x199: {  	p5 =	sgt.f32 s1, s7;
	p0 =	por !p1, !p2  }
0x19a: {  	p6 =	sgt.f32 s1, s6;
	p2 =	por !p3, !p4;
	p0 =	por !p0, !p0  }
0x19b: {  	s4 =	smov.u32 s7;
	p2 =	por !p2, !p2;
	p0 =	por p5, p0  }
0x19c: {  	s5 =	smov.u32 s8;
	p1 =	por p6, p2;
	s4 =	smov.u32 @p0 s1  }
0x19d: {  	s6 =	smov.u32 @p1 s1;
	s5 =	smov.u32 @p0 s3;
	s1 =	spop (v2sf)  }
0x19e: {  	s14 =	smov.u32 @p1 s3;
	(v2sf) =	vpush v4, $0x7;
	s6 =	smov.u32 @p0 s7;
	s3 =	spop (v2sf)  }
0x19f: {  	s14 =	smov.u32 @p0 s8;
	p1 =	seq.f32 s1, s4;
	(v2sf) =	vpush v3, $0x7;
	p2 =	slt.f32 s3, s5  }
0x1a0: {  	p3 =	seq.f32 s1, s6;
	p4 =	slt.f32 s3, s14  }
0x1a1: {  	p5 =	sgt.f32 s1, s4;
	p0 =	por !p1, !p2  }
0x1a2: {  	p6 =	sgt.f32 s1, s6;
	p2 =	por !p3, !p4;
	p0 =	por !p0, !p0  }
0x1a3: {  	s7 =	smov.u32 s4;
	p2 =	por !p2, !p2;
	p0 =	por p5, p0  }
0x1a4: {  	s8 =	smov.u32 s5;
	p1 =	por p6, p2;
	s7 =	smov.u32 @p0 s1  }
0x1a5: {  	s6 =	smov.u32 @p1 s1;
	s8 =	smov.u32 @p0 s3;
	s1 =	spop (v2sf)  }
0x1a6: {  	s14 =	smov.u32 @p1 s3;
	s6 =	smov.u32 @p0 s4;
	(v2sf) =	vpush v4, $0x8;
	s3 =	spop (v2sf)  }
0x1a7: {  	s14 =	smov.u32 @p0 s5;
	p1 =	seq.f32 s1, s7;
	(v2sf) =	vpush v3, $0x8;
	p2 =	slt.f32 s3, s8  }
0x1a8: {  	p3 =	seq.f32 s1, s6;
	p4 =	slt.f32 s3, s14  }
0x1a9: {  	p5 =	sgt.f32 s1, s7;
	p0 =	por !p1, !p2  }
0x1aa: {  	p6 =	sgt.f32 s1, s6;
	p2 =	por !p3, !p4;
	p0 =	por !p0, !p0  }
0x1ab: {  	s4 =	smov.u32 s7;
	p2 =	por !p2, !p2;
	p0 =	por p5, p0  }
0x1ac: {  	s5 =	smov.u32 s8;
	p1 =	por p6, p2;
	s4 =	smov.u32 @p0 s1  }
0x1ad: {  	s6 =	smov.u32 @p1 s1;
	s5 =	smov.u32 @p0 s3;
	s1 =	spop (v2sf)  }
0x1ae: {  	s14 =	smov.u32 @p1 s3;
	(v2sf) =	vpush v4, $0x9;
	s6 =	smov.u32 @p0 s7;
	s3 =	spop (v2sf)  }
0x1af: {  	s14 =	smov.u32 @p0 s8;
	p1 =	seq.f32 s1, s4;
	p2 =	slt.f32 s3, s5  }
0x1b0: {  	p3 =	seq.f32 s1, s6;
	p4 =	slt.f32 s3, s14  }
0x1b1: {  	p5 =	sgt.f32 s1, s4;
	p0 =	por !p1, !p2  }
0x1b2: {  	(v2sf) =	vpush v3, $0x9;
	p6 =	sgt.f32 s1, s6;
	p2 =	por !p3, !p4;
	p0 =	por !p0, !p0  }
0x1b3: {  	s7 =	smov.u32 s4;
	p2 =	por !p2, !p2;
	p0 =	por p5, p0  }
0x1b4: {  	s8 =	smov.u32 s5;
	p1 =	por p6, p2;
	s7 =	smov.u32 @p0 s1  }
0x1b5: {  	s6 =	smov.u32 @p1 s1;
	s8 =	smov.u32 @p0 s3;
	s1 =	spop (v2sf)  }
0x1b6: {  	s14 =	smov.u32 @p1 s3;
	s6 =	smov.u32 @p0 s4;
	s3 =	spop (v2sf)  }
0x1b7: {  	s14 =	smov.u32 @p0 s5;
	p1 =	seq.f32 s1, s7;
	p3 =	seq.f32 s1, s6  }
0x1b8: {  	p2 =	slt.f32 s3, s8;
	p4 =	slt.f32 s3, s14  }
0x1b9: {  	(v2sf) =	vpush v4, $0xA;
	p5 =	sgt.f32 s1, s7  }
0x1ba: {  	p6 =	sgt.f32 s1, s6;
	(v2sf) =	vpush v3, $0xA;
	p0 =	por !p1, !p2;
	p2 =	por !p3, !p4  }
0x1bb: {  	p0 =	por !p0, !p0;
	p2 =	por !p2, !p2  }
0x1bc: {  	s4 =	smov.u32 s7;
	p0 =	por p5, p0;
	p1 =	por p6, p2  }
0x1bd: {  	s4 =	smov.u32 @p0 s1;
	s6 =	smov.u32 @p1 s1;
	s1 =	spop (v2sf);
	(v2sf) =	vpush v4, $0xB  }
0x1be: {  	_ = 	snop  }
0x1bf: {  	s5 =	smov.u32 s8  }
0x1c0: {  	s5 =	smov.u32 @p0 s3  }
0x1c1: {  	s14 =	smov.u32 @p1 s3;
	s6 =	smov.u32 @p0 s7;
	s3 =	spop (v2sf)  }
0x1c2: {  	s14 =	smov.u32 @p0 s8;
	p1 =	seq.f32 s1, s4;
	(v2sf) =	vpush v3, $0xB;
	p2 =	slt.f32 s3, s5  }
0x1c3: {  	p3 =	seq.f32 s1, s6;
	p4 =	slt.f32 s3, s14  }
0x1c4: {  	p5 =	sgt.f32 s1, s4;
	(v2sf) =	vpush v4, $0xC;
	p0 =	por !p1, !p2  }
0x1c5: {  	p6 =	sgt.f32 s1, s6;
	p2 =	por !p3, !p4;
	p0 =	por !p0, !p0  }
0x1c6: {  	s7 =	smov.u32 s4;
	p2 =	por !p2, !p2;
	p0 =	por p5, p0  }
0x1c7: {  	s8 =	smov.u32 s5;
	p1 =	por p6, p2;
	s7 =	smov.u32 @p0 s1  }
0x1c8: {  	s6 =	smov.u32 @p1 s1;
	s8 =	smov.u32 @p0 s3;
	s1 =	spop (v2sf)  }
0x1c9: {  	s14 =	smov.u32 @p1 s3;
	s6 =	smov.u32 @p0 s4;
	(v2sf) =	vpush v3, $0xC;
	s3 =	spop (v2sf)  }
0x1ca: {  	s14 =	smov.u32 @p0 s5;
	p1 =	seq.f32 s1, s7;
	p2 =	slt.f32 s3, s8  }
0x1cb: {  	p3 =	seq.f32 s1, s6;
	(v2sf) =	vpush v4, $0xD;
	p4 =	slt.f32 s3, s14  }
0x1cc: {  	p5 =	sgt.f32 s1, s7;
	p0 =	por !p1, !p2;
	s9 =	spop (v2sf);
	(v2sf) =	vpush v3, $0xD  }
0x1cd: {  	p6 =	sgt.f32 s1, s6;
	p2 =	por !p3, !p4;
	p0 =	por !p0, !p0  }
0x1ce: {  	s4 =	smov.u32 s7;
	p2 =	por !p2, !p2;
	p0 =	por p5, p0  }
0x1cf: {  	s5 =	smov.u32 s8;
	p1 =	por p6, p2;
	s4 =	smov.u32 @p0 s1  }
0x1d0: {  	s5 =	smov.u32 @p0 s3;
	s6 =	smov.u32 @p1 s1;
	s14 =	smov.u32 @p1 s3  }
0x1d1: {  	s6 =	smov.u32 @p0 s7;
	s1 =	spop (v2sf);
	p1 =	seq.f32 s9, s4  }
0x1d2: {  	s14 =	smov.u32 @p0 s8;
	(v2sf) =	vpush v4, $0xE;
	p2 =	slt.f32 s1, s5;
	p3 =	seq.f32 s9, s6  }
0x1d3: {  	p4 =	slt.f32 s1, s14;
	s7 =	spop (v2sf);
	(v2sf) =	vpush v3, $0xE  }
0x1d4: {  	p5 =	sgt.f32 s9, s4;
	p0 =	por !p1, !p2  }
0x1d5: {  	p6 =	sgt.f32 s9, s6;
	p2 =	por !p3, !p4;
	p0 =	por !p0, !p0  }
0x1d6: {  	s3 =	smov.u32 s4;
	p2 =	por !p2, !p2;
	p0 =	por p5, p0  }
0x1d7: {  	s10 =	smov.u32 s5;
	p1 =	por p6, p2;
	s3 =	smov.u32 @p0 s9  }
0x1d8: {  	s10 =	smov.u32 @p0 s1;
	s6 =	smov.u32 @p1 s9;
	s8 =	spop (v2sf)  }
0x1d9: {  	s14 =	smov.u32 @p1 s1;
	p5 =	seq.f32 s7, s3;
	p6 =	slt.f32 s8, s10  }
0x1da: {  	s6 =	smov.u32 @p0 s4;
	s14 =	smov.u32 @p0 s5;
	(v2sf) =	vpush v4, $0xF;
	s1 =	spop (v2sf)  }
0x1db: {  	p4 =	sgt.f32 s7, s3;
	p5 =	por !p5, !p6;
	s11 =	spop (v2sf);
	(v2sf) =	vpush v3, $0xF  }
0x1dc: {  	s4 =	smov.u32 s3;
	s9 =	smov.u32 s10;
	p1 =	por !p5, !p5  }
0x1dd: {  	p2 =	seq.f32 s7, s6;
	p6 =	slt.f32 s8, s14;
	p1 =	por p4, p1  }
0x1de: {  	s4 =	smov.u32 @p1 s7;
	s9 =	smov.u32 @p1 s8  }
0x1df: {  	p0 =	por !p2, !p6;
	p3 =	seq.f32 s1, s4;
	p4 =	slt.f32 s11, s9  }
0x1e0: {  	p5 =	sgt.f32 s7, s6;
	p0 =	por !p0, !p0;
	p6 =	sgt.f32 s1, s4  }
0x1e1: {  	s15 =	smov.u32 s9;
	s16 =	spop (v2sf);
	p3 =	por !p3, !p4  }
0x1e2: {  	s17 =	spop (v2sf);
	p4 =	por p5, p0;
	p3 =	por !p3, !p3  }
0x1e3: {  	s6 =	smov.u32 @p4 s7;
	s7 =	smov.u32 s4;
	p0 =	por p6, p3  }
0x1e4: {  	s14 =	smov.u32 @p4 s8;
	s7 =	smov.u32 @p0 s1;
	s15 =	smov.u32 @p0 s11  }
0x1e5: {  	s6 =	smov.u32 @p1 s3;
	p5 =	seq.f32 s16, s7;
	p6 =	slt.f32 s17, s15  }
0x1e6: {  	s14 =	smov.u32 @p1 s10;
	p2 =	sgt.f32 s1, s6;
	p4 =	sgt.f32 s16, s7  }
0x1e7: {  	p3 =	por !p5, !p6;
	p5 =	seq.f32 s1, s6;
	p6 =	slt.f32 s11, s14  }
0x1e8: {  	s5 =	smov.u32 s7;
	s3 =	smov.u32 s15;
	p3 =	por !p3, !p3  }
0x1e9: {  	s8 =	spop (v2sf);
	p1 =	por p4, p3;
	p3 =	por !p5, !p6  }
0x1ea: {  	s5 =	smov.u32 @p1 s16;
	s3 =	smov.u32 @p1 s17;
	s10 =	spop (v2sf)  }
0x1eb: {  	p3 =	por !p3, !p3;
	p5 =	seq.f32 s8, s5;
	p6 =	slt.f32 s10, s3  }
0x1ec: {  	p2 =	por p2, p3  }
0x1ed: {  	s6 =	smov.u32 @p2 s1;
	p5 =	por !p5, !p6;
	p6 =	sgt.f32 s8, s5  }
0x1ee: {  	s14 =	smov.u32 @p2 s11;
	s1 =	smov.u32 s3;
	p3 =	por !p5, !p5  }
0x1ef: {  	s6 =	smov.u32 @p0 s4;
	s14 =	smov.u32 @p0 s9;
	p0 =	por p6, p3  }
0x1f0: {  	s1 =	smov.u32 @p0 s10  }
0x1f1: {  	s29 =	rddreg [dreg:$0x2];
	s28 =	scvt.f32.s32 s1  }
0x1f2: {  	p4 =	seq.f32 s16, s6;
	p5 =	slt.f32 s17, s14  }
0x1f3: {  	p6 =	sgt.f32 s16, s6;
	s30 =	ssub.s32 s28, s29  }
0x1f4: {  	p2 =	por !p4, !p5;
	s4 =	sand.u32 $0x7F, s28;
	s9 =	sand.u32 $0xFFFFFF80, s30  }
0x1f5: {  	[tilespmem:s0+$0x1B80] =	vst v2;
	p2 =	por !p2, !p2;
	s9 =	sor.u32 s4, s9  }
0x1f6: {  	p2 =	por p6, p2;
	s4 =	smov.u32 s5;
	v2 =	vld.msk [tilespmem:s9+$0x0 ss:$0x0], $0xffff  }
0x1f7: {  	s6 =	smov.u32 @p2 s16;
	s14 =	smov.u32 @p2 s17;
	s4 =	smov.u32 @p0 s8;
	v3 =	vld.msk [tilespmem:s9+$0x580 ss:$0x0], $0xffff  }
0x1f8: {  	vm9 =	veq.s32 v1, $0x0;
	s6 =	smov.u32 @p1 s7;
	s14 =	smov.u32 @p1 s15;
	v51 =	vld.msk [tilespmem:s9+$0xB00 ss:$0x0], $0xffff;
	v50 =	vmov s4  }
0x1f9: {  	vm10 =	veq.s32 v1, $0x1;
	p2 =	seq.f32 s8, s6;
	p3 =	slt.f32 s10, s14;
	v52 =	vld.msk [tilespmem:s9+$0x1080 ss:$0x0], $0xffff;
	v4 =	vnsel vm9, $0x0, v50  }
0x1fa: {  	v53 =	vld.msk [tilespmem:s9+$0x1600 ss:$0x0], $0xffff;
	v4 =	vsel vm10, s1, v4  }
0x1fb: {  	p4 =	sgt.f32 s8, s6;
	v54 =	vld.msk [tilespmem:s9+$0x2100 ss:$0x0], $0xffff;
	p1 =	por !p2, !p3;
	v2 =	vsel vm0, v2, v4  }
0x1fc: {  	p1 =	por !p1, !p1;
	v2 =	vsel vm1, v2, v3;
	v3 =	vld.msk [tilespmem:s9+$0x2680 ss:$0x0], $0xffff  }
0x1fd: {  	v55 =	vld.msk [tilespmem:s9+$0x2C00 ss:$0x0], $0xffff;
	p1 =	por p4, p1;
	v2 =	vsel vm2, v2, v51  }
0x1fe: {  	v56 =	vld.msk [tilespmem:s9+$0x3180 ss:$0x0], $0xffff;
	s14 =	smov.u32 @p1 s10;
	v2 =	vsel vm3, v2, v52  }
0x1ff: {  	s14 =	smov.u32 @p0 s3;
	v2 =	vsel vm4, v2, v53  }
0x200: {  	s10 =	scvt.f32.s32 s14;
	v2 =	vsel vm5, v2, v54  }
0x201: {  	v2 =	vsel vm6, v2, v3  }
0x202: {  	s15 =	ssub.s32 s10, s29;
	v2 =	vsel vm7, v2, v55  }
0x203: {  	s0 =	sand.u32 $0x7F, s10;
	s1 =	sand.u32 $0xFFFFFF80, s15;
	v2 =	vsel vm8, v2, v56  }
0x204: {  	s0 =	sor.u32 s0, s1;
	[tilespmem:$0x3700] =	vst v2  }
0x205: {  	s6 =	smov.u32 @p1 s8;
	v2 =	vld.msk [tilespmem:s0+$0x0 ss:$0x0], $0xffff  }
0x206: {  	s6 =	smov.u32 @p0 s5;
	v3 =	vld.msk [tilespmem:s0+$0x580 ss:$0x0], $0xffff  }
0x207: {  	v57 =	vmov s6;
	v58 =	vld.msk [tilespmem:s0+$0xB00 ss:$0x0], $0xffff  }
0x208: {  	v4 =	vnsel vm9, $0x0, v57;
	v59 =	vld.msk [tilespmem:s0+$0x1080 ss:$0x0], $0xffff  }
0x209: {  	v4 =	vsel vm10, s14, v4;
	v60 =	vld.msk [tilespmem:s0+$0x1600 ss:$0x0], $0xffff  }
0x20a: {  	v61 =	vld.msk [tilespmem:s0+$0x2100 ss:$0x0], $0xffff;
	v2 =	vsel vm0, v2, v4  }
0x20b: {  	v2 =	vsel vm1, v2, v3;
	v3 =	vld.msk [tilespmem:s0+$0x2680 ss:$0x0], $0xffff  }
0x20c: {  	v62 =	vld.msk [tilespmem:s0+$0x2C00 ss:$0x0], $0xffff;
	v2 =	vsel vm2, v2, v58  }
0x20d: {  	v63 =	vld.msk [tilespmem:s0+$0x3180 ss:$0x0], $0xffff;
	v2 =	vsel vm3, v2, v59  }
0x20e: {  	v2 =	vsel vm4, v2, v60  }
0x20f: {  	v2 =	vsel vm5, v2, v61  }
0x210: {  	v2 =	vsel vm6, v2, v3  }
0x211: {  	v2 =	vsel vm7, v2, v62  }
0x212: {  	v2 =	vsel vm8, v2, v63  }
0x213: {  	s16 =	rddreg [dreg:$0x5];
	s17 =	simm.s32 $0x3700;
	s6 =	simm.s32 $0x0;
	[tilespmem:$0x3780] =	vst v2  }
0x214: {  	[hbm4b:s16+s6] =	stream.linear.scatter [tilespmem:s17], [sflag:$0x1], $0x80, $0x38;
	[tilespmem:$0xE000] =	vst v63  }
0x215: {  	s20 =	rddreg [dreg:$0x6];
	s21 =	simm.s32 $0x3780;
	s22 =	simm.s32 $0x1  }
0x216: {  	[hbm4b:s20+s6] =	stream.linear.scatter [tilespmem:s21], [sflag:$0x2], $0x80, $0x38;
	[tilespmem:$0xE000] =	vst v63  }
0x217: {  	_ =	swait.ge [sflag:s22], $0x80  }
0x218: {  	[sflag:s22] =	ssyncset.done $0x0  }
0x219: {  	s23 =	simm.s32 $0x2;
	[sflag:s22] =	ssyncadd.s32 $0xFFFFFF80  }
0x21a: {  	_ =	swait.ge [sflag:s23], $0x80  }
0x21b: {  	[sflag:s23] =	ssyncset.done $0x0  }
0x21c: {  	[sflag:s23] =	ssyncadd.s32 $0xFFFFFF80  }
0x21d: {  	[bflag:$0x0] =	sbarrier.arrive $0xFFFF  }
0x21e: {  	s26 =	simm.s32 $0x3800;
	s29 =	simm.s32 $0x3;
	s28 =	rddreg [dreg:$0x3]  }
0x21f: {  	[tilespmem:s26], [sflag:$0x3] =	stream.linear.gather [hbm4b:s28+s6], $0x1000, $0x38;
	[tilespmem:$0xE000] =	vst v63  }
0x220: {  	_ =	swait.ge [sflag:s29], $0x1000  }
0x221: {  	[sflag:s29] =	ssyncset.done $0x0  }
0x222: {  	[sflag:s29] =	ssyncadd.s32 $0xFFFFF000  }
0x223: {  	v2 =	vld [tilespmem:s26+$0x0];
	_ =	sdelay $0x4  }
0x224: {  	(v2sf) =	vpush v2, $0x0  }
0x225: {  	(v2sf) =	vpush v2, $0x1;
	_ =	sdelay $0x7  }
0x226: {  	s30 =	simm.s32 $0x3880  }
0x227: {  	v2 =	vld [tilespmem:s30+$0x0];
	_ =	sdelay $0x4  }
0x228: {  	s9 =	spop (v2sf);
	(v2sf) =	vpush v2, $0x0  }
0x229: {  	s7 =	spop (v2sf);
	(v2sf) =	vpush v2, $0x1;
	_ =	sdelay $0x1  }
0x22a: {  	s31 =	simm.s32 $0x0  }
0x22b: {  	s11 =	simm.f32 $0.0e+00;
	s10 =	simm.f32 $0.0e+00;
	s0 =	simm.f32 $-4.000000000e+09  }
0x22c: {  	s16 =	simm.s32 $0x3900;
	p5 =	seq.f32 s9, s0;
	p6 =	slt.f32 s7, s10  }
0x22d: {  	s4 =	simm.f32 $0.0e+00;
	s8 =	simm.s32 $0x2;
	s5 =	simm.f32 $-4.000000000e+09;
	v2 =	vld [tilespmem:s16+$0x0]  }
0x22e: {  	s3 =	simm.s32 $0x0;
	p2 =	sgt.f32 s9, s0;
	p0 =	por !p5, !p6  }
0x22f: {  	s14 =	simm.s32 $0x0;
	s15 =	simm.s32 $0x1;
	p3 =	por !p0, !p0  }
0x230: {  	s1 =	simm.s32 $0x3;
	s17 =	simm.f32 $-4.000000000e+09;
	p0 =	por p2, p3  }
.LBB2_6:
0x231: {  	p2 =	por p2, p3  }
0x232: {  	(v2sf) =	vpush v2, $0x0;
	s0 =	smov.u32 @p0 s9;
	s10 =	smov.u32 @p0 s7;
	s29 =	smov.u32 s1  }
0x233: {  	p1 =	sne.s32 s1, $0x1F;
	(v2sf) =	vpush v2, $0x1;
	s5 =	smov.u32 @p2 s9;
	s11 =	smov.u32 @p2 s7  }
0x234: {  	s1 =	sadd.s32 $0x1, s1;
	s14 =	smov.u32 @p0 s3;
	s6 =	smov.u32 @p2 s3  }
0x235: {  	s10 =	smov.u32 @p2 s4;
	s14 =	smov.u32 @p2 s31;
	s4 =	smov.u32 s11  }
0x236: {  	s0 =	smov.u32 @p2 s17;
	s17 =	smov.u32 s5;
	s9 =	spop (v2sf)  }
0x237: {  	s7 =	spop (v2sf)  }
0x238: {  	s16 =	sadd.s32 $0x80, s16;
	p0 =	seq.f32 s9, s0;
	p3 =	slt.f32 s7, s11  }
.Ltmp5:
0x239: {  	v2 =	vld [tilespmem:s16+$0x0];
	p2 =	slt.f32 s7, s10;
	(pc) =	sbr.rel @p1 .LBB2_6-.Ltmp5, $4  }
0x23a: {  	s3 =	smov.u32 s15;
	p4 =	seq.f32 s9, s5;
	p5 =	sgt.f32 s9, s0  }
0x23b: {  	s15 =	smov.u32 s8;
	s8 =	smov.u32 s29;
	p0 =	por !p0, !p2  }
0x23c: {  	p2 =	sgt.f32 s9, s5;
	p3 =	por !p4, !p3;
	p0 =	por !p0, !p0  }
0x23d: {  	s31 =	smov.u32 s6;
	p3 =	por !p3, !p3;
	p0 =	por p5, p0  }
0x23e: {  	(v2sf) =	vpush v2, $0x0  }
0x23f: {  	(v2sf) =	vpush v2, $0x1;
	_ =	sdelay $0x4  }
0x240: {  	p1 =	por p2, p3;
	s0 =	smov.u32 @p0 s9;
	s10 =	smov.u32 @p0 s7  }
0x241: {  	s14 =	smov.u32 @p0 s3;
	s5 =	smov.u32 @p1 s9;
	s1 =	spop (v2sf)  }
0x242: {  	s10 =	smov.u32 @p1 s4;
	s0 =	smov.u32 @p1 s17;
	s4 =	spop (v2sf)  }
0x243: {  	s11 =	smov.u32 @p1 s7;
	p3 =	seq.f32 s1, s0;
	p6 =	slt.f32 s4, s10  }
0x244: {  	s6 =	smov.u32 @p1 s3;
	p5 =	seq.f32 s1, s5;
	p4 =	slt.f32 s4, s11  }
0x245: {  	s14 =	smov.u32 @p1 s31;
	p0 =	sgt.f32 s1, s0;
	p2 =	por !p3, !p6  }
0x246: {  	p6 =	sgt.f32 s1, s5;
	p4 =	por !p5, !p4;
	p2 =	por !p2, !p2  }
0x247: {  	s3 =	smov.u32 s5;
	p4 =	por !p4, !p4;
	p1 =	por p0, p2  }
0x248: {  	p0 =	por p6, p4;
	s0 =	smov.u32 @p1 s1;
	s10 =	smov.u32 @p1 s4  }
0x249: {  	s3 =	smov.u32 @p0 s1;
	s14 =	smov.u32 @p1 s15;
	s1 =	spop (v2sf)  }
0x24a: {  	s10 =	smov.u32 @p0 s11;
	s0 =	smov.u32 @p0 s5;
	s31 =	spop (v2sf)  }
0x24b: {  	s11 =	smov.u32 @p0 s4;
	p3 =	seq.f32 s1, s0;
	p4 =	slt.f32 s31, s10  }
0x24c: {  	s4 =	smov.u32 s6;
	p6 =	seq.f32 s1, s3;
	p5 =	slt.f32 s31, s11  }
0x24d: {  	s14 =	smov.u32 @p0 s6;
	p2 =	sgt.f32 s1, s0;
	p3 =	por !p3, !p4  }
0x24e: {  	p5 =	por !p6, !p5;
	p6 =	sgt.f32 s1, s3;
	p1 =	por !p3, !p3  }
0x24f: {  	s6 =	smov.u32 s3;
	p3 =	por !p5, !p5;
	p1 =	por p2, p1  }
0x250: {  	s4 =	smov.u32 @p0 s15;
	p0 =	por p6, p3;
	s0 =	smov.u32 @p1 s1  }
0x251: {  	s6 =	smov.u32 @p0 s1;
	s1 =	smov.u32 s4;
	s14 =	smov.u32 @p1 s8  }
0x252: {  	s1 =	smov.u32 @p0 s8;
	s14 =	smov.u32 @p0 s4  }
0x253: {  	s0 =	smov.u32 @p0 s3;
	s1 =	sshll.u32 s1, $0x9;
	s3 =	sshll.u32 s14, $0x9  }
.LBB2_8:
0x254: {  	s1 =	sshra.s32 s1, $0x2  }
0x255: {  	s3 =	sshra.s32 s3, $0x2;
	v2 =	vld [tilespmem:s1+$0x3800]  }
0x256: {  	v3 =	vld [tilespmem:s3+$0x3800];
	_ =	sdelay $0x4  }
0x257: {  	v4 =	vmax.f32 v2, v3  }
0x258: {  	v6 =	vmin.f32 v2, v3;
	v5 =	vbroadcast v4, $0x2;
	v4 =	vbroadcast v4, $0x3  }
0x259: {  	v7 =	vbroadcast v6, $0x4;
	v6 =	vbroadcast v6, $0x5;
	_ =	sdelay $0x1  }
0x25a: {  	v5 =	vsub.f32 v7, v5;
	v4 =	vsub.f32 v6, v4  }
0x25b: {  	v62 =	vadd.f32 v3, v2  }
0x25c: {  	v5 =	vmax.f32 v5, $0.0e+00;
	v4 =	vmax.f32 v4, $0.0e+00  }
0x25d: {  	v63 =	vbroadcast v62, $0x6;
	v4 =	vmul.f32 v4, v5;
	_ =	sdelay $0x1  }
0x25e: {  	v5 =	vsub.f32 v63, v4;
	_ =	sdelay $0x1  }
0x25f: {  	v5 =	vmax.f32 v5, $9.999999710e-10  }
0x260: {  	(erf) = vrcp.f32 v5;
	_ =	sdelay $0x1  }
0x261: {  	(v2sf) =	vpush v2, $0x2  }
0x262: {  	(v2sf) =	vpush v2, $0x3  }
0x263: {  	(v2sf) =	vpush v2, $0x4  }
0x264: {  	(v2sf) =	vpush v2, $0x5  }
0x265: {  	(v2sf) =	vpush v2, $0x6  }
0x266: {  	(v2sf) =	vpush v3, $0x2  }
0x267: {  	(v2sf) =	vpush v3, $0x3  }
0x268: {  	(v2sf) =	vpush v3, $0x4;
	v5 =	vpop (erf)  }
0x269: {  	(v2sf) =	vpush v3, $0x5;
	v4 =	vmul.f32 v5, v4  }
0x26a: {  	(v2sf) =	vpush v3, $0x6  }
0x26b: {  	(v2sf) =	vpush v4, $0x0;
	_ =	sdelay $0x4  }
0x26c: {  	s7 =	spop (v2sf)  }
0x26d: {  	s16 =	spop (v2sf)  }
0x26e: {  	s1 =	spop (v2sf)  }
0x26f: {  	s5 =	spop (v2sf)  }
0x270: {  	s15 =	spop (v2sf)  }
0x271: {  	s8 =	spop (v2sf)  }
0x272: {  	s30 =	spop (v2sf)  }
0x273: {  	s28 =	spop (v2sf)  }
0x274: {  	s4 =	spop (v2sf)  }
0x275: {  	s9 =	spop (v2sf)  }
0x276: {  	s10 =	spop (v2sf)  }
0x277: {  	p4 =	sgt.f32 s6, $-1.000000000e+08;
	p1 =	sgt.f32 s10, $5.000000000e-01  }
0x278: {  	p0 =	sne.s32 s12, $0x0;
	s14 =	smov.u32 s2;
	s2 =	rddreg [dreg:$0x10]  }
0x279: {  	p5 =	sgt.s32 @!p0 s2, $0x12B;
	p2 =	por !p4, !p4;
	p1 =	por !p1, !p1  }
0x27a: {  	p3 =	slt.s32 s2, $0x12B;
	p2 =	por p2, p1;
	p1 =	por p5, p0  }
0x27b: {  	p2 =	por !p3, !p2;
	(v2sf) =	vpush @!p1 v2, $0x7  }
0x27c: {  	p3 =	por !p2, !p2;
	(v2sf) =	vpush @!p1 v2, $0x8  }
0x27d: {  	(v2sf) =	vpush @!p1 v2, $0x9;
	p2 =	por !p3, !p3  }
0x27e: {  	(v2sf) =	vpush @!p1 v2, $0xA;
	p2 =	por p0, p2  }
0x27f: {  	(v2sf) =	vpush @!p2 v3, $0x7;
	_ =	sdelay $0x1  }
0x280: {  	s26 =	smov.u32 s24;
	(v2sf) =	vpush @!p2 v3, $0x8  }
0x281: {  	s11 =	smov.u32 s19;
	s23 =	smov.u32 s18;
	s18 =	simm.f32 $1.000000000e+00;
	(v2sf) =	vpush @!p2 v3, $0x9  }
0x282: {  	s24 =	smov.u32 s25;
	s25 =	smov.u32 s26;
	s26 =	rddreg [dreg:$0xd]  }
0x283: {  	s21 =	simm.s32 $0x1;
	s19 =	sadd.s32 $0x1, s2;
	[dreg:$0x15] =	wrdreg s4  }
0x284: {  	[dreg:$0x13] =	wrdreg s9;
	s9 =	smov.u32 s13;
	p6 =	sgt.f32 @!p1 s6, $-1.000000000e+08;
	(v2sf) =	vpush @!p2 v3, $0xA  }
0x285: {  	s10 =	rddreg [dreg:$0xe];
	s17 =	simm.f32 @!p1 $1.000000000e+00;
	s22 =	sshll.u32 @!p1 s2, $0x9  }
0x286: {  	p5 =	por @!p0 !p6, p5;
	s21 =	simm.s32 @!p3 $0x0;
	p6 =	slt.s32 s2, $0x12C  }
0x287: {  	p5 =	por !p5, p0;
	s21 =	sadd.s32 s21, s19;
	s14 =	smov.u32 @p6 s7  }
0x288: {  	s10 =	smov.u32 @p6 s1;
	s9 =	smov.u32 @p6 s8;
	s8 =	rddreg [dreg:$0x11]  }
0x289: {  	s17 =	simm.s32 @!p5 $0x0;
	p5 =	sgt.f32 s0, $-1.000000000e+08;
	s3 =	spop @!p1 (v2sf)  }
0x28a: {  	s26 =	smov.u32 @p6 s5;
	s6 =	smul.f32 @!p1 s17, s6;
	s4 =	spop @!p1 (v2sf)  }
0x28b: {  	s1 =	simm.f32 $5.000000000e-01;
	s3 =	smul.f32 @!p1 s3, s17;
	s29 =	spop @!p1 (v2sf)  }
0x28c: {  	s25 =	smov.u32 @p6 s30;
	s4 =	smul.f32 @!p1 s4, s17;
	s31 =	spop @!p1 (v2sf)  }
0x28d: {  	vm9 =	vcmask @!p1 $0x300;
	s18 =	simm.s32 @!p5 $0x0;
	s29 =	smul.f32 @!p1 s29, s17;
	v2 =	vmov @!p1 s3;
	s12 =	spop @!p2 (v2sf)  }
0x28e: {  	s2 =	smov.u32 @p6 s21;
	s21 =	rddreg [dreg:$0xc];
	v2 =	vnsel @!p1 vm9, $0x0, v2;
	vm9 =	vcmask @!p1 $0x704;
	s12 =	smul.f32 @!p2 s12, s18  }
0x28f: {  	s30 =	simm.f32 $-4.000000000e+09;
	s31 =	smul.f32 @!p1 s31, s17;
	s13 =	spop @!p2 (v2sf);
	v2 =	vsel @!p1 vm9, s4, v2;
	vm9 =	vcmask @!p1 $0xB08  }
0x290: {  	s24 =	smov.u32 @p6 s28;
	s17 =	spop @!p2 (v2sf);
	s13 =	smul.f32 @!p2 s13, s18;
	v2 =	vsel @!p1 vm9, s29, v2;
	vm9 =	vcmask @!p2 $0x300;
	v3 =	vmov @!p2 s12  }
0x291: {  	s1 =	simm.s32 @!p4 $0x7F61B1E6;
	s21 =	smov.u32 @p6 s15;
	s17 =	smul.f32 @!p2 s17, s18;
	v3 =	vnsel @!p2 vm9, $0x0, v3;
	vm9 =	vcmask @!p2 $0x704  }
0x292: {  	vm10 =	vcmask @!p1 $0xF0C;
	s28 =	smov.u32 s2;
	s0 =	smul.f32 @!p2 s18, s0;
	s29 =	rddreg [dreg:$0xb];
	v3 =	vsel @!p2 vm9, s13, v3;
	vm9 =	vcmask @!p2 $0xB08  }
0x293: {  	s20 =	spop @!p2 (v2sf);
	s29 =	smov.u32 @p6 s1;
	v2 =	vsel @!p1 vm10, s31, v2;
	s1 =	rddreg [dreg:$0x15];
	v3 =	vsel @!p2 vm9, s17, v3;
	vm9 =	vcmask @!p1 $0x1310  }
0x294: {  	[tilespmem:$0x3700] =	vst v4;
	s3 =	sshra.s32 @!p1 s22, $0x2;
	s31 =	rddreg [dreg:$0xa];
	s20 =	smul.f32 @!p2 s20, s18;
	v2 =	vsel @!p1 vm9, s6, v2  }
0x295: {  	s18 =	smov.u32 s23;
	s23 =	smov.u32 s11;
	[tilespmem:s3+$0x4800] =	vst @!p1 v2;
	p1 =	sgt.s32 s2, $0x12B  }
.Ltmp6:
0x296: {  	s23 =	smov.u32 @p6 s1;
	s1 =	rddreg [dreg:$0x13];
	(pc) =	sbr.rel @p1 .LBB2_14-.Ltmp6, $4  }
0x297: {  	vm10 =	vcmask @!p2 $0xF0C;
	s11 =	rddreg [dreg:$0xf];
	s31 =	smov.u32 @p6 s1;
	s1 =	simm.f32 $5.000000000e-01  }
0x298: {  	s4 =	sshll.u32 @!p2 s19, $0x9;
	s11 =	smov.u32 @p6 s16;
	v3 =	vsel @!p2 vm10, s20, v3;
	vm9 =	vcmask @!p2 $0x1310;
	s1 =	simm.s32 @!p3 $0x7F61B1E6  }
0x299: {  	v2 =	vsel @!p2 vm9, s0, v3;
	s0 =	sshra.s32 @!p2 s4, $0x2;
	s1 =	simm.s32 @!p5 $0x7F61B1E6;
	s3 =	simm.s32 $0x0  }
0x29a: {  	[tilespmem:s0+$0x4800] =	vst @!p2 v2;
	s18 =	smov.u32 @p6 s1;
	s0 =	simm.f32 $-4.000000000e+09;
	s1 =	simm.s32 $0x0  }
0x29b: {  	s8 =	simm.s32 $0x0  }
0x29c: {  	v6 =	vld [tilespmem:s8+$0x0]  }
0x29d: {  	v12 =	vld [tilespmem:s8+$0x580]  }
0x29e: {  	v13 =	vld [tilespmem:s8+$0xB00]  }
0x29f: {  	v14 =	vld [tilespmem:s8+$0x1080]  }
0x2a0: {  	v9 =	vmov s14  }
0x2a1: {  	v11 =	vmov s11;
	v3 =	vmov s10;
	v4 =	vmov s26  }
0x2a2: {  	v2 =	vmov s21;
	v10 =	vmov s9;
	v7 =	vmov s25  }
0x2a3: {  	v8 =	vmov s24;
	v5 =	vmov s23;
	v16 =	vld [tilespmem:s8+$0x1600];
	v15 =	vmax.f32 v9, v6  }
0x2a4: {  	v17 =	vmax.f32 v11, v12;
	v18 =	vmin.f32 v3, v13;
	v19 =	vmin.f32 v4, v14  }
0x2a5: {  	v20 =	vmax.f32 v10, v6;
	v12 =	vmax.f32 v7, v12;
	v13 =	vmin.f32 v8, v13  }
0x2a6: {  	v14 =	vmin.f32 v5, v14;
	v15 =	vsub.f32 v18, v15;
	v17 =	vsub.f32 v19, v17  }
0x2a7: {  	s6 =	simm.s32 $0x10;
	v6 =	vmov s31;
	v13 =	vsub.f32 v13, v20;
	v12 =	vsub.f32 v14, v12  }
0x2a8: {  	v18 =	vld [tilespmem:s6+$0x0];
	v14 =	vmax.f32 v15, $0.0e+00;
	v15 =	vmax.f32 v17, $0.0e+00;
	v17 =	vadd.f32 v16, v2  }
0x2a9: {  	v13 =	vmax.f32 v13, $0.0e+00;
	v12 =	vmax.f32 v12, $0.0e+00;
	v19 =	vmul.f32 v15, v14;
	v14 =	vld [tilespmem:s6+$0x580]  }
0x2aa: {  	v20 =	vmul.f32 v12, v13;
	v12 =	vadd.f32 v16, v6;
	v13 =	vld [tilespmem:s6+$0xB00]  }
0x2ab: {  	v16 =	vld [tilespmem:s6+$0x1080];
	v15 =	vsub.f32 v17, v19  }
0x2ac: {  	v12 =	vsub.f32 v12, v20  }
0x2ad: {  	v15 =	vmax.f32 v15, $9.999999710e-10  }
0x2ae: {  	v12 =	vmax.f32 v12, $9.999999710e-10;
	(erf) = vrcp.f32 v15  }
0x2af: {  	v21 =	vld [tilespmem:s6+$0x1600];
	v15 =	vmax.f32 v11, v14;
	(erf) = vrcp.f32 v12  }
0x2b0: {  	v17 =	vmin.f32 v3, v13;
	v22 =	vmin.f32 v4, v16;
	v12 =	vmax.f32 v9, v18  }
0x2b1: {  	v14 =	vmax.f32 v7, v14;
	v15 =	vsub.f32 v22, v15;
	v12 =	vsub.f32 v17, v12  }
0x2b2: {  	v13 =	vmin.f32 v8, v13;
	v16 =	vmin.f32 v5, v16;
	v18 =	vmax.f32 v10, v18  }
0x2b3: {  	v14 =	vsub.f32 v16, v14;
	v15 =	vmax.f32 v15, $0.0e+00;
	v12 =	vmax.f32 v12, $0.0e+00  }
0x2b4: {  	s0 =	simm.s32 $0x20;
	v16 =	vadd.f32 v21, v2;
	v13 =	vsub.f32 v13, v18;
	v15 =	vmul.f32 v15, v12  }
0x2b5: {  	v23 =	vld [tilespmem:s0+$0x580]  }
0x2b6: {  	v22 =	vld [tilespmem:s0+$0x0];
	v14 =	vmax.f32 v14, $0.0e+00;
	v13 =	vmax.f32 v13, $0.0e+00;
	v16 =	vsub.f32 v16, v15  }
0x2b7: {  	v21 =	vadd.f32 v21, v6;
	v17 =	vmul.f32 v14, v13;
	v18 =	vpop (erf)  }
0x2b8: {  	v28 =	vld [tilespmem:s8+$0x1B80];
	v16 =	vmax.f32 v16, $9.999999710e-10;
	v24 =	vpop (erf)  }
0x2b9: {  	v18 =	vmul.f32 v18, v19;
	v19 =	vmul.f32 v24, v20;
	v20 =	vsub.f32 v21, v17;
	v24 =	vld [tilespmem:s0+$0xB00]  }
0x2ba: {  	v25 =	vld [tilespmem:s0+$0x1080];
	v27 =	vmax.f32 v11, v23;
	v12 =	vmov s29;
	v13 =	vmov s18  }
0x2bb: {  	v14 =	vimm.f32 $-2.000000000e+09;
	v26 =	vmax.f32 v9, v22;
	(erf) = vrcp.f32 v16  }
0x2bc: {  	s22 =	smov.u32 s11;
	s20 =	smov.u32 s10;
	v21 =	vimm.f32 $-2.000000000e+09;
	vm9 =	vgt.f32 v18, v12;
	v16 =	vmovc v0;
	vm10 =	vgt.f32 v19, v13  }
0x2bd: {  	s19 =	smov.u32 s9;
	s5 =	simm.s32 $0xC0;
	s2 =	smov.u32 s14;
	v29 =	vmax.f32 v20, $9.999999710e-10;
	vm9 =	vmor vm10, vm9;
	v18 =	vmovc v0;
	v20 =	vmovc v0;
	v19 =	vmov v0  }
.LBB2_10:
0x2be: {  	p1 =	sne.s32 s5, $0x13C0;
	v30 =	vmin.f32 v3, v24;
	(erf) = vrcp.f32 v29;
	v28 =	vsel vm9, $0xCE6E6B28, v28  }
0x2bf: {  	v29 =	vmin.f32 v4, v25;
	[tilespmem:s8+$0x1B80] =	vst v28;
	vm9 =	vgt.f32 v28, v14;
	vm10 =	vgt.f32 v28, v21;
	s8 =	smov.u32 s6;
	s6 =	smov.u32 s0  }
0x2c0: {  	v31 =	vld [tilespmem:s6+$0x1600];
	v21 =	vsel vm10, v28, v21;
	v20 =	vsel vm10, v16, v20;
	v19 =	vsel vm9, v16, v19  }
0x2c1: {  	v21 =	vsel vm9, v14, v21;
	v20 =	vsel vm9, v18, v20;
	v14 =	vsel vm9, v28, v14;
	v18 =	vmovc v19  }
0x2c2: {  	v32 =	vmax.f32 v7, v23;
	v24 =	vmin.f32 v8, v24;
	s0 =	sshra.s32 s5, $0x2;
	v28 =	vmax.f32 v10, v22  }
0x2c3: {  	v26 =	vsub.f32 v30, v26;
	v25 =	vmin.f32 v5, v25;
	v27 =	vsub.f32 v29, v27;
	v22 =	vld [tilespmem:s0+$0x0]  }
0x2c4: {  	v25 =	vsub.f32 v25, v32;
	v28 =	vsub.f32 v24, v28;
	v23 =	vld [tilespmem:s0+$0x580]  }
0x2c5: {  	v26 =	vmax.f32 v26, $0.0e+00;
	v34 =	vmax.f32 v27, $0.0e+00;
	v29 =	vadd.f32 v31, v2  }
0x2c6: {  	v25 =	vmax.f32 v25, $0.0e+00;
	v26 =	vmul.f32 v34, v26;
	v33 =	vmax.f32 v28, $0.0e+00;
	v24 =	vld [tilespmem:s0+$0xB00];
	v30 =	vpop (erf)  }
.Ltmp7:
0x2c7: {  	v16 =	vadd.f32 $1.600000000e+01, v16;
	v32 =	vmul.f32 v25, v33;
	v31 =	vadd.f32 v31, v6;
	v28 =	vld [tilespmem:s8+$0x1B80];
	v27 =	vpop (erf);
	(pc) =	sbr.rel @p1 .LBB2_10-.Ltmp7, $4  }
0x2c8: {  	v29 =	vsub.f32 v29, v26;
	v30 =	vmul.f32 v30, v15;
	v15 =	vmovc v26;
	v25 =	vld [tilespmem:s0+$0x1080];
	v33 =	vmul.f32 v27, v17  }
0x2c9: {  	v31 =	vsub.f32 v31, v32;
	v26 =	vmax.f32 v9, v22;
	v17 =	vmovc v32;
	v27 =	vmax.f32 v11, v23  }
0x2ca: {  	v32 =	vmax.f32 v29, $9.999999710e-10;
	vm9 =	vgt.f32 v30, v12;
	vm10 =	vgt.f32 v33, v13  }
0x2cb: {  	s5 =	sadd.s32 $0x40, s5;
	v29 =	vmax.f32 v31, $9.999999710e-10;
	(erf) = vrcp.f32 v32;
	vm9 =	vmor vm10, vm9  }
0x2cc: {  	v9 =	vsel vm9, $0xCE6E6B28, v28  }
0x2cd: {  	[tilespmem:s8+$0x1B80] =	vst v9  }
0x2ce: {  	v10 =	vmax.f32 v10, v22;
	v3 =	vmin.f32 v3, v24;
	v7 =	vmax.f32 v7, v23;
	v11 =	vld [tilespmem:s0+$0x1600]  }
0x2cf: {  	v8 =	vmin.f32 v8, v24;
	v4 =	vmin.f32 v4, v25;
	v3 =	vsub.f32 v3, v26  }
0x2d0: {  	v5 =	vmin.f32 v5, v25;
	v8 =	vsub.f32 v8, v10;
	v4 =	vsub.f32 v4, v27  }
0x2d1: {  	(erf) = vrcp.f32 v29;
	v5 =	vsub.f32 v5, v7  }
0x2d2: {  	v3 =	vmax.f32 v3, $0.0e+00;
	v33 =	vmax.f32 v8, $0.0e+00;
	v4 =	vmax.f32 v4, $0.0e+00  }
0x2d3: {  	v5 =	vmax.f32 v5, $0.0e+00;
	v3 =	vmul.f32 v4, v3;
	v2 =	vadd.f32 v11, v2  }
0x2d4: {  	v4 =	vmul.f32 v5, v33;
	v34 =	vadd.f32 v11, v6  }
0x2d5: {  	v2 =	vsub.f32 v2, v3  }
0x2d6: {  	v5 =	vsub.f32 v34, v4  }
0x2d7: {  	v2 =	vmax.f32 v2, $9.999999710e-10  }
0x2d8: {  	v5 =	vmax.f32 v5, $9.999999710e-10;
	(erf) = vrcp.f32 v2  }
0x2d9: {  	(erf) = vrcp.f32 v5  }
0x2da: {  	v2 =	vpop (erf)  }
0x2db: {  	v36 =	vld [tilespmem:s6+$0x1B80];
	v35 =	vpop (erf)  }
0x2dc: {  	v2 =	vmul.f32 v2, v15;
	v5 =	vmul.f32 v35, v17;
	_ =	sdelay $0x1  }
0x2dd: {  	vm9 =	vgt.f32 v2, v12;
	vm10 =	vgt.f32 v5, v13  }
0x2de: {  	vm9 =	vmor vm10, vm9  }
0x2df: {  	v2 =	vsel vm9, $0xCE6E6B28, v36  }
0x2e0: {  	v44 =	vadd.f32 $1.600000000e+01, v16;
	vm10 =	vgt.f32 v9, v21;
	vm9 =	vgt.f32 v9, v14;
	[tilespmem:s6+$0x1B80] =	vst v2;
	v38 =	vpop (erf)  }
0x2e1: {  	v37 =	vsel vm10, v9, v21;
	v39 =	vsel vm10, v16, v20;
	v40 =	vsel vm9, v16, v19;
	v41 =	vld [tilespmem:s0+$0x1B80];
	v42 =	vpop (erf)  }
0x2e2: {  	v5 =	vsel vm9, v14, v37;
	v3 =	vmul.f32 v38, v3;
	v4 =	vmul.f32 v42, v4  }
0x2e3: {  	v7 =	vsel vm9, v18, v39;
	v43 =	vsel vm9, v9, v14;
	vm9 =	vgt.f32 v2, v5  }
0x2e4: {  	v5 =	vsel vm9, v2, v5;
	vm10 =	vgt.f32 v3, v12;
	vm11 =	vgt.f32 v4, v13  }
0x2e5: {  	v3 =	vsel vm9, v44, v7;
	vm9 =	vmor vm11, vm10;
	vm10 =	vgt.f32 v2, v43  }
0x2e6: {  	v46 =	vsel vm10, v2, v43;
	v2 =	vsel vm9, $0xCE6E6B28, v41  }
0x2e7: {  	v9 =	vadd.f32 $1.600000000e+01, v44;
	vm9 =	vgt.f32 v2, v46  }
0x2e8: {  	v45 =	vsel vm10, v44, v40;
	v5 =	vsel vm10, v43, v5;
	v47 =	vsel vm9, v2, v46  }
0x2e9: {  	v3 =	vsel vm10, v40, v3;
	vm10 =	vgt.f32 v2, v5;
	(v2sf) =	vpush v47, $0x0  }
0x2ea: {  	v48 =	vsel vm10, v2, v5;
	v49 =	vsel vm9, v9, v45  }
0x2eb: {  	v3 =	vsel vm10, v9, v3;
	v4 =	vsel vm9, v46, v48;
	(v2sf) =	vpush v49, $0x0  }
0x2ec: {  	v3 =	vsel vm9, v45, v3;
	(v2sf) =	vpush v4, $0x0  }
0x2ed: {  	(v2sf) =	vpush v3, $0x0  }
0x2ee: {  	(v2sf) =	vpush v47, $0x1  }
0x2ef: {  	(v2sf) =	vpush v49, $0x1;
	_ =	sdelay $0x7  }
0x2f0: {  	(v2sf) =	vpush v47, $0x2  }
0x2f1: {  	s1 =	spop (v2sf);
	(v2sf) =	vpush v49, $0x2;
	_ =	sdelay $0x1  }
0x2f2: {  	s3 =	spop (v2sf)  }
0x2f3: {  	s8 =	spop (v2sf)  }
0x2f4: {  	s15 =	spop (v2sf)  }
0x2f5: {  	s4 =	spop (v2sf)  }
0x2f6: {  	s5 =	spop (v2sf)  }
0x2f7: {  	(v2sf) =	vpush v47, $0x3;
	p1 =	seq.f32 s4, s1;
	p3 =	seq.f32 s4, s8  }
0x2f8: {  	(v2sf) =	vpush v49, $0x3;
	p2 =	slt.f32 s5, s3;
	p4 =	slt.f32 s5, s15  }
0x2f9: {  	s7 =	smov.u32 s1;
	p5 =	sgt.f32 s4, s1  }
0x2fa: {  	p6 =	sgt.f32 s4, s8;
	p1 =	por !p1, !p2;
	p3 =	por !p3, !p4  }
0x2fb: {  	s9 =	smov.u32 s3;
	p1 =	por !p1, !p1;
	p3 =	por !p3, !p3  }
0x2fc: {  	s6 =	smov.u32 s8;
	p1 =	por p5, p1;
	p2 =	por p6, p3  }
0x2fd: {  	s14 =	smov.u32 s15;
	s7 =	smov.u32 @p1 s4;
	s6 =	smov.u32 @p2 s4  }
0x2fe: {  	s14 =	smov.u32 @p2 s5;
	s6 =	smov.u32 @p1 s1;
	s1 =	spop (v2sf)  }
0x2ff: {  	s9 =	smov.u32 @p1 s5;
	s14 =	smov.u32 @p1 s3;
	s3 =	spop (v2sf);
	(v2sf) =	vpush v47, $0x4  }
0x300: {  	p2 =	seq.f32 s1, s7;
	p6 =	slt.f32 s3, s9;
	(v2sf) =	vpush v49, $0x4  }
0x301: {  	p3 =	seq.f32 s1, s6;
	p4 =	slt.f32 s3, s14  }
0x302: {  	p5 =	sgt.f32 s1, s7;
	p1 =	por !p2, !p6  }
0x303: {  	p6 =	sgt.f32 s1, s6;
	p3 =	por !p3, !p4;
	p1 =	por !p1, !p1  }
0x304: {  	s4 =	smov.u32 s7;
	p3 =	por !p3, !p3;
	p1 =	por p5, p1  }
0x305: {  	s5 =	smov.u32 s9;
	p2 =	por p6, p3;
	s4 =	smov.u32 @p1 s1  }
0x306: {  	s6 =	smov.u32 @p2 s1;
	s5 =	smov.u32 @p1 s3;
	s1 =	spop (v2sf)  }
0x307: {  	s14 =	smov.u32 @p2 s3;
	(v2sf) =	vpush v47, $0x5;
	s6 =	smov.u32 @p1 s7;
	s3 =	spop (v2sf)  }
0x308: {  	s14 =	smov.u32 @p1 s9;
	p2 =	seq.f32 s1, s4;
	(v2sf) =	vpush v49, $0x5;
	p6 =	slt.f32 s3, s5  }
0x309: {  	p3 =	seq.f32 s1, s6;
	p4 =	slt.f32 s3, s14  }
0x30a: {  	p5 =	sgt.f32 s1, s4;
	p1 =	por !p2, !p6  }
0x30b: {  	p6 =	sgt.f32 s1, s6;
	p3 =	por !p3, !p4;
	p1 =	por !p1, !p1  }
0x30c: {  	s7 =	smov.u32 s4;
	p3 =	por !p3, !p3;
	p1 =	por p5, p1  }
0x30d: {  	s9 =	smov.u32 s5;
	p2 =	por p6, p3;
	s7 =	smov.u32 @p1 s1  }
0x30e: {  	s6 =	smov.u32 @p2 s1;
	s9 =	smov.u32 @p1 s3;
	s1 =	spop (v2sf)  }
0x30f: {  	s14 =	smov.u32 @p2 s3;
	s6 =	smov.u32 @p1 s4;
	(v2sf) =	vpush v47, $0x6;
	s3 =	spop (v2sf)  }
0x310: {  	s14 =	smov.u32 @p1 s5;
	p2 =	seq.f32 s1, s7;
	(v2sf) =	vpush v49, $0x6;
	p6 =	slt.f32 s3, s9  }
0x311: {  	p3 =	seq.f32 s1, s6;
	p4 =	slt.f32 s3, s14  }
0x312: {  	p5 =	sgt.f32 s1, s7;
	p1 =	por !p2, !p6  }
0x313: {  	p6 =	sgt.f32 s1, s6;
	p3 =	por !p3, !p4;
	p1 =	por !p1, !p1  }
0x314: {  	s4 =	smov.u32 s7;
	p3 =	por !p3, !p3;
	p1 =	por p5, p1  }
0x315: {  	s5 =	smov.u32 s9;
	p2 =	por p6, p3;
	s4 =	smov.u32 @p1 s1  }
0x316: {  	s6 =	smov.u32 @p2 s1;
	s5 =	smov.u32 @p1 s3;
	s1 =	spop (v2sf)  }
0x317: {  	s14 =	smov.u32 @p2 s3;
	(v2sf) =	vpush v47, $0x7;
	s6 =	smov.u32 @p1 s7;
	s3 =	spop (v2sf)  }
0x318: {  	s14 =	smov.u32 @p1 s9;
	p2 =	seq.f32 s1, s4;
	(v2sf) =	vpush v49, $0x7;
	p6 =	slt.f32 s3, s5  }
0x319: {  	p3 =	seq.f32 s1, s6;
	p4 =	slt.f32 s3, s14  }
0x31a: {  	p5 =	sgt.f32 s1, s4;
	p1 =	por !p2, !p6  }
0x31b: {  	p6 =	sgt.f32 s1, s6;
	p3 =	por !p3, !p4;
	p1 =	por !p1, !p1  }
0x31c: {  	s7 =	smov.u32 s4;
	p3 =	por !p3, !p3;
	p1 =	por p5, p1  }
0x31d: {  	s9 =	smov.u32 s5;
	p2 =	por p6, p3;
	s7 =	smov.u32 @p1 s1  }
0x31e: {  	s6 =	smov.u32 @p2 s1;
	s9 =	smov.u32 @p1 s3;
	s1 =	spop (v2sf)  }
0x31f: {  	s14 =	smov.u32 @p2 s3;
	s6 =	smov.u32 @p1 s4;
	(v2sf) =	vpush v47, $0x8;
	s3 =	spop (v2sf)  }
0x320: {  	s14 =	smov.u32 @p1 s5;
	p2 =	seq.f32 s1, s7;
	(v2sf) =	vpush v49, $0x8;
	p6 =	slt.f32 s3, s9  }
0x321: {  	p3 =	seq.f32 s1, s6;
	p4 =	slt.f32 s3, s14  }
0x322: {  	p5 =	sgt.f32 s1, s7;
	p1 =	por !p2, !p6  }
0x323: {  	p6 =	sgt.f32 s1, s6;
	p3 =	por !p3, !p4;
	p1 =	por !p1, !p1  }
0x324: {  	s4 =	smov.u32 s7;
	p3 =	por !p3, !p3;
	p1 =	por p5, p1  }
0x325: {  	s5 =	smov.u32 s9;
	p2 =	por p6, p3;
	s4 =	smov.u32 @p1 s1  }
0x326: {  	s6 =	smov.u32 @p2 s1;
	s5 =	smov.u32 @p1 s3;
	s1 =	spop (v2sf)  }
0x327: {  	s14 =	smov.u32 @p2 s3;
	(v2sf) =	vpush v47, $0x9;
	s6 =	smov.u32 @p1 s7;
	s3 =	spop (v2sf)  }
0x328: {  	s14 =	smov.u32 @p1 s9;
	p2 =	seq.f32 s1, s4;
	(v2sf) =	vpush v49, $0x9;
	p6 =	slt.f32 s3, s5  }
0x329: {  	p3 =	seq.f32 s1, s6;
	p4 =	slt.f32 s3, s14  }
0x32a: {  	p5 =	sgt.f32 s1, s4;
	p1 =	por !p2, !p6  }
0x32b: {  	p6 =	sgt.f32 s1, s6;
	p3 =	por !p3, !p4;
	p1 =	por !p1, !p1  }
0x32c: {  	s7 =	smov.u32 s4;
	p3 =	por !p3, !p3;
	p1 =	por p5, p1  }
0x32d: {  	s9 =	smov.u32 s5;
	p2 =	por p6, p3;
	s7 =	smov.u32 @p1 s1  }
0x32e: {  	s6 =	smov.u32 @p2 s1;
	s9 =	smov.u32 @p1 s3;
	s1 =	spop (v2sf)  }
0x32f: {  	s14 =	smov.u32 @p2 s3;
	s6 =	smov.u32 @p1 s4;
	(v2sf) =	vpush v47, $0xA;
	s3 =	spop (v2sf)  }
0x330: {  	s14 =	smov.u32 @p1 s5;
	p2 =	seq.f32 s1, s7;
	(v2sf) =	vpush v49, $0xA;
	p6 =	slt.f32 s3, s9  }
0x331: {  	p3 =	seq.f32 s1, s6;
	p4 =	slt.f32 s3, s14  }
0x332: {  	p5 =	sgt.f32 s1, s7;
	p1 =	por !p2, !p6  }
0x333: {  	p6 =	sgt.f32 s1, s6;
	p3 =	por !p3, !p4;
	p1 =	por !p1, !p1  }
0x334: {  	s4 =	smov.u32 s7;
	p3 =	por !p3, !p3;
	p1 =	por p5, p1  }
0x335: {  	s5 =	smov.u32 s9;
	p2 =	por p6, p3;
	s4 =	smov.u32 @p1 s1  }
0x336: {  	s6 =	smov.u32 @p2 s1;
	s5 =	smov.u32 @p1 s3;
	s1 =	spop (v2sf)  }
0x337: {  	s14 =	smov.u32 @p2 s3;
	(v2sf) =	vpush v47, $0xB;
	s6 =	smov.u32 @p1 s7;
	s3 =	spop (v2sf)  }
0x338: {  	s14 =	smov.u32 @p1 s9;
	p2 =	seq.f32 s1, s4;
	(v2sf) =	vpush v49, $0xB;
	p6 =	slt.f32 s3, s5  }
0x339: {  	p3 =	seq.f32 s1, s6;
	p4 =	slt.f32 s3, s14  }
0x33a: {  	p5 =	sgt.f32 s1, s4;
	p1 =	por !p2, !p6  }
0x33b: {  	p6 =	sgt.f32 s1, s6;
	p3 =	por !p3, !p4;
	p1 =	por !p1, !p1  }
0x33c: {  	s7 =	smov.u32 s4;
	p3 =	por !p3, !p3;
	p1 =	por p5, p1  }
0x33d: {  	s9 =	smov.u32 s5;
	p2 =	por p6, p3;
	s7 =	smov.u32 @p1 s1  }
0x33e: {  	s6 =	smov.u32 @p2 s1;
	s9 =	smov.u32 @p1 s3;
	s1 =	spop (v2sf)  }
0x33f: {  	s14 =	smov.u32 @p2 s3;
	s6 =	smov.u32 @p1 s4;
	(v2sf) =	vpush v47, $0xC;
	s3 =	spop (v2sf)  }
0x340: {  	s14 =	smov.u32 @p1 s5;
	p2 =	seq.f32 s1, s7;
	(v2sf) =	vpush v49, $0xC;
	p6 =	slt.f32 s3, s9  }
0x341: {  	p3 =	seq.f32 s1, s6;
	p4 =	slt.f32 s3, s14  }
0x342: {  	p5 =	sgt.f32 s1, s7;
	p1 =	por !p2, !p6  }
0x343: {  	p6 =	sgt.f32 s1, s6;
	p3 =	por !p3, !p4;
	p1 =	por !p1, !p1  }
0x344: {  	s4 =	smov.u32 s7;
	p3 =	por !p3, !p3;
	p1 =	por p5, p1  }
0x345: {  	s5 =	smov.u32 s9;
	p2 =	por p6, p3;
	s4 =	smov.u32 @p1 s1  }
0x346: {  	s6 =	smov.u32 @p2 s1;
	s5 =	smov.u32 @p1 s3;
	s1 =	spop (v2sf)  }
0x347: {  	s14 =	smov.u32 @p2 s3;
	(v2sf) =	vpush v47, $0xD;
	s6 =	smov.u32 @p1 s7;
	s3 =	spop (v2sf)  }
0x348: {  	s14 =	smov.u32 @p1 s9;
	p2 =	seq.f32 s1, s4;
	(v2sf) =	vpush v49, $0xD;
	p6 =	slt.f32 s3, s5  }
0x349: {  	p3 =	seq.f32 s1, s6;
	p4 =	slt.f32 s3, s14  }
0x34a: {  	p5 =	sgt.f32 s1, s4;
	p1 =	por !p2, !p6  }
0x34b: {  	p6 =	sgt.f32 s1, s6;
	p3 =	por !p3, !p4;
	p1 =	por !p1, !p1  }
0x34c: {  	s7 =	smov.u32 s4;
	p3 =	por !p3, !p3;
	p1 =	por p5, p1  }
0x34d: {  	s9 =	smov.u32 s5;
	p2 =	por p6, p3;
	s7 =	smov.u32 @p1 s1  }
0x34e: {  	s6 =	smov.u32 @p2 s1;
	s9 =	smov.u32 @p1 s3;
	s1 =	spop (v2sf)  }
0x34f: {  	s14 =	smov.u32 @p2 s3;
	s6 =	smov.u32 @p1 s4;
	(v2sf) =	vpush v47, $0xE;
	s3 =	spop (v2sf)  }
0x350: {  	s14 =	smov.u32 @p1 s5;
	p2 =	seq.f32 s1, s7;
	(v2sf) =	vpush v49, $0xE;
	p6 =	slt.f32 s3, s9  }
0x351: {  	p3 =	seq.f32 s1, s6;
	p4 =	slt.f32 s3, s14  }
0x352: {  	p5 =	sgt.f32 s1, s7;
	p1 =	por !p2, !p6  }
0x353: {  	p6 =	sgt.f32 s1, s6;
	p3 =	por !p3, !p4;
	p1 =	por !p1, !p1  }
0x354: {  	s4 =	smov.u32 s7;
	p3 =	por !p3, !p3;
	p1 =	por p5, p1  }
0x355: {  	s5 =	smov.u32 s9;
	p2 =	por p6, p3;
	s4 =	smov.u32 @p1 s1  }
0x356: {  	s6 =	smov.u32 @p2 s1;
	s5 =	smov.u32 @p1 s3;
	s1 =	spop (v2sf)  }
0x357: {  	s14 =	smov.u32 @p2 s3;
	(v2sf) =	vpush v47, $0xF;
	s6 =	smov.u32 @p1 s7;
	s3 =	spop (v2sf)  }
0x358: {  	s14 =	smov.u32 @p1 s9;
	p2 =	seq.f32 s1, s4;
	(v2sf) =	vpush v49, $0xF;
	p6 =	slt.f32 s3, s5  }
0x359: {  	p3 =	seq.f32 s1, s6;
	p4 =	slt.f32 s3, s14  }
0x35a: {  	p5 =	sgt.f32 s1, s4;
	p1 =	por !p2, !p6  }
0x35b: {  	p6 =	sgt.f32 s1, s6;
	p3 =	por !p3, !p4;
	p1 =	por !p1, !p1  }
0x35c: {  	s7 =	smov.u32 s4;
	p3 =	por !p3, !p3;
	p1 =	por p5, p1  }
0x35d: {  	s9 =	smov.u32 s5;
	p2 =	por p6, p3;
	s7 =	smov.u32 @p1 s1  }
0x35e: {  	s6 =	smov.u32 @p2 s1;
	s9 =	smov.u32 @p1 s3;
	s1 =	spop (v2sf)  }
0x35f: {  	s14 =	smov.u32 @p2 s3;
	s6 =	smov.u32 @p1 s4;
	s3 =	spop (v2sf)  }
0x360: {  	s14 =	smov.u32 @p1 s5;
	p2 =	seq.f32 s1, s7;
	p6 =	slt.f32 s3, s9  }
0x361: {  	p3 =	seq.f32 s1, s6;
	p4 =	slt.f32 s3, s14  }
0x362: {  	p5 =	sgt.f32 s1, s7;
	p1 =	por !p2, !p6  }
0x363: {  	p6 =	sgt.f32 s1, s6;
	p3 =	por !p3, !p4;
	p1 =	por !p1, !p1  }
0x364: {  	s4 =	smov.u32 s7;
	p3 =	por !p3, !p3;
	p1 =	por p5, p1  }
0x365: {  	s5 =	smov.u32 s9;
	p2 =	por p6, p3;
	s4 =	smov.u32 @p1 s1  }
0x366: {  	(v2sf) =	vpush v4, $0x1;
	s6 =	smov.u32 @p2 s1;
	s5 =	smov.u32 @p1 s3;
	s1 =	spop (v2sf)  }
0x367: {  	s14 =	smov.u32 @p2 s3;
	s6 =	smov.u32 @p1 s7;
	s3 =	spop (v2sf)  }
0x368: {  	(v2sf) =	vpush v3, $0x1;
	s14 =	smov.u32 @p1 s9;
	p2 =	seq.f32 s1, s4;
	p6 =	slt.f32 s3, s5  }
0x369: {  	p3 =	seq.f32 s1, s6;
	p4 =	slt.f32 s3, s14  }
0x36a: {  	p5 =	sgt.f32 s1, s4  }
0x36b: {  	p1 =	por !p2, !p6;
	p6 =	sgt.f32 s1, s6;
	p3 =	por !p3, !p4  }
0x36c: {  	p1 =	por !p1, !p1;
	p3 =	por !p3, !p3  }
0x36d: {  	s7 =	smov.u32 s4;
	p1 =	por p5, p1;
	p2 =	por p6, p3  }
0x36e: {  	s9 =	smov.u32 s5;
	s7 =	smov.u32 @p1 s1;
	s6 =	smov.u32 @p2 s1  }
0x36f: {  	s9 =	smov.u32 @p1 s3;
	s14 =	smov.u32 @p2 s3;
	s6 =	smov.u32 @p1 s4  }
0x370: {  	(v2sf) =	vpush v4, $0x2;
	s14 =	smov.u32 @p1 s5;
	p2 =	seq.f32 s8, s7;
	p6 =	slt.f32 s15, s9  }
0x371: {  	(v2sf) =	vpush v3, $0x2;
	p3 =	seq.f32 s8, s6;
	p4 =	slt.f32 s15, s14  }
0x372: {  	p5 =	sgt.f32 s8, s7;
	s1 =	smov.u32 s7  }
0x373: {  	p1 =	por !p2, !p6;
	p6 =	sgt.f32 s8, s6;
	p3 =	por !p3, !p4  }
0x374: {  	s3 =	smov.u32 s9;
	p1 =	por !p1, !p1;
	p3 =	por !p3, !p3  }
0x375: {  	s4 =	spop (v2sf);
	p1 =	por p5, p1;
	p2 =	por p6, p3  }
0x376: {  	s1 =	smov.u32 @p1 s8;
	s3 =	smov.u32 @p1 s15;
	s6 =	smov.u32 @p2 s8  }
0x377: {  	s14 =	smov.u32 @p2 s15;
	p2 =	seq.f32 s4, s1;
	s5 =	spop (v2sf)  }
0x378: {  	(v2sf) =	vpush v4, $0x3;
	s6 =	smov.u32 @p1 s7;
	s14 =	smov.u32 @p1 s9;
	p6 =	slt.f32 s5, s3  }
0x379: {  	(v2sf) =	vpush v3, $0x3;
	p3 =	seq.f32 s4, s6;
	p4 =	slt.f32 s5, s14  }
0x37a: {  	p5 =	sgt.f32 s4, s1  }
0x37b: {  	p1 =	por !p2, !p6;
	p6 =	sgt.f32 s4, s6;
	p3 =	por !p3, !p4  }
0x37c: {  	p1 =	por !p1, !p1;
	p3 =	por !p3, !p3  }
0x37d: {  	s7 =	smov.u32 s1;
	p1 =	por p5, p1;
	p2 =	por p6, p3  }
0x37e: {  	s8 =	smov.u32 s3;
	s7 =	smov.u32 @p1 s4;
	s6 =	smov.u32 @p2 s4  }
0x37f: {  	s14 =	smov.u32 @p2 s5;
	s6 =	smov.u32 @p1 s1;
	s1 =	spop (v2sf)  }
0x380: {  	s8 =	smov.u32 @p1 s5;
	s14 =	smov.u32 @p1 s3;
	(v2sf) =	vpush v4, $0x4;
	s3 =	spop (v2sf)  }
0x381: {  	p2 =	seq.f32 s1, s7;
	(v2sf) =	vpush v3, $0x4;
	p6 =	slt.f32 s3, s8  }
0x382: {  	p3 =	seq.f32 s1, s6;
	p4 =	slt.f32 s3, s14  }
0x383: {  	p5 =	sgt.f32 s1, s7;
	p1 =	por !p2, !p6  }
0x384: {  	p6 =	sgt.f32 s1, s6;
	p3 =	por !p3, !p4;
	p1 =	por !p1, !p1  }
0x385: {  	s4 =	smov.u32 s7;
	p3 =	por !p3, !p3;
	p1 =	por p5, p1  }
0x386: {  	s5 =	smov.u32 s8;
	p2 =	por p6, p3;
	s4 =	smov.u32 @p1 s1  }
0x387: {  	s6 =	smov.u32 @p2 s1;
	s5 =	smov.u32 @p1 s3;
	s1 =	spop (v2sf)  }
0x388: {  	s14 =	smov.u32 @p2 s3;
	(v2sf) =	vpush v4, $0x5;
	s6 =	smov.u32 @p1 s7;
	s3 =	spop (v2sf)  }
0x389: {  	s14 =	smov.u32 @p1 s8;
	p2 =	seq.f32 s1, s4;
	(v2sf) =	vpush v3, $0x5;
	p6 =	slt.f32 s3, s5  }
0x38a: {  	p3 =	seq.f32 s1, s6;
	p4 =	slt.f32 s3, s14  }
0x38b: {  	p5 =	sgt.f32 s1, s4;
	p1 =	por !p2, !p6  }
0x38c: {  	p6 =	sgt.f32 s1, s6;
	p3 =	por !p3, !p4;
	p1 =	por !p1, !p1  }
0x38d: {  	s7 =	smov.u32 s4;
	p3 =	por !p3, !p3;
	p1 =	por p5, p1  }
0x38e: {  	s8 =	smov.u32 s5;
	p2 =	por p6, p3;
	s7 =	smov.u32 @p1 s1  }
0x38f: {  	s6 =	smov.u32 @p2 s1;
	s8 =	smov.u32 @p1 s3;
	s1 =	spop (v2sf)  }
0x390: {  	s14 =	smov.u32 @p2 s3;
	s6 =	smov.u32 @p1 s4;
	(v2sf) =	vpush v4, $0x6;
	s3 =	spop (v2sf)  }
0x391: {  	s14 =	smov.u32 @p1 s5;
	p2 =	seq.f32 s1, s7;
	(v2sf) =	vpush v3, $0x6;
	p6 =	slt.f32 s3, s8  }
0x392: {  	p3 =	seq.f32 s1, s6;
	p4 =	slt.f32 s3, s14  }
0x393: {  	p5 =	sgt.f32 s1, s7;
	p1 =	por !p2, !p6  }
0x394: {  	p6 =	sgt.f32 s1, s6;
	p3 =	por !p3, !p4;
	p1 =	por !p1, !p1  }
0x395: {  	s4 =	smov.u32 s7;
	p3 =	por !p3, !p3;
	p1 =	por p5, p1  }
0x396: {  	s5 =	smov.u32 s8;
	p2 =	por p6, p3;
	s4 =	smov.u32 @p1 s1  }
0x397: {  	s6 =	smov.u32 @p2 s1;
	s5 =	smov.u32 @p1 s3;
	s1 =	spop (v2sf)  }
0x398: {  	s14 =	smov.u32 @p2 s3;
	(v2sf) =	vpush v4, $0x7;
	s6 =	smov.u32 @p1 s7;
	s3 =	spop (v2sf)  }
0x399: {  	s14 =	smov.u32 @p1 s8;
	p2 =	seq.f32 s1, s4;
	(v2sf) =	vpush v3, $0x7;
	p6 =	slt.f32 s3, s5  }
0x39a: {  	p3 =	seq.f32 s1, s6;
	p4 =	slt.f32 s3, s14  }
0x39b: {  	p5 =	sgt.f32 s1, s4;
	p1 =	por !p2, !p6  }
0x39c: {  	p6 =	sgt.f32 s1, s6;
	p3 =	por !p3, !p4;
	p1 =	por !p1, !p1  }
0x39d: {  	s7 =	smov.u32 s4;
	p3 =	por !p3, !p3;
	p1 =	por p5, p1  }
0x39e: {  	s8 =	smov.u32 s5;
	p2 =	por p6, p3;
	s7 =	smov.u32 @p1 s1  }
0x39f: {  	s6 =	smov.u32 @p2 s1;
	s8 =	smov.u32 @p1 s3;
	s1 =	spop (v2sf)  }
0x3a0: {  	s14 =	smov.u32 @p2 s3;
	s6 =	smov.u32 @p1 s4;
	(v2sf) =	vpush v4, $0x8;
	s3 =	spop (v2sf)  }
0x3a1: {  	s14 =	smov.u32 @p1 s5;
	p2 =	seq.f32 s1, s7;
	(v2sf) =	vpush v3, $0x8;
	p6 =	slt.f32 s3, s8  }
0x3a2: {  	p3 =	seq.f32 s1, s6;
	p4 =	slt.f32 s3, s14  }
0x3a3: {  	p5 =	sgt.f32 s1, s7;
	p1 =	por !p2, !p6  }
0x3a4: {  	p6 =	sgt.f32 s1, s6;
	p3 =	por !p3, !p4;
	p1 =	por !p1, !p1  }
0x3a5: {  	s4 =	smov.u32 s7;
	p3 =	por !p3, !p3;
	p1 =	por p5, p1  }
0x3a6: {  	s5 =	smov.u32 s8;
	p2 =	por p6, p3;
	s4 =	smov.u32 @p1 s1  }
0x3a7: {  	s6 =	smov.u32 @p2 s1;
	s5 =	smov.u32 @p1 s3;
	s1 =	spop (v2sf)  }
0x3a8: {  	s14 =	smov.u32 @p2 s3;
	(v2sf) =	vpush v4, $0x9;
	s6 =	smov.u32 @p1 s7;
	s3 =	spop (v2sf)  }
0x3a9: {  	s14 =	smov.u32 @p1 s8;
	p2 =	seq.f32 s1, s4;
	p6 =	slt.f32 s3, s5  }
0x3aa: {  	p3 =	seq.f32 s1, s6;
	p4 =	slt.f32 s3, s14  }
0x3ab: {  	p5 =	sgt.f32 s1, s4;
	(v2sf) =	vpush v3, $0x9;
	p1 =	por !p2, !p6  }
0x3ac: {  	p6 =	sgt.f32 s1, s6;
	p3 =	por !p3, !p4;
	p1 =	por !p1, !p1  }
0x3ad: {  	s7 =	smov.u32 s4;
	p3 =	por !p3, !p3;
	p1 =	por p5, p1  }
0x3ae: {  	s8 =	smov.u32 s5;
	p2 =	por p6, p3;
	s7 =	smov.u32 @p1 s1  }
0x3af: {  	s6 =	smov.u32 @p2 s1;
	s8 =	smov.u32 @p1 s3;
	s1 =	spop (v2sf)  }
0x3b0: {  	s14 =	smov.u32 @p2 s3;
	s6 =	smov.u32 @p1 s4;
	s3 =	spop (v2sf)  }
0x3b1: {  	s14 =	smov.u32 @p1 s5;
	p2 =	seq.f32 s1, s7;
	p3 =	seq.f32 s1, s6  }
0x3b2: {  	(v2sf) =	vpush v4, $0xA;
	p6 =	slt.f32 s3, s8;
	p4 =	slt.f32 s3, s14  }
0x3b3: {  	p5 =	sgt.f32 s1, s7;
	(v2sf) =	vpush v3, $0xA  }
0x3b4: {  	p1 =	por !p2, !p6;
	p6 =	sgt.f32 s1, s6;
	p3 =	por !p3, !p4  }
0x3b5: {  	p1 =	por !p1, !p1;
	p3 =	por !p3, !p3  }
0x3b6: {  	s4 =	smov.u32 s7;
	p1 =	por p5, p1;
	p2 =	por p6, p3  }
0x3b7: {  	s4 =	smov.u32 @p1 s1;
	s6 =	smov.u32 @p2 s1;
	s1 =	spop (v2sf);
	(v2sf) =	vpush v4, $0xB  }
0x3b8: {  	s5 =	smov.u32 s8  }
0x3b9: {  	s5 =	smov.u32 @p1 s3  }
0x3ba: {  	s14 =	smov.u32 @p2 s3;
	s6 =	smov.u32 @p1 s7;
	s3 =	spop (v2sf)  }
0x3bb: {  	s14 =	smov.u32 @p1 s8;
	p2 =	seq.f32 s1, s4;
	(v2sf) =	vpush v3, $0xB;
	p6 =	slt.f32 s3, s5  }
0x3bc: {  	p3 =	seq.f32 s1, s6;
	p4 =	slt.f32 s3, s14  }
0x3bd: {  	p5 =	sgt.f32 s1, s4;
	p1 =	por !p2, !p6  }
0x3be: {  	(v2sf) =	vpush v4, $0xC;
	p6 =	sgt.f32 s1, s6;
	p3 =	por !p3, !p4;
	p1 =	por !p1, !p1  }
0x3bf: {  	s7 =	smov.u32 s4;
	p3 =	por !p3, !p3;
	p1 =	por p5, p1  }
0x3c0: {  	s8 =	smov.u32 s5;
	p2 =	por p6, p3;
	s7 =	smov.u32 @p1 s1  }
0x3c1: {  	s6 =	smov.u32 @p2 s1;
	s8 =	smov.u32 @p1 s3;
	s1 =	spop (v2sf)  }
0x3c2: {  	s14 =	smov.u32 @p2 s3;
	s6 =	smov.u32 @p1 s4;
	(v2sf) =	vpush v3, $0xC;
	s3 =	spop (v2sf)  }
0x3c3: {  	s14 =	smov.u32 @p1 s5;
	p2 =	seq.f32 s1, s7;
	p6 =	slt.f32 s3, s8  }
0x3c4: {  	p3 =	seq.f32 s1, s6;
	p4 =	slt.f32 s3, s14  }
0x3c5: {  	p5 =	sgt.f32 s1, s7;
	(v2sf) =	vpush v4, $0xD;
	p1 =	por !p2, !p6  }
0x3c6: {  	p6 =	sgt.f32 s1, s6;
	p3 =	por !p3, !p4;
	s9 =	spop (v2sf);
	(v2sf) =	vpush v3, $0xD  }
0x3c7: {  	s4 =	smov.u32 s7;
	p1 =	por !p1, !p1;
	p3 =	por !p3, !p3  }
0x3c8: {  	s5 =	smov.u32 s8;
	p1 =	por p5, p1;
	p2 =	por p6, p3  }
0x3c9: {  	s4 =	smov.u32 @p1 s1;
	s5 =	smov.u32 @p1 s3;
	s6 =	smov.u32 @p2 s1  }
0x3ca: {  	s14 =	smov.u32 @p2 s3;
	s6 =	smov.u32 @p1 s7;
	s1 =	spop (v2sf)  }
0x3cb: {  	s14 =	smov.u32 @p1 s8;
	p2 =	seq.f32 s9, s4;
	p6 =	slt.f32 s1, s5  }
0x3cc: {  	(v2sf) =	vpush v4, $0xE;
	p3 =	seq.f32 s9, s6;
	p4 =	slt.f32 s1, s14  }
0x3cd: {  	p5 =	sgt.f32 s9, s4;
	s7 =	spop (v2sf);
	p1 =	por !p2, !p6  }
0x3ce: {  	(v2sf) =	vpush v3, $0xE;
	p6 =	sgt.f32 s9, s6;
	p3 =	por !p3, !p4;
	p1 =	por !p1, !p1  }
0x3cf: {  	s3 =	smov.u32 s4;
	p3 =	por !p3, !p3;
	p1 =	por p5, p1  }
0x3d0: {  	s10 =	smov.u32 s5;
	p2 =	por p6, p3;
	s3 =	smov.u32 @p1 s9  }
0x3d1: {  	s10 =	smov.u32 @p1 s1;
	s6 =	smov.u32 @p2 s9;
	s8 =	spop (v2sf)  }
0x3d2: {  	s14 =	smov.u32 @p2 s1;
	p4 =	seq.f32 s7, s3;
	p5 =	slt.f32 s8, s10  }
0x3d3: {  	s6 =	smov.u32 @p1 s4;
	s14 =	smov.u32 @p1 s5;
	p6 =	sgt.f32 s7, s3  }
0x3d4: {  	(v2sf) =	vpush v4, $0xF;
	s4 =	smov.u32 s3;
	s1 =	spop (v2sf);
	p5 =	por !p4, !p5  }
0x3d5: {  	s9 =	smov.u32 s10;
	p2 =	por !p5, !p5;
	s11 =	spop (v2sf);
	(v2sf) =	vpush v3, $0xF  }
0x3d6: {  	p3 =	seq.f32 s7, s6;
	p1 =	slt.f32 s8, s14;
	p2 =	por p6, p2  }
0x3d7: {  	s4 =	smov.u32 @p2 s7;
	s9 =	smov.u32 @p2 s8  }
0x3d8: {  	p1 =	por !p3, !p1;
	p4 =	seq.f32 s1, s4;
	p5 =	slt.f32 s11, s9  }
0x3d9: {  	p1 =	por !p1, !p1;
	p6 =	sgt.f32 s7, s6  }
0x3da: {  	p3 =	sgt.f32 s1, s4;
	s12 =	smov.u32 s9;
	p4 =	por !p4, !p5  }
0x3db: {  	s13 =	spop (v2sf);
	p5 =	por p6, p1;
	p6 =	por !p4, !p4  }
0x3dc: {  	s6 =	smov.u32 @p5 s7;
	s7 =	smov.u32 s4;
	p1 =	por p3, p6  }
0x3dd: {  	s15 =	spop (v2sf);
	s7 =	smov.u32 @p1 s1;
	s12 =	smov.u32 @p1 s11  }
0x3de: {  	p4 =	seq.f32 s13, s7;
	p6 =	slt.f32 s15, s12  }
0x3df: {  	s14 =	smov.u32 @p5 s8;
	s6 =	smov.u32 @p2 s3  }
0x3e0: {  	s14 =	smov.u32 @p2 s10;
	p5 =	sgt.f32 s13, s7;
	p4 =	por !p4, !p6  }
0x3e1: {  	p3 =	sgt.f32 s1, s6;
	s5 =	smov.u32 s7;
	p2 =	por !p4, !p4  }
0x3e2: {  	p6 =	slt.f32 s11, s14;
	p4 =	seq.f32 s1, s6;
	p2 =	por p5, p2  }
0x3e3: {  	s3 =	smov.u32 s12;
	s8 =	spop (v2sf);
	s5 =	smov.u32 @p2 s13  }
0x3e4: {  	s3 =	smov.u32 @p2 s15;
	p4 =	por !p4, !p6;
	s10 =	spop (v2sf)  }
0x3e5: {  	p5 =	seq.f32 s8, s5;
	p4 =	por !p4, !p4;
	p6 =	slt.f32 s10, s3  }
0x3e6: {  	p3 =	por p3, p4  }
0x3e7: {  	s6 =	smov.u32 @p3 s1;
	p6 =	por !p5, !p6;
	p5 =	sgt.f32 s8, s5  }
0x3e8: {  	s14 =	smov.u32 @p3 s11;
	s1 =	smov.u32 s3;
	p6 =	por !p6, !p6  }
0x3e9: {  	s6 =	smov.u32 @p1 s4;
	s14 =	smov.u32 @p1 s9;
	p1 =	por p5, p6  }
0x3ea: {  	s1 =	smov.u32 @p1 s10  }
0x3eb: {  	s11 =	rddreg [dreg:$0x2];
	s17 =	scvt.f32.s32 s1  }
0x3ec: {  	p4 =	seq.f32 s13, s6;
	p5 =	slt.f32 s15, s14  }
0x3ed: {  	p6 =	sgt.f32 s13, s6;
	s16 =	ssub.s32 s17, s11  }
0x3ee: {  	p3 =	por !p4, !p5;
	s4 =	sand.u32 $0x7F, s17;
	s9 =	sand.u32 $0xFFFFFF80, s16  }
0x3ef: {  	[tilespmem:s0+$0x1B80] =	vst v2;
	p3 =	por !p3, !p3;
	s17 =	sor.u32 s4, s9  }
0x3f0: {  	p3 =	por p6, p3;
	s4 =	smov.u32 s5;
	v2 =	vld.msk [tilespmem:s17+$0x0 ss:$0x0], $0xffff  }
0x3f1: {  	s6 =	smov.u32 @p3 s13;
	s14 =	smov.u32 @p3 s15;
	s4 =	smov.u32 @p1 s8;
	v3 =	vld.msk [tilespmem:s17+$0x580 ss:$0x0], $0xffff  }
0x3f2: {  	vm9 =	veq.s32 v1, $0x0;
	s6 =	smov.u32 @p2 s7;
	s14 =	smov.u32 @p2 s12;
	v51 =	vld.msk [tilespmem:s17+$0xB00 ss:$0x0], $0xffff;
	v50 =	vmov s4  }
0x3f3: {  	vm10 =	veq.s32 v1, $0x1;
	p4 =	seq.f32 s8, s6;
	p5 =	slt.f32 s10, s14;
	v52 =	vld.msk [tilespmem:s17+$0x1080 ss:$0x0], $0xffff;
	v4 =	vnsel vm9, $0x0, v50  }
0x3f4: {  	v53 =	vld.msk [tilespmem:s17+$0x1600 ss:$0x0], $0xffff;
	v4 =	vsel vm10, s1, v4  }
0x3f5: {  	p6 =	sgt.f32 s8, s6;
	v54 =	vld.msk [tilespmem:s17+$0x2100 ss:$0x0], $0xffff;
	p2 =	por !p4, !p5;
	v2 =	vsel vm0, v2, v4  }
0x3f6: {  	p2 =	por !p2, !p2;
	v2 =	vsel vm1, v2, v3;
	v3 =	vld.msk [tilespmem:s17+$0x2680 ss:$0x0], $0xffff  }
0x3f7: {  	v55 =	vld.msk [tilespmem:s17+$0x2C00 ss:$0x0], $0xffff;
	p2 =	por p6, p2;
	v2 =	vsel vm2, v2, v51  }
0x3f8: {  	v56 =	vld.msk [tilespmem:s17+$0x3180 ss:$0x0], $0xffff;
	s14 =	smov.u32 @p2 s10;
	v2 =	vsel vm3, v2, v52  }
0x3f9: {  	s14 =	smov.u32 @p1 s3;
	v2 =	vsel vm4, v2, v53  }
0x3fa: {  	s4 =	scvt.f32.s32 s14;
	v2 =	vsel vm5, v2, v54  }
0x3fb: {  	v2 =	vsel vm6, v2, v3  }
0x3fc: {  	s7 =	ssub.s32 s4, s11;
	v2 =	vsel vm7, v2, v55  }
0x3fd: {  	s0 =	sand.u32 $0x7F, s4;
	s1 =	sand.u32 $0xFFFFFF80, s7;
	v2 =	vsel vm8, v2, v56  }
0x3fe: {  	s0 =	sor.u32 s0, s1;
	[tilespmem:$0x3700] =	vst v2  }
0x3ff: {  	s6 =	smov.u32 @p2 s8;
	v2 =	vld.msk [tilespmem:s0+$0x0 ss:$0x0], $0xffff  }
0x400: {  	s6 =	smov.u32 @p1 s5;
	v3 =	vld.msk [tilespmem:s0+$0x580 ss:$0x0], $0xffff  }
0x401: {  	v57 =	vmov s6;
	v58 =	vld.msk [tilespmem:s0+$0xB00 ss:$0x0], $0xffff  }
0x402: {  	v4 =	vnsel vm9, $0x0, v57;
	v59 =	vld.msk [tilespmem:s0+$0x1080 ss:$0x0], $0xffff  }
0x403: {  	v4 =	vsel vm10, s14, v4;
	v60 =	vld.msk [tilespmem:s0+$0x1600 ss:$0x0], $0xffff  }
0x404: {  	v61 =	vld.msk [tilespmem:s0+$0x2100 ss:$0x0], $0xffff;
	v2 =	vsel vm0, v2, v4  }
0x405: {  	v2 =	vsel vm1, v2, v3;
	v3 =	vld.msk [tilespmem:s0+$0x2680 ss:$0x0], $0xffff  }
0x406: {  	v62 =	vld.msk [tilespmem:s0+$0x2C00 ss:$0x0], $0xffff;
	v2 =	vsel vm2, v2, v58  }
0x407: {  	v63 =	vld.msk [tilespmem:s0+$0x3180 ss:$0x0], $0xffff;
	v2 =	vsel vm3, v2, v59  }
0x408: {  	v2 =	vsel vm4, v2, v60  }
0x409: {  	v2 =	vsel vm5, v2, v61  }
0x40a: {  	v2 =	vsel vm6, v2, v3  }
0x40b: {  	v2 =	vsel vm7, v2, v62  }
0x40c: {  	v2 =	vsel vm8, v2, v63  }
0x40d: {  	s9 =	simm.s32 $0x3700;
	s8 =	rddreg [dreg:$0x8];
	s6 =	simm.s32 $0x0;
	[tilespmem:$0x3780] =	vst v2  }
0x40e: {  	[hbm4b:s8+s6] =	stream.linear.scatter [tilespmem:s9], [sflag:$0x1], $0x80, $0x38;
	[tilespmem:$0xE000] =	vst v63  }
0x40f: {  	s12 =	simm.s32 $0x1;
	s10 =	rddreg [dreg:$0x9];
	s11 =	simm.s32 $0x3780  }
0x410: {  	[hbm4b:s10+s6] =	stream.linear.scatter [tilespmem:s11], [sflag:$0x2], $0x80, $0x38;
	[tilespmem:$0xE000] =	vst v63  }
0x411: {  	_ =	swait.ge [sflag:s12], $0x80  }
0x412: {  	[sflag:s12] =	ssyncset.done $0x0  }
0x413: {  	s13 =	simm.s32 $0x2;
	[sflag:s12] =	ssyncadd.s32 $0xFFFFFF80  }
0x414: {  	_ =	swait.ge [sflag:s13], $0x80  }
0x415: {  	[sflag:s13] =	ssyncset.done $0x0  }
0x416: {  	[sflag:s13] =	ssyncadd.s32 $0xFFFFFF80  }
0x417: {  	[bflag:$0x0] =	sbarrier.arrive $0xFFFF  }
0x418: {  	s16 =	simm.s32 $0x3;
	s14 =	simm.s32 $0x3800;
	s15 =	rddreg [dreg:$0x7]  }
0x419: {  	[tilespmem:s14], [sflag:$0x3] =	stream.linear.gather [hbm4b:s15+s6], $0x1000, $0x38;
	[tilespmem:$0xE000] =	vst v63  }
0x41a: {  	_ =	swait.ge [sflag:s16], $0x1000  }
0x41b: {  	[sflag:s16] =	ssyncset.done $0x0  }
0x41c: {  	[sflag:s16] =	ssyncadd.s32 $0xFFFFF000  }
0x41d: {  	v2 =	vld [tilespmem:s14+$0x0];
	_ =	sdelay $0x4  }
0x41e: {  	(v2sf) =	vpush v2, $0x0  }
0x41f: {  	(v2sf) =	vpush v2, $0x1;
	_ =	sdelay $0x7  }
0x420: {  	s17 =	simm.s32 $0x3880  }
0x421: {  	v2 =	vld [tilespmem:s17+$0x0];
	_ =	sdelay $0x4  }
0x422: {  	s9 =	spop (v2sf);
	(v2sf) =	vpush v2, $0x0  }
0x423: {  	s7 =	spop (v2sf);
	(v2sf) =	vpush v2, $0x1;
	_ =	sdelay $0x1  }
0x424: {  	s30 =	simm.s32 $0x0  }
0x425: {  	s5 =	simm.f32 $-4.000000000e+09;
	s0 =	simm.f32 $-4.000000000e+09;
	s10 =	simm.f32 $0.0e+00  }
0x426: {  	s16 =	simm.s32 $0x3900;
	p5 =	seq.f32 s9, s0;
	p6 =	slt.f32 s7, s10  }
0x427: {  	s3 =	simm.s32 $0x0;
	s4 =	simm.f32 $0.0e+00;
	s1 =	simm.s32 $0x3;
	v2 =	vld [tilespmem:s16+$0x0]  }
0x428: {  	s8 =	simm.s32 $0x2;
	p3 =	sgt.f32 s9, s0;
	p1 =	por !p5, !p6  }
0x429: {  	s11 =	simm.f32 $0.0e+00;
	s15 =	simm.s32 $0x1;
	p4 =	por !p1, !p1  }
0x42a: {  	s14 =	simm.s32 $0x0;
	s17 =	simm.f32 $-4.000000000e+09;
	p1 =	por p3, p4  }
.LBB2_12:
0x42b: {  	p3 =	por p3, p4  }
0x42c: {  	(v2sf) =	vpush v2, $0x0;
	s0 =	smov.u32 @p1 s9;
	s10 =	smov.u32 @p1 s7;
	s12 =	smov.u32 s1  }
0x42d: {  	p2 =	sne.s32 s1, $0x1F;
	(v2sf) =	vpush v2, $0x1;
	s5 =	smov.u32 @p3 s9;
	s11 =	smov.u32 @p3 s7  }
0x42e: {  	s1 =	sadd.s32 $0x1, s1;
	s14 =	smov.u32 @p1 s3;
	s6 =	smov.u32 @p3 s3  }
0x42f: {  	s10 =	smov.u32 @p3 s4;
	s14 =	smov.u32 @p3 s30;
	s4 =	smov.u32 s11  }
0x430: {  	s0 =	smov.u32 @p3 s17;
	s17 =	smov.u32 s5;
	s9 =	spop (v2sf)  }
0x431: {  	s7 =	spop (v2sf)  }
0x432: {  	s16 =	sadd.s32 $0x80, s16;
	p1 =	seq.f32 s9, s0;
	p4 =	slt.f32 s7, s11  }
.Ltmp8:
0x433: {  	v2 =	vld [tilespmem:s16+$0x0];
	p3 =	slt.f32 s7, s10;
	(pc) =	sbr.rel @p2 .LBB2_12-.Ltmp8, $4  }
0x434: {  	s3 =	smov.u32 s15;
	p5 =	seq.f32 s9, s5;
	p6 =	sgt.f32 s9, s0  }
0x435: {  	s15 =	smov.u32 s8;
	s8 =	smov.u32 s12;
	p1 =	por !p1, !p3  }
0x436: {  	p3 =	sgt.f32 s9, s5;
	p4 =	por !p5, !p4;
	p1 =	por !p1, !p1  }
0x437: {  	s30 =	smov.u32 s6;
	p4 =	por !p4, !p4;
	p1 =	por p6, p1  }
.Ltmp9:
0x438: {  	_ = 	snop;
	(pc) =	sbr.rel .LBB2_13-.Ltmp9, $1  }
0x439: {  	_ =	sdelay $0x3  }
.LBB2_15:
0x43a: {  	s0 =	simm.s32 @!p0 $0x0;
	s1 =	simm.s32 @!p0 $0x4800;
	s2 =	rddreg [dreg:$0x4]  }
0x43b: {  	[hbm4b:s2+s0] =	stream.linear.scatter @!p0 [tilespmem:s1], [sflag:$0x3], $0x9600, $0x38;
	[tilespmem:$0xE000] =	vst v63  }
0x43c: {  	s0 =	simm.s32 @!p0 $0x3  }
0x43d: {  	_ =	swait.ge @!p0 [sflag:s0], $0x9600  }
0x43e: {  	[sflag:s0] =	ssyncset.done @!p0 $0x0  }
0x43f: {  	[sflag:s0] =	ssyncadd.s32 @!p0 $0xFFFF6A00  }
0x440: {  	s3 =	rddreg [dreg:$0x1]  }
.LBB2_16:
0x441: {  	_ =	sfence.sel $0x180000  }
0x442: {  	[bflag:$0x0] =	sbarrier.arrive $0xFFFF  }
0x443: {  	p0 =	sne.s32 s12, $0x0;
	_ =	strace $0x90000047  }
0x444: {  	s0 =	sadd.s32 @!p0 $0x100000, s3;
	[bflag:$0x2] =	sbarrier.arrive $0xFFFF  }
0x445: {  	[sflag:s0] =	ssyncadd.tile.s32 @!p0 $0x1;
	_ =	shalt  }
.Lfunc_end2:
_tile_overlayer_lowered:
.L_overlay_start_2:
0x446: {  	(tag) =	ssettag $0x2  }
0x447: {  	s0 =	rddreg [dreg:$0x0];
	s2 =	stileid.u32  }
0x448: {  	s1 =	rddreg [dreg:$0x1];
	p0 =	sne.s32 s2, $0x0  }
0x449: {  	s3 =	rddreg [dreg:$0x2];
	[bflag:$0x3] =	sbarrier.arrive $0xFFFF;
	s2 =	simm.s32 @!p0 $0x1C03  }
0x44a: {  	[timem:s3], [sflag:s2] =	dma.local @!p0 [hbm:s0], s1  }
0x44b: {  	s0 =	simm.s32 @!p0 $0x3  }
0x44c: {  	_ =	swait.ge @!p0 [sflag:s0], s1  }
0x44d: {  	s1 =	ssub.s32 @!p0 $0x0, s1;
	[sflag:s0] =	ssyncset.done @!p0 $0x0  }
0x44e: {  	[sflag:s0] =	ssyncadd.s32 @!p0 s1  }
0x44f: {  	[bflag:$0x3] =	sbarrier.arrive $0xFFFF  }
0x450: {  	_ =	shalt  }

</sc_bundles>
